<compile_context>
chip_gen: v7x
topology: tpu7x:2x2x1
jax: 0.10.2.dev20260603
libtpu: 0.0.44.dev20260713+nightly
codegen_flags: <defaults>
</compile_context>

<pallas_src>
import functools

import jax
import jax.numpy as jnp
from jax import lax
from jax.experimental import pallas as pl
from jax.experimental.pallas import tpu as pltpu
from jax.experimental.pallas import tpu_sc as plsc

HID = 64
NSEG = 16
NSTEPS = 50
EMB = 32
BN = 2048
BE = 4096

_NC = 2
_NS = 16


def _mm(a, b):
    return jax.lax.dot_general(a, b, (((1,), (0,)), ((), ())),
                               precision=jax.lax.Precision.DEFAULT)


def _wspec(shape):
    return pl.BlockSpec(shape, lambda i: (0,) * len(shape))


def _rows(bs, width):
    return pl.BlockSpec((bs, width), lambda i: (i, 0))


def _bd(w):
    z = jnp.zeros_like(w)
    return jnp.block([[w, z], [z, w]])


def _bb(b):
    return jnp.concatenate([b, b]).reshape(1, -1)




def _encode_nodes(X_t, node_features, rand_nodes, temb, ne, wpa, wpb, n_pad):
    (w1, b1), (w2, b2) = ne
    grid = (pl.cdiv(n_pad, BN),)

    def body(x_ref, nf_ref, rn_ref, te_ref, w1_ref, b1_ref, w2_ref, b2_ref,
             wpa_ref, wpb_ref, h_ref, p_ref):
        te = jnp.broadcast_to(te_ref[...], (x_ref.shape[0], EMB))
        x = jnp.concatenate([x_ref[...], nf_ref[...], te, rn_ref[...]],
                            axis=-1)
        hh = jnp.maximum(_mm(x, w1_ref[...]) + b1_ref[...], 0.0)
        h = _mm(hh, w2_ref[...]) + b2_ref[...]
        h_ref[...] = h
        p_ref[...] = jnp.concatenate(
            [_mm(h, wpa_ref[...]), _mm(h, wpb_ref[...])], axis=-1)

    return pl.pallas_call(
        body,
        grid=grid,
        in_specs=[_rows(BN, 2), _rows(BN, 2), _rows(BN, 5), _wspec((1, EMB)),
                  _wspec(w1.shape), _wspec((1, HID)), _wspec(w2.shape),
                  _wspec((1, HID)), _wspec((HID, HID)), _wspec((HID, HID))],
        out_specs=[_rows(BN, HID), _rows(BN, 2 * HID)],
        out_shape=[jax.ShapeDtypeStruct((n_pad, HID), jnp.float32),
                   jax.ShapeDtypeStruct((n_pad, 2 * HID), jnp.float32)],
    )(X_t, node_features, rand_nodes, temb, w1, b1.reshape(1, -1), w2,
      b2.reshape(1, -1), wpa, wpb)


def _edge_update(e2, g2, w1c2, b12, w22, b22):
    ep2 = g2.shape[0]

    def body(e_ref, g_ref, w1c_ref, b1_ref, w2_ref, b2_ref, out_ref):
        e = e_ref[...]
        hid = jnp.maximum(_mm(e, w1c_ref[...]) + g_ref[...] + b1_ref[...],
                          0.0)
        out_ref[...] = e + _mm(hid, w2_ref[...]) + b2_ref[...]

    return pl.pallas_call(
        body, grid=(ep2 // BE,),
        in_specs=[_rows(BE, 2 * HID), _rows(BE, 2 * HID),
                  _wspec((2 * HID, 2 * HID)), _wspec((1, 2 * HID)),
                  _wspec((2 * HID, 2 * HID)), _wspec((1, 2 * HID))],
        out_specs=_rows(BE, 2 * HID),
        out_shape=jax.ShapeDtypeStruct((ep2, 2 * HID), jnp.float32),
    )(e2, g2, w1c2, b12, w22, b22)


def _node_update(h, agg0, agg1, wh, wa0, wa1, bn1, wn2, bn2, wpa, wpb):
    ch = HID // _NC
    n_pad = h.shape[0]
    grid = (pl.cdiv(n_pad, BN),)

    def body(h_ref, a0_ref, a1_ref, wh_ref, wa0_ref, wa1_ref, b1_ref,
             w2_ref, b2_ref, wpa_ref, wpb_ref, hn_ref, p_ref):
        h = h_ref[...]
        hid = jnp.maximum(_mm(h, wh_ref[...]) + _mm(a0_ref[...], wa0_ref[...])
                          + _mm(a1_ref[...], wa1_ref[...]) + b1_ref[...], 0.0)
        hn = h + _mm(hid, w2_ref[...]) + b2_ref[...]
        hn_ref[...] = hn
        p_ref[...] = jnp.concatenate(
            [_mm(hn, wpa_ref[...]), _mm(hn, wpb_ref[...])], axis=-1)

    return pl.pallas_call(
        body, grid=grid,
        in_specs=[_rows(BN, HID), _rows(BN, ch), _rows(BN, ch),
                  _wspec((HID, HID)), _wspec((ch, HID)), _wspec((ch, HID)),
                  _wspec((1, HID)), _wspec((HID, HID)), _wspec((1, HID)),
                  _wspec((HID, HID)), _wspec((HID, HID))],
        out_specs=[_rows(BN, HID), _rows(BN, 2 * HID)],
        out_shape=[jax.ShapeDtypeStruct((n_pad, HID), jnp.float32),
                   jax.ShapeDtypeStruct((n_pad, 2 * HID), jnp.float32)],
    )(h, agg0, agg1, wh, wa0, wa1, bn1, wn2, bn2, wpa, wpb)


def _decode_heads(h, ngidx2d, n, dec, mh, lh):
    (dw1, db1), (dw2, db2) = dec
    (mw1, mb1), (mw2, mb2) = mh
    (lw1, lb1), (lw2, lb2) = lh
    grid = (pl.cdiv(n, BN),)

    def body(h_ref, ng_ref, dw1_ref, db1_ref, dw2_ref, db2_ref,
             mw1_ref, mb1_ref, mw2_ref, mb2_ref,
             lw1_ref, lb1_ref, lw2_ref, lb2_ref,
             mean_ref, logv_ref, vs_ref):
        i = pl.program_id(0)
        hh = jnp.maximum(_mm(h_ref[...], dw1_ref[...]) + db1_ref[...], 0.0)
        emb = _mm(hh, dw2_ref[...]) + db2_ref[...]
        mm = jnp.maximum(_mm(emb, mw1_ref[...]) + mb1_ref[...], 0.0)
        mean_ref[...] = _mm(mm, mw2_ref[...]) + mb2_ref[...]
        ll = jnp.maximum(_mm(emb, lw1_ref[...]) + lb1_ref[...], 0.0)
        logv_ref[...] = jnp.clip(_mm(ll, lw2_ref[...]) + lb2_ref[...],
                                 -10.0, 2.0)
        gids = jax.lax.broadcasted_iota(jnp.int32, (NSEG, BN), 0)
        col = jax.lax.broadcasted_iota(jnp.int32, (NSEG, BN), 1) + i * BN
        onehot = jnp.where((gids == ng_ref[...]) & (col < n), 1.0, 0.0)
        row = jax.lax.broadcasted_iota(jnp.int32, (BN, 1), 0) + i * BN
        emb_ext = jnp.concatenate(
            [emb, jnp.ones((BN, 1), jnp.float32)], axis=-1)
        emb_ext = jnp.where(row < n, emb_ext, 0.0)
        part = jnp.dot(onehot, emb_ext, preferred_element_type=jnp.float32,
                       precision=jax.lax.Precision.HIGHEST)

        @pl.when(i == 0)
        def _():
            vs_ref[...] = jnp.zeros_like(vs_ref)
        vs_ref[...] += part

    return pl.pallas_call(
        body, grid=grid,
        in_specs=[_rows(BN, HID), pl.BlockSpec((1, BN), lambda i: (0, i)),
                  _wspec((HID, HID)), _wspec((1, HID)), _wspec((HID, HID)),
                  _wspec((1, HID)),
                  _wspec((HID, HID)), _wspec((1, HID)), _wspec((HID, 2)),
                  _wspec((1, 2)),
                  _wspec((HID, HID)), _wspec((1, HID)), _wspec((HID, 2)),
                  _wspec((1, 2))],
        out_specs=[_rows(BN, 2), _rows(BN, 2),
                   pl.BlockSpec((NSEG, HID + 1), lambda i: (0, 0))],
        out_shape=[jax.ShapeDtypeStruct((n, 2), jnp.float32),
                   jax.ShapeDtypeStruct((n, 2), jnp.float32),
                   jax.ShapeDtypeStruct((NSEG, HID + 1), jnp.float32)],
    )(h, ngidx2d, dw1, db1.reshape(1, -1), dw2, db2.reshape(1, -1),
      mw1, mb1.reshape(1, -1), mw2, mb2.reshape(1, -1),
      lw1, lb1.reshape(1, -1), lw2, lb2.reshape(1, -1))


def _value_head(vs_ext, cnt_off, vh):
    (vw1, vb1), (vw2, vb2), (vw3, vb3) = vh

    def body(vs_ref, co_ref, w1_ref, b1_ref, w2_ref, b2_ref, w3_ref, b3_ref,
             out_ref):
        vs = vs_ref[:, :HID]
        counts = vs_ref[:, HID:HID + 1] + co_ref[...]
        vemb = vs / jnp.sqrt(jnp.clip(counts, 1.0, None))
        x = jnp.maximum(_mm(vemb, w1_ref[...]) + b1_ref[...], 0.0)
        x = jnp.maximum(_mm(x, w2_ref[...]) + b2_ref[...], 0.0)
        out_ref[...] = _mm(x, w3_ref[...]) + b3_ref[...]

    return pl.pallas_call(
        body,
        grid=(1,),
        in_specs=[_wspec((NSEG, HID + 1)), _wspec((1, 1)),
                  _wspec((HID, 120)), _wspec((1, 120)), _wspec((120, 64)),
                  _wspec((1, 64)), _wspec((64, 1)), _wspec((1, 1))],
        out_specs=_wspec((NSEG, 1)),
        out_shape=jax.ShapeDtypeStruct((NSEG, 1), jnp.float32),
    )(vs_ext, cnt_off, vw1, vb1.reshape(1, -1), vw2, vb2.reshape(1, -1),
      vw3, vb3.reshape(1, -1))




def _sc_gather_add(p_tab, src2d, dst2d):
    nrows = src2d.shape[0]
    per_w = nrows // (_NC * _NS)
    R = 2
    nsup = per_w // 8
    ep2 = nrows * 64
    mesh = plsc.VectorSubcoreMesh(core_axis_name="c", subcore_axis_name="s")

    @functools.partial(
        pl.kernel,
        out_type=jax.ShapeDtypeStruct((ep2, 2 * HID), jnp.float32),
        mesh=mesh,
        scratch_types=[
            pltpu.VMEM((8, 128), jnp.int32),
            pltpu.VMEM((8, 128), jnp.int32),
            pltpu.VMEM((R * 128, 2 * HID), jnp.float32),
            pltpu.VMEM((R * 128, 2 * HID), jnp.float32),
            pltpu.SemaphoreType.DMA,
            pltpu.SemaphoreType.DMA,
        ])
    def k(p_h, src_h, dst_h, out_h, ia, ib, ps, pd, sa, sb):
        w = lax.axis_index("s") * _NC + lax.axis_index("c")
        row0 = w * per_w

        @pl.loop(0, nsup)
        def _sup(gg):
            rb = row0 + gg * 8
            pltpu.sync_copy(src_h.at[pl.ds(rb, 8)], ia)
            pltpu.sync_copy(dst_h.at[pl.ds(rb, 8)], ib)
            for sub in range(8 // R):
                cps = []
                for j in range(R):
                    cps.append(pltpu.async_copy(
                        p_h.at[ia.at[sub * R + j]],
                        ps.at[pl.ds(j * 128, 128)], sa))
                    cps.append(pltpu.async_copy(
                        p_h.at[ib.at[sub * R + j]],
                        pd.at[pl.ds(j * 128, 128)], sb))
                for cp in cps:
                    cp.wait()

                @pl.loop(0, R * 64, unroll=4)
                def _row(j):
                    for half in range(2):
                        for colv in range(HID // 16):
                            dst_sl = pl.ds(half * HID + colv * 16, 16)
                            src_sl = pl.ds(colv * 16, 16)
                            add_sl = pl.ds(HID + colv * 16, 16)
                            ps[j, dst_sl] = (ps[2 * j + half, src_sl]
                                             + pd[2 * j + half, add_sl])

                pltpu.sync_copy(ps.at[pl.ds(0, R * 64)],
                                out_h.at[pl.ds((rb + sub * R) * 64, R * 64)])

    return k(p_tab, src2d, dst2d)


def _sc_scatter_sum(e2, sidx, n, n_pad):
    nrows = sidx[0][0].shape[0] // _NC
    per_t = nrows // _NS
    R = 2
    CH = HID // _NC
    q0 = 12504
    ztile = 792
    trows = _NS * ztile
    nhalf = n // 2
    mesh = plsc.VectorSubcoreMesh(core_axis_name="c", subcore_axis_name="s")

    @functools.partial(
        pl.kernel,
        out_type=[jax.ShapeDtypeStruct((n_pad, CH), jnp.float32),
                  jax.ShapeDtypeStruct((n_pad, CH), jnp.float32)],
        mesh=mesh,
        scratch_types=[
            pltpu.VMEM((8, 128), jnp.int32),
            pltpu.VMEM((8, 128), jnp.int32),
            pltpu.VMEM((R * 128, 2 * HID), jnp.float32),
            pltpu.VMEM((R * 128, CH), jnp.float32),
            pltpu.VMEM((R * 128, CH), jnp.float32),
            pltpu.VMEM_SHARED((trows, CH), jnp.float32),
            pltpu.SemaphoreType.DMA,
        ])
    def k(e_h, ie0_h, io0_h, ie1_h, io1_h, out0_h, out1_h, ie, io, full,
          bufe, bufo, table, sem):
        c = lax.axis_index("c")
        s = lax.axis_index("s")
        row0 = s * per_t

        for phc, phn in ((0, 0), (0, 1), (1, 0), (1, 1)):
            out_h = out0_h if phc == 0 else out1_h
            ie_h = ie0_h if phn == 0 else ie1_h
            io_h = io0_h if phn == 0 else io1_h

            @pl.loop(0, R * 128)
            def _z(row):
                for colv in range(CH // 16):
                    bufe[row, pl.ds(colv * 16, 16)] = jnp.zeros((16,),
                                                                jnp.float32)
            for zi in range(ztile // (R * 128)):
                pltpu.sync_copy(bufe,
                                table.at[pl.ds(s * ztile + zi * R * 128,
                                               R * 128)])
            rem = ztile % (R * 128)
            if rem:
                pltpu.sync_copy(bufe.at[pl.ds(0, rem)],
                                table.at[pl.ds((s + 1) * ztile - rem, rem)])
            plsc.subcore_barrier()

            @pl.loop(0, per_t // 8)
            def _sup(gg):
                rb = row0 + gg * 8
                pltpu.sync_copy(ie_h.at[pl.ds(c * nrows + rb, 8)], ie)
                pltpu.sync_copy(io_h.at[pl.ds(c * nrows + rb, 8)], io)
                for sub in range(8 // R):
                    r = rb + sub * R
                    pltpu.sync_copy(e_h.at[pl.ds(r * 128, R * 128)], full)

                    @pl.loop(0, R * 128, unroll=4)
                    def _x(row):
                        for colv in range(CH // 16):
                            bufe[row, pl.ds(colv * 16, 16)] = (
                                full[row, pl.ds(phc * CH + colv * 16, 16)])
                            bufo[row, pl.ds(colv * 16, 16)] = (
                                full[row, pl.ds(HID + phc * CH + colv * 16,
                                                16)])

                    for j in range(R):
                        pltpu.sync_copy(bufe.at[pl.ds(j * 128, 128)],
                                        table.at[ie.at[sub * R + j]],
                                        add=True)
                        pltpu.sync_copy(bufo.at[pl.ds(j * 128, 128)],
                                        table.at[io.at[sub * R + j]],
                                        add=True)

            plsc.subcore_barrier()

            fs = 784
            for cc in (0, 1):
                span = (q0 if cc == 0 else nhalf - q0
                        + ((n_pad - n) if phn == 1 else 0))
                span_last = span - (_NS - 1) * fs
                qb = phn * nhalf + cc * q0

                @pl.when((c == cc) & (s < _NS - 1))
                def _f():
                    pltpu.sync_copy(table.at[pl.ds(s * fs, fs)],
                                    out_h.at[pl.ds(qb + s * fs, fs)])

                @pl.when((c == cc) & (s == _NS - 1))
                def _fl():
                    pltpu.sync_copy(
                        table.at[pl.ds((_NS - 1) * fs, span_last)],
                        out_h.at[pl.ds(qb + (_NS - 1) * fs, span_last)])

            plsc.subcore_barrier()

    return k(e2, sidx[0][0], sidx[0][1], sidx[1][0], sidx[1][1])


def _edge_encode(attr2, enc):
    (ew1, eb1), (ew2, eb2) = enc
    ew12, eb12, ew22, eb22 = _bd(ew1), _bb(eb1), _bd(ew2), _bb(eb2)
    ep2 = attr2.shape[0]

    def body(a_ref, w1_ref, b1_ref, w2_ref, b2_ref, out_ref):
        eh = jnp.maximum(_mm(a_ref[...], w1_ref[...]) + b1_ref[...], 0.0)
        out_ref[...] = _mm(eh, w2_ref[...]) + b2_ref[...]

    return pl.pallas_call(
        body, grid=(ep2 // BE,),
        in_specs=[_rows(BE, 8), _wspec((8, 2 * HID)), _wspec((1, 2 * HID)),
                  _wspec((2 * HID, 2 * HID)), _wspec((1, 2 * HID))],
        out_specs=_rows(BE, 2 * HID),
        out_shape=jax.ShapeDtypeStruct((ep2, 2 * HID), jnp.float32),
    )(attr2, ew12, eb12, ew22, eb22)




def kernel(X_t, t_idx, edge_index, edge_attr, node_graph_idx, n_graphs,
           node_features, rand_nodes, params):
    n = X_t.shape[0]
    e_cnt = edge_index.shape[1]
    n_pad = n + 8
    ep = ((e_cnt + 32 * 128 * 8 - 1) // (32 * 128 * 8)) * (32 * 128 * 8)
    ep2 = ep // 2

    half = EMB // 2
    freqs = jnp.exp(-jnp.log(float(NSTEPS))
                    * jnp.arange(half, dtype=jnp.float32) / half)
    targs = jnp.asarray(t_idx, jnp.float32) * freqs
    temb = jnp.concatenate([jnp.sin(targs), jnp.cos(targs)]).reshape(1, EMB)

    src_pad = jnp.pad(edge_index[0], (0, ep - e_cnt), constant_values=n)
    dst_pad = jnp.pad(edge_index[1], (0, ep - e_cnt), constant_values=n)
    src2d = src_pad.reshape(ep // 128, 128)
    dst2d = dst_pad.reshape(ep // 128, 128)
    dpair = dst_pad.reshape(ep2, 2)
    attr2 = jnp.pad(edge_attr, ((0, ep - e_cnt), (0, 0))).reshape(ep2, 8)

    q0, trash = 12504, 12560
    nhalf = n // 2

    def _remap(d, phn):
        rows = []
        for c in (0, 1):
            rel = d - (phn * nhalf + c * q0)
            ok = (rel >= 0) & (rel < q0 - c * 8)
            rows.append(jnp.where(ok, rel, trash).reshape(-1, 128))
        return jnp.concatenate(rows)

    sidx = tuple((_remap(dpair[:, 0], phn), _remap(dpair[:, 1], phn))
                 for phn in (0, 1))

    p = params
    wa, wb, wc2, b12, w22, b22 = [], [], [], [], [], []
    wh, wa0, wa1, bn1, wn2, bn2 = [], [], [], [], [], []
    ch = HID // _NC
    for pp in p['passes']:
        (w1, b1), (w2, b2) = pp['edge_mlp']
        wa.append(w1[:HID])
        wb.append(w1[HID:2 * HID])
        wc2.append(_bd(w1[2 * HID:]))
        b12.append(_bb(b1))
        w22.append(_bd(w2))
        b22.append(_bb(b2))
        (nw1, nb1), (nw2, nb2) = pp['node_mlp']
        wh.append(nw1[:HID])
        wa0.append(nw1[HID:HID + ch])
        wa1.append(nw1[HID + ch:])
        bn1.append(nb1.reshape(1, -1))
        wn2.append(nw2)
        bn2.append(nb2.reshape(1, -1))
    wpa = jnp.stack(wa[1:] + [jnp.zeros((HID, HID), jnp.float32)])
    wpb = jnp.stack(wb[1:] + [jnp.zeros((HID, HID), jnp.float32)])
    xs = (jnp.stack(wc2), jnp.stack(b12), jnp.stack(w22), jnp.stack(b22),
          jnp.stack(wh), jnp.stack(wa0), jnp.stack(wa1), jnp.stack(bn1),
          jnp.stack(wn2), jnp.stack(bn2), wpa, wpb)

    h, ptab = _encode_nodes(X_t, node_features, rand_nodes, temb,
                            p['node_enc'], wa[0], wb[0], n_pad)
    e2 = _edge_encode(attr2, p['edge_enc'])

    def step(carry, x):
        h, ptab, e2 = carry
        (wc2_, b12_, w22_, b22_, wh_, wa0_, wa1_, bn1_, wn2_, bn2_,
         wpa_, wpb_) = x
        g2 = _sc_gather_add(ptab, src2d, dst2d)
        e2n = _edge_update(e2, g2, wc2_, b12_, w22_, b22_)
        ef = e2n.reshape(ep, HID)
        agg = jax.ops.segment_sum(ef, dst_pad, num_segments=n + 1)
        agg = jnp.pad(agg[:n], ((0, n_pad - n), (0, 0)))
        agg0, agg1 = agg[:, :32], agg[:, 32:]
        hn, ptabn = _node_update(h, agg0, agg1, wh_, wa0_, wa1_, bn1_,
                                 wn2_, bn2_, wpa_, wpb_)
        return (hn, ptabn, e2n), None

    (h, _, _), _ = lax.scan(step, (h, ptab, e2), xs)

    ngidx2d = node_graph_idx.reshape(1, n).astype(jnp.int32)
    mean, logv, vs_ext = _decode_heads(h, ngidx2d, n, p['decoder'],
                                       p['mean_head'], p['log_var_head'])
    cnt_off = (jnp.asarray(n_graphs, jnp.float32) - float(NSEG)).reshape(1, 1)
    values = _value_head(vs_ext, cnt_off, p['value_head']).reshape(NSEG)
    return (mean, logv, values, rand_nodes)

# --- scband reference (transcript-rebuilt; emitter-appended) ---
"""Pipeline reference for scband-continuous-diffusion-step-model-89481348644997 (READ-ONLY COPY).

The authoritative reference and input builder live on the scoring server;
editing this copy changes nothing except your own understanding.
"""

import jax, jax.numpy as jnp
import numpy as np

N = 50000
E = 800000
G = 16
HID = 64
EDIM = 4
EMB = 32
NRAND = 5
NSTEPS = 50
NPASS = 3
INPUT_DIM = 2 + 2 + EMB + NRAND

def _lin(k, din, dout):
    k1, k2 = jax.random.split(k)
    W = jax.random.normal(k1, (din, dout), dtype=jnp.float32) * (1.0 / np.sqrt(din))
    b = jnp.zeros((dout,), dtype=jnp.float32)
    return (W, b)

def init_params(key):
    ks = list(jax.random.split(key, 32))
    it = iter(ks)
    p = {}
    p['node_enc'] = [_lin(next(it), INPUT_DIM, HID), _lin(next(it), HID, HID)]
    p['edge_enc'] = [_lin(next(it), EDIM, HID), _lin(next(it), HID, HID)]
    passes = []
    for _ in range(NPASS):
        passes.append({'edge_mlp': [_lin(next(it), 3 * HID, HID), _lin(next(it), HID, HID)],
                       'node_mlp': [_lin(next(it), 2 * HID, HID), _lin(next(it), HID, HID)]})
    p['passes'] = passes
    p['decoder'] = [_lin(next(it), HID, HID), _lin(next(it), HID, HID)]
    p['mean_head'] = [_lin(next(it), HID, HID), _lin(next(it), HID, 2)]
    p['log_var_head'] = [_lin(next(it), HID, HID), _lin(next(it), HID, 2)]
    p['value_head'] = [_lin(next(it), HID, 120), _lin(next(it), 120, 64), _lin(next(it), 64, 1)]
    return p

def _mlp(layers, x):
    for i, (W, b) in enumerate(layers):
        x = x @ W + b
        if i < len(layers) - 1:
            x = jax.nn.relu(x)
    return x

def _time_embed(t_val, n_nodes):
    half = EMB // 2
    freqs = jnp.exp(-jnp.log(float(NSTEPS)) * jnp.arange(half, dtype=jnp.float32) / half)
    args = t_val * freqs
    emb = jnp.concatenate([jnp.sin(args), jnp.cos(args)])
    return jnp.broadcast_to(emb, (n_nodes, EMB))

def _forward(X_t, t_idx, edge_index, edge_attr, node_graph_idx, n_graphs, node_features, rand_nodes, params):
    n_nodes = X_t.shape[0]
    temb = _time_embed(jnp.asarray(t_idx, dtype=jnp.float32), n_nodes)
    x_in = jnp.concatenate([X_t, node_features, temb, rand_nodes], axis=-1)
    h = _mlp(params['node_enc'], x_in)
    e = _mlp(params['edge_enc'], edge_attr)
    src = edge_index[0]
    dst = edge_index[1]
    for pp in params['passes']:
        m = _mlp(pp['edge_mlp'], jnp.concatenate([h[src], h[dst], e], axis=-1))
        e = e + m
        agg = jax.ops.segment_sum(e, dst, num_segments=n_nodes)
        h = h + _mlp(pp['node_mlp'], jnp.concatenate([h, agg], axis=-1))
    node_emb = _mlp(params['decoder'], h)
    position_mean = _mlp(params['mean_head'], node_emb)
    position_log_var = jnp.clip(_mlp(params['log_var_head'], node_emb), -10.0, 2.0)
    n_graphs_zero = (jnp.asarray(n_graphs) - G).astype(jnp.float32)
    counts = jax.ops.segment_sum(jnp.ones((n_nodes,), dtype=jnp.float32), node_graph_idx, num_segments=G) + n_graphs_zero
    vemb = jax.ops.segment_sum(node_emb, node_graph_idx, num_segments=G)
    vemb = vemb / jnp.sqrt(jnp.clip(counts, 1.0, None))[:, None]
    values = _mlp(params['value_head'], vemb).squeeze(-1)
    return (position_mean, position_log_var, values)

def setup_inputs(seed: int = 0):
    key = jax.random.key(seed)
    ks = jax.random.split(key, 8)
    X_t = jax.random.normal(ks[0], (N, 2), dtype=jnp.float32)
    edge_index = jax.random.randint(ks[1], (2, E), 0, N)
    edge_attr = jax.random.normal(ks[2], (E, EDIM), dtype=jnp.float32)
    node_graph_idx = jnp.sort(jax.random.randint(ks[3], (N,), 0, G))
    node_features = jax.random.uniform(ks[4], (N, 2), dtype=jnp.float32)
    rand_nodes = jax.random.uniform(ks[5], (N, NRAND), dtype=jnp.float32)
    params = init_params(ks[6])
    return {'X_t': X_t, 't_idx': 10, 'edge_index': edge_index, 'edge_attr': edge_attr, 'node_graph_idx': node_graph_idx, 'n_graphs': G, 'node_features': node_features, 'rand_nodes': rand_nodes, 'params': params}

def reference(X_t, t_idx, edge_index, edge_attr, node_graph_idx, n_graphs, node_features, rand_nodes, params):
    mean, logv, values = _forward(X_t, t_idx, edge_index, edge_attr, node_graph_idx, n_graphs, node_features, rand_nodes, params)
    return (mean, logv, values, rand_nodes)

if __name__ == "__main__":
    import jax
    _d = setup_inputs()
    print(jax.jit(kernel)(*tuple(_d.values())))

</pallas_src>

<mosaic_0001>
#map = affine_map<(d0, d1) -> (0, 0)>
module attributes {stable_mosaic.version = 14 : i64} {
  func.func @k(%arg0: i32, %arg1: i32, %arg2: memref<50008x128xf32, #tpu.memory_space<hbm>>, %arg3: memref<6400x128xi32, #tpu.memory_space<hbm>>, %arg4: memref<6400x128xi32, #tpu.memory_space<hbm>>, %arg5: memref<409600x128xf32, #tpu.memory_space<hbm>>, %arg6: memref<8x128xi32, #tpu.memory_space<vmem>>, %arg7: memref<8x128xi32, #tpu.memory_space<vmem>>, %arg8: memref<256x128xf32, #tpu.memory_space<vmem>>, %arg9: memref<256x128xf32, #tpu.memory_space<vmem>>, %arg10: memref<!tpu.dma_semaphore, #tpu.memory_space<semaphore_mem>>, %arg11: memref<!tpu.dma_semaphore, #tpu.memory_space<semaphore_mem>>) attributes {dimension_semantics = [#tpu.dimension_semantics<core_parallel>, #tpu.dimension_semantics<subcore_parallel>], iteration_bounds = array<i64: 2, 16>, scalar_prefetch = 0 : i64, scratch_operands = 6 : i64, tpu.core_type = #tpu.core_type<sc_vector_subcore>, window_params = [{transform_indices = #map}, {transform_indices = #map}, {transform_indices = #map}, {transform_indices = #map}]} {
    %mul3A = arith.constant 2 : i32
    %mul3A_0 = arith.muli %arg1, %mul3A : i32
    %add3A = arith.addi %mul3A_0, %arg0 : i32
    %mul3A_1 = arith.constant 200 : i32
    %mul3A_2 = arith.muli %add3A, %mul3A_1 : i32
    %scan3A = arith.constant 0 : i32
    %scan3A_3 = arith.constant 25 : i32
    %scan3A_4 = arith.addi %scan3A, %scan3A_3 : i32
    %scan3A_5 = arith.constant 1 : i32
    scf.for %scan3A_7 = %scan3A to %scan3A_4 step %scan3A_5  : i32 {
      %mul3A_8 = arith.constant 1 : i32
      %mul3A_9 = arith.muli %scan3A_7, %mul3A_8 : i32
      %add3A_10 = arith.constant 0 : i32
      %add3A_11 = arith.addi %add3A_10, %mul3A_9 : i32
      %mul3A_12 = arith.constant 8 : i32
      %mul3A_13 = arith.muli %add3A_11, %mul3A_12 : i32
      %add3A_14 = arith.addi %mul3A_2, %mul3A_13 : i32
      "tpu.region"() ({
        %run_scoped3A = tpu.sem_alloc : memref<!tpu.dma_semaphore, #tpu.memory_space<semaphore_mem>>
        %dma_start3A_369 = arith.constant 0 : i32
        %dma_start3A_370 = tpu.memref_slice %arg3[%add3A_14, %dma_start3A_369] : memref<6400x128xi32, #tpu.memory_space<hbm>> -> memref<8x128xi32, #tpu.memory_space<hbm>>
        %dma_start3A_371 = arith.constant 0 : i32
        %dma_start3A_372 = tpu.memref_slice %arg3[%add3A_14, %dma_start3A_371] : memref<6400x128xi32, #tpu.memory_space<hbm>> -> memref<8x128xi32, #tpu.memory_space<hbm>>
        tpu.enqueue_dma source(%dma_start3A_372 : memref<8x128xi32, #tpu.memory_space<hbm>>) target(%arg6 : memref<8x128xi32, #tpu.memory_space<vmem>>) target_semaphore(%run_scoped3A : memref<!tpu.dma_semaphore, #tpu.memory_space<semaphore_mem>>)
        %dma_wait3A_373 = arith.constant 0 : i32
        %dma_wait3A_374 = tpu.memref_slice %arg3[%add3A_14, %dma_wait3A_373] : memref<6400x128xi32, #tpu.memory_space<hbm>> -> memref<8x128xi32, #tpu.memory_space<hbm>>
        %dma_wait3A_375 = arith.constant 0 : i32
        %dma_wait3A_376 = tpu.memref_slice %arg3[%add3A_14, %dma_wait3A_375] : memref<6400x128xi32, #tpu.memory_space<hbm>> -> memref<8x128xi32, #tpu.memory_space<hbm>>
        tpu.wait_dma2 semaphore(%run_scoped3A : memref<!tpu.dma_semaphore, #tpu.memory_space<semaphore_mem>>) src(%dma_wait3A_376 : memref<8x128xi32, #tpu.memory_space<hbm>>) dst(%arg6 : memref<8x128xi32, #tpu.memory_space<vmem>>)
        tpu.yield
      }) : () -> ()
      "tpu.region"() ({
        %run_scoped3A = tpu.sem_alloc : memref<!tpu.dma_semaphore, #tpu.memory_space<semaphore_mem>>
        %dma_start3A_369 = arith.constant 0 : i32
        %dma_start3A_370 = tpu.memref_slice %arg4[%add3A_14, %dma_start3A_369] : memref<6400x128xi32, #tpu.memory_space<hbm>> -> memref<8x128xi32, #tpu.memory_space<hbm>>
        %dma_start3A_371 = arith.constant 0 : i32
        %dma_start3A_372 = tpu.memref_slice %arg4[%add3A_14, %dma_start3A_371] : memref<6400x128xi32, #tpu.memory_space<hbm>> -> memref<8x128xi32, #tpu.memory_space<hbm>>
        tpu.enqueue_dma source(%dma_start3A_372 : memref<8x128xi32, #tpu.memory_space<hbm>>) target(%arg7 : memref<8x128xi32, #tpu.memory_space<vmem>>) target_semaphore(%run_scoped3A : memref<!tpu.dma_semaphore, #tpu.memory_space<semaphore_mem>>)
        %dma_wait3A_373 = arith.constant 0 : i32
        %dma_wait3A_374 = tpu.memref_slice %arg4[%add3A_14, %dma_wait3A_373] : memref<6400x128xi32, #tpu.memory_space<hbm>> -> memref<8x128xi32, #tpu.memory_space<hbm>>
        %dma_wait3A_375 = arith.constant 0 : i32
        %dma_wait3A_376 = tpu.memref_slice %arg4[%add3A_14, %dma_wait3A_375] : memref<6400x128xi32, #tpu.memory_space<hbm>> -> memref<8x128xi32, #tpu.memory_space<hbm>>
        tpu.wait_dma2 semaphore(%run_scoped3A : memref<!tpu.dma_semaphore, #tpu.memory_space<semaphore_mem>>) src(%dma_wait3A_376 : memref<8x128xi32, #tpu.memory_space<hbm>>) dst(%arg7 : memref<8x128xi32, #tpu.memory_space<vmem>>)
        tpu.yield
      }) : () -> ()
      %dma_start3A = arith.constant 0 : i32
      %dma_start3A_15 = arith.constant 0 : i32
      %dma_start3A_16 = arith.constant 0 : i32
      %dma_start3A_17 = tpu.memref_slice %arg8[%dma_start3A_15, %dma_start3A_16] : memref<256x128xf32, #tpu.memory_space<vmem>> -> memref<128x128xf32, #tpu.memory_space<vmem>>
      %dma_start3A_18 = arith.constant 0 : i32
      %dma_start3A_19 = tpu.memref_slice %arg6[%dma_start3A, %dma_start3A_18] : memref<8x128xi32, #tpu.memory_space<vmem>> -> memref<1x128xi32, #tpu.memory_space<vmem>>
      %dma_start3A_20 = tpu.memref_squeeze %dma_start3A_19 : memref<1x128xi32, #tpu.memory_space<vmem>> -> memref<128xi32, #tpu.memory_space<vmem>>
      %dma_start3A_21 = arith.constant 0 : i32
      %dma_start3A_22 = arith.constant 0 : i32
      %dma_start3A_23 = tpu.memref_slice %arg2[%dma_start3A_21, %dma_start3A_22] : memref<50008x128xf32, #tpu.memory_space<hbm>> -> memref<50008x128xf32, #tpu.memory_space<hbm>>
      tpu.enqueue_indirect_dma source(%dma_start3A_23 : memref<50008x128xf32, #tpu.memory_space<hbm>>) target(%dma_start3A_17 : memref<128x128xf32, #tpu.memory_space<vmem>>) offsets(%dma_start3A_20 : memref<128xi32, #tpu.memory_space<vmem>>) semaphore(%arg10 : memref<!tpu.dma_semaphore, #tpu.memory_space<semaphore_mem>>)
      %dma_start3A_24 = arith.constant 0 : i32
      %dma_start3A_25 = arith.constant 0 : i32
      %dma_start3A_26 = arith.constant 0 : i32
      %dma_start3A_27 = tpu.memref_slice %arg9[%dma_start3A_25, %dma_start3A_26] : memref<256x128xf32, #tpu.memory_space<vmem>> -> memref<128x128xf32, #tpu.memory_space<vmem>>
      %dma_start3A_28 = arith.constant 0 : i32
      %dma_start3A_29 = tpu.memref_slice %arg7[%dma_start3A_24, %dma_start3A_28] : memref<8x128xi32, #tpu.memory_space<vmem>> -> memref<1x128xi32, #tpu.memory_space<vmem>>
      %dma_start3A_30 = tpu.memref_squeeze %dma_start3A_29 : memref<1x128xi32, #tpu.memory_space<vmem>> -> memref<128xi32, #tpu.memory_space<vmem>>
      %dma_start3A_31 = arith.constant 0 : i32
      %dma_start3A_32 = arith.constant 0 : i32
      %dma_start3A_33 = tpu.memref_slice %arg2[%dma_start3A_31, %dma_start3A_32] : memref<50008x128xf32, #tpu.memory_space<hbm>> -> memref<50008x128xf32, #tpu.memory_space<hbm>>
      tpu.enqueue_indirect_dma source(%dma_start3A_33 : memref<50008x128xf32, #tpu.memory_space<hbm>>) target(%dma_start3A_27 : memref<128x128xf32, #tpu.memory_space<vmem>>) offsets(%dma_start3A_30 : memref<128xi32, #tpu.memory_space<vmem>>) semaphore(%arg11 : memref<!tpu.dma_semaphore, #tpu.memory_space<semaphore_mem>>)
      %dma_start3A_34 = arith.constant 1 : i32
      %dma_start3A_35 = arith.constant 128 : i32
      %dma_start3A_36 = arith.constant 0 : i32
      %dma_start3A_37 = tpu.memref_slice %arg8[%dma_start3A_35, %dma_start3A_36] : memref<256x128xf32, #tpu.memory_space<vmem>> -> memref<128x128xf32, #tpu.memory_space<vmem>>
      %dma_start3A_38 = arith.constant 0 : i32
      %dma_start3A_39 = tpu.memref_slice %arg6[%dma_start3A_34, %dma_start3A_38] : memref<8x128xi32, #tpu.memory_space<vmem>> -> memref<1x128xi32, #tpu.memory_space<vmem>>
      %dma_start3A_40 = tpu.memref_squeeze %dma_start3A_39 : memref<1x128xi32, #tpu.memory_space<vmem>> -> memref<128xi32, #tpu.memory_space<vmem>>
      %dma_start3A_41 = arith.constant 0 : i32
      %dma_start3A_42 = arith.constant 0 : i32
      %dma_start3A_43 = tpu.memref_slice %arg2[%dma_start3A_41, %dma_start3A_42] : memref<50008x128xf32, #tpu.memory_space<hbm>> -> memref<50008x128xf32, #tpu.memory_space<hbm>>
      tpu.enqueue_indirect_dma source(%dma_start3A_43 : memref<50008x128xf32, #tpu.memory_space<hbm>>) target(%dma_start3A_37 : memref<128x128xf32, #tpu.memory_space<vmem>>) offsets(%dma_start3A_40 : memref<128xi32, #tpu.memory_space<vmem>>) semaphore(%arg10 : memref<!tpu.dma_semaphore, #tpu.memory_space<semaphore_mem>>)
      %dma_start3A_44 = arith.constant 1 : i32
      %dma_start3A_45 = arith.constant 128 : i32
      %dma_start3A_46 = arith.constant 0 : i32
      %dma_start3A_47 = tpu.memref_slice %arg9[%dma_start3A_45, %dma_start3A_46] : memref<256x128xf32, #tpu.memory_space<vmem>> -> memref<128x128xf32, #tpu.memory_space<vmem>>
      %dma_start3A_48 = arith.constant 0 : i32
      %dma_start3A_49 = tpu.memref_slice %arg7[%dma_start3A_44, %dma_start3A_48] : memref<8x128xi32, #tpu.memory_space<vmem>> -> memref<1x128xi32, #tpu.memory_space<vmem>>
      %dma_start3A_50 = tpu.memref_squeeze %dma_start3A_49 : memref<1x128xi32, #tpu.memory_space<vmem>> -> memref<128xi32, #tpu.memory_space<vmem>>
      %dma_start3A_51 = arith.constant 0 : i32
      %dma_start3A_52 = arith.constant 0 : i32
      %dma_start3A_53 = tpu.memref_slice %arg2[%dma_start3A_51, %dma_start3A_52] : memref<50008x128xf32, #tpu.memory_space<hbm>> -> memref<50008x128xf32, #tpu.memory_space<hbm>>
      tpu.enqueue_indirect_dma source(%dma_start3A_53 : memref<50008x128xf32, #tpu.memory_space<hbm>>) target(%dma_start3A_47 : memref<128x128xf32, #tpu.memory_space<vmem>>) offsets(%dma_start3A_50 : memref<128xi32, #tpu.memory_space<vmem>>) semaphore(%arg11 : memref<!tpu.dma_semaphore, #tpu.memory_space<semaphore_mem>>)
      %dma_wait3A = arith.constant 0 : i32
      %dma_wait3A_54 = arith.constant 0 : i32
      %dma_wait3A_55 = arith.constant 0 : i32
      %dma_wait3A_56 = tpu.memref_slice %arg8[%dma_wait3A_54, %dma_wait3A_55] : memref<256x128xf32, #tpu.memory_space<vmem>> -> memref<128x128xf32, #tpu.memory_space<vmem>>
      %dma_wait3A_57 = arith.constant 0 : i32
      %dma_wait3A_58 = tpu.memref_slice %arg6[%dma_wait3A, %dma_wait3A_57] : memref<8x128xi32, #tpu.memory_space<vmem>> -> memref<1x128xi32, #tpu.memory_space<vmem>>
      %dma_wait3A_59 = tpu.memref_squeeze %dma_wait3A_58 : memref<1x128xi32, #tpu.memory_space<vmem>> -> memref<128xi32, #tpu.memory_space<vmem>>
      %dma_wait3A_60 = arith.constant 0 : i32
      %dma_wait3A_61 = arith.constant 0 : i32
      %dma_wait3A_62 = tpu.memref_slice %arg2[%dma_wait3A_60, %dma_wait3A_61] : memref<50008x128xf32, #tpu.memory_space<hbm>> -> memref<50008x128xf32, #tpu.memory_space<hbm>>
      tpu.wait_indirect_dma semaphore(%arg10 : memref<!tpu.dma_semaphore, #tpu.memory_space<semaphore_mem>>) src(%dma_wait3A_62 : memref<50008x128xf32, #tpu.memory_space<hbm>>) dst(%dma_wait3A_56 : memref<128x128xf32, #tpu.memory_space<vmem>>)
      %dma_wait3A_63 = arith.constant 0 : i32
      %dma_wait3A_64 = arith.constant 0 : i32
      %dma_wait3A_65 = arith.constant 0 : i32
      %dma_wait3A_66 = tpu.memref_slice %arg9[%dma_wait3A_64, %dma_wait3A_65] : memref<256x128xf32, #tpu.memory_space<vmem>> -> memref<128x128xf32, #tpu.memory_space<vmem>>
      %dma_wait3A_67 = arith.constant 0 : i32
      %dma_wait3A_68 = tpu.memref_slice %arg7[%dma_wait3A_63, %dma_wait3A_67] : memref<8x128xi32, #tpu.memory_space<vmem>> -> memref<1x128xi32, #tpu.memory_space<vmem>>
      %dma_wait3A_69 = tpu.memref_squeeze %dma_wait3A_68 : memref<1x128xi32, #tpu.memory_space<vmem>> -> memref<128xi32, #tpu.memory_space<vmem>>
      %dma_wait3A_70 = arith.constant 0 : i32
      %dma_wait3A_71 = arith.constant 0 : i32
      %dma_wait3A_72 = tpu.memref_slice %arg2[%dma_wait3A_70, %dma_wait3A_71] : memref<50008x128xf32, #tpu.memory_space<hbm>> -> memref<50008x128xf32, #tpu.memory_space<hbm>>
      tpu.wait_indirect_dma semaphore(%arg11 : memref<!tpu.dma_semaphore, #tpu.memory_space<semaphore_mem>>) src(%dma_wait3A_72 : memref<50008x128xf32, #tpu.memory_space<hbm>>) dst(%dma_wait3A_66 : memref<128x128xf32, #tpu.memory_space<vmem>>)
      %dma_wait3A_73 = arith.constant 1 : i32
      %dma_wait3A_74 = arith.constant 128 : i32
      %dma_wait3A_75 = arith.constant 0 : i32
      %dma_wait3A_76 = tpu.memref_slice %arg8[%dma_wait3A_74, %dma_wait3A_75] : memref<256x128xf32, #tpu.memory_space<vmem>> -> memref<128x128xf32, #tpu.memory_space<vmem>>
      %dma_wait3A_77 = arith.constant 0 : i32
      %dma_wait3A_78 = tpu.memref_slice %arg6[%dma_wait3A_73, %dma_wait3A_77] : memref<8x128xi32, #tpu.memory_space<vmem>> -> memref<1x128xi32, #tpu.memory_space<vmem>>
      %dma_wait3A_79 = tpu.memref_squeeze %dma_wait3A_78 : memref<1x128xi32, #tpu.memory_space<vmem>> -> memref<128xi32, #tpu.memory_space<vmem>>
      %dma_wait3A_80 = arith.constant 0 : i32
      %dma_wait3A_81 = arith.constant 0 : i32
      %dma_wait3A_82 = tpu.memref_slice %arg2[%dma_wait3A_80, %dma_wait3A_81] : memref<50008x128xf32, #tpu.memory_space<hbm>> -> memref<50008x128xf32, #tpu.memory_space<hbm>>
      tpu.wait_indirect_dma semaphore(%arg10 : memref<!tpu.dma_semaphore, #tpu.memory_space<semaphore_mem>>) src(%dma_wait3A_82 : memref<50008x128xf32, #tpu.memory_space<hbm>>) dst(%dma_wait3A_76 : memref<128x128xf32, #tpu.memory_space<vmem>>)
      %dma_wait3A_83 = arith.constant 1 : i32
      %dma_wait3A_84 = arith.constant 128 : i32
      %dma_wait3A_85 = arith.constant 0 : i32
      %dma_wait3A_86 = tpu.memref_slice %arg9[%dma_wait3A_84, %dma_wait3A_85] : memref<256x128xf32, #tpu.memory_space<vmem>> -> memref<128x128xf32, #tpu.memory_space<vmem>>
      %dma_wait3A_87 = arith.constant 0 : i32
      %dma_wait3A_88 = tpu.memref_slice %arg7[%dma_wait3A_83, %dma_wait3A_87] : memref<8x128xi32, #tpu.memory_space<vmem>> -> memref<1x128xi32, #tpu.memory_space<vmem>>
      %dma_wait3A_89 = tpu.memref_squeeze %dma_wait3A_88 : memref<1x128xi32, #tpu.memory_space<vmem>> -> memref<128xi32, #tpu.memory_space<vmem>>
      %dma_wait3A_90 = arith.constant 0 : i32
      %dma_wait3A_91 = arith.constant 0 : i32
      %dma_wait3A_92 = tpu.memref_slice %arg2[%dma_wait3A_90, %dma_wait3A_91] : memref<50008x128xf32, #tpu.memory_space<hbm>> -> memref<50008x128xf32, #tpu.memory_space<hbm>>
      tpu.wait_indirect_dma semaphore(%arg11 : memref<!tpu.dma_semaphore, #tpu.memory_space<semaphore_mem>>) src(%dma_wait3A_92 : memref<50008x128xf32, #tpu.memory_space<hbm>>) dst(%dma_wait3A_86 : memref<128x128xf32, #tpu.memory_space<vmem>>)
      %scan3A_93 = arith.constant 0 : i32
      %scan3A_94 = arith.constant 128 : i32
      %scan3A_95 = arith.addi %scan3A_93, %scan3A_94 : i32
      %scan3A_96 = arith.constant 4 : i32
      scf.for %scan3A_369 = %scan3A_93 to %scan3A_95 step %scan3A_96  : i32 {
        %mul3A_370 = arith.constant 1 : i32
        %mul3A_371 = arith.muli %scan3A_369, %mul3A_370 : i32
        %add3A_372 = arith.constant 0 : i32
        %add3A_373 = arith.addi %add3A_372, %mul3A_371 : i32
        %mul3A_374 = arith.constant 2 : i32
        %mul3A_375 = arith.muli %mul3A_374, %add3A_373 : i32
        %add3A_376 = arith.constant 0 : i32
        %add3A_377 = arith.addi %mul3A_375, %add3A_376 : i32
        %get3A = arith.index_cast %add3A_377 : i32 to index
        %get3A_378 = arith.constant 0 : index
        %get3A_379 = tpu.vector_load %arg8[%get3A, %get3A_378] {strides = array<i32>} : memref<256x128xf32, #tpu.memory_space<vmem>>, vector<1x16xf32>,
        %get3A_380 = vector.shape_cast %get3A_379 : vector<1x16xf32> to vector<16xf32>
        %mul3A_381 = arith.constant 2 : i32
        %mul3A_382 = arith.muli %mul3A_381, %add3A_373 : i32
        %add3A_383 = arith.constant 0 : i32
        %add3A_384 = arith.addi %mul3A_382, %add3A_383 : i32
        %get3A_385 = arith.index_cast %add3A_384 : i32 to index
        %get3A_386 = arith.constant 64 : index
        %get3A_387 = tpu.vector_load %arg9[%get3A_385, %get3A_386] {strides = array<i32>} : memref<256x128xf32, #tpu.memory_space<vmem>>, vector<1x16xf32>,
        %get3A_388 = vector.shape_cast %get3A_387 : vector<1x16xf32> to vector<16xf32>
        %add3A_389 = arith.addf %get3A_380, %get3A_388 : vector<16xf32>
        %swap3A = arith.index_cast %add3A_373 : i32 to index
        %swap3A_390 = arith.constant 0 : index
        %swap3A_391 = tpu.vector_load %arg8[%swap3A, %swap3A_390] {strides = array<i32>} : memref<256x128xf32, #tpu.memory_space<vmem>>, vector<1x16xf32>,
        %swap3A_392 = vector.shape_cast %swap3A_391 : vector<1x16xf32> to vector<16xf32>
        %swap3A_393 = vector.shape_cast %add3A_389 : vector<16xf32> to vector<1x16xf32>
        tpu.vector_store %arg8[%swap3A, %swap3A_390], %swap3A_393 {strides = array<i32>} : memref<256x128xf32, #tpu.memory_space<vmem>>, vector<1x16xf32>,
        %mul3A_394 = arith.constant 2 : i32
        %mul3A_395 = arith.muli %mul3A_394, %add3A_373 : i32
        %add3A_396 = arith.constant 0 : i32
        %add3A_397 = arith.addi %mul3A_395, %add3A_396 : i32
        %get3A_398 = arith.index_cast %add3A_397 : i32 to index
        %get3A_399 = arith.constant 16 : index
        %get3A_400 = tpu.vector_load %arg8[%get3A_398, %get3A_399] {strides = array<i32>} : memref<256x128xf32, #tpu.memory_space<vmem>>, vector<1x16xf32>,
        %get3A_401 = vector.shape_cast %get3A_400 : vector<1x16xf32> to vector<16xf32>
        %mul3A_402 = arith.constant 2 : i32
        %mul3A_403 = arith.muli %mul3A_402, %add3A_373 : i32
        %add3A_404 = arith.constant 0 : i32
        %add3A_405 = arith.addi %mul3A_403, %add3A_404 : i32
        %get3A_406 = arith.index_cast %add3A_405 : i32 to index
        %get3A_407 = arith.constant 80 : index
        %get3A_408 = tpu.vector_load %arg9[%get3A_406, %get3A_407] {strides = array<i32>} : memref<256x128xf32, #tpu.memory_space<vmem>>, vector<1x16xf32>,
        %get3A_409 = vector.shape_cast %get3A_408 : vector<1x16xf32> to vector<16xf32>
        %add3A_410 = arith.addf %get3A_401, %get3A_409 : vector<16xf32>
        %swap3A_411 = arith.index_cast %add3A_373 : i32 to index
        %swap3A_412 = arith.constant 16 : index
        %swap3A_413 = tpu.vector_load %arg8[%swap3A_411, %swap3A_412] {strides = array<i32>} : memref<256x128xf32, #tpu.memory_space<vmem>>, vector<1x16xf32>,
        %swap3A_414 = vector.shape_cast %swap3A_413 : vector<1x16xf32> to vector<16xf32>
        %swap3A_415 = vector.shape_cast %add3A_410 : vector<16xf32> to vector<1x16xf32>
        tpu.vector_store %arg8[%swap3A_411, %swap3A_412], %swap3A_415 {strides = array<i32>} : memref<256x128xf32, #tpu.memory_space<vmem>>, vector<1x16xf32>,
        %mul3A_416 = arith.constant 2 : i32
        %mul3A_417 = arith.muli %mul3A_416, %add3A_373 : i32
        %add3A_418 = arith.constant 0 : i32
        %add3A_419 = arith.addi %mul3A_417, %add3A_418 : i32
        %get3A_420 = arith.index_cast %add3A_419 : i32 to index
        %get3A_421 = arith.constant 32 : index
        %get3A_422 = tpu.vector_load %arg8[%get3A_420, %get3A_421] {strides = array<i32>} : memref<256x128xf32, #tpu.memory_space<vmem>>, vector<1x16xf32>,
        %get3A_423 = vector.shape_cast %get3A_422 : vector<1x16xf32> to vector<16xf32>
        %mul3A_424 = arith.constant 2 : i32
        %mul3A_425 = arith.muli %mul3A_424, %add3A_373 : i32
        %add3A_426 = arith.constant 0 : i32
        %add3A_427 = arith.addi %mul3A_425, %add3A_426 : i32
        %get3A_428 = arith.index_cast %add3A_427 : i32 to index
        %get3A_429 = arith.constant 96 : index
        %get3A_430 = tpu.vector_load %arg9[%get3A_428, %get3A_429] {strides = array<i32>} : memref<256x128xf32, #tpu.memory_space<vmem>>, vector<1x16xf32>,
        %get3A_431 = vector.shape_cast %get3A_430 : vector<1x16xf32> to vector<16xf32>
        %add3A_432 = arith.addf %get3A_423, %get3A_431 : vector<16xf32>
        %swap3A_433 = arith.index_cast %add3A_373 : i32 to index
        %swap3A_434 = arith.constant 32 : index
        %swap3A_435 = tpu.vector_load %arg8[%swap3A_433, %swap3A_434] {strides = array<i32>} : memref<256x128xf32, #tpu.memory_space<vmem>>, vector<1x16xf32>,
        %swap3A_436 = vector.shape_cast %swap3A_435 : vector<1x16xf32> to vector<16xf32>
        %swap3A_437 = vector.shape_cast %add3A_432 : vector<16xf32> to vector<1x16xf32>
        tpu.vector_store %arg8[%swap3A_433, %swap3A_434], %swap3A_437 {strides = array<i32>} : memref<256x128xf32, #tpu.memory_space<vmem>>, vector<1x16xf32>,
        %mul3A_438 = arith.constant 2 : i32
        %mul3A_439 = arith.muli %mul3A_438, %add3A_373 : i32
        %add3A_440 = arith.constant 0 : i32
        %add3A_441 = arith.addi %mul3A_439, %add3A_440 : i32
        %get3A_442 = arith.index_cast %add3A_441 : i32 to index
        %get3A_443 = arith.constant 48 : index
        %get3A_444 = tpu.vector_load %arg8[%get3A_442, %get3A_443] {strides = array<i32>} : memref<256x128xf32, #tpu.memory_space<vmem>>, vector<1x16xf32>,
        %get3A_445 = vector.shape_cast %get3A_444 : vector<1x16xf32> to vector<16xf32>
        %mul3A_446 = arith.constant 2 : i32
        %mul3A_447 = arith.muli %mul3A_446, %add3A_373 : i32
        %add3A_448 = arith.constant 0 : i32
        %add3A_449 = arith.addi %mul3A_447, %add3A_448 : i32
        %get3A_450 = arith.index_cast %add3A_449 : i32 to index
        %get3A_451 = arith.constant 112 : index
        %get3A_452 = tpu.vector_load %arg9[%get3A_450, %get3A_451] {strides = array<i32>} : memref<256x128xf32, #tpu.memory_space<vmem>>, vector<1x16xf32>,
        %get3A_453 = vector.shape_cast %get3A_452 : vector<1x16xf32> to vector<16xf32>
        %add3A_454 = arith.addf %get3A_445, %get3A_453 : vector<16xf32>
        %swap3A_455 = arith.index_cast %add3A_373 : i32 to index
        %swap3A_456 = arith.constant 48 : index
        %swap3A_457 = tpu.vector_load %arg8[%swap3A_455, %swap3A_456] {strides = array<i32>} : memref<256x128xf32, #tpu.memory_space<vmem>>, vector<1x16xf32>,
        %swap3A_458 = vector.shape_cast %swap3A_457 : vector<1x16xf32> to vector<16xf32>
        %swap3A_459 = vector.shape_cast %add3A_454 : vector<16xf32> to vector<1x16xf32>
        tpu.vector_store %arg8[%swap3A_455, %swap3A_456], %swap3A_459 {strides = array<i32>} : memref<256x128xf32, #tpu.memory_space<vmem>>, vector<1x16xf32>,
        %mul3A_460 = arith.constant 2 : i32
        %mul3A_461 = arith.muli %mul3A_460, %add3A_373 : i32
        %add3A_462 = arith.constant 1 : i32
        %add3A_463 = arith.addi %mul3A_461, %add3A_462 : i32
        %get3A_464 = arith.index_cast %add3A_463 : i32 to index
        %get3A_465 = arith.constant 0 : index
        %get3A_466 = tpu.vector_load %arg8[%get3A_464, %get3A_465] {strides = array<i32>} : memref<256x128xf32, #tpu.memory_space<vmem>>, vector<1x16xf32>,
        %get3A_467 = vector.shape_cast %get3A_466 : vector<1x16xf32> to vector<16xf32>
        %mul3A_468 = arith.constant 2 : i32
        %mul3A_469 = arith.muli %mul3A_468, %add3A_373 : i32
        %add3A_470 = arith.constant 1 : i32
        %add3A_471 = arith.addi %mul3A_469, %add3A_470 : i32
        %get3A_472 = arith.index_cast %add3A_471 : i32 to index
        %get3A_473 = arith.constant 64 : index
        %get3A_474 = tpu.vector_load %arg9[%get3A_472, %get3A_473] {strides = array<i32>} : memref<256x128xf32, #tpu.memory_space<vmem>>, vector<1x16xf32>,
        %get3A_475 = vector.shape_cast %get3A_474 : vector<1x16xf32> to vector<16xf32>
        %add3A_476 = arith.addf %get3A_467, %get3A_475 : vector<16xf32>
        %swap3A_477 = arith.index_cast %add3A_373 : i32 to index
        %swap3A_478 = arith.constant 64 : index
        %swap3A_479 = tpu.vector_load %arg8[%swap3A_477, %swap3A_478] {strides = array<i32>} : memref<256x128xf32, #tpu.memory_space<vmem>>, vector<1x16xf32>,
        %swap3A_480 = vector.shape_cast %swap3A_479 : vector<1x16xf32> to vector<16xf32>
        %swap3A_481 = vector.shape_cast %add3A_476 : vector<16xf32> to vector<1x16xf32>
        tpu.vector_store %arg8[%swap3A_477, %swap3A_478], %swap3A_481 {strides = array<i32>} : memref<256x128xf32, #tpu.memory_space<vmem>>, vector<1x16xf32>,
        %mul3A_482 = arith.constant 2 : i32
        %mul3A_483 = arith.muli %mul3A_482, %add3A_373 : i32
        %add3A_484 = arith.constant 1 : i32
        %add3A_485 = arith.addi %mul3A_483, %add3A_484 : i32
        %get3A_486 = arith.index_cast %add3A_485 : i32 to index
        %get3A_487 = arith.constant 16 : index
        %get3A_488 = tpu.vector_load %arg8[%get3A_486, %get3A_487] {strides = array<i32>} : memref<256x128xf32, #tpu.memory_space<vmem>>, vector<1x16xf32>,
        %get3A_489 = vector.shape_cast %get3A_488 : vector<1x16xf32> to vector<16xf32>
        %mul3A_490 = arith.constant 2 : i32
        %mul3A_491 = arith.muli %mul3A_490, %add3A_373 : i32
        %add3A_492 = arith.constant 1 : i32
        %add3A_493 = arith.addi %mul3A_491, %add3A_492 : i32
        %get3A_494 = arith.index_cast %add3A_493 : i32 to index
        %get3A_495 = arith.constant 80 : index
        %get3A_496 = tpu.vector_load %arg9[%get3A_494, %get3A_495] {strides = array<i32>} : memref<256x128xf32, #tpu.memory_space<vmem>>, vector<1x16xf32>,
        %get3A_497 = vector.shape_cast %get3A_496 : vector<1x16xf32> to vector<16xf32>
        %add3A_498 = arith.addf %get3A_489, %get3A_497 : vector<16xf32>
        %swap3A_499 = arith.index_cast %add3A_373 : i32 to index
        %swap3A_500 = arith.constant 80 : index
        %swap3A_501 = tpu.vector_load %arg8[%swap3A_499, %swap3A_500] {strides = array<i32>} : memref<256x128xf32, #tpu.memory_space<vmem>>, vector<1x16xf32>,
        %swap3A_502 = vector.shape_cast %swap3A_501 : vector<1x16xf32> to vector<16xf32>
        %swap3A_503 = vector.shape_cast %add3A_498 : vector<16xf32> to vector<1x16xf32>
        tpu.vector_store %arg8[%swap3A_499, %swap3A_500], %swap3A_503 {strides = array<i32>} : memref<256x128xf32, #tpu.memory_space<vmem>>, vector<1x16xf32>,
        %mul3A_504 = arith.constant 2 : i32
        %mul3A_505 = arith.muli %mul3A_504, %add3A_373 : i32
        %add3A_506 = arith.constant 1 : i32
        %add3A_507 = arith.addi %mul3A_505, %add3A_506 : i32
        %get3A_508 = arith.index_cast %add3A_507 : i32 to index
        %get3A_509 = arith.constant 32 : index
        %get3A_510 = tpu.vector_load %arg8[%get3A_508, %get3A_509] {strides = array<i32>} : memref<256x128xf32, #tpu.memory_space<vmem>>, vector<1x16xf32>,
        %get3A_511 = vector.shape_cast %get3A_510 : vector<1x16xf32> to vector<16xf32>
        %mul3A_512 = arith.constant 2 : i32
        %mul3A_513 = arith.muli %mul3A_512, %add3A_373 : i32
        %add3A_514 = arith.constant 1 : i32
        %add3A_515 = arith.addi %mul3A_513, %add3A_514 : i32
        %get3A_516 = arith.index_cast %add3A_515 : i32 to index
        %get3A_517 = arith.constant 96 : index
        %get3A_518 = tpu.vector_load %arg9[%get3A_516, %get3A_517] {strides = array<i32>} : memref<256x128xf32, #tpu.memory_space<vmem>>, vector<1x16xf32>,
        %get3A_519 = vector.shape_cast %get3A_518 : vector<1x16xf32> to vector<16xf32>
        %add3A_520 = arith.addf %get3A_511, %get3A_519 : vector<16xf32>
        %swap3A_521 = arith.index_cast %add3A_373 : i32 to index
        %swap3A_522 = arith.constant 96 : index
        %swap3A_523 = tpu.vector_load %arg8[%swap3A_521, %swap3A_522] {strides = array<i32>} : memref<256x128xf32, #tpu.memory_space<vmem>>, vector<1x16xf32>,
        %swap3A_524 = vector.shape_cast %swap3A_523 : vector<1x16xf32> to vector<16xf32>
        %swap3A_525 = vector.shape_cast %add3A_520 : vector<16xf32> to vector<1x16xf32>
        tpu.vector_store %arg8[%swap3A_521, %swap3A_522], %swap3A_525 {strides = array<i32>} : memref<256x128xf32, #tpu.memory_space<vmem>>, vector<1x16xf32>,
        %mul3A_526 = arith.constant 2 : i32
        %mul3A_527 = arith.muli %mul3A_526, %add3A_373 : i32
        %add3A_528 = arith.constant 1 : i32
        %add3A_529 = arith.addi %mul3A_527, %add3A_528 : i32
        %get3A_530 = arith.index_cast %add3A_529 : i32 to index
        %get3A_531 = arith.constant 48 : index
        %get3A_532 = tpu.vector_load %arg8[%get3A_530, %get3A_531] {strides = array<i32>} : memref<256x128xf32, #tpu.memory_space<vmem>>, vector<1x16xf32>,
        %get3A_533 = vector.shape_cast %get3A_532 : vector<1x16xf32> to vector<16xf32>
        %mul3A_534 = arith.constant 2 : i32
        %mul3A_535 = arith.muli %mul3A_534, %add3A_373 : i32
        %add3A_536 = arith.constant 1 : i32
        %add3A_537 = arith.addi %mul3A_535, %add3A_536 : i32
        %get3A_538 = arith.index_cast %add3A_537 : i32 to index
        %get3A_539 = arith.constant 112 : index
        %get3A_540 = tpu.vector_load %arg9[%get3A_538, %get3A_539] {strides = array<i32>} : memref<256x128xf32, #tpu.memory_space<vmem>>, vector<1x16xf32>,
        %get3A_541 = vector.shape_cast %get3A_540 : vector<1x16xf32> to vector<16xf32>
        %add3A_542 = arith.addf %get3A_533, %get3A_541 : vector<16xf32>
        %swap3A_543 = arith.index_cast %add3A_373 : i32 to index
        %swap3A_544 = arith.constant 112 : index
        %swap3A_545 = tpu.vector_load %arg8[%swap3A_543, %swap3A_544] {strides = array<i32>} : memref<256x128xf32, #tpu.memory_space<vmem>>, vector<1x16xf32>,
        %swap3A_546 = vector.shape_cast %swap3A_545 : vector<1x16xf32> to vector<16xf32>
        %swap3A_547 = vector.shape_cast %add3A_542 : vector<16xf32> to vector<1x16xf32>
        tpu.vector_store %arg8[%swap3A_543, %swap3A_544], %swap3A_547 {strides = array<i32>} : memref<256x128xf32, #tpu.memory_space<vmem>>, vector<1x16xf32>,
        %scan3A_548 = arith.constant 1 : i32
        %scan3A_549 = arith.addi %scan3A_369, %scan3A_548 : i32
        %mul3A_550 = arith.constant 1 : i32
        %mul3A_551 = arith.muli %scan3A_549, %mul3A_550 : i32
        %add3A_552 = arith.constant 0 : i32
        %add3A_553 = arith.addi %add3A_552, %mul3A_551 : i32
        %mul3A_554 = arith.constant 2 : i32
        %mul3A_555 = arith.muli %mul3A_554, %add3A_553 : i32
        %add3A_556 = arith.constant 0 : i32
        %add3A_557 = arith.addi %mul3A_555, %add3A_556 : i32
        %get3A_558 = arith.index_cast %add3A_557 : i32 to index
        %get3A_559 = arith.constant 0 : index
        %get3A_560 = tpu.vector_load %arg8[%get3A_558, %get3A_559] {strides = array<i32>} : memref<256x128xf32, #tpu.memory_space<vmem>>, vector<1x16xf32>,
        %get3A_561 = vector.shape_cast %get3A_560 : vector<1x16xf32> to vector<16xf32>
        %mul3A_562 = arith.constant 2 : i32
        %mul3A_563 = arith.muli %mul3A_562, %add3A_553 : i32
        %add3A_564 = arith.constant 0 : i32
        %add3A_565 = arith.addi %mul3A_563, %add3A_564 : i32
        %get3A_566 = arith.index_cast %add3A_565 : i32 to index
        %get3A_567 = arith.constant 64 : index
        %get3A_568 = tpu.vector_load %arg9[%get3A_566, %get3A_567] {strides = array<i32>} : memref<256x128xf32, #tpu.memory_space<vmem>>, vector<1x16xf32>,
        %get3A_569 = vector.shape_cast %get3A_568 : vector<1x16xf32> to vector<16xf32>
        %add3A_570 = arith.addf %get3A_561, %get3A_569 : vector<16xf32>
        %swap3A_571 = arith.index_cast %add3A_553 : i32 to index
        %swap3A_572 = arith.constant 0 : index
        %swap3A_573 = tpu.vector_load %arg8[%swap3A_571, %swap3A_572] {strides = array<i32>} : memref<256x128xf32, #tpu.memory_space<vmem>>, vector<1x16xf32>,
        %swap3A_574 = vector.shape_cast %swap3A_573 : vector<1x16xf32> to vector<16xf32>
        %swap3A_575 = vector.shape_cast %add3A_570 : vector<16xf32> to vector<1x16xf32>
        tpu.vector_store %arg8[%swap3A_571, %swap3A_572], %swap3A_575 {strides = array<i32>} : memref<256x128xf32, #tpu.memory_space<vmem>>, vector<1x16xf32>,
        %mul3A_576 = arith.constant 2 : i32
        %mul3A_577 = arith.muli %mul3A_576, %add3A_553 : i32
        %add3A_578 = arith.constant 0 : i32
        %add3A_579 = arith.addi %mul3A_577, %add3A_578 : i32
        %get3A_580 = arith.index_cast %add3A_579 : i32 to index
        %get3A_581 = arith.constant 16 : index
        %get3A_582 = tpu.vector_load %arg8[%get3A_580, %get3A_581] {strides = array<i32>} : memref<256x128xf32, #tpu.memory_space<vmem>>, vector<1x16xf32>,
        %get3A_583 = vector.shape_cast %get3A_582 : vector<1x16xf32> to vector<16xf32>
        %mul3A_584 = arith.constant 2 : i32
        %mul3A_585 = arith.muli %mul3A_584, %add3A_553 : i32
        %add3A_586 = arith.constant 0 : i32
        %add3A_587 = arith.addi %mul3A_585, %add3A_586 : i32
        %get3A_588 = arith.index_cast %add3A_587 : i32 to index
        %get3A_589 = arith.constant 80 : index
        %get3A_590 = tpu.vector_load %arg9[%get3A_588, %get3A_589] {strides = array<i32>} : memref<256x128xf32, #tpu.memory_space<vmem>>, vector<1x16xf32>,
        %get3A_591 = vector.shape_cast %get3A_590 : vector<1x16xf32> to vector<16xf32>
        %add3A_592 = arith.addf %get3A_583, %get3A_591 : vector<16xf32>
        %swap3A_593 = arith.index_cast %add3A_553 : i32 to index
        %swap3A_594 = arith.constant 16 : index
        %swap3A_595 = tpu.vector_load %arg8[%swap3A_593, %swap3A_594] {strides = array<i32>} : memref<256x128xf32, #tpu.memory_space<vmem>>, vector<1x16xf32>,
        %swap3A_596 = vector.shape_cast %swap3A_595 : vector<1x16xf32> to vector<16xf32>
        %swap3A_597 = vector.shape_cast %add3A_592 : vector<16xf32> to vector<1x16xf32>
        tpu.vector_store %arg8[%swap3A_593, %swap3A_594], %swap3A_597 {strides = array<i32>} : memref<256x128xf32, #tpu.memory_space<vmem>>, vector<1x16xf32>,
        %mul3A_598 = arith.constant 2 : i32
        %mul3A_599 = arith.muli %mul3A_598, %add3A_553 : i32
        %add3A_600 = arith.constant 0 : i32
        %add3A_601 = arith.addi %mul3A_599, %add3A_600 : i32
        %get3A_602 = arith.index_cast %add3A_601 : i32 to index
        %get3A_603 = arith.constant 32 : index
        %get3A_604 = tpu.vector_load %arg8[%get3A_602, %get3A_603] {strides = array<i32>} : memref<256x128xf32, #tpu.memory_space<vmem>>, vector<1x16xf32>,
        %get3A_605 = vector.shape_cast %get3A_604 : vector<1x16xf32> to vector<16xf32>
        %mul3A_606 = arith.constant 2 : i32
        %mul3A_607 = arith.muli %mul3A_606, %add3A_553 : i32
        %add3A_608 = arith.constant 0 : i32
        %add3A_609 = arith.addi %mul3A_607, %add3A_608 : i32
        %get3A_610 = arith.index_cast %add3A_609 : i32 to index
        %get3A_611 = arith.constant 96 : index
        %get3A_612 = tpu.vector_load %arg9[%get3A_610, %get3A_611] {strides = array<i32>} : memref<256x128xf32, #tpu.memory_space<vmem>>, vector<1x16xf32>,
        %get3A_613 = vector.shape_cast %get3A_612 : vector<1x16xf32> to vector<16xf32>
        %add3A_614 = arith.addf %get3A_605, %get3A_613 : vector<16xf32>
        %swap3A_615 = arith.index_cast %add3A_553 : i32 to index
        %swap3A_616 = arith.constant 32 : index
        %swap3A_617 = tpu.vector_load %arg8[%swap3A_615, %swap3A_616] {strides = array<i32>} : memref<256x128xf32, #tpu.memory_space<vmem>>, vector<1x16xf32>,
        %swap3A_618 = vector.shape_cast %swap3A_617 : vector<1x16xf32> to vector<16xf32>
        %swap3A_619 = vector.shape_cast %add3A_614 : vector<16xf32> to vector<1x16xf32>
        tpu.vector_store %arg8[%swap3A_615, %swap3A_616], %swap3A_619 {strides = array<i32>} : memref<256x128xf32, #tpu.memory_space<vmem>>, vector<1x16xf32>,
        %mul3A_620 = arith.constant 2 : i32
        %mul3A_621 = arith.muli %mul3A_620, %add3A_553 : i32
        %add3A_622 = arith.constant 0 : i32
        %add3A_623 = arith.addi %mul3A_621, %add3A_622 : i32
        %get3A_624 = arith.index_cast %add3A_623 : i32 to index
        %get3A_625 = arith.constant 48 : index
        %get3A_626 = tpu.vector_load %arg8[%get3A_624, %get3A_625] {strides = array<i32>} : memref<256x128xf32, #tpu.memory_space<vmem>>, vector<1x16xf32>,
        %get3A_627 = vector.shape_cast %get3A_626 : vector<1x16xf32> to vector<16xf32>
        %mul3A_628 = arith.constant 2 : i32
        %mul3A_629 = arith.muli %mul3A_628, %add3A_553 : i32
        %add3A_630 = arith.constant 0 : i32
        %add3A_631 = arith.addi %mul3A_629, %add3A_630 : i32
        %get3A_632 = arith.index_cast %add3A_631 : i32 to index
        %get3A_633 = arith.constant 112 : index
        %get3A_634 = tpu.vector_load %arg9[%get3A_632, %get3A_633] {strides = array<i32>} : memref<256x128xf32, #tpu.memory_space<vmem>>, vector<1x16xf32>,
        %get3A_635 = vector.shape_cast %get3A_634 : vector<1x16xf32> to vector<16xf32>
        %add3A_636 = arith.addf %get3A_627, %get3A_635 : vector<16xf32>
        %swap3A_637 = arith.index_cast %add3A_553 : i32 to index
        %swap3A_638 = arith.constant 48 : index
        %swap3A_639 = tpu.vector_load %arg8[%swap3A_637, %swap3A_638] {strides = array<i32>} : memref<256x128xf32, #tpu.memory_space<vmem>>, vector<1x16xf32>,
        %swap3A_640 = vector.shape_cast %swap3A_639 : vector<1x16xf32> to vector<16xf32>
        %swap3A_641 = vector.shape_cast %add3A_636 : vector<16xf32> to vector<1x16xf32>
        tpu.vector_store %arg8[%swap3A_637, %swap3A_638], %swap3A_641 {strides = array<i32>} : memref<256x128xf32, #tpu.memory_space<vmem>>, vector<1x16xf32>,
        %mul3A_642 = arith.constant 2 : i32
        %mul3A_643 = arith.muli %mul3A_642, %add3A_553 : i32
        %add3A_644 = arith.constant 1 : i32
        %add3A_645 = arith.addi %mul3A_643, %add3A_644 : i32
        %get3A_646 = arith.index_cast %add3A_645 : i32 to index
        %get3A_647 = arith.constant 0 : index
        %get3A_648 = tpu.vector_load %arg8[%get3A_646, %get3A_647] {strides = array<i32>} : memref<256x128xf32, #tpu.memory_space<vmem>>, vector<1x16xf32>,
        %get3A_649 = vector.shape_cast %get3A_648 : vector<1x16xf32> to vector<16xf32>
        %mul3A_650 = arith.constant 2 : i32
        %mul3A_651 = arith.muli %mul3A_650, %add3A_553 : i32
        %add3A_652 = arith.constant 1 : i32
        %add3A_653 = arith.addi %mul3A_651, %add3A_652 : i32
        %get3A_654 = arith.index_cast %add3A_653 : i32 to index
        %get3A_655 = arith.constant 64 : index
        %get3A_656 = tpu.vector_load %arg9[%get3A_654, %get3A_655] {strides = array<i32>} : memref<256x128xf32, #tpu.memory_space<vmem>>, vector<1x16xf32>,
        %get3A_657 = vector.shape_cast %get3A_656 : vector<1x16xf32> to vector<16xf32>
        %add3A_658 = arith.addf %get3A_649, %get3A_657 : vector<16xf32>
        %swap3A_659 = arith.index_cast %add3A_553 : i32 to index
        %swap3A_660 = arith.constant 64 : index
        %swap3A_661 = tpu.vector_load %arg8[%swap3A_659, %swap3A_660] {strides = array<i32>} : memref<256x128xf32, #tpu.memory_space<vmem>>, vector<1x16xf32>,
        %swap3A_662 = vector.shape_cast %swap3A_661 : vector<1x16xf32> to vector<16xf32>
        %swap3A_663 = vector.shape_cast %add3A_658 : vector<16xf32> to vector<1x16xf32>
        tpu.vector_store %arg8[%swap3A_659, %swap3A_660], %swap3A_663 {strides = array<i32>} : memref<256x128xf32, #tpu.memory_space<vmem>>, vector<1x16xf32>,
        %mul3A_664 = arith.constant 2 : i32
        %mul3A_665 = arith.muli %mul3A_664, %add3A_553 : i32
        %add3A_666 = arith.constant 1 : i32
        %add3A_667 = arith.addi %mul3A_665, %add3A_666 : i32
        %get3A_668 = arith.index_cast %add3A_667 : i32 to index
        %get3A_669 = arith.constant 16 : index
        %get3A_670 = tpu.vector_load %arg8[%get3A_668, %get3A_669] {strides = array<i32>} : memref<256x128xf32, #tpu.memory_space<vmem>>, vector<1x16xf32>,
        %get3A_671 = vector.shape_cast %get3A_670 : vector<1x16xf32> to vector<16xf32>
        %mul3A_672 = arith.constant 2 : i32
        %mul3A_673 = arith.muli %mul3A_672, %add3A_553 : i32
        %add3A_674 = arith.constant 1 : i32
        %add3A_675 = arith.addi %mul3A_673, %add3A_674 : i32
        %get3A_676 = arith.index_cast %add3A_675 : i32 to index
        %get3A_677 = arith.constant 80 : index
        %get3A_678 = tpu.vector_load %arg9[%get3A_676, %get3A_677] {strides = array<i32>} : memref<256x128xf32, #tpu.memory_space<vmem>>, vector<1x16xf32>,
        %get3A_679 = vector.shape_cast %get3A_678 : vector<1x16xf32> to vector<16xf32>
        %add3A_680 = arith.addf %get3A_671, %get3A_679 : vector<16xf32>
        %swap3A_681 = arith.index_cast %add3A_553 : i32 to index
        %swap3A_682 = arith.constant 80 : index
        %swap3A_683 = tpu.vector_load %arg8[%swap3A_681, %swap3A_682] {strides = array<i32>} : memref<256x128xf32, #tpu.memory_space<vmem>>, vector<1x16xf32>,
        %swap3A_684 = vector.shape_cast %swap3A_683 : vector<1x16xf32> to vector<16xf32>
        %swap3A_685 = vector.shape_cast %add3A_680 : vector<16xf32> to vector<1x16xf32>
        tpu.vector_store %arg8[%swap3A_681, %swap3A_682], %swap3A_685 {strides = array<i32>} : memref<256x128xf32, #tpu.memory_space<vmem>>, vector<1x16xf32>,
        %mul3A_686 = arith.constant 2 : i32
        %mul3A_687 = arith.muli %mul3A_686, %add3A_553 : i32
        %add3A_688 = arith.constant 1 : i32
        %add3A_689 = arith.addi %mul3A_687, %add3A_688 : i32
        %get3A_690 = arith.index_cast %add3A_689 : i32 to index
        %get3A_691 = arith.constant 32 : index
        %get3A_692 = tpu.vector_load %arg8[%get3A_690, %get3A_691] {strides = array<i32>} : memref<256x128xf32, #tpu.memory_space<vmem>>, vector<1x16xf32>,
        %get3A_693 = vector.shape_cast %get3A_692 : vector<1x16xf32> to vector<16xf32>
        %mul3A_694 = arith.constant 2 : i32
        %mul3A_695 = arith.muli %mul3A_694, %add3A_553 : i32
        %add3A_696 = arith.constant 1 : i32
        %add3A_697 = arith.addi %mul3A_695, %add3A_696 : i32
        %get3A_698 = arith.index_cast %add3A_697 : i32 to index
        %get3A_699 = arith.constant 96 : index
        %get3A_700 = tpu.vector_load %arg9[%get3A_698, %get3A_699] {strides = array<i32>} : memref<256x128xf32, #tpu.memory_space<vmem>>, vector<1x16xf32>,
        %get3A_701 = vector.shape_cast %get3A_700 : vector<1x16xf32> to vector<16xf32>
        %add3A_702 = arith.addf %get3A_693, %get3A_701 : vector<16xf32>
        %swap3A_703 = arith.index_cast %add3A_553 : i32 to index
        %swap3A_704 = arith.constant 96 : index
        %swap3A_705 = tpu.vector_load %arg8[%swap3A_703, %swap3A_704] {strides = array<i32>} : memref<256x128xf32, #tpu.memory_space<vmem>>, vector<1x16xf32>,
        %swap3A_706 = vector.shape_cast %swap3A_705 : vector<1x16xf32> to vector<16xf32>
        %swap3A_707 = vector.shape_cast %add3A_702 : vector<16xf32> to vector<1x16xf32>
        tpu.vector_store %arg8[%swap3A_703, %swap3A_704], %swap3A_707 {strides = array<i32>} : memref<256x128xf32, #tpu.memory_space<vmem>>, vector<1x16xf32>,
        %mul3A_708 = arith.constant 2 : i32
        %mul3A_709 = arith.muli %mul3A_708, %add3A_553 : i32
        %add3A_710 = arith.constant 1 : i32
        %add3A_711 = arith.addi %mul3A_709, %add3A_710 : i32
        %get3A_712 = arith.index_cast %add3A_711 : i32 to index
        %get3A_713 = arith.constant 48 : index
        %get3A_714 = tpu.vector_load %arg8[%get3A_712, %get3A_713] {strides = array<i32>} : memref<256x128xf32, #tpu.memory_space<vmem>>, vector<1x16xf32>,
        %get3A_715 = vector.shape_cast %get3A_714 : vector<1x16xf32> to vector<16xf32>
        %mul3A_716 = arith.constant 2 : i32
        %mul3A_717 = arith.muli %mul3A_716, %add3A_553 : i32
        %add3A_718 = arith.constant 1 : i32
        %add3A_719 = arith.addi %mul3A_717, %add3A_718 : i32
        %get3A_720 = arith.index_cast %add3A_719 : i32 to index
        %get3A_721 = arith.constant 112 : index
        %get3A_722 = tpu.vector_load %arg9[%get3A_720, %get3A_721] {strides = array<i32>} : memref<256x128xf32, #tpu.memory_space<vmem>>, vector<1x16xf32>,
        %get3A_723 = vector.shape_cast %get3A_722 : vector<1x16xf32> to vector<16xf32>
        %add3A_724 = arith.addf %get3A_715, %get3A_723 : vector<16xf32>
        %swap3A_725 = arith.index_cast %add3A_553 : i32 to index
        %swap3A_726 = arith.constant 112 : index
        %swap3A_727 = tpu.vector_load %arg8[%swap3A_725, %swap3A_726] {strides = array<i32>} : memref<256x128xf32, #tpu.memory_space<vmem>>, vector<1x16xf32>,
        %swap3A_728 = vector.shape_cast %swap3A_727 : vector<1x16xf32> to vector<16xf32>
        %swap3A_729 = vector.shape_cast %add3A_724 : vector<16xf32> to vector<1x16xf32>
        tpu.vector_store %arg8[%swap3A_725, %swap3A_726], %swap3A_729 {strides = array<i32>} : memref<256x128xf32, #tpu.memory_space<vmem>>, vector<1x16xf32>,
        %scan3A_730 = arith.constant 2 : i32
        %scan3A_731 = arith.addi %scan3A_369, %scan3A_730 : i32
        %mul3A_732 = arith.constant 1 : i32
        %mul3A_733 = arith.muli %scan3A_731, %mul3A_732 : i32
        %add3A_734 = arith.constant 0 : i32
        %add3A_735 = arith.addi %add3A_734, %mul3A_733 : i32
        %mul3A_736 = arith.constant 2 : i32
        %mul3A_737 = arith.muli %mul3A_736, %add3A_735 : i32
        %add3A_738 = arith.constant 0 : i32
        %add3A_739 = arith.addi %mul3A_737, %add3A_738 : i32
        %get3A_740 = arith.index_cast %add3A_739 : i32 to index
        %get3A_741 = arith.constant 0 : index
        %get3A_742 = tpu.vector_load %arg8[%get3A_740, %get3A_741] {strides = array<i32>} : memref<256x128xf32, #tpu.memory_space<vmem>>, vector<1x16xf32>,
        %get3A_743 = vector.shape_cast %get3A_742 : vector<1x16xf32> to vector<16xf32>
        %mul3A_744 = arith.constant 2 : i32
        %mul3A_745 = arith.muli %mul3A_744, %add3A_735 : i32
        %add3A_746 = arith.constant 0 : i32
        %add3A_747 = arith.addi %mul3A_745, %add3A_746 : i32
        %get3A_748 = arith.index_cast %add3A_747 : i32 to index
        %get3A_749 = arith.constant 64 : index
        %get3A_750 = tpu.vector_load %arg9[%get3A_748, %get3A_749] {strides = array<i32>} : memref<256x128xf32, #tpu.memory_space<vmem>>, vector<1x16xf32>,
        %get3A_751 = vector.shape_cast %get3A_750 : vector<1x16xf32> to vector<16xf32>
        %add3A_752 = arith.addf %get3A_743, %get3A_751 : vector<16xf32>
        %swap3A_753 = arith.index_cast %add3A_735 : i32 to index
        %swap3A_754 = arith.constant 0 : index
        %swap3A_755 = tpu.vector_load %arg8[%swap3A_753, %swap3A_754] {strides = array<i32>} : memref<256x128xf32, #tpu.memory_space<vmem>>, vector<1x16xf32>,
        %swap3A_756 = vector.shape_cast %swap3A_755 : vector<1x16xf32> to vector<16xf32>
        %swap3A_757 = vector.shape_cast %add3A_752 : vector<16xf32> to vector<1x16xf32>
        tpu.vector_store %arg8[%swap3A_753, %swap3A_754], %swap3A_757 {strides = array<i32>} : memref<256x128xf32, #tpu.memory_space<vmem>>, vector<1x16xf32>,
        %mul3A_758 = arith.constant 2 : i32
        %mul3A_759 = arith.muli %mul3A_758, %add3A_735 : i32
        %add3A_760 = arith.constant 0 : i32
        %add3A_761 = arith.addi %mul3A_759, %add3A_760 : i32
        %get3A_762 = arith.index_cast %add3A_761 : i32 to index
        %get3A_763 = arith.constant 16 : index
        %get3A_764 = tpu.vector_load %arg8[%get3A_762, %get3A_763] {strides = array<i32>} : memref<256x128xf32, #tpu.memory_space<vmem>>, vector<1x16xf32>,
        %get3A_765 = vector.shape_cast %get3A_764 : vector<1x16xf32> to vector<16xf32>
        %mul3A_766 = arith.constant 2 : i32
        %mul3A_767 = arith.muli %mul3A_766, %add3A_735 : i32
        %add3A_768 = arith.constant 0 : i32
        %add3A_769 = arith.addi %mul3A_767, %add3A_768 : i32
        %get3A_770 = arith.index_cast %add3A_769 : i32 to index
        %get3A_771 = arith.constant 80 : index
        %get3A_772 = tpu.vector_load %arg9[%get3A_770, %get3A_771] {strides = array<i32>} : memref<256x128xf32, #tpu.memory_space<vmem>>, vector<1x16xf32>,
        %get3A_773 = vector.shape_cast %get3A_772 : vector<1x16xf32> to vector<16xf32>
        %add3A_774 = arith.addf %get3A_765, %get3A_773 : vector<16xf32>
        %swap3A_775 = arith.index_cast %add3A_735 : i32 to index
        %swap3A_776 = arith.constant 16 : index
        %swap3A_777 = tpu.vector_load %arg8[%swap3A_775, %swap3A_776] {strides = array<i32>} : memref<256x128xf32, #tpu.memory_space<vmem>>, vector<1x16xf32>,
        %swap3A_778 = vector.shape_cast %swap3A_777 : vector<1x16xf32> to vector<16xf32>
        %swap3A_779 = vector.shape_cast %add3A_774 : vector<16xf32> to vector<1x16xf32>
        tpu.vector_store %arg8[%swap3A_775, %swap3A_776], %swap3A_779 {strides = array<i32>} : memref<256x128xf32, #tpu.memory_space<vmem>>, vector<1x16xf32>,
        %mul3A_780 = arith.constant 2 : i32
        %mul3A_781 = arith.muli %mul3A_780, %add3A_735 : i32
        %add3A_782 = arith.constant 0 : i32
        %add3A_783 = arith.addi %mul3A_781, %add3A_782 : i32
        %get3A_784 = arith.index_cast %add3A_783 : i32 to index
        %get3A_785 = arith.constant 32 : index
        %get3A_786 = tpu.vector_load %arg8[%get3A_784, %get3A_785] {strides = array<i32>} : memref<256x128xf32, #tpu.memory_space<vmem>>, vector<1x16xf32>,
        %get3A_787 = vector.shape_cast %get3A_786 : vector<1x16xf32> to vector<16xf32>
        %mul3A_788 = arith.constant 2 : i32
        %mul3A_789 = arith.muli %mul3A_788, %add3A_735 : i32
        %add3A_790 = arith.constant 0 : i32
        %add3A_791 = arith.addi %mul3A_789, %add3A_790 : i32
        %get3A_792 = arith.index_cast %add3A_791 : i32 to index
        %get3A_793 = arith.constant 96 : index
        %get3A_794 = tpu.vector_load %arg9[%get3A_792, %get3A_793] {strides = array<i32>} : memref<256x128xf32, #tpu.memory_space<vmem>>, vector<1x16xf32>,
        %get3A_795 = vector.shape_cast %get3A_794 : vector<1x16xf32> to vector<16xf32>
        %add3A_796 = arith.addf %get3A_787, %get3A_795 : vector<16xf32>
        %swap3A_797 = arith.index_cast %add3A_735 : i32 to index
        %swap3A_798 = arith.constant 32 : index
        %swap3A_799 = tpu.vector_load %arg8[%swap3A_797, %swap3A_798] {strides = array<i32>} : memref<256x128xf32, #tpu.memory_space<vmem>>, vector<1x16xf32>,
        %swap3A_800 = vector.shape_cast %swap3A_799 : vector<1x16xf32> to vector<16xf32>
        %swap3A_801 = vector.shape_cast %add3A_796 : vector<16xf32> to vector<1x16xf32>
        tpu.vector_store %arg8[%swap3A_797, %swap3A_798], %swap3A_801 {strides = array<i32>} : memref<256x128xf32, #tpu.memory_space<vmem>>, vector<1x16xf32>,
        %mul3A_802 = arith.constant 2 : i32
        %mul3A_803 = arith.muli %mul3A_802, %add3A_735 : i32
        %add3A_804 = arith.constant 0 : i32
        %add3A_805 = arith.addi %mul3A_803, %add3A_804 : i32
        %get3A_806 = arith.index_cast %add3A_805 : i32 to index
        %get3A_807 = arith.constant 48 : index
        %get3A_808 = tpu.vector_load %arg8[%get3A_806, %get3A_807] {strides = array<i32>} : memref<256x128xf32, #tpu.memory_space<vmem>>, vector<1x16xf32>,
        %get3A_809 = vector.shape_cast %get3A_808 : vector<1x16xf32> to vector<16xf32>
        %mul3A_810 = arith.constant 2 : i32
        %mul3A_811 = arith.muli %mul3A_810, %add3A_735 : i32
        %add3A_812 = arith.constant 0 : i32
        %add3A_813 = arith.addi %mul3A_811, %add3A_812 : i32
        %get3A_814 = arith.index_cast %add3A_813 : i32 to index
        %get3A_815 = arith.constant 112 : index
        %get3A_816 = tpu.vector_load %arg9[%get3A_814, %get3A_815] {strides = array<i32>} : memref<256x128xf32, #tpu.memory_space<vmem>>, vector<1x16xf32>,
        %get3A_817 = vector.shape_cast %get3A_816 : vector<1x16xf32> to vector<16xf32>
        %add3A_818 = arith.addf %get3A_809, %get3A_817 : vector<16xf32>
        %swap3A_819 = arith.index_cast %add3A_735 : i32 to index
        %swap3A_820 = arith.constant 48 : index
        %swap3A_821 = tpu.vector_load %arg8[%swap3A_819, %swap3A_820] {strides = array<i32>} : memref<256x128xf32, #tpu.memory_space<vmem>>, vector<1x16xf32>,
        %swap3A_822 = vector.shape_cast %swap3A_821 : vector<1x16xf32> to vector<16xf32>
        %swap3A_823 = vector.shape_cast %add3A_818 : vector<16xf32> to vector<1x16xf32>
        tpu.vector_store %arg8[%swap3A_819, %swap3A_820], %swap3A_823 {strides = array<i32>} : memref<256x128xf32, #tpu.memory_space<vmem>>, vector<1x16xf32>,
        %mul3A_824 = arith.constant 2 : i32
        %mul3A_825 = arith.muli %mul3A_824, %add3A_735 : i32
        %add3A_826 = arith.constant 1 : i32
        %add3A_827 = arith.addi %mul3A_825, %add3A_826 : i32
        %get3A_828 = arith.index_cast %add3A_827 : i32 to index
        %get3A_829 = arith.constant 0 : index
        %get3A_830 = tpu.vector_load %arg8[%get3A_828, %get3A_829] {strides = array<i32>} : memref<256x128xf32, #tpu.memory_space<vmem>>, vector<1x16xf32>,
        %get3A_831 = vector.shape_cast %get3A_830 : vector<1x16xf32> to vector<16xf32>
        %mul3A_832 = arith.constant 2 : i32
        %mul3A_833 = arith.muli %mul3A_832, %add3A_735 : i32
        %add3A_834 = arith.constant 1 : i32
        %add3A_835 = arith.addi %mul3A_833, %add3A_834 : i32
        %get3A_836 = arith.index_cast %add3A_835 : i32 to index
        %get3A_837 = arith.constant 64 : index
        %get3A_838 = tpu.vector_load %arg9[%get3A_836, %get3A_837] {strides = array<i32>} : memref<256x128xf32, #tpu.memory_space<vmem>>, vector<1x16xf32>,
        %get3A_839 = vector.shape_cast %get3A_838 : vector<1x16xf32> to vector<16xf32>
        %add3A_840 = arith.addf %get3A_831, %get3A_839 : vector<16xf32>
        %swap3A_841 = arith.index_cast %add3A_735 : i32 to index
        %swap3A_842 = arith.constant 64 : index
        %swap3A_843 = tpu.vector_load %arg8[%swap3A_841, %swap3A_842] {strides = array<i32>} : memref<256x128xf32, #tpu.memory_space<vmem>>, vector<1x16xf32>,
        %swap3A_844 = vector.shape_cast %swap3A_843 : vector<1x16xf32> to vector<16xf32>
        %swap3A_845 = vector.shape_cast %add3A_840 : vector<16xf32> to vector<1x16xf32>
        tpu.vector_store %arg8[%swap3A_841, %swap3A_842], %swap3A_845 {strides = array<i32>} : memref<256x128xf32, #tpu.memory_space<vmem>>, vector<1x16xf32>,
        %mul3A_846 = arith.constant 2 : i32
        %mul3A_847 = arith.muli %mul3A_846, %add3A_735 : i32
        %add3A_848 = arith.constant 1 : i32
        %add3A_849 = arith.addi %mul3A_847, %add3A_848 : i32
        %get3A_850 = arith.index_cast %add3A_849 : i32 to index
        %get3A_851 = arith.constant 16 : index
        %get3A_852 = tpu.vector_load %arg8[%get3A_850, %get3A_851] {strides = array<i32>} : memref<256x128xf32, #tpu.memory_space<vmem>>, vector<1x16xf32>,
        %get3A_853 = vector.shape_cast %get3A_852 : vector<1x16xf32> to vector<16xf32>
        %mul3A_854 = arith.constant 2 : i32
        %mul3A_855 = arith.muli %mul3A_854, %add3A_735 : i32
        %add3A_856 = arith.constant 1 : i32
        %add3A_857 = arith.addi %mul3A_855, %add3A_856 : i32
        %get3A_858 = arith.index_cast %add3A_857 : i32 to index
        %get3A_859 = arith.constant 80 : index
        %get3A_860 = tpu.vector_load %arg9[%get3A_858, %get3A_859] {strides = array<i32>} : memref<256x128xf32, #tpu.memory_space<vmem>>, vector<1x16xf32>,
        %get3A_861 = vector.shape_cast %get3A_860 : vector<1x16xf32> to vector<16xf32>
        %add3A_862 = arith.addf %get3A_853, %get3A_861 : vector<16xf32>
        %swap3A_863 = arith.index_cast %add3A_735 : i32 to index
        %swap3A_864 = arith.constant 80 : index
        %swap3A_865 = tpu.vector_load %arg8[%swap3A_863, %swap3A_864] {strides = array<i32>} : memref<256x128xf32, #tpu.memory_space<vmem>>, vector<1x16xf32>,
        %swap3A_866 = vector.shape_cast %swap3A_865 : vector<1x16xf32> to vector<16xf32>
        %swap3A_867 = vector.shape_cast %add3A_862 : vector<16xf32> to vector<1x16xf32>
        tpu.vector_store %arg8[%swap3A_863, %swap3A_864], %swap3A_867 {strides = array<i32>} : memref<256x128xf32, #tpu.memory_space<vmem>>, vector<1x16xf32>,
        %mul3A_868 = arith.constant 2 : i32
        %mul3A_869 = arith.muli %mul3A_868, %add3A_735 : i32
        %add3A_870 = arith.constant 1 : i32
        %add3A_871 = arith.addi %mul3A_869, %add3A_870 : i32
        %get3A_872 = arith.index_cast %add3A_871 : i32 to index
        %get3A_873 = arith.constant 32 : index
        %get3A_874 = tpu.vector_load %arg8[%get3A_872, %get3A_873] {strides = array<i32>} : memref<256x128xf32, #tpu.memory_space<vmem>>, vector<1x16xf32>,
        %get3A_875 = vector.shape_cast %get3A_874 : vector<1x16xf32> to vector<16xf32>
        %mul3A_876 = arith.constant 2 : i32
        %mul3A_877 = arith.muli %mul3A_876, %add3A_735 : i32
        %add3A_878 = arith.constant 1 : i32
        %add3A_879 = arith.addi %mul3A_877, %add3A_878 : i32
        %get3A_880 = arith.index_cast %add3A_879 : i32 to index
        %get3A_881 = arith.constant 96 : index
        %get3A_882 = tpu.vector_load %arg9[%get3A_880, %get3A_881] {strides = array<i32>} : memref<256x128xf32, #tpu.memory_space<vmem>>, vector<1x16xf32>,
        %get3A_883 = vector.shape_cast %get3A_882 : vector<1x16xf32> to vector<16xf32>
        %add3A_884 = arith.addf %get3A_875, %get3A_883 : vector<16xf32>
        %swap3A_885 = arith.index_cast %add3A_735 : i32 to index
        %swap3A_886 = arith.constant 96 : index
        %swap3A_887 = tpu.vector_load %arg8[%swap3A_885, %swap3A_886] {strides = array<i32>} : memref<256x128xf32, #tpu.memory_space<vmem>>, vector<1x16xf32>,
        %swap3A_888 = vector.shape_cast %swap3A_887 : vector<1x16xf32> to vector<16xf32>
        %swap3A_889 = vector.shape_cast %add3A_884 : vector<16xf32> to vector<1x16xf32>
        tpu.vector_store %arg8[%swap3A_885, %swap3A_886], %swap3A_889 {strides = array<i32>} : memref<256x128xf32, #tpu.memory_space<vmem>>, vector<1x16xf32>,
        %mul3A_890 = arith.constant 2 : i32
        %mul3A_891 = arith.muli %mul3A_890, %add3A_735 : i32
        %add3A_892 = arith.constant 1 : i32
        %add3A_893 = arith.addi %mul3A_891, %add3A_892 : i32
        %get3A_894 = arith.index_cast %add3A_893 : i32 to index
        %get3A_895 = arith.constant 48 : index
        %get3A_896 = tpu.vector_load %arg8[%get3A_894, %get3A_895] {strides = array<i32>} : memref<256x128xf32, #tpu.memory_space<vmem>>, vector<1x16xf32>,
        %get3A_897 = vector.shape_cast %get3A_896 : vector<1x16xf32> to vector<16xf32>
        %mul3A_898 = arith.constant 2 : i32
        %mul3A_899 = arith.muli %mul3A_898, %add3A_735 : i32
        %add3A_900 = arith.constant 1 : i32
        %add3A_901 = arith.addi %mul3A_899, %add3A_900 : i32
        %get3A_902 = arith.index_cast %add3A_901 : i32 to index
        %get3A_903 = arith.constant 112 : index
        %get3A_904 = tpu.vector_load %arg9[%get3A_902, %get3A_903] {strides = array<i32>} : memref<256x128xf32, #tpu.memory_space<vmem>>, vector<1x16xf32>,
        %get3A_905 = vector.shape_cast %get3A_904 : vector<1x16xf32> to vector<16xf32>
        %add3A_906 = arith.addf %get3A_897, %get3A_905 : vector<16xf32>
        %swap3A_907 = arith.index_cast %add3A_735 : i32 to index
        %swap3A_908 = arith.constant 112 : index
        %swap3A_909 = tpu.vector_load %arg8[%swap3A_907, %swap3A_908] {strides = array<i32>} : memref<256x128xf32, #tpu.memory_space<vmem>>, vector<1x16xf32>,
        %swap3A_910 = vector.shape_cast %swap3A_909 : vector<1x16xf32> to vector<16xf32>
        %swap3A_911 = vector.shape_cast %add3A_906 : vector<16xf32> to vector<1x16xf32>
        tpu.vector_store %arg8[%swap3A_907, %swap3A_908], %swap3A_911 {strides = array<i32>} : memref<256x128xf32, #tpu.memory_space<vmem>>, vector<1x16xf32>,
        %scan3A_912 = arith.constant 3 : i32
        %scan3A_913 = arith.addi %scan3A_369, %scan3A_912 : i32
        %mul3A_914 = arith.constant 1 : i32
        %mul3A_915 = arith.muli %scan3A_913, %mul3A_914 : i32
        %add3A_916 = arith.constant 0 : i32
        %add3A_917 = arith.addi %add3A_916, %mul3A_915 : i32
        %mul3A_918 = arith.constant 2 : i32
        %mul3A_919 = arith.muli %mul3A_918, %add3A_917 : i32
        %add3A_920 = arith.constant 0 : i32
        %add3A_921 = arith.addi %mul3A_919, %add3A_920 : i32
        %get3A_922 = arith.index_cast %add3A_921 : i32 to index
        %get3A_923 = arith.constant 0 : index
        %get3A_924 = tpu.vector_load %arg8[%get3A_922, %get3A_923] {strides = array<i32>} : memref<256x128xf32, #tpu.memory_space<vmem>>, vector<1x16xf32>,
        %get3A_925 = vector.shape_cast %get3A_924 : vector<1x16xf32> to vector<16xf32>
        %mul3A_926 = arith.constant 2 : i32
        %mul3A_927 = arith.muli %mul3A_926, %add3A_917 : i32
        %add3A_928 = arith.constant 0 : i32
        %add3A_929 = arith.addi %mul3A_927, %add3A_928 : i32
        %get3A_930 = arith.index_cast %add3A_929 : i32 to index
        %get3A_931 = arith.constant 64 : index
        %get3A_932 = tpu.vector_load %arg9[%get3A_930, %get3A_931] {strides = array<i32>} : memref<256x128xf32, #tpu.memory_space<vmem>>, vector<1x16xf32>,
        %get3A_933 = vector.shape_cast %get3A_932 : vector<1x16xf32> to vector<16xf32>
        %add3A_934 = arith.addf %get3A_925, %get3A_933 : vector<16xf32>
        %swap3A_935 = arith.index_cast %add3A_917 : i32 to index
        %swap3A_936 = arith.constant 0 : index
        %swap3A_937 = tpu.vector_load %arg8[%swap3A_935, %swap3A_936] {strides = array<i32>} : memref<256x128xf32, #tpu.memory_space<vmem>>, vector<1x16xf32>,
        %swap3A_938 = vector.shape_cast %swap3A_937 : vector<1x16xf32> to vector<16xf32>
        %swap3A_939 = vector.shape_cast %add3A_934 : vector<16xf32> to vector<1x16xf32>
        tpu.vector_store %arg8[%swap3A_935, %swap3A_936], %swap3A_939 {strides = array<i32>} : memref<256x128xf32, #tpu.memory_space<vmem>>, vector<1x16xf32>,
        %mul3A_940 = arith.constant 2 : i32
        %mul3A_941 = arith.muli %mul3A_940, %add3A_917 : i32
        %add3A_942 = arith.constant 0 : i32
        %add3A_943 = arith.addi %mul3A_941, %add3A_942 : i32
        %get3A_944 = arith.index_cast %add3A_943 : i32 to index
        %get3A_945 = arith.constant 16 : index
        %get3A_946 = tpu.vector_load %arg8[%get3A_944, %get3A_945] {strides = array<i32>} : memref<256x128xf32, #tpu.memory_space<vmem>>, vector<1x16xf32>,
        %get3A_947 = vector.shape_cast %get3A_946 : vector<1x16xf32> to vector<16xf32>
        %mul3A_948 = arith.constant 2 : i32
        %mul3A_949 = arith.muli %mul3A_948, %add3A_917 : i32
        %add3A_950 = arith.constant 0 : i32
        %add3A_951 = arith.addi %mul3A_949, %add3A_950 : i32
        %get3A_952 = arith.index_cast %add3A_951 : i32 to index
        %get3A_953 = arith.constant 80 : index
        %get3A_954 = tpu.vector_load %arg9[%get3A_952, %get3A_953] {strides = array<i32>} : memref<256x128xf32, #tpu.memory_space<vmem>>, vector<1x16xf32>,
        %get3A_955 = vector.shape_cast %get3A_954 : vector<1x16xf32> to vector<16xf32>
        %add3A_956 = arith.addf %get3A_947, %get3A_955 : vector<16xf32>
        %swap3A_957 = arith.index_cast %add3A_917 : i32 to index
        %swap3A_958 = arith.constant 16 : index
        %swap3A_959 = tpu.vector_load %arg8[%swap3A_957, %swap3A_958] {strides = array<i32>} : memref<256x128xf32, #tpu.memory_space<vmem>>, vector<1x16xf32>,
        %swap3A_960 = vector.shape_cast %swap3A_959 : vector<1x16xf32> to vector<16xf32>
        %swap3A_961 = vector.shape_cast %add3A_956 : vector<16xf32> to vector<1x16xf32>
        tpu.vector_store %arg8[%swap3A_957, %swap3A_958], %swap3A_961 {strides = array<i32>} : memref<256x128xf32, #tpu.memory_space<vmem>>, vector<1x16xf32>,
        %mul3A_962 = arith.constant 2 : i32
        %mul3A_963 = arith.muli %mul3A_962, %add3A_917 : i32
        %add3A_964 = arith.constant 0 : i32
        %add3A_965 = arith.addi %mul3A_963, %add3A_964 : i32
        %get3A_966 = arith.index_cast %add3A_965 : i32 to index
        %get3A_967 = arith.constant 32 : index
        %get3A_968 = tpu.vector_load %arg8[%get3A_966, %get3A_967] {strides = array<i32>} : memref<256x128xf32, #tpu.memory_space<vmem>>, vector<1x16xf32>,
        %get3A_969 = vector.shape_cast %get3A_968 : vector<1x16xf32> to vector<16xf32>
        %mul3A_970 = arith.constant 2 : i32
        %mul3A_971 = arith.muli %mul3A_970, %add3A_917 : i32
        %add3A_972 = arith.constant 0 : i32
        %add3A_973 = arith.addi %mul3A_971, %add3A_972 : i32
        %get3A_974 = arith.index_cast %add3A_973 : i32 to index
        %get3A_975 = arith.constant 96 : index
        %get3A_976 = tpu.vector_load %arg9[%get3A_974, %get3A_975] {strides = array<i32>} : memref<256x128xf32, #tpu.memory_space<vmem>>, vector<1x16xf32>,
        %get3A_977 = vector.shape_cast %get3A_976 : vector<1x16xf32> to vector<16xf32>
        %add3A_978 = arith.addf %get3A_969, %get3A_977 : vector<16xf32>
        %swap3A_979 = arith.index_cast %add3A_917 : i32 to index
        %swap3A_980 = arith.constant 32 : index
        %swap3A_981 = tpu.vector_load %arg8[%swap3A_979, %swap3A_980] {strides = array<i32>} : memref<256x128xf32, #tpu.memory_space<vmem>>, vector<1x16xf32>,
        %swap3A_982 = vector.shape_cast %swap3A_981 : vector<1x16xf32> to vector<16xf32>
        %swap3A_983 = vector.shape_cast %add3A_978 : vector<16xf32> to vector<1x16xf32>
        tpu.vector_store %arg8[%swap3A_979, %swap3A_980], %swap3A_983 {strides = array<i32>} : memref<256x128xf32, #tpu.memory_space<vmem>>, vector<1x16xf32>,
        %mul3A_984 = arith.constant 2 : i32
        %mul3A_985 = arith.muli %mul3A_984, %add3A_917 : i32
        %add3A_986 = arith.constant 0 : i32
        %add3A_987 = arith.addi %mul3A_985, %add3A_986 : i32
        %get3A_988 = arith.index_cast %add3A_987 : i32 to index
        %get3A_989 = arith.constant 48 : index
        %get3A_990 = tpu.vector_load %arg8[%get3A_988, %get3A_989] {strides = array<i32>} : memref<256x128xf32, #tpu.memory_space<vmem>>, vector<1x16xf32>,
        %get3A_991 = vector.shape_cast %get3A_990 : vector<1x16xf32> to vector<16xf32>
        %mul3A_992 = arith.constant 2 : i32
        %mul3A_993 = arith.muli %mul3A_992, %add3A_917 : i32
        %add3A_994 = arith.constant 0 : i32
        %add3A_995 = arith.addi %mul3A_993, %add3A_994 : i32
        %get3A_996 = arith.index_cast %add3A_995 : i32 to index
        %get3A_997 = arith.constant 112 : index
        %get3A_998 = tpu.vector_load %arg9[%get3A_996, %get3A_997] {strides = array<i32>} : memref<256x128xf32, #tpu.memory_space<vmem>>, vector<1x16xf32>,
        %get3A_999 = vector.shape_cast %get3A_998 : vector<1x16xf32> to vector<16xf32>
        %add3A_1000 = arith.addf %get3A_991, %get3A_999 : vector<16xf32>
        %swap3A_1001 = arith.index_cast %add3A_917 : i32 to index
        %swap3A_1002 = arith.constant 48 : index
        %swap3A_1003 = tpu.vector_load %arg8[%swap3A_1001, %swap3A_1002] {strides = array<i32>} : memref<256x128xf32, #tpu.memory_space<vmem>>, vector<1x16xf32>,
        %swap3A_1004 = vector.shape_cast %swap3A_1003 : vector<1x16xf32> to vector<16xf32>
        %swap3A_1005 = vector.shape_cast %add3A_1000 : vector<16xf32> to vector<1x16xf32>
        tpu.vector_store %arg8[%swap3A_1001, %swap3A_1002], %swap3A_1005 {strides = array<i32>} : memref<256x128xf32, #tpu.memory_space<vmem>>, vector<1x16xf32>,
        %mul3A_1006 = arith.constant 2 : i32
        %mul3A_1007 = arith.muli %mul3A_1006, %add3A_917 : i32
        %add3A_1008 = arith.constant 1 : i32
        %add3A_1009 = arith.addi %mul3A_1007, %add3A_1008 : i32
        %get3A_1010 = arith.index_cast %add3A_1009 : i32 to index
        %get3A_1011 = arith.constant 0 : index
        %get3A_1012 = tpu.vector_load %arg8[%get3A_1010, %get3A_1011] {strides = array<i32>} : memref<256x128xf32, #tpu.memory_space<vmem>>, vector<1x16xf32>,
        %get3A_1013 = vector.shape_cast %get3A_1012 : vector<1x16xf32> to vector<16xf32>
        %mul3A_1014 = arith.constant 2 : i32
        %mul3A_1015 = arith.muli %mul3A_1014, %add3A_917 : i32
        %add3A_1016 = arith.constant 1 : i32
        %add3A_1017 = arith.addi %mul3A_1015, %add3A_1016 : i32
        %get3A_1018 = arith.index_cast %add3A_1017 : i32 to index
        %get3A_1019 = arith.constant 64 : index
        %get3A_1020 = tpu.vector_load %arg9[%get3A_1018, %get3A_1019] {strides = array<i32>} : memref<256x128xf32, #tpu.memory_space<vmem>>, vector<1x16xf32>,
        %get3A_1021 = vector.shape_cast %get3A_1020 : vector<1x16xf32> to vector<16xf32>
        %add3A_1022 = arith.addf %get3A_1013, %get3A_1021 : vector<16xf32>
        %swap3A_1023 = arith.index_cast %add3A_917 : i32 to index
        %swap3A_1024 = arith.constant 64 : index
        %swap3A_1025 = tpu.vector_load %arg8[%swap3A_1023, %swap3A_1024] {strides = array<i32>} : memref<256x128xf32, #tpu.memory_space<vmem>>, vector<1x16xf32>,
        %swap3A_1026 = vector.shape_cast %swap3A_1025 : vector<1x16xf32> to vector<16xf32>
        %swap3A_1027 = vector.shape_cast %add3A_1022 : vector<16xf32> to vector<1x16xf32>
        tpu.vector_store %arg8[%swap3A_1023, %swap3A_1024], %swap3A_1027 {strides = array<i32>} : memref<256x128xf32, #tpu.memory_space<vmem>>, vector<1x16xf32>,
        %mul3A_1028 = arith.constant 2 : i32
        %mul3A_1029 = arith.muli %mul3A_1028, %add3A_917 : i32
        %add3A_1030 = arith.constant 1 : i32
        %add3A_1031 = arith.addi %mul3A_1029, %add3A_1030 : i32
        %get3A_1032 = arith.index_cast %add3A_1031 : i32 to index
        %get3A_1033 = arith.constant 16 : index
        %get3A_1034 = tpu.vector_load %arg8[%get3A_1032, %get3A_1033] {strides = array<i32>} : memref<256x128xf32, #tpu.memory_space<vmem>>, vector<1x16xf32>,
        %get3A_1035 = vector.shape_cast %get3A_1034 : vector<1x16xf32> to vector<16xf32>
        %mul3A_1036 = arith.constant 2 : i32
        %mul3A_1037 = arith.muli %mul3A_1036, %add3A_917 : i32
        %add3A_1038 = arith.constant 1 : i32
        %add3A_1039 = arith.addi %mul3A_1037, %add3A_1038 : i32
        %get3A_1040 = arith.index_cast %add3A_1039 : i32 to index
        %get3A_1041 = arith.constant 80 : index
        %get3A_1042 = tpu.vector_load %arg9[%get3A_1040, %get3A_1041] {strides = array<i32>} : memref<256x128xf32, #tpu.memory_space<vmem>>, vector<1x16xf32>,
        %get3A_1043 = vector.shape_cast %get3A_1042 : vector<1x16xf32> to vector<16xf32>
        %add3A_1044 = arith.addf %get3A_1035, %get3A_1043 : vector<16xf32>
        %swap3A_1045 = arith.index_cast %add3A_917 : i32 to index
        %swap3A_1046 = arith.constant 80 : index
        %swap3A_1047 = tpu.vector_load %arg8[%swap3A_1045, %swap3A_1046] {strides = array<i32>} : memref<256x128xf32, #tpu.memory_space<vmem>>, vector<1x16xf32>,
        %swap3A_1048 = vector.shape_cast %swap3A_1047 : vector<1x16xf32> to vector<16xf32>
        %swap3A_1049 = vector.shape_cast %add3A_1044 : vector<16xf32> to vector<1x16xf32>
        tpu.vector_store %arg8[%swap3A_1045, %swap3A_1046], %swap3A_1049 {strides = array<i32>} : memref<256x128xf32, #tpu.memory_space<vmem>>, vector<1x16xf32>,
        %mul3A_1050 = arith.constant 2 : i32
        %mul3A_1051 = arith.muli %mul3A_1050, %add3A_917 : i32
        %add3A_1052 = arith.constant 1 : i32
        %add3A_1053 = arith.addi %mul3A_1051, %add3A_1052 : i32
        %get3A_1054 = arith.index_cast %add3A_1053 : i32 to index
        %get3A_1055 = arith.constant 32 : index
        %get3A_1056 = tpu.vector_load %arg8[%get3A_1054, %get3A_1055] {strides = array<i32>} : memref<256x128xf32, #tpu.memory_space<vmem>>, vector<1x16xf32>,
        %get3A_1057 = vector.shape_cast %get3A_1056 : vector<1x16xf32> to vector<16xf32>
        %mul3A_1058 = arith.constant 2 : i32
        %mul3A_1059 = arith.muli %mul3A_1058, %add3A_917 : i32
        %add3A_1060 = arith.constant 1 : i32
        %add3A_1061 = arith.addi %mul3A_1059, %add3A_1060 : i32
        %get3A_1062 = arith.index_cast %add3A_1061 : i32 to index
        %get3A_1063 = arith.constant 96 : index
        %get3A_1064 = tpu.vector_load %arg9[%get3A_1062, %get3A_1063] {strides = array<i32>} : memref<256x128xf32, #tpu.memory_space<vmem>>, vector<1x16xf32>,
        %get3A_1065 = vector.shape_cast %get3A_1064 : vector<1x16xf32> to vector<16xf32>
        %add3A_1066 = arith.addf %get3A_1057, %get3A_1065 : vector<16xf32>
        %swap3A_1067 = arith.index_cast %add3A_917 : i32 to index
        %swap3A_1068 = arith.constant 96 : index
        %swap3A_1069 = tpu.vector_load %arg8[%swap3A_1067, %swap3A_1068] {strides = array<i32>} : memref<256x128xf32, #tpu.memory_space<vmem>>, vector<1x16xf32>,
        %swap3A_1070 = vector.shape_cast %swap3A_1069 : vector<1x16xf32> to vector<16xf32>
        %swap3A_1071 = vector.shape_cast %add3A_1066 : vector<16xf32> to vector<1x16xf32>
        tpu.vector_store %arg8[%swap3A_1067, %swap3A_1068], %swap3A_1071 {strides = array<i32>} : memref<256x128xf32, #tpu.memory_space<vmem>>, vector<1x16xf32>,
        %mul3A_1072 = arith.constant 2 : i32
        %mul3A_1073 = arith.muli %mul3A_1072, %add3A_917 : i32
        %add3A_1074 = arith.constant 1 : i32
        %add3A_1075 = arith.addi %mul3A_1073, %add3A_1074 : i32
        %get3A_1076 = arith.index_cast %add3A_1075 : i32 to index
        %get3A_1077 = arith.constant 48 : index
        %get3A_1078 = tpu.vector_load %arg8[%get3A_1076, %get3A_1077] {strides = array<i32>} : memref<256x128xf32, #tpu.memory_space<vmem>>, vector<1x16xf32>,
        %get3A_1079 = vector.shape_cast %get3A_1078 : vector<1x16xf32> to vector<16xf32>
        %mul3A_1080 = arith.constant 2 : i32
        %mul3A_1081 = arith.muli %mul3A_1080, %add3A_917 : i32
        %add3A_1082 = arith.constant 1 : i32
        %add3A_1083 = arith.addi %mul3A_1081, %add3A_1082 : i32
        %get3A_1084 = arith.index_cast %add3A_1083 : i32 to index
        %get3A_1085 = arith.constant 112 : index
        %get3A_1086 = tpu.vector_load %arg9[%get3A_1084, %get3A_1085] {strides = array<i32>} : memref<256x128xf32, #tpu.memory_space<vmem>>, vector<1x16xf32>,
        %get3A_1087 = vector.shape_cast %get3A_1086 : vector<1x16xf32> to vector<16xf32>
        %add3A_1088 = arith.addf %get3A_1079, %get3A_1087 : vector<16xf32>
        %swap3A_1089 = arith.index_cast %add3A_917 : i32 to index
        %swap3A_1090 = arith.constant 112 : index
        %swap3A_1091 = tpu.vector_load %arg8[%swap3A_1089, %swap3A_1090] {strides = array<i32>} : memref<256x128xf32, #tpu.memory_space<vmem>>, vector<1x16xf32>,
        %swap3A_1092 = vector.shape_cast %swap3A_1091 : vector<1x16xf32> to vector<16xf32>
        %swap3A_1093 = vector.shape_cast %add3A_1088 : vector<16xf32> to vector<1x16xf32>
        tpu.vector_store %arg8[%swap3A_1089, %swap3A_1090], %swap3A_1093 {strides = array<i32>} : memref<256x128xf32, #tpu.memory_space<vmem>>, vector<1x16xf32>,
      }
      %scan3A_97 = arith.constant 128 : i32
      %add3A_98 = arith.constant 0 : i32
      %add3A_99 = arith.addi %add3A_14, %add3A_98 : i32
      %mul3A_100 = arith.constant 64 : i32
      %mul3A_101 = arith.muli %add3A_99, %mul3A_100 : i32
      "tpu.region"() ({
        %run_scoped3A = tpu.sem_alloc : memref<!tpu.dma_semaphore, #tpu.memory_space<semaphore_mem>>
        %dma_start3A_369 = arith.constant 0 : i32
        %dma_start3A_370 = arith.constant 0 : i32
        %dma_start3A_371 = tpu.memref_slice %arg8[%dma_start3A_369, %dma_start3A_370] : memref<256x128xf32, #tpu.memory_space<vmem>> -> memref<128x128xf32, #tpu.memory_space<vmem>>
        %dma_start3A_372 = arith.constant 0 : i32
        %dma_start3A_373 = tpu.memref_slice %arg5[%mul3A_101, %dma_start3A_372] : memref<409600x128xf32, #tpu.memory_space<hbm>> -> memref<128x128xf32, #tpu.memory_space<hbm>>
        %dma_start3A_374 = arith.constant 0 : i32
        %dma_start3A_375 = tpu.memref_slice %arg5[%mul3A_101, %dma_start3A_374] : memref<409600x128xf32, #tpu.memory_space<hbm>> -> memref<128x128xf32, #tpu.memory_space<hbm>>
        %dma_start3A_376 = arith.constant 0 : i32
        %dma_start3A_377 = arith.constant 0 : i32
        %dma_start3A_378 = tpu.memref_slice %arg8[%dma_start3A_376, %dma_start3A_377] : memref<256x128xf32, #tpu.memory_space<vmem>> -> memref<128x128xf32, #tpu.memory_space<vmem>>
        tpu.enqueue_dma source(%dma_start3A_378 : memref<128x128xf32, #tpu.memory_space<vmem>>) target(%dma_start3A_375 : memref<128x128xf32, #tpu.memory_space<hbm>>) target_semaphore(%run_scoped3A : memref<!tpu.dma_semaphore, #tpu.memory_space<semaphore_mem>>)
        %dma_wait3A_379 = arith.constant 0 : i32
        %dma_wait3A_380 = arith.constant 0 : i32
        %dma_wait3A_381 = tpu.memref_slice %arg8[%dma_wait3A_379, %dma_wait3A_380] : memref<256x128xf32, #tpu.memory_space<vmem>> -> memref<128x128xf32, #tpu.memory_space<vmem>>
        %dma_wait3A_382 = arith.constant 0 : i32
        %dma_wait3A_383 = tpu.memref_slice %arg5[%mul3A_101, %dma_wait3A_382] : memref<409600x128xf32, #tpu.memory_space<hbm>> -> memref<128x128xf32, #tpu.memory_space<hbm>>
        %dma_wait3A_384 = arith.constant 0 : i32
        %dma_wait3A_385 = tpu.memref_slice %arg5[%mul3A_101, %dma_wait3A_384] : memref<409600x128xf32, #tpu.memory_space<hbm>> -> memref<128x128xf32, #tpu.memory_space<hbm>>
        %dma_wait3A_386 = arith.constant 0 : i32
        %dma_wait3A_387 = arith.constant 0 : i32
        %dma_wait3A_388 = tpu.memref_slice %arg8[%dma_wait3A_386, %dma_wait3A_387] : memref<256x128xf32, #tpu.memory_space<vmem>> -> memref<128x128xf32, #tpu.memory_space<vmem>>
        tpu.wait_dma2 semaphore(%run_scoped3A : memref<!tpu.dma_semaphore, #tpu.memory_space<semaphore_mem>>) src(%dma_wait3A_388 : memref<128x128xf32, #tpu.memory_space<vmem>>) dst(%dma_wait3A_385 : memref<128x128xf32, #tpu.memory_space<hbm>>)
        tpu.yield
      }) : () -> ()
      %dma_start3A_102 = arith.constant 2 : i32
      %dma_start3A_103 = arith.constant 0 : i32
      %dma_start3A_104 = arith.constant 0 : i32
      %dma_start3A_105 = tpu.memref_slice %arg8[%dma_start3A_103, %dma_start3A_104] : memref<256x128xf32, #tpu.memory_space<vmem>> -> memref<128x128xf32, #tpu.memory_space<vmem>>
      %dma_start3A_106 = arith.constant 0 : i32
      %dma_start3A_107 = tpu.memref_slice %arg6[%dma_start3A_102, %dma_start3A_106] : memref<8x128xi32, #tpu.memory_space<vmem>> -> memref<1x128xi32, #tpu.memory_space<vmem>>
      %dma_start3A_108 = tpu.memref_squeeze %dma_start3A_107 : memref<1x128xi32, #tpu.memory_space<vmem>> -> memref<128xi32, #tpu.memory_space<vmem>>
      %dma_start3A_109 = arith.constant 0 : i32
      %dma_start3A_110 = arith.constant 0 : i32
      %dma_start3A_111 = tpu.memref_slice %arg2[%dma_start3A_109, %dma_start3A_110] : memref<50008x128xf32, #tpu.memory_space<hbm>> -> memref<50008x128xf32, #tpu.memory_space<hbm>>
      tpu.enqueue_indirect_dma source(%dma_start3A_111 : memref<50008x128xf32, #tpu.memory_space<hbm>>) target(%dma_start3A_105 : memref<128x128xf32, #tpu.memory_space<vmem>>) offsets(%dma_start3A_108 : memref<128xi32, #tpu.memory_space<vmem>>) semaphore(%arg10 : memref<!tpu.dma_semaphore, #tpu.memory_space<semaphore_mem>>)
      %dma_start3A_112 = arith.constant 2 : i32
      %dma_start3A_113 = arith.constant 0 : i32
      %dma_start3A_114 = arith.constant 0 : i32
      %dma_start3A_115 = tpu.memref_slice %arg9[%dma_start3A_113, %dma_start3A_114] : memref<256x128xf32, #tpu.memory_space<vmem>> -> memref<128x128xf32, #tpu.memory_space<vmem>>
      %dma_start3A_116 = arith.constant 0 : i32
      %dma_start3A_117 = tpu.memref_slice %arg7[%dma_start3A_112, %dma_start3A_116] : memref<8x128xi32, #tpu.memory_space<vmem>> -> memref<1x128xi32, #tpu.memory_space<vmem>>
      %dma_start3A_118 = tpu.memref_squeeze %dma_start3A_117 : memref<1x128xi32, #tpu.memory_space<vmem>> -> memref<128xi32, #tpu.memory_space<vmem>>
      %dma_start3A_119 = arith.constant 0 : i32
      %dma_start3A_120 = arith.constant 0 : i32
      %dma_start3A_121 = tpu.memref_slice %arg2[%dma_start3A_119, %dma_start3A_120] : memref<50008x128xf32, #tpu.memory_space<hbm>> -> memref<50008x128xf32, #tpu.memory_space<hbm>>
      tpu.enqueue_indirect_dma source(%dma_start3A_121 : memref<50008x128xf32, #tpu.memory_space<hbm>>) target(%dma_start3A_115 : memref<128x128xf32, #tpu.memory_space<vmem>>) offsets(%dma_start3A_118 : memref<128xi32, #tpu.memory_space<vmem>>) semaphore(%arg11 : memref<!tpu.dma_semaphore, #tpu.memory_space<semaphore_mem>>)
      %dma_start3A_122 = arith.constant 3 : i32
      %dma_start3A_123 = arith.constant 128 : i32
      %dma_start3A_124 = arith.constant 0 : i32
      %dma_start3A_125 = tpu.memref_slice %arg8[%dma_start3A_123, %dma_start3A_124] : memref<256x128xf32, #tpu.memory_space<vmem>> -> memref<128x128xf32, #tpu.memory_space<vmem>>
      %dma_start3A_126 = arith.constant 0 : i32
      %dma_start3A_127 = tpu.memref_slice %arg6[%dma_start3A_122, %dma_start3A_126] : memref<8x128xi32, #tpu.memory_space<vmem>> -> memref<1x128xi32, #tpu.memory_space<vmem>>
      %dma_start3A_128 = tpu.memref_squeeze %dma_start3A_127 : memref<1x128xi32, #tpu.memory_space<vmem>> -> memref<128xi32, #tpu.memory_space<vmem>>
      %dma_start3A_129 = arith.constant 0 : i32
      %dma_start3A_130 = arith.constant 0 : i32
      %dma_start3A_131 = tpu.memref_slice %arg2[%dma_start3A_129, %dma_start3A_130] : memref<50008x128xf32, #tpu.memory_space<hbm>> -> memref<50008x128xf32, #tpu.memory_space<hbm>>
      tpu.enqueue_indirect_dma source(%dma_start3A_131 : memref<50008x128xf32, #tpu.memory_space<hbm>>) target(%dma_start3A_125 : memref<128x128xf32, #tpu.memory_space<vmem>>) offsets(%dma_start3A_128 : memref<128xi32, #tpu.memory_space<vmem>>) semaphore(%arg10 : memref<!tpu.dma_semaphore, #tpu.memory_space<semaphore_mem>>)
      %dma_start3A_132 = arith.constant 3 : i32
      %dma_start3A_133 = arith.constant 128 : i32
      %dma_start3A_134 = arith.constant 0 : i32
      %dma_start3A_135 = tpu.memref_slice %arg9[%dma_start3A_133, %dma_start3A_134] : memref<256x128xf32, #tpu.memory_space<vmem>> -> memref<128x128xf32, #tpu.memory_space<vmem>>
      %dma_start3A_136 = arith.constant 0 : i32
      %dma_start3A_137 = tpu.memref_slice %arg7[%dma_start3A_132, %dma_start3A_136] : memref<8x128xi32, #tpu.memory_space<vmem>> -> memref<1x128xi32, #tpu.memory_space<vmem>>
      %dma_start3A_138 = tpu.memref_squeeze %dma_start3A_137 : memref<1x128xi32, #tpu.memory_space<vmem>> -> memref<128xi32, #tpu.memory_space<vmem>>
      %dma_start3A_139 = arith.constant 0 : i32
      %dma_start3A_140 = arith.constant 0 : i32
      %dma_start3A_141 = tpu.memref_slice %arg2[%dma_start3A_139, %dma_start3A_140] : memref<50008x128xf32, #tpu.memory_space<hbm>> -> memref<50008x128xf32, #tpu.memory_space<hbm>>
      tpu.enqueue_indirect_dma source(%dma_start3A_141 : memref<50008x128xf32, #tpu.memory_space<hbm>>) target(%dma_start3A_135 : memref<128x128xf32, #tpu.memory_space<vmem>>) offsets(%dma_start3A_138 : memref<128xi32, #tpu.memory_space<vmem>>) semaphore(%arg11 : memref<!tpu.dma_semaphore, #tpu.memory_space<semaphore_mem>>)
      %dma_wait3A_142 = arith.constant 2 : i32
      %dma_wait3A_143 = arith.constant 0 : i32
      %dma_wait3A_144 = arith.constant 0 : i32
      %dma_wait3A_145 = tpu.memref_slice %arg8[%dma_wait3A_143, %dma_wait3A_144] : memref<256x128xf32, #tpu.memory_space<vmem>> -> memref<128x128xf32, #tpu.memory_space<vmem>>
      %dma_wait3A_146 = arith.constant 0 : i32
      %dma_wait3A_147 = tpu.memref_slice %arg6[%dma_wait3A_142, %dma_wait3A_146] : memref<8x128xi32, #tpu.memory_space<vmem>> -> memref<1x128xi32, #tpu.memory_space<vmem>>
      %dma_wait3A_148 = tpu.memref_squeeze %dma_wait3A_147 : memref<1x128xi32, #tpu.memory_space<vmem>> -> memref<128xi32, #tpu.memory_space<vmem>>
      %dma_wait3A_149 = arith.constant 0 : i32
      %dma_wait3A_150 = arith.constant 0 : i32
      %dma_wait3A_151 = tpu.memref_slice %arg2[%dma_wait3A_149, %dma_wait3A_150] : memref<50008x128xf32, #tpu.memory_space<hbm>> -> memref<50008x128xf32, #tpu.memory_space<hbm>>
      tpu.wait_indirect_dma semaphore(%arg10 : memref<!tpu.dma_semaphore, #tpu.memory_space<semaphore_mem>>) src(%dma_wait3A_151 : memref<50008x128xf32, #tpu.memory_space<hbm>>) dst(%dma_wait3A_145 : memref<128x128xf32, #tpu.memory_space<vmem>>)
      %dma_wait3A_152 = arith.constant 2 : i32
      %dma_wait3A_153 = arith.constant 0 : i32
      %dma_wait3A_154 = arith.constant 0 : i32
      %dma_wait3A_155 = tpu.memref_slice %arg9[%dma_wait3A_153, %dma_wait3A_154] : memref<256x128xf32, #tpu.memory_space<vmem>> -> memref<128x128xf32, #tpu.memory_space<vmem>>
      %dma_wait3A_156 = arith.constant 0 : i32
      %dma_wait3A_157 = tpu.memref_slice %arg7[%dma_wait3A_152, %dma_wait3A_156] : memref<8x128xi32, #tpu.memory_space<vmem>> -> memref<1x128xi32, #tpu.memory_space<vmem>>
      %dma_wait3A_158 = tpu.memref_squeeze %dma_wait3A_157 : memref<1x128xi32, #tpu.memory_space<vmem>> -> memref<128xi32, #tpu.memory_space<vmem>>
      %dma_wait3A_159 = arith.constant 0 : i32
      %dma_wait3A_160 = arith.constant 0 : i32
      %dma_wait3A_161 = tpu.memref_slice %arg2[%dma_wait3A_159, %dma_wait3A_160] : memref<50008x128xf32, #tpu.memory_space<hbm>> -> memref<50008x128xf32, #tpu.memory_space<hbm>>
      tpu.wait_indirect_dma semaphore(%arg11 : memref<!tpu.dma_semaphore, #tpu.memory_space<semaphore_mem>>) src(%dma_wait3A_161 : memref<50008x128xf32, #tpu.memory_space<hbm>>) dst(%dma_wait3A_155 : memref<128x128xf32, #tpu.memory_space<vmem>>)
      %dma_wait3A_162 = arith.constant 3 : i32
      %dma_wait3A_163 = arith.constant 128 : i32
      %dma_wait3A_164 = arith.constant 0 : i32
      %dma_wait3A_165 = tpu.memref_slice %arg8[%dma_wait3A_163, %dma_wait3A_164] : memref<256x128xf32, #tpu.memory_space<vmem>> -> memref<128x128xf32, #tpu.memory_space<vmem>>
      %dma_wait3A_166 = arith.constant 0 : i32
      %dma_wait3A_167 = tpu.memref_slice %arg6[%dma_wait3A_162, %dma_wait3A_166] : memref<8x128xi32, #tpu.memory_space<vmem>> -> memref<1x128xi32, #tpu.memory_space<vmem>>
      %dma_wait3A_168 = tpu.memref_squeeze %dma_wait3A_167 : memref<1x128xi32, #tpu.memory_space<vmem>> -> memref<128xi32, #tpu.memory_space<vmem>>
      %dma_wait3A_169 = arith.constant 0 : i32
      %dma_wait3A_170 = arith.constant 0 : i32
      %dma_wait3A_171 = tpu.memref_slice %arg2[%dma_wait3A_169, %dma_wait3A_170] : memref<50008x128xf32, #tpu.memory_space<hbm>> -> memref<50008x128xf32, #tpu.memory_space<hbm>>
      tpu.wait_indirect_dma semaphore(%arg10 : memref<!tpu.dma_semaphore, #tpu.memory_space<semaphore_mem>>) src(%dma_wait3A_171 : memref<50008x128xf32, #tpu.memory_space<hbm>>) dst(%dma_wait3A_165 : memref<128x128xf32, #tpu.memory_space<vmem>>)
      %dma_wait3A_172 = arith.constant 3 : i32
      %dma_wait3A_173 = arith.constant 128 : i32
      %dma_wait3A_174 = arith.constant 0 : i32
      %dma_wait3A_175 = tpu.memref_slice %arg9[%dma_wait3A_173, %dma_wait3A_174] : memref<256x128xf32, #tpu.memory_space<vmem>> -> memref<128x128xf32, #tpu.memory_space<vmem>>
      %dma_wait3A_176 = arith.constant 0 : i32
      %dma_wait3A_177 = tpu.memref_slice %arg7[%dma_wait3A_172, %dma_wait3A_176] : memref<8x128xi32, #tpu.memory_space<vmem>> -> memref<1x128xi32, #tpu.memory_space<vmem>>
      %dma_wait3A_178 = tpu.memref_squeeze %dma_wait3A_177 : memref<1x128xi32, #tpu.memory_space<vmem>> -> memref<128xi32, #tpu.memory_space<vmem>>
      %dma_wait3A_179 = arith.constant 0 : i32
      %dma_wait3A_180 = arith.constant 0 : i32
      %dma_wait3A_181 = tpu.memref_slice %arg2[%dma_wait3A_179, %dma_wait3A_180] : memref<50008x128xf32, #tpu.memory_space<hbm>> -> memref<50008x128xf32, #tpu.memory_space<hbm>>
      tpu.wait_indirect_dma semaphore(%arg11 : memref<!tpu.dma_semaphore, #tpu.memory_space<semaphore_mem>>) src(%dma_wait3A_181 : memref<50008x128xf32, #tpu.memory_space<hbm>>) dst(%dma_wait3A_175 : memref<128x128xf32, #tpu.memory_space<vmem>>)
      %scan3A_182 = arith.constant 0 : i32
      %scan3A_183 = arith.constant 128 : i32
      %scan3A_184 = arith.addi %scan3A_182, %scan3A_183 : i32
      %scan3A_185 = arith.constant 4 : i32
      scf.for %scan3A_369 = %scan3A_182 to %scan3A_184 step %scan3A_185  : i32 {
        %mul3A_370 = arith.constant 1 : i32
        %mul3A_371 = arith.muli %scan3A_369, %mul3A_370 : i32
        %add3A_372 = arith.constant 0 : i32
        %add3A_373 = arith.addi %add3A_372, %mul3A_371 : i32
        %mul3A_374 = arith.constant 2 : i32
        %mul3A_375 = arith.muli %mul3A_374, %add3A_373 : i32
        %add3A_376 = arith.constant 0 : i32
        %add3A_377 = arith.addi %mul3A_375, %add3A_376 : i32
        %get3A = arith.index_cast %add3A_377 : i32 to index
        %get3A_378 = arith.constant 0 : index
        %get3A_379 = tpu.vector_load %arg8[%get3A, %get3A_378] {strides = array<i32>} : memref<256x128xf32, #tpu.memory_space<vmem>>, vector<1x16xf32>,
        %get3A_380 = vector.shape_cast %get3A_379 : vector<1x16xf32> to vector<16xf32>
        %mul3A_381 = arith.constant 2 : i32
        %mul3A_382 = arith.muli %mul3A_381, %add3A_373 : i32
        %add3A_383 = arith.constant 0 : i32
        %add3A_384 = arith.addi %mul3A_382, %add3A_383 : i32
        %get3A_385 = arith.index_cast %add3A_384 : i32 to index
        %get3A_386 = arith.constant 64 : index
        %get3A_387 = tpu.vector_load %arg9[%get3A_385, %get3A_386] {strides = array<i32>} : memref<256x128xf32, #tpu.memory_space<vmem>>, vector<1x16xf32>,
        %get3A_388 = vector.shape_cast %get3A_387 : vector<1x16xf32> to vector<16xf32>
        %add3A_389 = arith.addf %get3A_380, %get3A_388 : vector<16xf32>
        %swap3A = arith.index_cast %add3A_373 : i32 to index
        %swap3A_390 = arith.constant 0 : index
        %swap3A_391 = tpu.vector_load %arg8[%swap3A, %swap3A_390] {strides = array<i32>} : memref<256x128xf32, #tpu.memory_space<vmem>>, vector<1x16xf32>,
        %swap3A_392 = vector.shape_cast %swap3A_391 : vector<1x16xf32> to vector<16xf32>
        %swap3A_393 = vector.shape_cast %add3A_389 : vector<16xf32> to vector<1x16xf32>
        tpu.vector_store %arg8[%swap3A, %swap3A_390], %swap3A_393 {strides = array<i32>} : memref<256x128xf32, #tpu.memory_space<vmem>>, vector<1x16xf32>,
        %mul3A_394 = arith.constant 2 : i32
        %mul3A_395 = arith.muli %mul3A_394, %add3A_373 : i32
        %add3A_396 = arith.constant 0 : i32
        %add3A_397 = arith.addi %mul3A_395, %add3A_396 : i32
        %get3A_398 = arith.index_cast %add3A_397 : i32 to index
        %get3A_399 = arith.constant 16 : index
        %get3A_400 = tpu.vector_load %arg8[%get3A_398, %get3A_399] {strides = array<i32>} : memref<256x128xf32, #tpu.memory_space<vmem>>, vector<1x16xf32>,
        %get3A_401 = vector.shape_cast %get3A_400 : vector<1x16xf32> to vector<16xf32>
        %mul3A_402 = arith.constant 2 : i32
        %mul3A_403 = arith.muli %mul3A_402, %add3A_373 : i32
        %add3A_404 = arith.constant 0 : i32
        %add3A_405 = arith.addi %mul3A_403, %add3A_404 : i32
        %get3A_406 = arith.index_cast %add3A_405 : i32 to index
        %get3A_407 = arith.constant 80 : index
        %get3A_408 = tpu.vector_load %arg9[%get3A_406, %get3A_407] {strides = array<i32>} : memref<256x128xf32, #tpu.memory_space<vmem>>, vector<1x16xf32>,
        %get3A_409 = vector.shape_cast %get3A_408 : vector<1x16xf32> to vector<16xf32>
        %add3A_410 = arith.addf %get3A_401, %get3A_409 : vector<16xf32>
        %swap3A_411 = arith.index_cast %add3A_373 : i32 to index
        %swap3A_412 = arith.constant 16 : index
        %swap3A_413 = tpu.vector_load %arg8[%swap3A_411, %swap3A_412] {strides = array<i32>} : memref<256x128xf32, #tpu.memory_space<vmem>>, vector<1x16xf32>,
        %swap3A_414 = vector.shape_cast %swap3A_413 : vector<1x16xf32> to vector<16xf32>
        %swap3A_415 = vector.shape_cast %add3A_410 : vector<16xf32> to vector<1x16xf32>
        tpu.vector_store %arg8[%swap3A_411, %swap3A_412], %swap3A_415 {strides = array<i32>} : memref<256x128xf32, #tpu.memory_space<vmem>>, vector<1x16xf32>,
        %mul3A_416 = arith.constant 2 : i32
        %mul3A_417 = arith.muli %mul3A_416, %add3A_373 : i32
        %add3A_418 = arith.constant 0 : i32
        %add3A_419 = arith.addi %mul3A_417, %add3A_418 : i32
        %get3A_420 = arith.index_cast %add3A_419 : i32 to index
        %get3A_421 = arith.constant 32 : index
        %get3A_422 = tpu.vector_load %arg8[%get3A_420, %get3A_421] {strides = array<i32>} : memref<256x128xf32, #tpu.memory_space<vmem>>, vector<1x16xf32>,
        %get3A_423 = vector.shape_cast %get3A_422 : vector<1x16xf32> to vector<16xf32>
        %mul3A_424 = arith.constant 2 : i32
        %mul3A_425 = arith.muli %mul3A_424, %add3A_373 : i32
        %add3A_426 = arith.constant 0 : i32
        %add3A_427 = arith.addi %mul3A_425, %add3A_426 : i32
        %get3A_428 = arith.index_cast %add3A_427 : i32 to index
        %get3A_429 = arith.constant 96 : index
        %get3A_430 = tpu.vector_load %arg9[%get3A_428, %get3A_429] {strides = array<i32>} : memref<256x128xf32, #tpu.memory_space<vmem>>, vector<1x16xf32>,
        %get3A_431 = vector.shape_cast %get3A_430 : vector<1x16xf32> to vector<16xf32>
        %add3A_432 = arith.addf %get3A_423, %get3A_431 : vector<16xf32>
        %swap3A_433 = arith.index_cast %add3A_373 : i32 to index
        %swap3A_434 = arith.constant 32 : index
        %swap3A_435 = tpu.vector_load %arg8[%swap3A_433, %swap3A_434] {strides = array<i32>} : memref<256x128xf32, #tpu.memory_space<vmem>>, vector<1x16xf32>,
        %swap3A_436 = vector.shape_cast %swap3A_435 : vector<1x16xf32> to vector<16xf32>
        %swap3A_437 = vector.shape_cast %add3A_432 : vector<16xf32> to vector<1x16xf32>
        tpu.vector_store %arg8[%swap3A_433, %swap3A_434], %swap3A_437 {strides = array<i32>} : memref<256x128xf32, #tpu.memory_space<vmem>>, vector<1x16xf32>,
        %mul3A_438 = arith.constant 2 : i32
        %mul3A_439 = arith.muli %mul3A_438, %add3A_373 : i32
        %add3A_440 = arith.constant 0 : i32
        %add3A_441 = arith.addi %mul3A_439, %add3A_440 : i32
        %get3A_442 = arith.index_cast %add3A_441 : i32 to index
        %get3A_443 = arith.constant 48 : index
        %get3A_444 = tpu.vector_load %arg8[%get3A_442, %get3A_443] {strides = array<i32>} : memref<256x128xf32, #tpu.memory_space<vmem>>, vector<1x16xf32>,
        %get3A_445 = vector.shape_cast %get3A_444 : vector<1x16xf32> to vector<16xf32>
        %mul3A_446 = arith.constant 2 : i32
        %mul3A_447 = arith.muli %mul3A_446, %add3A_373 : i32
        %add3A_448 = arith.constant 0 : i32
        %add3A_449 = arith.addi %mul3A_447, %add3A_448 : i32
        %get3A_450 = arith.index_cast %add3A_449 : i32 to index
        %get3A_451 = arith.constant 112 : index
        %get3A_452 = tpu.vector_load %arg9[%get3A_450, %get3A_451] {strides = array<i32>} : memref<256x128xf32, #tpu.memory_space<vmem>>, vector<1x16xf32>,
        %get3A_453 = vector.shape_cast %get3A_452 : vector<1x16xf32> to vector<16xf32>
        %add3A_454 = arith.addf %get3A_445, %get3A_453 : vector<16xf32>
        %swap3A_455 = arith.index_cast %add3A_373 : i32 to index
        %swap3A_456 = arith.constant 48 : index
        %swap3A_457 = tpu.vector_load %arg8[%swap3A_455, %swap3A_456] {strides = array<i32>} : memref<256x128xf32, #tpu.memory_space<vmem>>, vector<1x16xf32>,
        %swap3A_458 = vector.shape_cast %swap3A_457 : vector<1x16xf32> to vector<16xf32>
        %swap3A_459 = vector.shape_cast %add3A_454 : vector<16xf32> to vector<1x16xf32>
        tpu.vector_store %arg8[%swap3A_455, %swap3A_456], %swap3A_459 {strides = array<i32>} : memref<256x128xf32, #tpu.memory_space<vmem>>, vector<1x16xf32>,
        %mul3A_460 = arith.constant 2 : i32
        %mul3A_461 = arith.muli %mul3A_460, %add3A_373 : i32
        %add3A_462 = arith.constant 1 : i32
        %add3A_463 = arith.addi %mul3A_461, %add3A_462 : i32
        %get3A_464 = arith.index_cast %add3A_463 : i32 to index
        %get3A_465 = arith.constant 0 : index
        %get3A_466 = tpu.vector_load %arg8[%get3A_464, %get3A_465] {strides = array<i32>} : memref<256x128xf32, #tpu.memory_space<vmem>>, vector<1x16xf32>,
        %get3A_467 = vector.shape_cast %get3A_466 : vector<1x16xf32> to vector<16xf32>
        %mul3A_468 = arith.constant 2 : i32
        %mul3A_469 = arith.muli %mul3A_468, %add3A_373 : i32
        %add3A_470 = arith.constant 1 : i32
        %add3A_471 = arith.addi %mul3A_469, %add3A_470 : i32
        %get3A_472 = arith.index_cast %add3A_471 : i32 to index
        %get3A_473 = arith.constant 64 : index
        %get3A_474 = tpu.vector_load %arg9[%get3A_472, %get3A_473] {strides = array<i32>} : memref<256x128xf32, #tpu.memory_space<vmem>>, vector<1x16xf32>,
        %get3A_475 = vector.shape_cast %get3A_474 : vector<1x16xf32> to vector<16xf32>
        %add3A_476 = arith.addf %get3A_467, %get3A_475 : vector<16xf32>
        %swap3A_477 = arith.index_cast %add3A_373 : i32 to index
        %swap3A_478 = arith.constant 64 : index
        %swap3A_479 = tpu.vector_load %arg8[%swap3A_477, %swap3A_478] {strides = array<i32>} : memref<256x128xf32, #tpu.memory_space<vmem>>, vector<1x16xf32>,
        %swap3A_480 = vector.shape_cast %swap3A_479 : vector<1x16xf32> to vector<16xf32>
        %swap3A_481 = vector.shape_cast %add3A_476 : vector<16xf32> to vector<1x16xf32>
        tpu.vector_store %arg8[%swap3A_477, %swap3A_478], %swap3A_481 {strides = array<i32>} : memref<256x128xf32, #tpu.memory_space<vmem>>, vector<1x16xf32>,
        %mul3A_482 = arith.constant 2 : i32
        %mul3A_483 = arith.muli %mul3A_482, %add3A_373 : i32
        %add3A_484 = arith.constant 1 : i32
        %add3A_485 = arith.addi %mul3A_483, %add3A_484 : i32
        %get3A_486 = arith.index_cast %add3A_485 : i32 to index
        %get3A_487 = arith.constant 16 : index
        %get3A_488 = tpu.vector_load %arg8[%get3A_486, %get3A_487] {strides = array<i32>} : memref<256x128xf32, #tpu.memory_space<vmem>>, vector<1x16xf32>,
        %get3A_489 = vector.shape_cast %get3A_488 : vector<1x16xf32> to vector<16xf32>
        %mul3A_490 = arith.constant 2 : i32
        %mul3A_491 = arith.muli %mul3A_490, %add3A_373 : i32
        %add3A_492 = arith.constant 1 : i32
        %add3A_493 = arith.addi %mul3A_491, %add3A_492 : i32
        %get3A_494 = arith.index_cast %add3A_493 : i32 to index
        %get3A_495 = arith.constant 80 : index
        %get3A_496 = tpu.vector_load %arg9[%get3A_494, %get3A_495] {strides = array<i32>} : memref<256x128xf32, #tpu.memory_space<vmem>>, vector<1x16xf32>,
        %get3A_497 = vector.shape_cast %get3A_496 : vector<1x16xf32> to vector<16xf32>
        %add3A_498 = arith.addf %get3A_489, %get3A_497 : vector<16xf32>
        %swap3A_499 = arith.index_cast %add3A_373 : i32 to index
        %swap3A_500 = arith.constant 80 : index
        %swap3A_501 = tpu.vector_load %arg8[%swap3A_499, %swap3A_500] {strides = array<i32>} : memref<256x128xf32, #tpu.memory_space<vmem>>, vector<1x16xf32>,
        %swap3A_502 = vector.shape_cast %swap3A_501 : vector<1x16xf32> to vector<16xf32>
        %swap3A_503 = vector.shape_cast %add3A_498 : vector<16xf32> to vector<1x16xf32>
        tpu.vector_store %arg8[%swap3A_499, %swap3A_500], %swap3A_503 {strides = array<i32>} : memref<256x128xf32, #tpu.memory_space<vmem>>, vector<1x16xf32>,
        %mul3A_504 = arith.constant 2 : i32
        %mul3A_505 = arith.muli %mul3A_504, %add3A_373 : i32
        %add3A_506 = arith.constant 1 : i32
        %add3A_507 = arith.addi %mul3A_505, %add3A_506 : i32
        %get3A_508 = arith.index_cast %add3A_507 : i32 to index
        %get3A_509 = arith.constant 32 : index
        %get3A_510 = tpu.vector_load %arg8[%get3A_508, %get3A_509] {strides = array<i32>} : memref<256x128xf32, #tpu.memory_space<vmem>>, vector<1x16xf32>,
        %get3A_511 = vector.shape_cast %get3A_510 : vector<1x16xf32> to vector<16xf32>
        %mul3A_512 = arith.constant 2 : i32
        %mul3A_513 = arith.muli %mul3A_512, %add3A_373 : i32
        %add3A_514 = arith.constant 1 : i32
        %add3A_515 = arith.addi %mul3A_513, %add3A_514 : i32
        %get3A_516 = arith.index_cast %add3A_515 : i32 to index
        %get3A_517 = arith.constant 96 : index
        %get3A_518 = tpu.vector_load %arg9[%get3A_516, %get3A_517] {strides = array<i32>} : memref<256x128xf32, #tpu.memory_space<vmem>>, vector<1x16xf32>,
        %get3A_519 = vector.shape_cast %get3A_518 : vector<1x16xf32> to vector<16xf32>
        %add3A_520 = arith.addf %get3A_511, %get3A_519 : vector<16xf32>
        %swap3A_521 = arith.index_cast %add3A_373 : i32 to index
        %swap3A_522 = arith.constant 96 : index
        %swap3A_523 = tpu.vector_load %arg8[%swap3A_521, %swap3A_522] {strides = array<i32>} : memref<256x128xf32, #tpu.memory_space<vmem>>, vector<1x16xf32>,
        %swap3A_524 = vector.shape_cast %swap3A_523 : vector<1x16xf32> to vector<16xf32>
        %swap3A_525 = vector.shape_cast %add3A_520 : vector<16xf32> to vector<1x16xf32>
        tpu.vector_store %arg8[%swap3A_521, %swap3A_522], %swap3A_525 {strides = array<i32>} : memref<256x128xf32, #tpu.memory_space<vmem>>, vector<1x16xf32>,
        %mul3A_526 = arith.constant 2 : i32
        %mul3A_527 = arith.muli %mul3A_526, %add3A_373 : i32
        %add3A_528 = arith.constant 1 : i32
        %add3A_529 = arith.addi %mul3A_527, %add3A_528 : i32
        %get3A_530 = arith.index_cast %add3A_529 : i32 to index
        %get3A_531 = arith.constant 48 : index
        %get3A_532 = tpu.vector_load %arg8[%get3A_530, %get3A_531] {strides = array<i32>} : memref<256x128xf32, #tpu.memory_space<vmem>>, vector<1x16xf32>,
        %get3A_533 = vector.shape_cast %get3A_532 : vector<1x16xf32> to vector<16xf32>
        %mul3A_534 = arith.constant 2 : i32
        %mul3A_535 = arith.muli %mul3A_534, %add3A_373 : i32
        %add3A_536 = arith.constant 1 : i32
        %add3A_537 = arith.addi %mul3A_535, %add3A_536 : i32
        %get3A_538 = arith.index_cast %add3A_537 : i32 to index
        %get3A_539 = arith.constant 112 : index
        %get3A_540 = tpu.vector_load %arg9[%get3A_538, %get3A_539] {strides = array<i32>} : memref<256x128xf32, #tpu.memory_space<vmem>>, vector<1x16xf32>,
        %get3A_541 = vector.shape_cast %get3A_540 : vector<1x16xf32> to vector<16xf32>
        %add3A_542 = arith.addf %get3A_533, %get3A_541 : vector<16xf32>
        %swap3A_543 = arith.index_cast %add3A_373 : i32 to index
        %swap3A_544 = arith.constant 112 : index
        %swap3A_545 = tpu.vector_load %arg8[%swap3A_543, %swap3A_544] {strides = array<i32>} : memref<256x128xf32, #tpu.memory_space<vmem>>, vector<1x16xf32>,
        %swap3A_546 = vector.shape_cast %swap3A_545 : vector<1x16xf32> to vector<16xf32>
        %swap3A_547 = vector.shape_cast %add3A_542 : vector<16xf32> to vector<1x16xf32>
        tpu.vector_store %arg8[%swap3A_543, %swap3A_544], %swap3A_547 {strides = array<i32>} : memref<256x128xf32, #tpu.memory_space<vmem>>, vector<1x16xf32>,
        %scan3A_548 = arith.constant 1 : i32
        %scan3A_549 = arith.addi %scan3A_369, %scan3A_548 : i32
        %mul3A_550 = arith.constant 1 : i32
        %mul3A_551 = arith.muli %scan3A_549, %mul3A_550 : i32
        %add3A_552 = arith.constant 0 : i32
        %add3A_553 = arith.addi %add3A_552, %mul3A_551 : i32
        %mul3A_554 = arith.constant 2 : i32
        %mul3A_555 = arith.muli %mul3A_554, %add3A_553 : i32
        %add3A_556 = arith.constant 0 : i32
        %add3A_557 = arith.addi %mul3A_555, %add3A_556 : i32
        %get3A_558 = arith.index_cast %add3A_557 : i32 to index
        %get3A_559 = arith.constant 0 : index
        %get3A_560 = tpu.vector_load %arg8[%get3A_558, %get3A_559] {strides = array<i32>} : memref<256x128xf32, #tpu.memory_space<vmem>>, vector<1x16xf32>,
        %get3A_561 = vector.shape_cast %get3A_560 : vector<1x16xf32> to vector<16xf32>
        %mul3A_562 = arith.constant 2 : i32
        %mul3A_563 = arith.muli %mul3A_562, %add3A_553 : i32
        %add3A_564 = arith.constant 0 : i32
        %add3A_565 = arith.addi %mul3A_563, %add3A_564 : i32
        %get3A_566 = arith.index_cast %add3A_565 : i32 to index
        %get3A_567 = arith.constant 64 : index
        %get3A_568 = tpu.vector_load %arg9[%get3A_566, %get3A_567] {strides = array<i32>} : memref<256x128xf32, #tpu.memory_space<vmem>>, vector<1x16xf32>,
        %get3A_569 = vector.shape_cast %get3A_568 : vector<1x16xf32> to vector<16xf32>
        %add3A_570 = arith.addf %get3A_561, %get3A_569 : vector<16xf32>
        %swap3A_571 = arith.index_cast %add3A_553 : i32 to index
        %swap3A_572 = arith.constant 0 : index
        %swap3A_573 = tpu.vector_load %arg8[%swap3A_571, %swap3A_572] {strides = array<i32>} : memref<256x128xf32, #tpu.memory_space<vmem>>, vector<1x16xf32>,
        %swap3A_574 = vector.shape_cast %swap3A_573 : vector<1x16xf32> to vector<16xf32>
        %swap3A_575 = vector.shape_cast %add3A_570 : vector<16xf32> to vector<1x16xf32>
        tpu.vector_store %arg8[%swap3A_571, %swap3A_572], %swap3A_575 {strides = array<i32>} : memref<256x128xf32, #tpu.memory_space<vmem>>, vector<1x16xf32>,
        %mul3A_576 = arith.constant 2 : i32
        %mul3A_577 = arith.muli %mul3A_576, %add3A_553 : i32
        %add3A_578 = arith.constant 0 : i32
        %add3A_579 = arith.addi %mul3A_577, %add3A_578 : i32
        %get3A_580 = arith.index_cast %add3A_579 : i32 to index
        %get3A_581 = arith.constant 16 : index
        %get3A_582 = tpu.vector_load %arg8[%get3A_580, %get3A_581] {strides = array<i32>} : memref<256x128xf32, #tpu.memory_space<vmem>>, vector<1x16xf32>,
        %get3A_583 = vector.shape_cast %get3A_582 : vector<1x16xf32> to vector<16xf32>
        %mul3A_584 = arith.constant 2 : i32
        %mul3A_585 = arith.muli %mul3A_584, %add3A_553 : i32
        %add3A_586 = arith.constant 0 : i32
        %add3A_587 = arith.addi %mul3A_585, %add3A_586 : i32
        %get3A_588 = arith.index_cast %add3A_587 : i32 to index
        %get3A_589 = arith.constant 80 : index
        %get3A_590 = tpu.vector_load %arg9[%get3A_588, %get3A_589] {strides = array<i32>} : memref<256x128xf32, #tpu.memory_space<vmem>>, vector<1x16xf32>,
        %get3A_591 = vector.shape_cast %get3A_590 : vector<1x16xf32> to vector<16xf32>
        %add3A_592 = arith.addf %get3A_583, %get3A_591 : vector<16xf32>
        %swap3A_593 = arith.index_cast %add3A_553 : i32 to index
        %swap3A_594 = arith.constant 16 : index
        %swap3A_595 = tpu.vector_load %arg8[%swap3A_593, %swap3A_594] {strides = array<i32>} : memref<256x128xf32, #tpu.memory_space<vmem>>, vector<1x16xf32>,
        %swap3A_596 = vector.shape_cast %swap3A_595 : vector<1x16xf32> to vector<16xf32>
        %swap3A_597 = vector.shape_cast %add3A_592 : vector<16xf32> to vector<1x16xf32>
        tpu.vector_store %arg8[%swap3A_593, %swap3A_594], %swap3A_597 {strides = array<i32>} : memref<256x128xf32, #tpu.memory_space<vmem>>, vector<1x16xf32>,
        %mul3A_598 = arith.constant 2 : i32
        %mul3A_599 = arith.muli %mul3A_598, %add3A_553 : i32
        %add3A_600 = arith.constant 0 : i32
        %add3A_601 = arith.addi %mul3A_599, %add3A_600 : i32
        %get3A_602 = arith.index_cast %add3A_601 : i32 to index
        %get3A_603 = arith.constant 32 : index
        %get3A_604 = tpu.vector_load %arg8[%get3A_602, %get3A_603] {strides = array<i32>} : memref<256x128xf32, #tpu.memory_space<vmem>>, vector<1x16xf32>,
        %get3A_605 = vector.shape_cast %get3A_604 : vector<1x16xf32> to vector<16xf32>
        %mul3A_606 = arith.constant 2 : i32
        %mul3A_607 = arith.muli %mul3A_606, %add3A_553 : i32
        %add3A_608 = arith.constant 0 : i32
        %add3A_609 = arith.addi %mul3A_607, %add3A_608 : i32
        %get3A_610 = arith.index_cast %add3A_609 : i32 to index
        %get3A_611 = arith.constant 96 : index
        %get3A_612 = tpu.vector_load %arg9[%get3A_610, %get3A_611] {strides = array<i32>} : memref<256x128xf32, #tpu.memory_space<vmem>>, vector<1x16xf32>,
        %get3A_613 = vector.shape_cast %get3A_612 : vector<1x16xf32> to vector<16xf32>
        %add3A_614 = arith.addf %get3A_605, %get3A_613 : vector<16xf32>
        %swap3A_615 = arith.index_cast %add3A_553 : i32 to index
        %swap3A_616 = arith.constant 32 : index
        %swap3A_617 = tpu.vector_load %arg8[%swap3A_615, %swap3A_616] {strides = array<i32>} : memref<256x128xf32, #tpu.memory_space<vmem>>, vector<1x16xf32>,
        %swap3A_618 = vector.shape_cast %swap3A_617 : vector<1x16xf32> to vector<16xf32>
        %swap3A_619 = vector.shape_cast %add3A_614 : vector<16xf32> to vector<1x16xf32>
        tpu.vector_store %arg8[%swap3A_615, %swap3A_616], %swap3A_619 {strides = array<i32>} : memref<256x128xf32, #tpu.memory_space<vmem>>, vector<1x16xf32>,
        %mul3A_620 = arith.constant 2 : i32
        %mul3A_621 = arith.muli %mul3A_620, %add3A_553 : i32
        %add3A_622 = arith.constant 0 : i32
        %add3A_623 = arith.addi %mul3A_621, %add3A_622 : i32
        %get3A_624 = arith.index_cast %add3A_623 : i32 to index
        %get3A_625 = arith.constant 48 : index
        %get3A_626 = tpu.vector_load %arg8[%get3A_624, %get3A_625] {strides = array<i32>} : memref<256x128xf32, #tpu.memory_space<vmem>>, vector<1x16xf32>,
        %get3A_627 = vector.shape_cast %get3A_626 : vector<1x16xf32> to vector<16xf32>
        %mul3A_628 = arith.constant 2 : i32
        %mul3A_629 = arith.muli %mul3A_628, %add3A_553 : i32
        %add3A_630 = arith.constant 0 : i32
        %add3A_631 = arith.addi %mul3A_629, %add3A_630 : i32
        %get3A_632 = arith.index_cast %add3A_631 : i32 to index
        %get3A_633 = arith.constant 112 : index
        %get3A_634 = tpu.vector_load %arg9[%get3A_632, %get3A_633] {strides = array<i32>} : memref<256x128xf32, #tpu.memory_space<vmem>>, vector<1x16xf32>,
        %get3A_635 = vector.shape_cast %get3A_634 : vector<1x16xf32> to vector<16xf32>
        %add3A_636 = arith.addf %get3A_627, %get3A_635 : vector<16xf32>
        %swap3A_637 = arith.index_cast %add3A_553 : i32 to index
        %swap3A_638 = arith.constant 48 : index
        %swap3A_639 = tpu.vector_load %arg8[%swap3A_637, %swap3A_638] {strides = array<i32>} : memref<256x128xf32, #tpu.memory_space<vmem>>, vector<1x16xf32>,
        %swap3A_640 = vector.shape_cast %swap3A_639 : vector<1x16xf32> to vector<16xf32>
        %swap3A_641 = vector.shape_cast %add3A_636 : vector<16xf32> to vector<1x16xf32>
        tpu.vector_store %arg8[%swap3A_637, %swap3A_638], %swap3A_641 {strides = array<i32>} : memref<256x128xf32, #tpu.memory_space<vmem>>, vector<1x16xf32>,
        %mul3A_642 = arith.constant 2 : i32
        %mul3A_643 = arith.muli %mul3A_642, %add3A_553 : i32
        %add3A_644 = arith.constant 1 : i32
        %add3A_645 = arith.addi %mul3A_643, %add3A_644 : i32
        %get3A_646 = arith.index_cast %add3A_645 : i32 to index
        %get3A_647 = arith.constant 0 : index
        %get3A_648 = tpu.vector_load %arg8[%get3A_646, %get3A_647] {strides = array<i32>} : memref<256x128xf32, #tpu.memory_space<vmem>>, vector<1x16xf32>,
        %get3A_649 = vector.shape_cast %get3A_648 : vector<1x16xf32> to vector<16xf32>
        %mul3A_650 = arith.constant 2 : i32
        %mul3A_651 = arith.muli %mul3A_650, %add3A_553 : i32
        %add3A_652 = arith.constant 1 : i32
        %add3A_653 = arith.addi %mul3A_651, %add3A_652 : i32
        %get3A_654 = arith.index_cast %add3A_653 : i32 to index
        %get3A_655 = arith.constant 64 : index
        %get3A_656 = tpu.vector_load %arg9[%get3A_654, %get3A_655] {strides = array<i32>} : memref<256x128xf32, #tpu.memory_space<vmem>>, vector<1x16xf32>,
        %get3A_657 = vector.shape_cast %get3A_656 : vector<1x16xf32> to vector<16xf32>
        %add3A_658 = arith.addf %get3A_649, %get3A_657 : vector<16xf32>
        %swap3A_659 = arith.index_cast %add3A_553 : i32 to index
        %swap3A_660 = arith.constant 64 : index
        %swap3A_661 = tpu.vector_load %arg8[%swap3A_659, %swap3A_660] {strides = array<i32>} : memref<256x128xf32, #tpu.memory_space<vmem>>, vector<1x16xf32>,
        %swap3A_662 = vector.shape_cast %swap3A_661 : vector<1x16xf32> to vector<16xf32>
        %swap3A_663 = vector.shape_cast %add3A_658 : vector<16xf32> to vector<1x16xf32>
        tpu.vector_store %arg8[%swap3A_659, %swap3A_660], %swap3A_663 {strides = array<i32>} : memref<256x128xf32, #tpu.memory_space<vmem>>, vector<1x16xf32>,
        %mul3A_664 = arith.constant 2 : i32
        %mul3A_665 = arith.muli %mul3A_664, %add3A_553 : i32
        %add3A_666 = arith.constant 1 : i32
        %add3A_667 = arith.addi %mul3A_665, %add3A_666 : i32
        %get3A_668 = arith.index_cast %add3A_667 : i32 to index
        %get3A_669 = arith.constant 16 : index
        %get3A_670 = tpu.vector_load %arg8[%get3A_668, %get3A_669] {strides = array<i32>} : memref<256x128xf32, #tpu.memory_space<vmem>>, vector<1x16xf32>,
        %get3A_671 = vector.shape_cast %get3A_670 : vector<1x16xf32> to vector<16xf32>
        %mul3A_672 = arith.constant 2 : i32
        %mul3A_673 = arith.muli %mul3A_672, %add3A_553 : i32
        %add3A_674 = arith.constant 1 : i32
        %add3A_675 = arith.addi %mul3A_673, %add3A_674 : i32
        %get3A_676 = arith.index_cast %add3A_675 : i32 to index
        %get3A_677 = arith.constant 80 : index
        %get3A_678 = tpu.vector_load %arg9[%get3A_676, %get3A_677] {strides = array<i32>} : memref<256x128xf32, #tpu.memory_space<vmem>>, vector<1x16xf32>,
        %get3A_679 = vector.shape_cast %get3A_678 : vector<1x16xf32> to vector<16xf32>
        %add3A_680 = arith.addf %get3A_671, %get3A_679 : vector<16xf32>
        %swap3A_681 = arith.index_cast %add3A_553 : i32 to index
        %swap3A_682 = arith.constant 80 : index
        %swap3A_683 = tpu.vector_load %arg8[%swap3A_681, %swap3A_682] {strides = array<i32>} : memref<256x128xf32, #tpu.memory_space<vmem>>, vector<1x16xf32>,
        %swap3A_684 = vector.shape_cast %swap3A_683 : vector<1x16xf32> to vector<16xf32>
        %swap3A_685 = vector.shape_cast %add3A_680 : vector<16xf32> to vector<1x16xf32>
        tpu.vector_store %arg8[%swap3A_681, %swap3A_682], %swap3A_685 {strides = array<i32>} : memref<256x128xf32, #tpu.memory_space<vmem>>, vector<1x16xf32>,
        %mul3A_686 = arith.constant 2 : i32
        %mul3A_687 = arith.muli %mul3A_686, %add3A_553 : i32
        %add3A_688 = arith.constant 1 : i32
        %add3A_689 = arith.addi %mul3A_687, %add3A_688 : i32
        %get3A_690 = arith.index_cast %add3A_689 : i32 to index
        %get3A_691 = arith.constant 32 : index
        %get3A_692 = tpu.vector_load %arg8[%get3A_690, %get3A_691] {strides = array<i32>} : memref<256x128xf32, #tpu.memory_space<vmem>>, vector<1x16xf32>,
        %get3A_693 = vector.shape_cast %get3A_692 : vector<1x16xf32> to vector<16xf32>
        %mul3A_694 = arith.constant 2 : i32
        %mul3A_695 = arith.muli %mul3A_694, %add3A_553 : i32
        %add3A_696 = arith.constant 1 : i32
        %add3A_697 = arith.addi %mul3A_695, %add3A_696 : i32
        %get3A_698 = arith.index_cast %add3A_697 : i32 to index
        %get3A_699 = arith.constant 96 : index
        %get3A_700 = tpu.vector_load %arg9[%get3A_698, %get3A_699] {strides = array<i32>} : memref<256x128xf32, #tpu.memory_space<vmem>>, vector<1x16xf32>,
        %get3A_701 = vector.shape_cast %get3A_700 : vector<1x16xf32> to vector<16xf32>
        %add3A_702 = arith.addf %get3A_693, %get3A_701 : vector<16xf32>
        %swap3A_703 = arith.index_cast %add3A_553 : i32 to index
        %swap3A_704 = arith.constant 96 : index
        %swap3A_705 = tpu.vector_load %arg8[%swap3A_703, %swap3A_704] {strides = array<i32>} : memref<256x128xf32, #tpu.memory_space<vmem>>, vector<1x16xf32>,
        %swap3A_706 = vector.shape_cast %swap3A_705 : vector<1x16xf32> to vector<16xf32>
        %swap3A_707 = vector.shape_cast %add3A_702 : vector<16xf32> to vector<1x16xf32>
        tpu.vector_store %arg8[%swap3A_703, %swap3A_704], %swap3A_707 {strides = array<i32>} : memref<256x128xf32, #tpu.memory_space<vmem>>, vector<1x16xf32>,
        %mul3A_708 = arith.constant 2 : i32
        %mul3A_709 = arith.muli %mul3A_708, %add3A_553 : i32
        %add3A_710 = arith.constant 1 : i32
        %add3A_711 = arith.addi %mul3A_709, %add3A_710 : i32
        %get3A_712 = arith.index_cast %add3A_711 : i32 to index
        %get3A_713 = arith.constant 48 : index
        %get3A_714 = tpu.vector_load %arg8[%get3A_712, %get3A_713] {strides = array<i32>} : memref<256x128xf32, #tpu.memory_space<vmem>>, vector<1x16xf32>,
        %get3A_715 = vector.shape_cast %get3A_714 : vector<1x16xf32> to vector<16xf32>
        %mul3A_716 = arith.constant 2 : i32
        %mul3A_717 = arith.muli %mul3A_716, %add3A_553 : i32
        %add3A_718 = arith.constant 1 : i32
        %add3A_719 = arith.addi %mul3A_717, %add3A_718 : i32
        %get3A_720 = arith.index_cast %add3A_719 : i32 to index
        %get3A_721 = arith.constant 112 : index
        %get3A_722 = tpu.vector_load %arg9[%get3A_720, %get3A_721] {strides = array<i32>} : memref<256x128xf32, #tpu.memory_space<vmem>>, vector<1x16xf32>,
        %get3A_723 = vector.shape_cast %get3A_722 : vector<1x16xf32> to vector<16xf32>
        %add3A_724 = arith.addf %get3A_715, %get3A_723 : vector<16xf32>
        %swap3A_725 = arith.index_cast %add3A_553 : i32 to index
        %swap3A_726 = arith.constant 112 : index
        %swap3A_727 = tpu.vector_load %arg8[%swap3A_725, %swap3A_726] {strides = array<i32>} : memref<256x128xf32, #tpu.memory_space<vmem>>, vector<1x16xf32>,
        %swap3A_728 = vector.shape_cast %swap3A_727 : vector<1x16xf32> to vector<16xf32>
        %swap3A_729 = vector.shape_cast %add3A_724 : vector<16xf32> to vector<1x16xf32>
        tpu.vector_store %arg8[%swap3A_725, %swap3A_726], %swap3A_729 {strides = array<i32>} : memref<256x128xf32, #tpu.memory_space<vmem>>, vector<1x16xf32>,
        %scan3A_730 = arith.constant 2 : i32
        %scan3A_731 = arith.addi %scan3A_369, %scan3A_730 : i32
        %mul3A_732 = arith.constant 1 : i32
        %mul3A_733 = arith.muli %scan3A_731, %mul3A_732 : i32
        %add3A_734 = arith.constant 0 : i32
        %add3A_735 = arith.addi %add3A_734, %mul3A_733 : i32
        %mul3A_736 = arith.constant 2 : i32
        %mul3A_737 = arith.muli %mul3A_736, %add3A_735 : i32
        %add3A_738 = arith.constant 0 : i32
        %add3A_739 = arith.addi %mul3A_737, %add3A_738 : i32
        %get3A_740 = arith.index_cast %add3A_739 : i32 to index
        %get3A_741 = arith.constant 0 : index
        %get3A_742 = tpu.vector_load %arg8[%get3A_740, %get3A_741] {strides = array<i32>} : memref<256x128xf32, #tpu.memory_space<vmem>>, vector<1x16xf32>,
        %get3A_743 = vector.shape_cast %get3A_742 : vector<1x16xf32> to vector<16xf32>
        %mul3A_744 = arith.constant 2 : i32
        %mul3A_745 = arith.muli %mul3A_744, %add3A_735 : i32
        %add3A_746 = arith.constant 0 : i32
        %add3A_747 = arith.addi %mul3A_745, %add3A_746 : i32
        %get3A_748 = arith.index_cast %add3A_747 : i32 to index
        %get3A_749 = arith.constant 64 : index
        %get3A_750 = tpu.vector_load %arg9[%get3A_748, %get3A_749] {strides = array<i32>} : memref<256x128xf32, #tpu.memory_space<vmem>>, vector<1x16xf32>,
        %get3A_751 = vector.shape_cast %get3A_750 : vector<1x16xf32> to vector<16xf32>
        %add3A_752 = arith.addf %get3A_743, %get3A_751 : vector<16xf32>
        %swap3A_753 = arith.index_cast %add3A_735 : i32 to index
        %swap3A_754 = arith.constant 0 : index
        %swap3A_755 = tpu.vector_load %arg8[%swap3A_753, %swap3A_754] {strides = array<i32>} : memref<256x128xf32, #tpu.memory_space<vmem>>, vector<1x16xf32>,
        %swap3A_756 = vector.shape_cast %swap3A_755 : vector<1x16xf32> to vector<16xf32>
        %swap3A_757 = vector.shape_cast %add3A_752 : vector<16xf32> to vector<1x16xf32>
        tpu.vector_store %arg8[%swap3A_753, %swap3A_754], %swap3A_757 {strides = array<i32>} : memref<256x128xf32, #tpu.memory_space<vmem>>, vector<1x16xf32>,
        %mul3A_758 = arith.constant 2 : i32
        %mul3A_759 = arith.muli %mul3A_758, %add3A_735 : i32
        %add3A_760 = arith.constant 0 : i32
        %add3A_761 = arith.addi %mul3A_759, %add3A_760 : i32
        %get3A_762 = arith.index_cast %add3A_761 : i32 to index
        %get3A_763 = arith.constant 16 : index
        %get3A_764 = tpu.vector_load %arg8[%get3A_762, %get3A_763] {strides = array<i32>} : memref<256x128xf32, #tpu.memory_space<vmem>>, vector<1x16xf32>,
        %get3A_765 = vector.shape_cast %get3A_764 : vector<1x16xf32> to vector<16xf32>
        %mul3A_766 = arith.constant 2 : i32
        %mul3A_767 = arith.muli %mul3A_766, %add3A_735 : i32
        %add3A_768 = arith.constant 0 : i32
        %add3A_769 = arith.addi %mul3A_767, %add3A_768 : i32
        %get3A_770 = arith.index_cast %add3A_769 : i32 to index
        %get3A_771 = arith.constant 80 : index
        %get3A_772 = tpu.vector_load %arg9[%get3A_770, %get3A_771] {strides = array<i32>} : memref<256x128xf32, #tpu.memory_space<vmem>>, vector<1x16xf32>,
        %get3A_773 = vector.shape_cast %get3A_772 : vector<1x16xf32> to vector<16xf32>
        %add3A_774 = arith.addf %get3A_765, %get3A_773 : vector<16xf32>
        %swap3A_775 = arith.index_cast %add3A_735 : i32 to index
        %swap3A_776 = arith.constant 16 : index
        %swap3A_777 = tpu.vector_load %arg8[%swap3A_775, %swap3A_776] {strides = array<i32>} : memref<256x128xf32, #tpu.memory_space<vmem>>, vector<1x16xf32>,
        %swap3A_778 = vector.shape_cast %swap3A_777 : vector<1x16xf32> to vector<16xf32>
        %swap3A_779 = vector.shape_cast %add3A_774 : vector<16xf32> to vector<1x16xf32>
        tpu.vector_store %arg8[%swap3A_775, %swap3A_776], %swap3A_779 {strides = array<i32>} : memref<256x128xf32, #tpu.memory_space<vmem>>, vector<1x16xf32>,
        %mul3A_780 = arith.constant 2 : i32
        %mul3A_781 = arith.muli %mul3A_780, %add3A_735 : i32
        %add3A_782 = arith.constant 0 : i32
        %add3A_783 = arith.addi %mul3A_781, %add3A_782 : i32
        %get3A_784 = arith.index_cast %add3A_783 : i32 to index
        %get3A_785 = arith.constant 32 : index
        %get3A_786 = tpu.vector_load %arg8[%get3A_784, %get3A_785] {strides = array<i32>} : memref<256x128xf32, #tpu.memory_space<vmem>>, vector<1x16xf32>,
        %get3A_787 = vector.shape_cast %get3A_786 : vector<1x16xf32> to vector<16xf32>
        %mul3A_788 = arith.constant 2 : i32
        %mul3A_789 = arith.muli %mul3A_788, %add3A_735 : i32
        %add3A_790 = arith.constant 0 : i32
        %add3A_791 = arith.addi %mul3A_789, %add3A_790 : i32
        %get3A_792 = arith.index_cast %add3A_791 : i32 to index
        %get3A_793 = arith.constant 96 : index
        %get3A_794 = tpu.vector_load %arg9[%get3A_792, %get3A_793] {strides = array<i32>} : memref<256x128xf32, #tpu.memory_space<vmem>>, vector<1x16xf32>,
        %get3A_795 = vector.shape_cast %get3A_794 : vector<1x16xf32> to vector<16xf32>
        %add3A_796 = arith.addf %get3A_787, %get3A_795 : vector<16xf32>
        %swap3A_797 = arith.index_cast %add3A_735 : i32 to index
        %swap3A_798 = arith.constant 32 : index
        %swap3A_799 = tpu.vector_load %arg8[%swap3A_797, %swap3A_798] {strides = array<i32>} : memref<256x128xf32, #tpu.memory_space<vmem>>, vector<1x16xf32>,
        %swap3A_800 = vector.shape_cast %swap3A_799 : vector<1x16xf32> to vector<16xf32>
        %swap3A_801 = vector.shape_cast %add3A_796 : vector<16xf32> to vector<1x16xf32>
        tpu.vector_store %arg8[%swap3A_797, %swap3A_798], %swap3A_801 {strides = array<i32>} : memref<256x128xf32, #tpu.memory_space<vmem>>, vector<1x16xf32>,
        %mul3A_802 = arith.constant 2 : i32
        %mul3A_803 = arith.muli %mul3A_802, %add3A_735 : i32
        %add3A_804 = arith.constant 0 : i32
        %add3A_805 = arith.addi %mul3A_803, %add3A_804 : i32
        %get3A_806 = arith.index_cast %add3A_805 : i32 to index
        %get3A_807 = arith.constant 48 : index
        %get3A_808 = tpu.vector_load %arg8[%get3A_806, %get3A_807] {strides = array<i32>} : memref<256x128xf32, #tpu.memory_space<vmem>>, vector<1x16xf32>,
        %get3A_809 = vector.shape_cast %get3A_808 : vector<1x16xf32> to vector<16xf32>
        %mul3A_810 = arith.constant 2 : i32
        %mul3A_811 = arith.muli %mul3A_810, %add3A_735 : i32
        %add3A_812 = arith.constant 0 : i32
        %add3A_813 = arith.addi %mul3A_811, %add3A_812 : i32
        %get3A_814 = arith.index_cast %add3A_813 : i32 to index
        %get3A_815 = arith.constant 112 : index
        %get3A_816 = tpu.vector_load %arg9[%get3A_814, %get3A_815] {strides = array<i32>} : memref<256x128xf32, #tpu.memory_space<vmem>>, vector<1x16xf32>,
        %get3A_817 = vector.shape_cast %get3A_816 : vector<1x16xf32> to vector<16xf32>
        %add3A_818 = arith.addf %get3A_809, %get3A_817 : vector<16xf32>
        %swap3A_819 = arith.index_cast %add3A_735 : i32 to index
        %swap3A_820 = arith.constant 48 : index
        %swap3A_821 = tpu.vector_load %arg8[%swap3A_819, %swap3A_820] {strides = array<i32>} : memref<256x128xf32, #tpu.memory_space<vmem>>, vector<1x16xf32>,
        %swap3A_822 = vector.shape_cast %swap3A_821 : vector<1x16xf32> to vector<16xf32>
        %swap3A_823 = vector.shape_cast %add3A_818 : vector<16xf32> to vector<1x16xf32>
        tpu.vector_store %arg8[%swap3A_819, %swap3A_820], %swap3A_823 {strides = array<i32>} : memref<256x128xf32, #tpu.memory_space<vmem>>, vector<1x16xf32>,
        %mul3A_824 = arith.constant 2 : i32
        %mul3A_825 = arith.muli %mul3A_824, %add3A_735 : i32
        %add3A_826 = arith.constant 1 : i32
        %add3A_827 = arith.addi %mul3A_825, %add3A_826 : i32
        %get3A_828 = arith.index_cast %add3A_827 : i32 to index
        %get3A_829 = arith.constant 0 : index
        %get3A_830 = tpu.vector_load %arg8[%get3A_828, %get3A_829] {strides = array<i32>} : memref<256x128xf32, #tpu.memory_space<vmem>>, vector<1x16xf32>,
        %get3A_831 = vector.shape_cast %get3A_830 : vector<1x16xf32> to vector<16xf32>
        %mul3A_832 = arith.constant 2 : i32
        %mul3A_833 = arith.muli %mul3A_832, %add3A_735 : i32
        %add3A_834 = arith.constant 1 : i32
        %add3A_835 = arith.addi %mul3A_833, %add3A_834 : i32
        %get3A_836 = arith.index_cast %add3A_835 : i32 to index
        %get3A_837 = arith.constant 64 : index
        %get3A_838 = tpu.vector_load %arg9[%get3A_836, %get3A_837] {strides = array<i32>} : memref<256x128xf32, #tpu.memory_space<vmem>>, vector<1x16xf32>,
        %get3A_839 = vector.shape_cast %get3A_838 : vector<1x16xf32> to vector<16xf32>
        %add3A_840 = arith.addf %get3A_831, %get3A_839 : vector<16xf32>
        %swap3A_841 = arith.index_cast %add3A_735 : i32 to index
        %swap3A_842 = arith.constant 64 : index
        %swap3A_843 = tpu.vector_load %arg8[%swap3A_841, %swap3A_842] {strides = array<i32>} : memref<256x128xf32, #tpu.memory_space<vmem>>, vector<1x16xf32>,
        %swap3A_844 = vector.shape_cast %swap3A_843 : vector<1x16xf32> to vector<16xf32>
        %swap3A_845 = vector.shape_cast %add3A_840 : vector<16xf32> to vector<1x16xf32>
        tpu.vector_store %arg8[%swap3A_841, %swap3A_842], %swap3A_845 {strides = array<i32>} : memref<256x128xf32, #tpu.memory_space<vmem>>, vector<1x16xf32>,
        %mul3A_846 = arith.constant 2 : i32
        %mul3A_847 = arith.muli %mul3A_846, %add3A_735 : i32
        %add3A_848 = arith.constant 1 : i32
        %add3A_849 = arith.addi %mul3A_847, %add3A_848 : i32
        %get3A_850 = arith.index_cast %add3A_849 : i32 to index
        %get3A_851 = arith.constant 16 : index
        %get3A_852 = tpu.vector_load %arg8[%get3A_850, %get3A_851] {strides = array<i32>} : memref<256x128xf32, #tpu.memory_space<vmem>>, vector<1x16xf32>,
        %get3A_853 = vector.shape_cast %get3A_852 : vector<1x16xf32> to vector<16xf32>
        %mul3A_854 = arith.constant 2 : i32
        %mul3A_855 = arith.muli %mul3A_854, %add3A_735 : i32
        %add3A_856 = arith.constant 1 : i32
        %add3A_857 = arith.addi %mul3A_855, %add3A_856 : i32
        %get3A_858 = arith.index_cast %add3A_857 : i32 to index
        %get3A_859 = arith.constant 80 : index
        %get3A_860 = tpu.vector_load %arg9[%get3A_858, %get3A_859] {strides = array<i32>} : memref<256x128xf32, #tpu.memory_space<vmem>>, vector<1x16xf32>,
        %get3A_861 = vector.shape_cast %get3A_860 : vector<1x16xf32> to vector<16xf32>
        %add3A_862 = arith.addf %get3A_853, %get3A_861 : vector<16xf32>
        %swap3A_863 = arith.index_cast %add3A_735 : i32 to index
        %swap3A_864 = arith.constant 80 : index
        %swap3A_865 = tpu.vector_load %arg8[%swap3A_863, %swap3A_864] {strides = array<i32>} : memref<256x128xf32, #tpu.memory_space<vmem>>, vector<1x16xf32>,
        %swap3A_866 = vector.shape_cast %swap3A_865 : vector<1x16xf32> to vector<16xf32>
        %swap3A_867 = vector.shape_cast %add3A_862 : vector<16xf32> to vector<1x16xf32>
        tpu.vector_store %arg8[%swap3A_863, %swap3A_864], %swap3A_867 {strides = array<i32>} : memref<256x128xf32, #tpu.memory_space<vmem>>, vector<1x16xf32>,
        %mul3A_868 = arith.constant 2 : i32
        %mul3A_869 = arith.muli %mul3A_868, %add3A_735 : i32
        %add3A_870 = arith.constant 1 : i32
        %add3A_871 = arith.addi %mul3A_869, %add3A_870 : i32
        %get3A_872 = arith.index_cast %add3A_871 : i32 to index
        %get3A_873 = arith.constant 32 : index
        %get3A_874 = tpu.vector_load %arg8[%get3A_872, %get3A_873] {strides = array<i32>} : memref<256x128xf32, #tpu.memory_space<vmem>>, vector<1x16xf32>,
        %get3A_875 = vector.shape_cast %get3A_874 : vector<1x16xf32> to vector<16xf32>
        %mul3A_876 = arith.constant 2 : i32
        %mul3A_877 = arith.muli %mul3A_876, %add3A_735 : i32
        %add3A_878 = arith.constant 1 : i32
        %add3A_879 = arith.addi %mul3A_877, %add3A_878 : i32
        %get3A_880 = arith.index_cast %add3A_879 : i32 to index
        %get3A_881 = arith.constant 96 : index
        %get3A_882 = tpu.vector_load %arg9[%get3A_880, %get3A_881] {strides = array<i32>} : memref<256x128xf32, #tpu.memory_space<vmem>>, vector<1x16xf32>,
        %get3A_883 = vector.shape_cast %get3A_882 : vector<1x16xf32> to vector<16xf32>
        %add3A_884 = arith.addf %get3A_875, %get3A_883 : vector<16xf32>
        %swap3A_885 = arith.index_cast %add3A_735 : i32 to index
        %swap3A_886 = arith.constant 96 : index
        %swap3A_887 = tpu.vector_load %arg8[%swap3A_885, %swap3A_886] {strides = array<i32>} : memref<256x128xf32, #tpu.memory_space<vmem>>, vector<1x16xf32>,
        %swap3A_888 = vector.shape_cast %swap3A_887 : vector<1x16xf32> to vector<16xf32>
        %swap3A_889 = vector.shape_cast %add3A_884 : vector<16xf32> to vector<1x16xf32>
        tpu.vector_store %arg8[%swap3A_885, %swap3A_886], %swap3A_889 {strides = array<i32>} : memref<256x128xf32, #tpu.memory_space<vmem>>, vector<1x16xf32>,
        %mul3A_890 = arith.constant 2 : i32
        %mul3A_891 = arith.muli %mul3A_890, %add3A_735 : i32
        %add3A_892 = arith.constant 1 : i32
        %add3A_893 = arith.addi %mul3A_891, %add3A_892 : i32
        %get3A_894 = arith.index_cast %add3A_893 : i32 to index
        %get3A_895 = arith.constant 48 : index
        %get3A_896 = tpu.vector_load %arg8[%get3A_894, %get3A_895] {strides = array<i32>} : memref<256x128xf32, #tpu.memory_space<vmem>>, vector<1x16xf32>,
        %get3A_897 = vector.shape_cast %get3A_896 : vector<1x16xf32> to vector<16xf32>
        %mul3A_898 = arith.constant 2 : i32
        %mul3A_899 = arith.muli %mul3A_898, %add3A_735 : i32
        %add3A_900 = arith.constant 1 : i32
        %add3A_901 = arith.addi %mul3A_899, %add3A_900 : i32
        %get3A_902 = arith.index_cast %add3A_901 : i32 to index
        %get3A_903 = arith.constant 112 : index
        %get3A_904 = tpu.vector_load %arg9[%get3A_902, %get3A_903] {strides = array<i32>} : memref<256x128xf32, #tpu.memory_space<vmem>>, vector<1x16xf32>,
        %get3A_905 = vector.shape_cast %get3A_904 : vector<1x16xf32> to vector<16xf32>
        %add3A_906 = arith.addf %get3A_897, %get3A_905 : vector<16xf32>
        %swap3A_907 = arith.index_cast %add3A_735 : i32 to index
        %swap3A_908 = arith.constant 112 : index
        %swap3A_909 = tpu.vector_load %arg8[%swap3A_907, %swap3A_908] {strides = array<i32>} : memref<256x128xf32, #tpu.memory_space<vmem>>, vector<1x16xf32>,
        %swap3A_910 = vector.shape_cast %swap3A_909 : vector<1x16xf32> to vector<16xf32>
        %swap3A_911 = vector.shape_cast %add3A_906 : vector<16xf32> to vector<1x16xf32>
        tpu.vector_store %arg8[%swap3A_907, %swap3A_908], %swap3A_911 {strides = array<i32>} : memref<256x128xf32, #tpu.memory_space<vmem>>, vector<1x16xf32>,
        %scan3A_912 = arith.constant 3 : i32
        %scan3A_913 = arith.addi %scan3A_369, %scan3A_912 : i32
        %mul3A_914 = arith.constant 1 : i32
        %mul3A_915 = arith.muli %scan3A_913, %mul3A_914 : i32
        %add3A_916 = arith.constant 0 : i32
        %add3A_917 = arith.addi %add3A_916, %mul3A_915 : i32
        %mul3A_918 = arith.constant 2 : i32
        %mul3A_919 = arith.muli %mul3A_918, %add3A_917 : i32
        %add3A_920 = arith.constant 0 : i32
        %add3A_921 = arith.addi %mul3A_919, %add3A_920 : i32
        %get3A_922 = arith.index_cast %add3A_921 : i32 to index
        %get3A_923 = arith.constant 0 : index
        %get3A_924 = tpu.vector_load %arg8[%get3A_922, %get3A_923] {strides = array<i32>} : memref<256x128xf32, #tpu.memory_space<vmem>>, vector<1x16xf32>,
        %get3A_925 = vector.shape_cast %get3A_924 : vector<1x16xf32> to vector<16xf32>
        %mul3A_926 = arith.constant 2 : i32
        %mul3A_927 = arith.muli %mul3A_926, %add3A_917 : i32
        %add3A_928 = arith.constant 0 : i32
        %add3A_929 = arith.addi %mul3A_927, %add3A_928 : i32
        %get3A_930 = arith.index_cast %add3A_929 : i32 to index
        %get3A_931 = arith.constant 64 : index
        %get3A_932 = tpu.vector_load %arg9[%get3A_930, %get3A_931] {strides = array<i32>} : memref<256x128xf32, #tpu.memory_space<vmem>>, vector<1x16xf32>,
        %get3A_933 = vector.shape_cast %get3A_932 : vector<1x16xf32> to vector<16xf32>
        %add3A_934 = arith.addf %get3A_925, %get3A_933 : vector<16xf32>
        %swap3A_935 = arith.index_cast %add3A_917 : i32 to index
        %swap3A_936 = arith.constant 0 : index
        %swap3A_937 = tpu.vector_load %arg8[%swap3A_935, %swap3A_936] {strides = array<i32>} : memref<256x128xf32, #tpu.memory_space<vmem>>, vector<1x16xf32>,
        %swap3A_938 = vector.shape_cast %swap3A_937 : vector<1x16xf32> to vector<16xf32>
        %swap3A_939 = vector.shape_cast %add3A_934 : vector<16xf32> to vector<1x16xf32>
        tpu.vector_store %arg8[%swap3A_935, %swap3A_936], %swap3A_939 {strides = array<i32>} : memref<256x128xf32, #tpu.memory_space<vmem>>, vector<1x16xf32>,
        %mul3A_940 = arith.constant 2 : i32
        %mul3A_941 = arith.muli %mul3A_940, %add3A_917 : i32
        %add3A_942 = arith.constant 0 : i32
        %add3A_943 = arith.addi %mul3A_941, %add3A_942 : i32
        %get3A_944 = arith.index_cast %add3A_943 : i32 to index
        %get3A_945 = arith.constant 16 : index
        %get3A_946 = tpu.vector_load %arg8[%get3A_944, %get3A_945] {strides = array<i32>} : memref<256x128xf32, #tpu.memory_space<vmem>>, vector<1x16xf32>,
        %get3A_947 = vector.shape_cast %get3A_946 : vector<1x16xf32> to vector<16xf32>
        %mul3A_948 = arith.constant 2 : i32
        %mul3A_949 = arith.muli %mul3A_948, %add3A_917 : i32
        %add3A_950 = arith.constant 0 : i32
        %add3A_951 = arith.addi %mul3A_949, %add3A_950 : i32
        %get3A_952 = arith.index_cast %add3A_951 : i32 to index
        %get3A_953 = arith.constant 80 : index
        %get3A_954 = tpu.vector_load %arg9[%get3A_952, %get3A_953] {strides = array<i32>} : memref<256x128xf32, #tpu.memory_space<vmem>>, vector<1x16xf32>,
        %get3A_955 = vector.shape_cast %get3A_954 : vector<1x16xf32> to vector<16xf32>
        %add3A_956 = arith.addf %get3A_947, %get3A_955 : vector<16xf32>
        %swap3A_957 = arith.index_cast %add3A_917 : i32 to index
        %swap3A_958 = arith.constant 16 : index
        %swap3A_959 = tpu.vector_load %arg8[%swap3A_957, %swap3A_958] {strides = array<i32>} : memref<256x128xf32, #tpu.memory_space<vmem>>, vector<1x16xf32>,
        %swap3A_960 = vector.shape_cast %swap3A_959 : vector<1x16xf32> to vector<16xf32>
        %swap3A_961 = vector.shape_cast %add3A_956 : vector<16xf32> to vector<1x16xf32>
        tpu.vector_store %arg8[%swap3A_957, %swap3A_958], %swap3A_961 {strides = array<i32>} : memref<256x128xf32, #tpu.memory_space<vmem>>, vector<1x16xf32>,
        %mul3A_962 = arith.constant 2 : i32
        %mul3A_963 = arith.muli %mul3A_962, %add3A_917 : i32
        %add3A_964 = arith.constant 0 : i32
        %add3A_965 = arith.addi %mul3A_963, %add3A_964 : i32
        %get3A_966 = arith.index_cast %add3A_965 : i32 to index
        %get3A_967 = arith.constant 32 : index
        %get3A_968 = tpu.vector_load %arg8[%get3A_966, %get3A_967] {strides = array<i32>} : memref<256x128xf32, #tpu.memory_space<vmem>>, vector<1x16xf32>,
        %get3A_969 = vector.shape_cast %get3A_968 : vector<1x16xf32> to vector<16xf32>
        %mul3A_970 = arith.constant 2 : i32
        %mul3A_971 = arith.muli %mul3A_970, %add3A_917 : i32
        %add3A_972 = arith.constant 0 : i32
        %add3A_973 = arith.addi %mul3A_971, %add3A_972 : i32
        %get3A_974 = arith.index_cast %add3A_973 : i32 to index
        %get3A_975 = arith.constant 96 : index
        %get3A_976 = tpu.vector_load %arg9[%get3A_974, %get3A_975] {strides = array<i32>} : memref<256x128xf32, #tpu.memory_space<vmem>>, vector<1x16xf32>,
        %get3A_977 = vector.shape_cast %get3A_976 : vector<1x16xf32> to vector<16xf32>
        %add3A_978 = arith.addf %get3A_969, %get3A_977 : vector<16xf32>
        %swap3A_979 = arith.index_cast %add3A_917 : i32 to index
        %swap3A_980 = arith.constant 32 : index
        %swap3A_981 = tpu.vector_load %arg8[%swap3A_979, %swap3A_980] {strides = array<i32>} : memref<256x128xf32, #tpu.memory_space<vmem>>, vector<1x16xf32>,
        %swap3A_982 = vector.shape_cast %swap3A_981 : vector<1x16xf32> to vector<16xf32>
        %swap3A_983 = vector.shape_cast %add3A_978 : vector<16xf32> to vector<1x16xf32>
        tpu.vector_store %arg8[%swap3A_979, %swap3A_980], %swap3A_983 {strides = array<i32>} : memref<256x128xf32, #tpu.memory_space<vmem>>, vector<1x16xf32>,
        %mul3A_984 = arith.constant 2 : i32
        %mul3A_985 = arith.muli %mul3A_984, %add3A_917 : i32
        %add3A_986 = arith.constant 0 : i32
        %add3A_987 = arith.addi %mul3A_985, %add3A_986 : i32
        %get3A_988 = arith.index_cast %add3A_987 : i32 to index
        %get3A_989 = arith.constant 48 : index
        %get3A_990 = tpu.vector_load %arg8[%get3A_988, %get3A_989] {strides = array<i32>} : memref<256x128xf32, #tpu.memory_space<vmem>>, vector<1x16xf32>,
        %get3A_991 = vector.shape_cast %get3A_990 : vector<1x16xf32> to vector<16xf32>
        %mul3A_992 = arith.constant 2 : i32
        %mul3A_993 = arith.muli %mul3A_992, %add3A_917 : i32
        %add3A_994 = arith.constant 0 : i32
        %add3A_995 = arith.addi %mul3A_993, %add3A_994 : i32
        %get3A_996 = arith.index_cast %add3A_995 : i32 to index
        %get3A_997 = arith.constant 112 : index
        %get3A_998 = tpu.vector_load %arg9[%get3A_996, %get3A_997] {strides = array<i32>} : memref<256x128xf32, #tpu.memory_space<vmem>>, vector<1x16xf32>,
        %get3A_999 = vector.shape_cast %get3A_998 : vector<1x16xf32> to vector<16xf32>
        %add3A_1000 = arith.addf %get3A_991, %get3A_999 : vector<16xf32>
        %swap3A_1001 = arith.index_cast %add3A_917 : i32 to index
        %swap3A_1002 = arith.constant 48 : index
        %swap3A_1003 = tpu.vector_load %arg8[%swap3A_1001, %swap3A_1002] {strides = array<i32>} : memref<256x128xf32, #tpu.memory_space<vmem>>, vector<1x16xf32>,
        %swap3A_1004 = vector.shape_cast %swap3A_1003 : vector<1x16xf32> to vector<16xf32>
        %swap3A_1005 = vector.shape_cast %add3A_1000 : vector<16xf32> to vector<1x16xf32>
        tpu.vector_store %arg8[%swap3A_1001, %swap3A_1002], %swap3A_1005 {strides = array<i32>} : memref<256x128xf32, #tpu.memory_space<vmem>>, vector<1x16xf32>,
        %mul3A_1006 = arith.constant 2 : i32
        %mul3A_1007 = arith.muli %mul3A_1006, %add3A_917 : i32
        %add3A_1008 = arith.constant 1 : i32
        %add3A_1009 = arith.addi %mul3A_1007, %add3A_1008 : i32
        %get3A_1010 = arith.index_cast %add3A_1009 : i32 to index
        %get3A_1011 = arith.constant 0 : index
        %get3A_1012 = tpu.vector_load %arg8[%get3A_1010, %get3A_1011] {strides = array<i32>} : memref<256x128xf32, #tpu.memory_space<vmem>>, vector<1x16xf32>,
        %get3A_1013 = vector.shape_cast %get3A_1012 : vector<1x16xf32> to vector<16xf32>
        %mul3A_1014 = arith.constant 2 : i32
        %mul3A_1015 = arith.muli %mul3A_1014, %add3A_917 : i32
        %add3A_1016 = arith.constant 1 : i32
        %add3A_1017 = arith.addi %mul3A_1015, %add3A_1016 : i32
        %get3A_1018 = arith.index_cast %add3A_1017 : i32 to index
        %get3A_1019 = arith.constant 64 : index
        %get3A_1020 = tpu.vector_load %arg9[%get3A_1018, %get3A_1019] {strides = array<i32>} : memref<256x128xf32, #tpu.memory_space<vmem>>, vector<1x16xf32>,
        %get3A_1021 = vector.shape_cast %get3A_1020 : vector<1x16xf32> to vector<16xf32>
        %add3A_1022 = arith.addf %get3A_1013, %get3A_1021 : vector<16xf32>
        %swap3A_1023 = arith.index_cast %add3A_917 : i32 to index
        %swap3A_1024 = arith.constant 64 : index
        %swap3A_1025 = tpu.vector_load %arg8[%swap3A_1023, %swap3A_1024] {strides = array<i32>} : memref<256x128xf32, #tpu.memory_space<vmem>>, vector<1x16xf32>,
        %swap3A_1026 = vector.shape_cast %swap3A_1025 : vector<1x16xf32> to vector<16xf32>
        %swap3A_1027 = vector.shape_cast %add3A_1022 : vector<16xf32> to vector<1x16xf32>
        tpu.vector_store %arg8[%swap3A_1023, %swap3A_1024], %swap3A_1027 {strides = array<i32>} : memref<256x128xf32, #tpu.memory_space<vmem>>, vector<1x16xf32>,
        %mul3A_1028 = arith.constant 2 : i32
        %mul3A_1029 = arith.muli %mul3A_1028, %add3A_917 : i32
        %add3A_1030 = arith.constant 1 : i32
        %add3A_1031 = arith.addi %mul3A_1029, %add3A_1030 : i32
        %get3A_1032 = arith.index_cast %add3A_1031 : i32 to index
        %get3A_1033 = arith.constant 16 : index
        %get3A_1034 = tpu.vector_load %arg8[%get3A_1032, %get3A_1033] {strides = array<i32>} : memref<256x128xf32, #tpu.memory_space<vmem>>, vector<1x16xf32>,
        %get3A_1035 = vector.shape_cast %get3A_1034 : vector<1x16xf32> to vector<16xf32>
        %mul3A_1036 = arith.constant 2 : i32
        %mul3A_1037 = arith.muli %mul3A_1036, %add3A_917 : i32
        %add3A_1038 = arith.constant 1 : i32
        %add3A_1039 = arith.addi %mul3A_1037, %add3A_1038 : i32
        %get3A_1040 = arith.index_cast %add3A_1039 : i32 to index
        %get3A_1041 = arith.constant 80 : index
        %get3A_1042 = tpu.vector_load %arg9[%get3A_1040, %get3A_1041] {strides = array<i32>} : memref<256x128xf32, #tpu.memory_space<vmem>>, vector<1x16xf32>,
        %get3A_1043 = vector.shape_cast %get3A_1042 : vector<1x16xf32> to vector<16xf32>
        %add3A_1044 = arith.addf %get3A_1035, %get3A_1043 : vector<16xf32>
        %swap3A_1045 = arith.index_cast %add3A_917 : i32 to index
        %swap3A_1046 = arith.constant 80 : index
        %swap3A_1047 = tpu.vector_load %arg8[%swap3A_1045, %swap3A_1046] {strides = array<i32>} : memref<256x128xf32, #tpu.memory_space<vmem>>, vector<1x16xf32>,
        %swap3A_1048 = vector.shape_cast %swap3A_1047 : vector<1x16xf32> to vector<16xf32>
        %swap3A_1049 = vector.shape_cast %add3A_1044 : vector<16xf32> to vector<1x16xf32>
        tpu.vector_store %arg8[%swap3A_1045, %swap3A_1046], %swap3A_1049 {strides = array<i32>} : memref<256x128xf32, #tpu.memory_space<vmem>>, vector<1x16xf32>,
        %mul3A_1050 = arith.constant 2 : i32
        %mul3A_1051 = arith.muli %mul3A_1050, %add3A_917 : i32
        %add3A_1052 = arith.constant 1 : i32
        %add3A_1053 = arith.addi %mul3A_1051, %add3A_1052 : i32
        %get3A_1054 = arith.index_cast %add3A_1053 : i32 to index
        %get3A_1055 = arith.constant 32 : index
        %get3A_1056 = tpu.vector_load %arg8[%get3A_1054, %get3A_1055] {strides = array<i32>} : memref<256x128xf32, #tpu.memory_space<vmem>>, vector<1x16xf32>,
        %get3A_1057 = vector.shape_cast %get3A_1056 : vector<1x16xf32> to vector<16xf32>
        %mul3A_1058 = arith.constant 2 : i32
        %mul3A_1059 = arith.muli %mul3A_1058, %add3A_917 : i32
        %add3A_1060 = arith.constant 1 : i32
        %add3A_1061 = arith.addi %mul3A_1059, %add3A_1060 : i32
        %get3A_1062 = arith.index_cast %add3A_1061 : i32 to index
        %get3A_1063 = arith.constant 96 : index
        %get3A_1064 = tpu.vector_load %arg9[%get3A_1062, %get3A_1063] {strides = array<i32>} : memref<256x128xf32, #tpu.memory_space<vmem>>, vector<1x16xf32>,
        %get3A_1065 = vector.shape_cast %get3A_1064 : vector<1x16xf32> to vector<16xf32>
        %add3A_1066 = arith.addf %get3A_1057, %get3A_1065 : vector<16xf32>
        %swap3A_1067 = arith.index_cast %add3A_917 : i32 to index
        %swap3A_1068 = arith.constant 96 : index
        %swap3A_1069 = tpu.vector_load %arg8[%swap3A_1067, %swap3A_1068] {strides = array<i32>} : memref<256x128xf32, #tpu.memory_space<vmem>>, vector<1x16xf32>,
        %swap3A_1070 = vector.shape_cast %swap3A_1069 : vector<1x16xf32> to vector<16xf32>
        %swap3A_1071 = vector.shape_cast %add3A_1066 : vector<16xf32> to vector<1x16xf32>
        tpu.vector_store %arg8[%swap3A_1067, %swap3A_1068], %swap3A_1071 {strides = array<i32>} : memref<256x128xf32, #tpu.memory_space<vmem>>, vector<1x16xf32>,
        %mul3A_1072 = arith.constant 2 : i32
        %mul3A_1073 = arith.muli %mul3A_1072, %add3A_917 : i32
        %add3A_1074 = arith.constant 1 : i32
        %add3A_1075 = arith.addi %mul3A_1073, %add3A_1074 : i32
        %get3A_1076 = arith.index_cast %add3A_1075 : i32 to index
        %get3A_1077 = arith.constant 48 : index
        %get3A_1078 = tpu.vector_load %arg8[%get3A_1076, %get3A_1077] {strides = array<i32>} : memref<256x128xf32, #tpu.memory_space<vmem>>, vector<1x16xf32>,
        %get3A_1079 = vector.shape_cast %get3A_1078 : vector<1x16xf32> to vector<16xf32>
        %mul3A_1080 = arith.constant 2 : i32
        %mul3A_1081 = arith.muli %mul3A_1080, %add3A_917 : i32
        %add3A_1082 = arith.constant 1 : i32
        %add3A_1083 = arith.addi %mul3A_1081, %add3A_1082 : i32
        %get3A_1084 = arith.index_cast %add3A_1083 : i32 to index
        %get3A_1085 = arith.constant 112 : index
        %get3A_1086 = tpu.vector_load %arg9[%get3A_1084, %get3A_1085] {strides = array<i32>} : memref<256x128xf32, #tpu.memory_space<vmem>>, vector<1x16xf32>,
        %get3A_1087 = vector.shape_cast %get3A_1086 : vector<1x16xf32> to vector<16xf32>
        %add3A_1088 = arith.addf %get3A_1079, %get3A_1087 : vector<16xf32>
        %swap3A_1089 = arith.index_cast %add3A_917 : i32 to index
        %swap3A_1090 = arith.constant 112 : index
        %swap3A_1091 = tpu.vector_load %arg8[%swap3A_1089, %swap3A_1090] {strides = array<i32>} : memref<256x128xf32, #tpu.memory_space<vmem>>, vector<1x16xf32>,
        %swap3A_1092 = vector.shape_cast %swap3A_1091 : vector<1x16xf32> to vector<16xf32>
        %swap3A_1093 = vector.shape_cast %add3A_1088 : vector<16xf32> to vector<1x16xf32>
        tpu.vector_store %arg8[%swap3A_1089, %swap3A_1090], %swap3A_1093 {strides = array<i32>} : memref<256x128xf32, #tpu.memory_space<vmem>>, vector<1x16xf32>,
      }
      %scan3A_186 = arith.constant 128 : i32
      %add3A_187 = arith.constant 2 : i32
      %add3A_188 = arith.addi %add3A_14, %add3A_187 : i32
      %mul3A_189 = arith.constant 64 : i32
      %mul3A_190 = arith.muli %add3A_188, %mul3A_189 : i32
      "tpu.region"() ({
        %run_scoped3A = tpu.sem_alloc : memref<!tpu.dma_semaphore, #tpu.memory_space<semaphore_mem>>
        %dma_start3A_369 = arith.constant 0 : i32
        %dma_start3A_370 = arith.constant 0 : i32
        %dma_start3A_371 = tpu.memref_slice %arg8[%dma_start3A_369, %dma_start3A_370] : memref<256x128xf32, #tpu.memory_space<vmem>> -> memref<128x128xf32, #tpu.memory_space<vmem>>
        %dma_start3A_372 = arith.constant 0 : i32
        %dma_start3A_373 = tpu.memref_slice %arg5[%mul3A_190, %dma_start3A_372] : memref<409600x128xf32, #tpu.memory_space<hbm>> -> memref<128x128xf32, #tpu.memory_space<hbm>>
        %dma_start3A_374 = arith.constant 0 : i32
        %dma_start3A_375 = tpu.memref_slice %arg5[%mul3A_190, %dma_start3A_374] : memref<409600x128xf32, #tpu.memory_space<hbm>> -> memref<128x128xf32, #tpu.memory_space<hbm>>
        %dma_start3A_376 = arith.constant 0 : i32
        %dma_start3A_377 = arith.constant 0 : i32
        %dma_start3A_378 = tpu.memref_slice %arg8[%dma_start3A_376, %dma_start3A_377] : memref<256x128xf32, #tpu.memory_space<vmem>> -> memref<128x128xf32, #tpu.memory_space<vmem>>
        tpu.enqueue_dma source(%dma_start3A_378 : memref<128x128xf32, #tpu.memory_space<vmem>>) target(%dma_start3A_375 : memref<128x128xf32, #tpu.memory_space<hbm>>) target_semaphore(%run_scoped3A : memref<!tpu.dma_semaphore, #tpu.memory_space<semaphore_mem>>)
        %dma_wait3A_379 = arith.constant 0 : i32
        %dma_wait3A_380 = arith.constant 0 : i32
        %dma_wait3A_381 = tpu.memref_slice %arg8[%dma_wait3A_379, %dma_wait3A_380] : memref<256x128xf32, #tpu.memory_space<vmem>> -> memref<128x128xf32, #tpu.memory_space<vmem>>
        %dma_wait3A_382 = arith.constant 0 : i32
        %dma_wait3A_383 = tpu.memref_slice %arg5[%mul3A_190, %dma_wait3A_382] : memref<409600x128xf32, #tpu.memory_space<hbm>> -> memref<128x128xf32, #tpu.memory_space<hbm>>
        %dma_wait3A_384 = arith.constant 0 : i32
        %dma_wait3A_385 = tpu.memref_slice %arg5[%mul3A_190, %dma_wait3A_384] : memref<409600x128xf32, #tpu.memory_space<hbm>> -> memref<128x128xf32, #tpu.memory_space<hbm>>
        %dma_wait3A_386 = arith.constant 0 : i32
        %dma_wait3A_387 = arith.constant 0 : i32
        %dma_wait3A_388 = tpu.memref_slice %arg8[%dma_wait3A_386, %dma_wait3A_387] : memref<256x128xf32, #tpu.memory_space<vmem>> -> memref<128x128xf32, #tpu.memory_space<vmem>>
        tpu.wait_dma2 semaphore(%run_scoped3A : memref<!tpu.dma_semaphore, #tpu.memory_space<semaphore_mem>>) src(%dma_wait3A_388 : memref<128x128xf32, #tpu.memory_space<vmem>>) dst(%dma_wait3A_385 : memref<128x128xf32, #tpu.memory_space<hbm>>)
        tpu.yield
      }) : () -> ()
      %dma_start3A_191 = arith.constant 4 : i32
      %dma_start3A_192 = arith.constant 0 : i32
      %dma_start3A_193 = arith.constant 0 : i32
      %dma_start3A_194 = tpu.memref_slice %arg8[%dma_start3A_192, %dma_start3A_193] : memref<256x128xf32, #tpu.memory_space<vmem>> -> memref<128x128xf32, #tpu.memory_space<vmem>>
      %dma_start3A_195 = arith.constant 0 : i32
      %dma_start3A_196 = tpu.memref_slice %arg6[%dma_start3A_191, %dma_start3A_195] : memref<8x128xi32, #tpu.memory_space<vmem>> -> memref<1x128xi32, #tpu.memory_space<vmem>>
      %dma_start3A_197 = tpu.memref_squeeze %dma_start3A_196 : memref<1x128xi32, #tpu.memory_space<vmem>> -> memref<128xi32, #tpu.memory_space<vmem>>
      %dma_start3A_198 = arith.constant 0 : i32
      %dma_start3A_199 = arith.constant 0 : i32
      %dma_start3A_200 = tpu.memref_slice %arg2[%dma_start3A_198, %dma_start3A_199] : memref<50008x128xf32, #tpu.memory_space<hbm>> -> memref<50008x128xf32, #tpu.memory_space<hbm>>
      tpu.enqueue_indirect_dma source(%dma_start3A_200 : memref<50008x128xf32, #tpu.memory_space<hbm>>) target(%dma_start3A_194 : memref<128x128xf32, #tpu.memory_space<vmem>>) offsets(%dma_start3A_197 : memref<128xi32, #tpu.memory_space<vmem>>) semaphore(%arg10 : memref<!tpu.dma_semaphore, #tpu.memory_space<semaphore_mem>>)
      %dma_start3A_201 = arith.constant 4 : i32
      %dma_start3A_202 = arith.constant 0 : i32
      %dma_start3A_203 = arith.constant 0 : i32
      %dma_start3A_204 = tpu.memref_slice %arg9[%dma_start3A_202, %dma_start3A_203] : memref<256x128xf32, #tpu.memory_space<vmem>> -> memref<128x128xf32, #tpu.memory_space<vmem>>
      %dma_start3A_205 = arith.constant 0 : i32
      %dma_start3A_206 = tpu.memref_slice %arg7[%dma_start3A_201, %dma_start3A_205] : memref<8x128xi32, #tpu.memory_space<vmem>> -> memref<1x128xi32, #tpu.memory_space<vmem>>
      %dma_start3A_207 = tpu.memref_squeeze %dma_start3A_206 : memref<1x128xi32, #tpu.memory_space<vmem>> -> memref<128xi32, #tpu.memory_space<vmem>>
      %dma_start3A_208 = arith.constant 0 : i32
      %dma_start3A_209 = arith.constant 0 : i32
      %dma_start3A_210 = tpu.memref_slice %arg2[%dma_start3A_208, %dma_start3A_209] : memref<50008x128xf32, #tpu.memory_space<hbm>> -> memref<50008x128xf32, #tpu.memory_space<hbm>>
      tpu.enqueue_indirect_dma source(%dma_start3A_210 : memref<50008x128xf32, #tpu.memory_space<hbm>>) target(%dma_start3A_204 : memref<128x128xf32, #tpu.memory_space<vmem>>) offsets(%dma_start3A_207 : memref<128xi32, #tpu.memory_space<vmem>>) semaphore(%arg11 : memref<!tpu.dma_semaphore, #tpu.memory_space<semaphore_mem>>)
      %dma_start3A_211 = arith.constant 5 : i32
      %dma_start3A_212 = arith.constant 128 : i32
      %dma_start3A_213 = arith.constant 0 : i32
      %dma_start3A_214 = tpu.memref_slice %arg8[%dma_start3A_212, %dma_start3A_213] : memref<256x128xf32, #tpu.memory_space<vmem>> -> memref<128x128xf32, #tpu.memory_space<vmem>>
      %dma_start3A_215 = arith.constant 0 : i32
      %dma_start3A_216 = tpu.memref_slice %arg6[%dma_start3A_211, %dma_start3A_215] : memref<8x128xi32, #tpu.memory_space<vmem>> -> memref<1x128xi32, #tpu.memory_space<vmem>>
      %dma_start3A_217 = tpu.memref_squeeze %dma_start3A_216 : memref<1x128xi32, #tpu.memory_space<vmem>> -> memref<128xi32, #tpu.memory_space<vmem>>
      %dma_start3A_218 = arith.constant 0 : i32
      %dma_start3A_219 = arith.constant 0 : i32
      %dma_start3A_220 = tpu.memref_slice %arg2[%dma_start3A_218, %dma_start3A_219] : memref<50008x128xf32, #tpu.memory_space<hbm>> -> memref<50008x128xf32, #tpu.memory_space<hbm>>
      tpu.enqueue_indirect_dma source(%dma_start3A_220 : memref<50008x128xf32, #tpu.memory_space<hbm>>) target(%dma_start3A_214 : memref<128x128xf32, #tpu.memory_space<vmem>>) offsets(%dma_start3A_217 : memref<128xi32, #tpu.memory_space<vmem>>) semaphore(%arg10 : memref<!tpu.dma_semaphore, #tpu.memory_space<semaphore_mem>>)
      %dma_start3A_221 = arith.constant 5 : i32
      %dma_start3A_222 = arith.constant 128 : i32
      %dma_start3A_223 = arith.constant 0 : i32
      %dma_start3A_224 = tpu.memref_slice %arg9[%dma_start3A_222, %dma_start3A_223] : memref<256x128xf32, #tpu.memory_space<vmem>> -> memref<128x128xf32, #tpu.memory_space<vmem>>
      %dma_start3A_225 = arith.constant 0 : i32
      %dma_start3A_226 = tpu.memref_slice %arg7[%dma_start3A_221, %dma_start3A_225] : memref<8x128xi32, #tpu.memory_space<vmem>> -> memref<1x128xi32, #tpu.memory_space<vmem>>
      %dma_start3A_227 = tpu.memref_squeeze %dma_start3A_226 : memref<1x128xi32, #tpu.memory_space<vmem>> -> memref<128xi32, #tpu.memory_space<vmem>>
      %dma_start3A_228 = arith.constant 0 : i32
      %dma_start3A_229 = arith.constant 0 : i32
      %dma_start3A_230 = tpu.memref_slice %arg2[%dma_start3A_228, %dma_start3A_229] : memref<50008x128xf32, #tpu.memory_space<hbm>> -> memref<50008x128xf32, #tpu.memory_space<hbm>>
      tpu.enqueue_indirect_dma source(%dma_start3A_230 : memref<50008x128xf32, #tpu.memory_space<hbm>>) target(%dma_start3A_224 : memref<128x128xf32, #tpu.memory_space<vmem>>) offsets(%dma_start3A_227 : memref<128xi32, #tpu.memory_space<vmem>>) semaphore(%arg11 : memref<!tpu.dma_semaphore, #tpu.memory_space<semaphore_mem>>)
      %dma_wait3A_231 = arith.constant 4 : i32
      %dma_wait3A_232 = arith.constant 0 : i32
      %dma_wait3A_233 = arith.constant 0 : i32
      %dma_wait3A_234 = tpu.memref_slice %arg8[%dma_wait3A_232, %dma_wait3A_233] : memref<256x128xf32, #tpu.memory_space<vmem>> -> memref<128x128xf32, #tpu.memory_space<vmem>>
      %dma_wait3A_235 = arith.constant 0 : i32
      %dma_wait3A_236 = tpu.memref_slice %arg6[%dma_wait3A_231, %dma_wait3A_235] : memref<8x128xi32, #tpu.memory_space<vmem>> -> memref<1x128xi32, #tpu.memory_space<vmem>>
      %dma_wait3A_237 = tpu.memref_squeeze %dma_wait3A_236 : memref<1x128xi32, #tpu.memory_space<vmem>> -> memref<128xi32, #tpu.memory_space<vmem>>
      %dma_wait3A_238 = arith.constant 0 : i32
      %dma_wait3A_239 = arith.constant 0 : i32
      %dma_wait3A_240 = tpu.memref_slice %arg2[%dma_wait3A_238, %dma_wait3A_239] : memref<50008x128xf32, #tpu.memory_space<hbm>> -> memref<50008x128xf32, #tpu.memory_space<hbm>>
      tpu.wait_indirect_dma semaphore(%arg10 : memref<!tpu.dma_semaphore, #tpu.memory_space<semaphore_mem>>) src(%dma_wait3A_240 : memref<50008x128xf32, #tpu.memory_space<hbm>>) dst(%dma_wait3A_234 : memref<128x128xf32, #tpu.memory_space<vmem>>)
      %dma_wait3A_241 = arith.constant 4 : i32
      %dma_wait3A_242 = arith.constant 0 : i32
      %dma_wait3A_243 = arith.constant 0 : i32
      %dma_wait3A_244 = tpu.memref_slice %arg9[%dma_wait3A_242, %dma_wait3A_243] : memref<256x128xf32, #tpu.memory_space<vmem>> -> memref<128x128xf32, #tpu.memory_space<vmem>>
      %dma_wait3A_245 = arith.constant 0 : i32
      %dma_wait3A_246 = tpu.memref_slice %arg7[%dma_wait3A_241, %dma_wait3A_245] : memref<8x128xi32, #tpu.memory_space<vmem>> -> memref<1x128xi32, #tpu.memory_space<vmem>>
      %dma_wait3A_247 = tpu.memref_squeeze %dma_wait3A_246 : memref<1x128xi32, #tpu.memory_space<vmem>> -> memref<128xi32, #tpu.memory_space<vmem>>
      %dma_wait3A_248 = arith.constant 0 : i32
      %dma_wait3A_249 = arith.constant 0 : i32
      %dma_wait3A_250 = tpu.memref_slice %arg2[%dma_wait3A_248, %dma_wait3A_249] : memref<50008x128xf32, #tpu.memory_space<hbm>> -> memref<50008x128xf32, #tpu.memory_space<hbm>>
      tpu.wait_indirect_dma semaphore(%arg11 : memref<!tpu.dma_semaphore, #tpu.memory_space<semaphore_mem>>) src(%dma_wait3A_250 : memref<50008x128xf32, #tpu.memory_space<hbm>>) dst(%dma_wait3A_244 : memref<128x128xf32, #tpu.memory_space<vmem>>)
      %dma_wait3A_251 = arith.constant 5 : i32
      %dma_wait3A_252 = arith.constant 128 : i32
      %dma_wait3A_253 = arith.constant 0 : i32
      %dma_wait3A_254 = tpu.memref_slice %arg8[%dma_wait3A_252, %dma_wait3A_253] : memref<256x128xf32, #tpu.memory_space<vmem>> -> memref<128x128xf32, #tpu.memory_space<vmem>>
      %dma_wait3A_255 = arith.constant 0 : i32
      %dma_wait3A_256 = tpu.memref_slice %arg6[%dma_wait3A_251, %dma_wait3A_255] : memref<8x128xi32, #tpu.memory_space<vmem>> -> memref<1x128xi32, #tpu.memory_space<vmem>>
      %dma_wait3A_257 = tpu.memref_squeeze %dma_wait3A_256 : memref<1x128xi32, #tpu.memory_space<vmem>> -> memref<128xi32, #tpu.memory_space<vmem>>
      %dma_wait3A_258 = arith.constant 0 : i32
      %dma_wait3A_259 = arith.constant 0 : i32
      %dma_wait3A_260 = tpu.memref_slice %arg2[%dma_wait3A_258, %dma_wait3A_259] : memref<50008x128xf32, #tpu.memory_space<hbm>> -> memref<50008x128xf32, #tpu.memory_space<hbm>>
      tpu.wait_indirect_dma semaphore(%arg10 : memref<!tpu.dma_semaphore, #tpu.memory_space<semaphore_mem>>) src(%dma_wait3A_260 : memref<50008x128xf32, #tpu.memory_space<hbm>>) dst(%dma_wait3A_254 : memref<128x128xf32, #tpu.memory_space<vmem>>)
      %dma_wait3A_261 = arith.constant 5 : i32
      %dma_wait3A_262 = arith.constant 128 : i32
      %dma_wait3A_263 = arith.constant 0 : i32
      %dma_wait3A_264 = tpu.memref_slice %arg9[%dma_wait3A_262, %dma_wait3A_263] : memref<256x128xf32, #tpu.memory_space<vmem>> -> memref<128x128xf32, #tpu.memory_space<vmem>>
      %dma_wait3A_265 = arith.constant 0 : i32
      %dma_wait3A_266 = tpu.memref_slice %arg7[%dma_wait3A_261, %dma_wait3A_265] : memref<8x128xi32, #tpu.memory_space<vmem>> -> memref<1x128xi32, #tpu.memory_space<vmem>>
      %dma_wait3A_267 = tpu.memref_squeeze %dma_wait3A_266 : memref<1x128xi32, #tpu.memory_space<vmem>> -> memref<128xi32, #tpu.memory_space<vmem>>
      %dma_wait3A_268 = arith.constant 0 : i32
      %dma_wait3A_269 = arith.constant 0 : i32
      %dma_wait3A_270 = tpu.memref_slice %arg2[%dma_wait3A_268, %dma_wait3A_269] : memref<50008x128xf32, #tpu.memory_space<hbm>> -> memref<50008x128xf32, #tpu.memory_space<hbm>>
      tpu.wait_indirect_dma semaphore(%arg11 : memref<!tpu.dma_semaphore, #tpu.memory_space<semaphore_mem>>) src(%dma_wait3A_270 : memref<50008x128xf32, #tpu.memory_space<hbm>>) dst(%dma_wait3A_264 : memref<128x128xf32, #tpu.memory_space<vmem>>)
      %scan3A_271 = arith.constant 0 : i32
      %scan3A_272 = arith.constant 128 : i32
      %scan3A_273 = arith.addi %scan3A_271, %scan3A_272 : i32
      %scan3A_274 = arith.constant 4 : i32
      scf.for %scan3A_369 = %scan3A_271 to %scan3A_273 step %scan3A_274  : i32 {
        %mul3A_370 = arith.constant 1 : i32
        %mul3A_371 = arith.muli %scan3A_369, %mul3A_370 : i32
        %add3A_372 = arith.constant 0 : i32
        %add3A_373 = arith.addi %add3A_372, %mul3A_371 : i32
        %mul3A_374 = arith.constant 2 : i32
        %mul3A_375 = arith.muli %mul3A_374, %add3A_373 : i32
        %add3A_376 = arith.constant 0 : i32
        %add3A_377 = arith.addi %mul3A_375, %add3A_376 : i32
        %get3A = arith.index_cast %add3A_377 : i32 to index
        %get3A_378 = arith.constant 0 : index
        %get3A_379 = tpu.vector_load %arg8[%get3A, %get3A_378] {strides = array<i32>} : memref<256x128xf32, #tpu.memory_space<vmem>>, vector<1x16xf32>,
        %get3A_380 = vector.shape_cast %get3A_379 : vector<1x16xf32> to vector<16xf32>
        %mul3A_381 = arith.constant 2 : i32
        %mul3A_382 = arith.muli %mul3A_381, %add3A_373 : i32
        %add3A_383 = arith.constant 0 : i32
        %add3A_384 = arith.addi %mul3A_382, %add3A_383 : i32
        %get3A_385 = arith.index_cast %add3A_384 : i32 to index
        %get3A_386 = arith.constant 64 : index
        %get3A_387 = tpu.vector_load %arg9[%get3A_385, %get3A_386] {strides = array<i32>} : memref<256x128xf32, #tpu.memory_space<vmem>>, vector<1x16xf32>,
        %get3A_388 = vector.shape_cast %get3A_387 : vector<1x16xf32> to vector<16xf32>
        %add3A_389 = arith.addf %get3A_380, %get3A_388 : vector<16xf32>
        %swap3A = arith.index_cast %add3A_373 : i32 to index
        %swap3A_390 = arith.constant 0 : index
        %swap3A_391 = tpu.vector_load %arg8[%swap3A, %swap3A_390] {strides = array<i32>} : memref<256x128xf32, #tpu.memory_space<vmem>>, vector<1x16xf32>,
        %swap3A_392 = vector.shape_cast %swap3A_391 : vector<1x16xf32> to vector<16xf32>
        %swap3A_393 = vector.shape_cast %add3A_389 : vector<16xf32> to vector<1x16xf32>
        tpu.vector_store %arg8[%swap3A, %swap3A_390], %swap3A_393 {strides = array<i32>} : memref<256x128xf32, #tpu.memory_space<vmem>>, vector<1x16xf32>,
        %mul3A_394 = arith.constant 2 : i32
        %mul3A_395 = arith.muli %mul3A_394, %add3A_373 : i32
        %add3A_396 = arith.constant 0 : i32
        %add3A_397 = arith.addi %mul3A_395, %add3A_396 : i32
        %get3A_398 = arith.index_cast %add3A_397 : i32 to index
        %get3A_399 = arith.constant 16 : index
        %get3A_400 = tpu.vector_load %arg8[%get3A_398, %get3A_399] {strides = array<i32>} : memref<256x128xf32, #tpu.memory_space<vmem>>, vector<1x16xf32>,
        %get3A_401 = vector.shape_cast %get3A_400 : vector<1x16xf32> to vector<16xf32>
        %mul3A_402 = arith.constant 2 : i32
        %mul3A_403 = arith.muli %mul3A_402, %add3A_373 : i32
        %add3A_404 = arith.constant 0 : i32
        %add3A_405 = arith.addi %mul3A_403, %add3A_404 : i32
        %get3A_406 = arith.index_cast %add3A_405 : i32 to index
        %get3A_407 = arith.constant 80 : index
        %get3A_408 = tpu.vector_load %arg9[%get3A_406, %get3A_407] {strides = array<i32>} : memref<256x128xf32, #tpu.memory_space<vmem>>, vector<1x16xf32>,
        %get3A_409 = vector.shape_cast %get3A_408 : vector<1x16xf32> to vector<16xf32>
        %add3A_410 = arith.addf %get3A_401, %get3A_409 : vector<16xf32>
        %swap3A_411 = arith.index_cast %add3A_373 : i32 to index
        %swap3A_412 = arith.constant 16 : index
        %swap3A_413 = tpu.vector_load %arg8[%swap3A_411, %swap3A_412] {strides = array<i32>} : memref<256x128xf32, #tpu.memory_space<vmem>>, vector<1x16xf32>,
        %swap3A_414 = vector.shape_cast %swap3A_413 : vector<1x16xf32> to vector<16xf32>
        %swap3A_415 = vector.shape_cast %add3A_410 : vector<16xf32> to vector<1x16xf32>
        tpu.vector_store %arg8[%swap3A_411, %swap3A_412], %swap3A_415 {strides = array<i32>} : memref<256x128xf32, #tpu.memory_space<vmem>>, vector<1x16xf32>,
        %mul3A_416 = arith.constant 2 : i32
        %mul3A_417 = arith.muli %mul3A_416, %add3A_373 : i32
        %add3A_418 = arith.constant 0 : i32
        %add3A_419 = arith.addi %mul3A_417, %add3A_418 : i32
        %get3A_420 = arith.index_cast %add3A_419 : i32 to index
        %get3A_421 = arith.constant 32 : index
        %get3A_422 = tpu.vector_load %arg8[%get3A_420, %get3A_421] {strides = array<i32>} : memref<256x128xf32, #tpu.memory_space<vmem>>, vector<1x16xf32>,
        %get3A_423 = vector.shape_cast %get3A_422 : vector<1x16xf32> to vector<16xf32>
        %mul3A_424 = arith.constant 2 : i32
        %mul3A_425 = arith.muli %mul3A_424, %add3A_373 : i32
        %add3A_426 = arith.constant 0 : i32
        %add3A_427 = arith.addi %mul3A_425, %add3A_426 : i32
        %get3A_428 = arith.index_cast %add3A_427 : i32 to index
        %get3A_429 = arith.constant 96 : index
        %get3A_430 = tpu.vector_load %arg9[%get3A_428, %get3A_429] {strides = array<i32>} : memref<256x128xf32, #tpu.memory_space<vmem>>, vector<1x16xf32>,
        %get3A_431 = vector.shape_cast %get3A_430 : vector<1x16xf32> to vector<16xf32>
        %add3A_432 = arith.addf %get3A_423, %get3A_431 : vector<16xf32>
        %swap3A_433 = arith.index_cast %add3A_373 : i32 to index
        %swap3A_434 = arith.constant 32 : index
        %swap3A_435 = tpu.vector_load %arg8[%swap3A_433, %swap3A_434] {strides = array<i32>} : memref<256x128xf32, #tpu.memory_space<vmem>>, vector<1x16xf32>,
        %swap3A_436 = vector.shape_cast %swap3A_435 : vector<1x16xf32> to vector<16xf32>
        %swap3A_437 = vector.shape_cast %add3A_432 : vector<16xf32> to vector<1x16xf32>
        tpu.vector_store %arg8[%swap3A_433, %swap3A_434], %swap3A_437 {strides = array<i32>} : memref<256x128xf32, #tpu.memory_space<vmem>>, vector<1x16xf32>,
        %mul3A_438 = arith.constant 2 : i32
        %mul3A_439 = arith.muli %mul3A_438, %add3A_373 : i32
        %add3A_440 = arith.constant 0 : i32
        %add3A_441 = arith.addi %mul3A_439, %add3A_440 : i32
        %get3A_442 = arith.index_cast %add3A_441 : i32 to index
        %get3A_443 = arith.constant 48 : index
        %get3A_444 = tpu.vector_load %arg8[%get3A_442, %get3A_443] {strides = array<i32>} : memref<256x128xf32, #tpu.memory_space<vmem>>, vector<1x16xf32>,
        %get3A_445 = vector.shape_cast %get3A_444 : vector<1x16xf32> to vector<16xf32>
        %mul3A_446 = arith.constant 2 : i32
        %mul3A_447 = arith.muli %mul3A_446, %add3A_373 : i32
        %add3A_448 = arith.constant 0 : i32
        %add3A_449 = arith.addi %mul3A_447, %add3A_448 : i32
        %get3A_450 = arith.index_cast %add3A_449 : i32 to index
        %get3A_451 = arith.constant 112 : index
        %get3A_452 = tpu.vector_load %arg9[%get3A_450, %get3A_451] {strides = array<i32>} : memref<256x128xf32, #tpu.memory_space<vmem>>, vector<1x16xf32>,
        %get3A_453 = vector.shape_cast %get3A_452 : vector<1x16xf32> to vector<16xf32>
        %add3A_454 = arith.addf %get3A_445, %get3A_453 : vector<16xf32>
        %swap3A_455 = arith.index_cast %add3A_373 : i32 to index
        %swap3A_456 = arith.constant 48 : index
        %swap3A_457 = tpu.vector_load %arg8[%swap3A_455, %swap3A_456] {strides = array<i32>} : memref<256x128xf32, #tpu.memory_space<vmem>>, vector<1x16xf32>,
        %swap3A_458 = vector.shape_cast %swap3A_457 : vector<1x16xf32> to vector<16xf32>
        %swap3A_459 = vector.shape_cast %add3A_454 : vector<16xf32> to vector<1x16xf32>
        tpu.vector_store %arg8[%swap3A_455, %swap3A_456], %swap3A_459 {strides = array<i32>} : memref<256x128xf32, #tpu.memory_space<vmem>>, vector<1x16xf32>,
        %mul3A_460 = arith.constant 2 : i32
        %mul3A_461 = arith.muli %mul3A_460, %add3A_373 : i32
        %add3A_462 = arith.constant 1 : i32
        %add3A_463 = arith.addi %mul3A_461, %add3A_462 : i32
        %get3A_464 = arith.index_cast %add3A_463 : i32 to index
        %get3A_465 = arith.constant 0 : index
        %get3A_466 = tpu.vector_load %arg8[%get3A_464, %get3A_465] {strides = array<i32>} : memref<256x128xf32, #tpu.memory_space<vmem>>, vector<1x16xf32>,
        %get3A_467 = vector.shape_cast %get3A_466 : vector<1x16xf32> to vector<16xf32>
        %mul3A_468 = arith.constant 2 : i32
        %mul3A_469 = arith.muli %mul3A_468, %add3A_373 : i32
        %add3A_470 = arith.constant 1 : i32
        %add3A_471 = arith.addi %mul3A_469, %add3A_470 : i32
        %get3A_472 = arith.index_cast %add3A_471 : i32 to index
        %get3A_473 = arith.constant 64 : index
        %get3A_474 = tpu.vector_load %arg9[%get3A_472, %get3A_473] {strides = array<i32>} : memref<256x128xf32, #tpu.memory_space<vmem>>, vector<1x16xf32>,
        %get3A_475 = vector.shape_cast %get3A_474 : vector<1x16xf32> to vector<16xf32>
        %add3A_476 = arith.addf %get3A_467, %get3A_475 : vector<16xf32>
        %swap3A_477 = arith.index_cast %add3A_373 : i32 to index
        %swap3A_478 = arith.constant 64 : index
        %swap3A_479 = tpu.vector_load %arg8[%swap3A_477, %swap3A_478] {strides = array<i32>} : memref<256x128xf32, #tpu.memory_space<vmem>>, vector<1x16xf32>,
        %swap3A_480 = vector.shape_cast %swap3A_479 : vector<1x16xf32> to vector<16xf32>
        %swap3A_481 = vector.shape_cast %add3A_476 : vector<16xf32> to vector<1x16xf32>
        tpu.vector_store %arg8[%swap3A_477, %swap3A_478], %swap3A_481 {strides = array<i32>} : memref<256x128xf32, #tpu.memory_space<vmem>>, vector<1x16xf32>,
        %mul3A_482 = arith.constant 2 : i32
        %mul3A_483 = arith.muli %mul3A_482, %add3A_373 : i32
        %add3A_484 = arith.constant 1 : i32
        %add3A_485 = arith.addi %mul3A_483, %add3A_484 : i32
        %get3A_486 = arith.index_cast %add3A_485 : i32 to index
        %get3A_487 = arith.constant 16 : index
        %get3A_488 = tpu.vector_load %arg8[%get3A_486, %get3A_487] {strides = array<i32>} : memref<256x128xf32, #tpu.memory_space<vmem>>, vector<1x16xf32>,
        %get3A_489 = vector.shape_cast %get3A_488 : vector<1x16xf32> to vector<16xf32>
        %mul3A_490 = arith.constant 2 : i32
        %mul3A_491 = arith.muli %mul3A_490, %add3A_373 : i32
        %add3A_492 = arith.constant 1 : i32
        %add3A_493 = arith.addi %mul3A_491, %add3A_492 : i32
        %get3A_494 = arith.index_cast %add3A_493 : i32 to index
        %get3A_495 = arith.constant 80 : index
        %get3A_496 = tpu.vector_load %arg9[%get3A_494, %get3A_495] {strides = array<i32>} : memref<256x128xf32, #tpu.memory_space<vmem>>, vector<1x16xf32>,
        %get3A_497 = vector.shape_cast %get3A_496 : vector<1x16xf32> to vector<16xf32>
        %add3A_498 = arith.addf %get3A_489, %get3A_497 : vector<16xf32>
        %swap3A_499 = arith.index_cast %add3A_373 : i32 to index
        %swap3A_500 = arith.constant 80 : index
        %swap3A_501 = tpu.vector_load %arg8[%swap3A_499, %swap3A_500] {strides = array<i32>} : memref<256x128xf32, #tpu.memory_space<vmem>>, vector<1x16xf32>,
        %swap3A_502 = vector.shape_cast %swap3A_501 : vector<1x16xf32> to vector<16xf32>
        %swap3A_503 = vector.shape_cast %add3A_498 : vector<16xf32> to vector<1x16xf32>
        tpu.vector_store %arg8[%swap3A_499, %swap3A_500], %swap3A_503 {strides = array<i32>} : memref<256x128xf32, #tpu.memory_space<vmem>>, vector<1x16xf32>,
        %mul3A_504 = arith.constant 2 : i32
        %mul3A_505 = arith.muli %mul3A_504, %add3A_373 : i32
        %add3A_506 = arith.constant 1 : i32
        %add3A_507 = arith.addi %mul3A_505, %add3A_506 : i32
        %get3A_508 = arith.index_cast %add3A_507 : i32 to index
        %get3A_509 = arith.constant 32 : index
        %get3A_510 = tpu.vector_load %arg8[%get3A_508, %get3A_509] {strides = array<i32>} : memref<256x128xf32, #tpu.memory_space<vmem>>, vector<1x16xf32>,
        %get3A_511 = vector.shape_cast %get3A_510 : vector<1x16xf32> to vector<16xf32>
        %mul3A_512 = arith.constant 2 : i32
        %mul3A_513 = arith.muli %mul3A_512, %add3A_373 : i32
        %add3A_514 = arith.constant 1 : i32
        %add3A_515 = arith.addi %mul3A_513, %add3A_514 : i32
        %get3A_516 = arith.index_cast %add3A_515 : i32 to index
        %get3A_517 = arith.constant 96 : index
        %get3A_518 = tpu.vector_load %arg9[%get3A_516, %get3A_517] {strides = array<i32>} : memref<256x128xf32, #tpu.memory_space<vmem>>, vector<1x16xf32>,
        %get3A_519 = vector.shape_cast %get3A_518 : vector<1x16xf32> to vector<16xf32>
        %add3A_520 = arith.addf %get3A_511, %get3A_519 : vector<16xf32>
        %swap3A_521 = arith.index_cast %add3A_373 : i32 to index
        %swap3A_522 = arith.constant 96 : index
        %swap3A_523 = tpu.vector_load %arg8[%swap3A_521, %swap3A_522] {strides = array<i32>} : memref<256x128xf32, #tpu.memory_space<vmem>>, vector<1x16xf32>,
        %swap3A_524 = vector.shape_cast %swap3A_523 : vector<1x16xf32> to vector<16xf32>
        %swap3A_525 = vector.shape_cast %add3A_520 : vector<16xf32> to vector<1x16xf32>
        tpu.vector_store %arg8[%swap3A_521, %swap3A_522], %swap3A_525 {strides = array<i32>} : memref<256x128xf32, #tpu.memory_space<vmem>>, vector<1x16xf32>,
        %mul3A_526 = arith.constant 2 : i32
        %mul3A_527 = arith.muli %mul3A_526, %add3A_373 : i32
        %add3A_528 = arith.constant 1 : i32
        %add3A_529 = arith.addi %mul3A_527, %add3A_528 : i32
        %get3A_530 = arith.index_cast %add3A_529 : i32 to index
        %get3A_531 = arith.constant 48 : index
        %get3A_532 = tpu.vector_load %arg8[%get3A_530, %get3A_531] {strides = array<i32>} : memref<256x128xf32, #tpu.memory_space<vmem>>, vector<1x16xf32>,
        %get3A_533 = vector.shape_cast %get3A_532 : vector<1x16xf32> to vector<16xf32>
        %mul3A_534 = arith.constant 2 : i32
        %mul3A_535 = arith.muli %mul3A_534, %add3A_373 : i32
        %add3A_536 = arith.constant 1 : i32
        %add3A_537 = arith.addi %mul3A_535, %add3A_536 : i32
        %get3A_538 = arith.index_cast %add3A_537 : i32 to index
        %get3A_539 = arith.constant 112 : index
        %get3A_540 = tpu.vector_load %arg9[%get3A_538, %get3A_539] {strides = array<i32>} : memref<256x128xf32, #tpu.memory_space<vmem>>, vector<1x16xf32>,
        %get3A_541 = vector.shape_cast %get3A_540 : vector<1x16xf32> to vector<16xf32>
        %add3A_542 = arith.addf %get3A_533, %get3A_541 : vector<16xf32>
        %swap3A_543 = arith.index_cast %add3A_373 : i32 to index
        %swap3A_544 = arith.constant 112 : index
        %swap3A_545 = tpu.vector_load %arg8[%swap3A_543, %swap3A_544] {strides = array<i32>} : memref<256x128xf32, #tpu.memory_space<vmem>>, vector<1x16xf32>,
        %swap3A_546 = vector.shape_cast %swap3A_545 : vector<1x16xf32> to vector<16xf32>
        %swap3A_547 = vector.shape_cast %add3A_542 : vector<16xf32> to vector<1x16xf32>
        tpu.vector_store %arg8[%swap3A_543, %swap3A_544], %swap3A_547 {strides = array<i32>} : memref<256x128xf32, #tpu.memory_space<vmem>>, vector<1x16xf32>,
        %scan3A_548 = arith.constant 1 : i32
        %scan3A_549 = arith.addi %scan3A_369, %scan3A_548 : i32
        %mul3A_550 = arith.constant 1 : i32
        %mul3A_551 = arith.muli %scan3A_549, %mul3A_550 : i32
        %add3A_552 = arith.constant 0 : i32
        %add3A_553 = arith.addi %add3A_552, %mul3A_551 : i32
        %mul3A_554 = arith.constant 2 : i32
        %mul3A_555 = arith.muli %mul3A_554, %add3A_553 : i32
        %add3A_556 = arith.constant 0 : i32
        %add3A_557 = arith.addi %mul3A_555, %add3A_556 : i32
        %get3A_558 = arith.index_cast %add3A_557 : i32 to index
        %get3A_559 = arith.constant 0 : index
        %get3A_560 = tpu.vector_load %arg8[%get3A_558, %get3A_559] {strides = array<i32>} : memref<256x128xf32, #tpu.memory_space<vmem>>, vector<1x16xf32>,
        %get3A_561 = vector.shape_cast %get3A_560 : vector<1x16xf32> to vector<16xf32>
        %mul3A_562 = arith.constant 2 : i32
        %mul3A_563 = arith.muli %mul3A_562, %add3A_553 : i32
        %add3A_564 = arith.constant 0 : i32
        %add3A_565 = arith.addi %mul3A_563, %add3A_564 : i32
        %get3A_566 = arith.index_cast %add3A_565 : i32 to index
        %get3A_567 = arith.constant 64 : index
        %get3A_568 = tpu.vector_load %arg9[%get3A_566, %get3A_567] {strides = array<i32>} : memref<256x128xf32, #tpu.memory_space<vmem>>, vector<1x16xf32>,
        %get3A_569 = vector.shape_cast %get3A_568 : vector<1x16xf32> to vector<16xf32>
        %add3A_570 = arith.addf %get3A_561, %get3A_569 : vector<16xf32>
        %swap3A_571 = arith.index_cast %add3A_553 : i32 to index
        %swap3A_572 = arith.constant 0 : index
        %swap3A_573 = tpu.vector_load %arg8[%swap3A_571, %swap3A_572] {strides = array<i32>} : memref<256x128xf32, #tpu.memory_space<vmem>>, vector<1x16xf32>,
        %swap3A_574 = vector.shape_cast %swap3A_573 : vector<1x16xf32> to vector<16xf32>
        %swap3A_575 = vector.shape_cast %add3A_570 : vector<16xf32> to vector<1x16xf32>
        tpu.vector_store %arg8[%swap3A_571, %swap3A_572], %swap3A_575 {strides = array<i32>} : memref<256x128xf32, #tpu.memory_space<vmem>>, vector<1x16xf32>,
        %mul3A_576 = arith.constant 2 : i32
        %mul3A_577 = arith.muli %mul3A_576, %add3A_553 : i32
        %add3A_578 = arith.constant 0 : i32
        %add3A_579 = arith.addi %mul3A_577, %add3A_578 : i32
        %get3A_580 = arith.index_cast %add3A_579 : i32 to index
        %get3A_581 = arith.constant 16 : index
        %get3A_582 = tpu.vector_load %arg8[%get3A_580, %get3A_581] {strides = array<i32>} : memref<256x128xf32, #tpu.memory_space<vmem>>, vector<1x16xf32>,
        %get3A_583 = vector.shape_cast %get3A_582 : vector<1x16xf32> to vector<16xf32>
        %mul3A_584 = arith.constant 2 : i32
        %mul3A_585 = arith.muli %mul3A_584, %add3A_553 : i32
        %add3A_586 = arith.constant 0 : i32
        %add3A_587 = arith.addi %mul3A_585, %add3A_586 : i32
        %get3A_588 = arith.index_cast %add3A_587 : i32 to index
        %get3A_589 = arith.constant 80 : index
        %get3A_590 = tpu.vector_load %arg9[%get3A_588, %get3A_589] {strides = array<i32>} : memref<256x128xf32, #tpu.memory_space<vmem>>, vector<1x16xf32>,
        %get3A_591 = vector.shape_cast %get3A_590 : vector<1x16xf32> to vector<16xf32>
        %add3A_592 = arith.addf %get3A_583, %get3A_591 : vector<16xf32>
        %swap3A_593 = arith.index_cast %add3A_553 : i32 to index
        %swap3A_594 = arith.constant 16 : index
        %swap3A_595 = tpu.vector_load %arg8[%swap3A_593, %swap3A_594] {strides = array<i32>} : memref<256x128xf32, #tpu.memory_space<vmem>>, vector<1x16xf32>,
        %swap3A_596 = vector.shape_cast %swap3A_595 : vector<1x16xf32> to vector<16xf32>
        %swap3A_597 = vector.shape_cast %add3A_592 : vector<16xf32> to vector<1x16xf32>
        tpu.vector_store %arg8[%swap3A_593, %swap3A_594], %swap3A_597 {strides = array<i32>} : memref<256x128xf32, #tpu.memory_space<vmem>>, vector<1x16xf32>,
        %mul3A_598 = arith.constant 2 : i32
        %mul3A_599 = arith.muli %mul3A_598, %add3A_553 : i32
        %add3A_600 = arith.constant 0 : i32
        %add3A_601 = arith.addi %mul3A_599, %add3A_600 : i32
        %get3A_602 = arith.index_cast %add3A_601 : i32 to index
        %get3A_603 = arith.constant 32 : index
        %get3A_604 = tpu.vector_load %arg8[%get3A_602, %get3A_603] {strides = array<i32>} : memref<256x128xf32, #tpu.memory_space<vmem>>, vector<1x16xf32>,
        %get3A_605 = vector.shape_cast %get3A_604 : vector<1x16xf32> to vector<16xf32>
        %mul3A_606 = arith.constant 2 : i32
        %mul3A_607 = arith.muli %mul3A_606, %add3A_553 : i32
        %add3A_608 = arith.constant 0 : i32
        %add3A_609 = arith.addi %mul3A_607, %add3A_608 : i32
        %get3A_610 = arith.index_cast %add3A_609 : i32 to index
        %get3A_611 = arith.constant 96 : index
        %get3A_612 = tpu.vector_load %arg9[%get3A_610, %get3A_611] {strides = array<i32>} : memref<256x128xf32, #tpu.memory_space<vmem>>, vector<1x16xf32>,
        %get3A_613 = vector.shape_cast %get3A_612 : vector<1x16xf32> to vector<16xf32>
        %add3A_614 = arith.addf %get3A_605, %get3A_613 : vector<16xf32>
        %swap3A_615 = arith.index_cast %add3A_553 : i32 to index
        %swap3A_616 = arith.constant 32 : index
        %swap3A_617 = tpu.vector_load %arg8[%swap3A_615, %swap3A_616] {strides = array<i32>} : memref<256x128xf32, #tpu.memory_space<vmem>>, vector<1x16xf32>,
        %swap3A_618 = vector.shape_cast %swap3A_617 : vector<1x16xf32> to vector<16xf32>
        %swap3A_619 = vector.shape_cast %add3A_614 : vector<16xf32> to vector<1x16xf32>
        tpu.vector_store %arg8[%swap3A_615, %swap3A_616], %swap3A_619 {strides = array<i32>} : memref<256x128xf32, #tpu.memory_space<vmem>>, vector<1x16xf32>,
        %mul3A_620 = arith.constant 2 : i32
        %mul3A_621 = arith.muli %mul3A_620, %add3A_553 : i32
        %add3A_622 = arith.constant 0 : i32
        %add3A_623 = arith.addi %mul3A_621, %add3A_622 : i32
        %get3A_624 = arith.index_cast %add3A_623 : i32 to index
        %get3A_625 = arith.constant 48 : index
        %get3A_626 = tpu.vector_load %arg8[%get3A_624, %get3A_625] {strides = array<i32>} : memref<256x128xf32, #tpu.memory_space<vmem>>, vector<1x16xf32>,
        %get3A_627 = vector.shape_cast %get3A_626 : vector<1x16xf32> to vector<16xf32>
        %mul3A_628 = arith.constant 2 : i32
        %mul3A_629 = arith.muli %mul3A_628, %add3A_553 : i32
        %add3A_630 = arith.constant 0 : i32
        %add3A_631 = arith.addi %mul3A_629, %add3A_630 : i32
        %get3A_632 = arith.index_cast %add3A_631 : i32 to index
        %get3A_633 = arith.constant 112 : index
        %get3A_634 = tpu.vector_load %arg9[%get3A_632, %get3A_633] {strides = array<i32>} : memref<256x128xf32, #tpu.memory_space<vmem>>, vector<1x16xf32>,
        %get3A_635 = vector.shape_cast %get3A_634 : vector<1x16xf32> to vector<16xf32>
        %add3A_636 = arith.addf %get3A_627, %get3A_635 : vector<16xf32>
        %swap3A_637 = arith.index_cast %add3A_553 : i32 to index
        %swap3A_638 = arith.constant 48 : index
        %swap3A_639 = tpu.vector_load %arg8[%swap3A_637, %swap3A_638] {strides = array<i32>} : memref<256x128xf32, #tpu.memory_space<vmem>>, vector<1x16xf32>,
        %swap3A_640 = vector.shape_cast %swap3A_639 : vector<1x16xf32> to vector<16xf32>
        %swap3A_641 = vector.shape_cast %add3A_636 : vector<16xf32> to vector<1x16xf32>
        tpu.vector_store %arg8[%swap3A_637, %swap3A_638], %swap3A_641 {strides = array<i32>} : memref<256x128xf32, #tpu.memory_space<vmem>>, vector<1x16xf32>,
        %mul3A_642 = arith.constant 2 : i32
        %mul3A_643 = arith.muli %mul3A_642, %add3A_553 : i32
        %add3A_644 = arith.constant 1 : i32
        %add3A_645 = arith.addi %mul3A_643, %add3A_644 : i32
        %get3A_646 = arith.index_cast %add3A_645 : i32 to index
        %get3A_647 = arith.constant 0 : index
        %get3A_648 = tpu.vector_load %arg8[%get3A_646, %get3A_647] {strides = array<i32>} : memref<256x128xf32, #tpu.memory_space<vmem>>, vector<1x16xf32>,
        %get3A_649 = vector.shape_cast %get3A_648 : vector<1x16xf32> to vector<16xf32>
        %mul3A_650 = arith.constant 2 : i32
        %mul3A_651 = arith.muli %mul3A_650, %add3A_553 : i32
        %add3A_652 = arith.constant 1 : i32
        %add3A_653 = arith.addi %mul3A_651, %add3A_652 : i32
        %get3A_654 = arith.index_cast %add3A_653 : i32 to index
        %get3A_655 = arith.constant 64 : index
        %get3A_656 = tpu.vector_load %arg9[%get3A_654, %get3A_655] {strides = array<i32>} : memref<256x128xf32, #tpu.memory_space<vmem>>, vector<1x16xf32>,
        %get3A_657 = vector.shape_cast %get3A_656 : vector<1x16xf32> to vector<16xf32>
        %add3A_658 = arith.addf %get3A_649, %get3A_657 : vector<16xf32>
        %swap3A_659 = arith.index_cast %add3A_553 : i32 to index
        %swap3A_660 = arith.constant 64 : index
        %swap3A_661 = tpu.vector_load %arg8[%swap3A_659, %swap3A_660] {strides = array<i32>} : memref<256x128xf32, #tpu.memory_space<vmem>>, vector<1x16xf32>,
        %swap3A_662 = vector.shape_cast %swap3A_661 : vector<1x16xf32> to vector<16xf32>
        %swap3A_663 = vector.shape_cast %add3A_658 : vector<16xf32> to vector<1x16xf32>
        tpu.vector_store %arg8[%swap3A_659, %swap3A_660], %swap3A_663 {strides = array<i32>} : memref<256x128xf32, #tpu.memory_space<vmem>>, vector<1x16xf32>,
        %mul3A_664 = arith.constant 2 : i32
        %mul3A_665 = arith.muli %mul3A_664, %add3A_553 : i32
        %add3A_666 = arith.constant 1 : i32
        %add3A_667 = arith.addi %mul3A_665, %add3A_666 : i32
        %get3A_668 = arith.index_cast %add3A_667 : i32 to index
        %get3A_669 = arith.constant 16 : index
        %get3A_670 = tpu.vector_load %arg8[%get3A_668, %get3A_669] {strides = array<i32>} : memref<256x128xf32, #tpu.memory_space<vmem>>, vector<1x16xf32>,
        %get3A_671 = vector.shape_cast %get3A_670 : vector<1x16xf32> to vector<16xf32>
        %mul3A_672 = arith.constant 2 : i32
        %mul3A_673 = arith.muli %mul3A_672, %add3A_553 : i32
        %add3A_674 = arith.constant 1 : i32
        %add3A_675 = arith.addi %mul3A_673, %add3A_674 : i32
        %get3A_676 = arith.index_cast %add3A_675 : i32 to index
        %get3A_677 = arith.constant 80 : index
        %get3A_678 = tpu.vector_load %arg9[%get3A_676, %get3A_677] {strides = array<i32>} : memref<256x128xf32, #tpu.memory_space<vmem>>, vector<1x16xf32>,
        %get3A_679 = vector.shape_cast %get3A_678 : vector<1x16xf32> to vector<16xf32>
        %add3A_680 = arith.addf %get3A_671, %get3A_679 : vector<16xf32>
        %swap3A_681 = arith.index_cast %add3A_553 : i32 to index
        %swap3A_682 = arith.constant 80 : index
        %swap3A_683 = tpu.vector_load %arg8[%swap3A_681, %swap3A_682] {strides = array<i32>} : memref<256x128xf32, #tpu.memory_space<vmem>>, vector<1x16xf32>,
        %swap3A_684 = vector.shape_cast %swap3A_683 : vector<1x16xf32> to vector<16xf32>
        %swap3A_685 = vector.shape_cast %add3A_680 : vector<16xf32> to vector<1x16xf32>
        tpu.vector_store %arg8[%swap3A_681, %swap3A_682], %swap3A_685 {strides = array<i32>} : memref<256x128xf32, #tpu.memory_space<vmem>>, vector<1x16xf32>,
        %mul3A_686 = arith.constant 2 : i32
        %mul3A_687 = arith.muli %mul3A_686, %add3A_553 : i32
        %add3A_688 = arith.constant 1 : i32
        %add3A_689 = arith.addi %mul3A_687, %add3A_688 : i32
        %get3A_690 = arith.index_cast %add3A_689 : i32 to index
        %get3A_691 = arith.constant 32 : index
        %get3A_692 = tpu.vector_load %arg8[%get3A_690, %get3A_691] {strides = array<i32>} : memref<256x128xf32, #tpu.memory_space<vmem>>, vector<1x16xf32>,
        %get3A_693 = vector.shape_cast %get3A_692 : vector<1x16xf32> to vector<16xf32>
        %mul3A_694 = arith.constant 2 : i32
        %mul3A_695 = arith.muli %mul3A_694, %add3A_553 : i32
        %add3A_696 = arith.constant 1 : i32
        %add3A_697 = arith.addi %mul3A_695, %add3A_696 : i32
        %get3A_698 = arith.index_cast %add3A_697 : i32 to index
        %get3A_699 = arith.constant 96 : index
        %get3A_700 = tpu.vector_load %arg9[%get3A_698, %get3A_699] {strides = array<i32>} : memref<256x128xf32, #tpu.memory_space<vmem>>, vector<1x16xf32>,
        %get3A_701 = vector.shape_cast %get3A_700 : vector<1x16xf32> to vector<16xf32>
        %add3A_702 = arith.addf %get3A_693, %get3A_701 : vector<16xf32>
        %swap3A_703 = arith.index_cast %add3A_553 : i32 to index
        %swap3A_704 = arith.constant 96 : index
        %swap3A_705 = tpu.vector_load %arg8[%swap3A_703, %swap3A_704] {strides = array<i32>} : memref<256x128xf32, #tpu.memory_space<vmem>>, vector<1x16xf32>,
        %swap3A_706 = vector.shape_cast %swap3A_705 : vector<1x16xf32> to vector<16xf32>
        %swap3A_707 = vector.shape_cast %add3A_702 : vector<16xf32> to vector<1x16xf32>
        tpu.vector_store %arg8[%swap3A_703, %swap3A_704], %swap3A_707 {strides = array<i32>} : memref<256x128xf32, #tpu.memory_space<vmem>>, vector<1x16xf32>,
        %mul3A_708 = arith.constant 2 : i32
        %mul3A_709 = arith.muli %mul3A_708, %add3A_553 : i32
        %add3A_710 = arith.constant 1 : i32
        %add3A_711 = arith.addi %mul3A_709, %add3A_710 : i32
        %get3A_712 = arith.index_cast %add3A_711 : i32 to index
        %get3A_713 = arith.constant 48 : index
        %get3A_714 = tpu.vector_load %arg8[%get3A_712, %get3A_713] {strides = array<i32>} : memref<256x128xf32, #tpu.memory_space<vmem>>, vector<1x16xf32>,
        %get3A_715 = vector.shape_cast %get3A_714 : vector<1x16xf32> to vector<16xf32>
        %mul3A_716 = arith.constant 2 : i32
        %mul3A_717 = arith.muli %mul3A_716, %add3A_553 : i32
        %add3A_718 = arith.constant 1 : i32
        %add3A_719 = arith.addi %mul3A_717, %add3A_718 : i32
        %get3A_720 = arith.index_cast %add3A_719 : i32 to index
        %get3A_721 = arith.constant 112 : index
        %get3A_722 = tpu.vector_load %arg9[%get3A_720, %get3A_721] {strides = array<i32>} : memref<256x128xf32, #tpu.memory_space<vmem>>, vector<1x16xf32>,
        %get3A_723 = vector.shape_cast %get3A_722 : vector<1x16xf32> to vector<16xf32>
        %add3A_724 = arith.addf %get3A_715, %get3A_723 : vector<16xf32>
        %swap3A_725 = arith.index_cast %add3A_553 : i32 to index
        %swap3A_726 = arith.constant 112 : index
        %swap3A_727 = tpu.vector_load %arg8[%swap3A_725, %swap3A_726] {strides = array<i32>} : memref<256x128xf32, #tpu.memory_space<vmem>>, vector<1x16xf32>,
        %swap3A_728 = vector.shape_cast %swap3A_727 : vector<1x16xf32> to vector<16xf32>
        %swap3A_729 = vector.shape_cast %add3A_724 : vector<16xf32> to vector<1x16xf32>
        tpu.vector_store %arg8[%swap3A_725, %swap3A_726], %swap3A_729 {strides = array<i32>} : memref<256x128xf32, #tpu.memory_space<vmem>>, vector<1x16xf32>,
        %scan3A_730 = arith.constant 2 : i32
        %scan3A_731 = arith.addi %scan3A_369, %scan3A_730 : i32
        %mul3A_732 = arith.constant 1 : i32
        %mul3A_733 = arith.muli %scan3A_731, %mul3A_732 : i32
        %add3A_734 = arith.constant 0 : i32
        %add3A_735 = arith.addi %add3A_734, %mul3A_733 : i32
        %mul3A_736 = arith.constant 2 : i32
        %mul3A_737 = arith.muli %mul3A_736, %add3A_735 : i32
        %add3A_738 = arith.constant 0 : i32
        %add3A_739 = arith.addi %mul3A_737, %add3A_738 : i32
        %get3A_740 = arith.index_cast %add3A_739 : i32 to index
        %get3A_741 = arith.constant 0 : index
        %get3A_742 = tpu.vector_load %arg8[%get3A_740, %get3A_741] {strides = array<i32>} : memref<256x128xf32, #tpu.memory_space<vmem>>, vector<1x16xf32>,
        %get3A_743 = vector.shape_cast %get3A_742 : vector<1x16xf32> to vector<16xf32>
        %mul3A_744 = arith.constant 2 : i32
        %mul3A_745 = arith.muli %mul3A_744, %add3A_735 : i32
        %add3A_746 = arith.constant 0 : i32
        %add3A_747 = arith.addi %mul3A_745, %add3A_746 : i32
        %get3A_748 = arith.index_cast %add3A_747 : i32 to index
        %get3A_749 = arith.constant 64 : index
        %get3A_750 = tpu.vector_load %arg9[%get3A_748, %get3A_749] {strides = array<i32>} : memref<256x128xf32, #tpu.memory_space<vmem>>, vector<1x16xf32>,
        %get3A_751 = vector.shape_cast %get3A_750 : vector<1x16xf32> to vector<16xf32>
        %add3A_752 = arith.addf %get3A_743, %get3A_751 : vector<16xf32>
        %swap3A_753 = arith.index_cast %add3A_735 : i32 to index
        %swap3A_754 = arith.constant 0 : index
        %swap3A_755 = tpu.vector_load %arg8[%swap3A_753, %swap3A_754] {strides = array<i32>} : memref<256x128xf32, #tpu.memory_space<vmem>>, vector<1x16xf32>,
        %swap3A_756 = vector.shape_cast %swap3A_755 : vector<1x16xf32> to vector<16xf32>
        %swap3A_757 = vector.shape_cast %add3A_752 : vector<16xf32> to vector<1x16xf32>
        tpu.vector_store %arg8[%swap3A_753, %swap3A_754], %swap3A_757 {strides = array<i32>} : memref<256x128xf32, #tpu.memory_space<vmem>>, vector<1x16xf32>,
        %mul3A_758 = arith.constant 2 : i32
        %mul3A_759 = arith.muli %mul3A_758, %add3A_735 : i32
        %add3A_760 = arith.constant 0 : i32
        %add3A_761 = arith.addi %mul3A_759, %add3A_760 : i32
        %get3A_762 = arith.index_cast %add3A_761 : i32 to index
        %get3A_763 = arith.constant 16 : index
        %get3A_764 = tpu.vector_load %arg8[%get3A_762, %get3A_763] {strides = array<i32>} : memref<256x128xf32, #tpu.memory_space<vmem>>, vector<1x16xf32>,
        %get3A_765 = vector.shape_cast %get3A_764 : vector<1x16xf32> to vector<16xf32>
        %mul3A_766 = arith.constant 2 : i32
        %mul3A_767 = arith.muli %mul3A_766, %add3A_735 : i32
        %add3A_768 = arith.constant 0 : i32
        %add3A_769 = arith.addi %mul3A_767, %add3A_768 : i32
        %get3A_770 = arith.index_cast %add3A_769 : i32 to index
        %get3A_771 = arith.constant 80 : index
        %get3A_772 = tpu.vector_load %arg9[%get3A_770, %get3A_771] {strides = array<i32>} : memref<256x128xf32, #tpu.memory_space<vmem>>, vector<1x16xf32>,
        %get3A_773 = vector.shape_cast %get3A_772 : vector<1x16xf32> to vector<16xf32>
        %add3A_774 = arith.addf %get3A_765, %get3A_773 : vector<16xf32>
        %swap3A_775 = arith.index_cast %add3A_735 : i32 to index
        %swap3A_776 = arith.constant 16 : index
        %swap3A_777 = tpu.vector_load %arg8[%swap3A_775, %swap3A_776] {strides = array<i32>} : memref<256x128xf32, #tpu.memory_space<vmem>>, vector<1x16xf32>,
        %swap3A_778 = vector.shape_cast %swap3A_777 : vector<1x16xf32> to vector<16xf32>
        %swap3A_779 = vector.shape_cast %add3A_774 : vector<16xf32> to vector<1x16xf32>
        tpu.vector_store %arg8[%swap3A_775, %swap3A_776], %swap3A_779 {strides = array<i32>} : memref<256x128xf32, #tpu.memory_space<vmem>>, vector<1x16xf32>,
        %mul3A_780 = arith.constant 2 : i32
        %mul3A_781 = arith.muli %mul3A_780, %add3A_735 : i32
        %add3A_782 = arith.constant 0 : i32
        %add3A_783 = arith.addi %mul3A_781, %add3A_782 : i32
        %get3A_784 = arith.index_cast %add3A_783 : i32 to index
        %get3A_785 = arith.constant 32 : index
        %get3A_786 = tpu.vector_load %arg8[%get3A_784, %get3A_785] {strides = array<i32>} : memref<256x128xf32, #tpu.memory_space<vmem>>, vector<1x16xf32>,
        %get3A_787 = vector.shape_cast %get3A_786 : vector<1x16xf32> to vector<16xf32>
        %mul3A_788 = arith.constant 2 : i32
        %mul3A_789 = arith.muli %mul3A_788, %add3A_735 : i32
        %add3A_790 = arith.constant 0 : i32
        %add3A_791 = arith.addi %mul3A_789, %add3A_790 : i32
        %get3A_792 = arith.index_cast %add3A_791 : i32 to index
        %get3A_793 = arith.constant 96 : index
        %get3A_794 = tpu.vector_load %arg9[%get3A_792, %get3A_793] {strides = array<i32>} : memref<256x128xf32, #tpu.memory_space<vmem>>, vector<1x16xf32>,
        %get3A_795 = vector.shape_cast %get3A_794 : vector<1x16xf32> to vector<16xf32>
        %add3A_796 = arith.addf %get3A_787, %get3A_795 : vector<16xf32>
        %swap3A_797 = arith.index_cast %add3A_735 : i32 to index
        %swap3A_798 = arith.constant 32 : index
        %swap3A_799 = tpu.vector_load %arg8[%swap3A_797, %swap3A_798] {strides = array<i32>} : memref<256x128xf32, #tpu.memory_space<vmem>>, vector<1x16xf32>,
        %swap3A_800 = vector.shape_cast %swap3A_799 : vector<1x16xf32> to vector<16xf32>
        %swap3A_801 = vector.shape_cast %add3A_796 : vector<16xf32> to vector<1x16xf32>
        tpu.vector_store %arg8[%swap3A_797, %swap3A_798], %swap3A_801 {strides = array<i32>} : memref<256x128xf32, #tpu.memory_space<vmem>>, vector<1x16xf32>,
        %mul3A_802 = arith.constant 2 : i32
        %mul3A_803 = arith.muli %mul3A_802, %add3A_735 : i32
        %add3A_804 = arith.constant 0 : i32
        %add3A_805 = arith.addi %mul3A_803, %add3A_804 : i32
        %get3A_806 = arith.index_cast %add3A_805 : i32 to index
        %get3A_807 = arith.constant 48 : index
        %get3A_808 = tpu.vector_load %arg8[%get3A_806, %get3A_807] {strides = array<i32>} : memref<256x128xf32, #tpu.memory_space<vmem>>, vector<1x16xf32>,
        %get3A_809 = vector.shape_cast %get3A_808 : vector<1x16xf32> to vector<16xf32>
        %mul3A_810 = arith.constant 2 : i32
        %mul3A_811 = arith.muli %mul3A_810, %add3A_735 : i32
        %add3A_812 = arith.constant 0 : i32
        %add3A_813 = arith.addi %mul3A_811, %add3A_812 : i32
        %get3A_814 = arith.index_cast %add3A_813 : i32 to index
        %get3A_815 = arith.constant 112 : index
        %get3A_816 = tpu.vector_load %arg9[%get3A_814, %get3A_815] {strides = array<i32>} : memref<256x128xf32, #tpu.memory_space<vmem>>, vector<1x16xf32>,
        %get3A_817 = vector.shape_cast %get3A_816 : vector<1x16xf32> to vector<16xf32>
        %add3A_818 = arith.addf %get3A_809, %get3A_817 : vector<16xf32>
        %swap3A_819 = arith.index_cast %add3A_735 : i32 to index
        %swap3A_820 = arith.constant 48 : index
        %swap3A_821 = tpu.vector_load %arg8[%swap3A_819, %swap3A_820] {strides = array<i32>} : memref<256x128xf32, #tpu.memory_space<vmem>>, vector<1x16xf32>,
        %swap3A_822 = vector.shape_cast %swap3A_821 : vector<1x16xf32> to vector<16xf32>
        %swap3A_823 = vector.shape_cast %add3A_818 : vector<16xf32> to vector<1x16xf32>
        tpu.vector_store %arg8[%swap3A_819, %swap3A_820], %swap3A_823 {strides = array<i32>} : memref<256x128xf32, #tpu.memory_space<vmem>>, vector<1x16xf32>,
        %mul3A_824 = arith.constant 2 : i32
        %mul3A_825 = arith.muli %mul3A_824, %add3A_735 : i32
        %add3A_826 = arith.constant 1 : i32
        %add3A_827 = arith.addi %mul3A_825, %add3A_826 : i32
        %get3A_828 = arith.index_cast %add3A_827 : i32 to index
        %get3A_829 = arith.constant 0 : index
        %get3A_830 = tpu.vector_load %arg8[%get3A_828, %get3A_829] {strides = array<i32>} : memref<256x128xf32, #tpu.memory_space<vmem>>, vector<1x16xf32>,
        %get3A_831 = vector.shape_cast %get3A_830 : vector<1x16xf32> to vector<16xf32>
        %mul3A_832 = arith.constant 2 : i32
        %mul3A_833 = arith.muli %mul3A_832, %add3A_735 : i32
        %add3A_834 = arith.constant 1 : i32
        %add3A_835 = arith.addi %mul3A_833, %add3A_834 : i32
        %get3A_836 = arith.index_cast %add3A_835 : i32 to index
        %get3A_837 = arith.constant 64 : index
        %get3A_838 = tpu.vector_load %arg9[%get3A_836, %get3A_837] {strides = array<i32>} : memref<256x128xf32, #tpu.memory_space<vmem>>, vector<1x16xf32>,
        %get3A_839 = vector.shape_cast %get3A_838 : vector<1x16xf32> to vector<16xf32>
        %add3A_840 = arith.addf %get3A_831, %get3A_839 : vector<16xf32>
        %swap3A_841 = arith.index_cast %add3A_735 : i32 to index
        %swap3A_842 = arith.constant 64 : index
        %swap3A_843 = tpu.vector_load %arg8[%swap3A_841, %swap3A_842] {strides = array<i32>} : memref<256x128xf32, #tpu.memory_space<vmem>>, vector<1x16xf32>,
        %swap3A_844 = vector.shape_cast %swap3A_843 : vector<1x16xf32> to vector<16xf32>
        %swap3A_845 = vector.shape_cast %add3A_840 : vector<16xf32> to vector<1x16xf32>
        tpu.vector_store %arg8[%swap3A_841, %swap3A_842], %swap3A_845 {strides = array<i32>} : memref<256x128xf32, #tpu.memory_space<vmem>>, vector<1x16xf32>,
        %mul3A_846 = arith.constant 2 : i32
        %mul3A_847 = arith.muli %mul3A_846, %add3A_735 : i32
        %add3A_848 = arith.constant 1 : i32
        %add3A_849 = arith.addi %mul3A_847, %add3A_848 : i32
        %get3A_850 = arith.index_cast %add3A_849 : i32 to index
        %get3A_851 = arith.constant 16 : index
        %get3A_852 = tpu.vector_load %arg8[%get3A_850, %get3A_851] {strides = array<i32>} : memref<256x128xf32, #tpu.memory_space<vmem>>, vector<1x16xf32>,
        %get3A_853 = vector.shape_cast %get3A_852 : vector<1x16xf32> to vector<16xf32>
        %mul3A_854 = arith.constant 2 : i32
        %mul3A_855 = arith.muli %mul3A_854, %add3A_735 : i32
        %add3A_856 = arith.constant 1 : i32
        %add3A_857 = arith.addi %mul3A_855, %add3A_856 : i32
        %get3A_858 = arith.index_cast %add3A_857 : i32 to index
        %get3A_859 = arith.constant 80 : index
        %get3A_860 = tpu.vector_load %arg9[%get3A_858, %get3A_859] {strides = array<i32>} : memref<256x128xf32, #tpu.memory_space<vmem>>, vector<1x16xf32>,
        %get3A_861 = vector.shape_cast %get3A_860 : vector<1x16xf32> to vector<16xf32>
        %add3A_862 = arith.addf %get3A_853, %get3A_861 : vector<16xf32>
        %swap3A_863 = arith.index_cast %add3A_735 : i32 to index
        %swap3A_864 = arith.constant 80 : index
        %swap3A_865 = tpu.vector_load %arg8[%swap3A_863, %swap3A_864] {strides = array<i32>} : memref<256x128xf32, #tpu.memory_space<vmem>>, vector<1x16xf32>,
        %swap3A_866 = vector.shape_cast %swap3A_865 : vector<1x16xf32> to vector<16xf32>
        %swap3A_867 = vector.shape_cast %add3A_862 : vector<16xf32> to vector<1x16xf32>
        tpu.vector_store %arg8[%swap3A_863, %swap3A_864], %swap3A_867 {strides = array<i32>} : memref<256x128xf32, #tpu.memory_space<vmem>>, vector<1x16xf32>,
        %mul3A_868 = arith.constant 2 : i32
        %mul3A_869 = arith.muli %mul3A_868, %add3A_735 : i32
        %add3A_870 = arith.constant 1 : i32
        %add3A_871 = arith.addi %mul3A_869, %add3A_870 : i32
        %get3A_872 = arith.index_cast %add3A_871 : i32 to index
        %get3A_873 = arith.constant 32 : index
        %get3A_874 = tpu.vector_load %arg8[%get3A_872, %get3A_873] {strides = array<i32>} : memref<256x128xf32, #tpu.memory_space<vmem>>, vector<1x16xf32>,
        %get3A_875 = vector.shape_cast %get3A_874 : vector<1x16xf32> to vector<16xf32>
        %mul3A_876 = arith.constant 2 : i32
        %mul3A_877 = arith.muli %mul3A_876, %add3A_735 : i32
        %add3A_878 = arith.constant 1 : i32
        %add3A_879 = arith.addi %mul3A_877, %add3A_878 : i32
        %get3A_880 = arith.index_cast %add3A_879 : i32 to index
        %get3A_881 = arith.constant 96 : index
        %get3A_882 = tpu.vector_load %arg9[%get3A_880, %get3A_881] {strides = array<i32>} : memref<256x128xf32, #tpu.memory_space<vmem>>, vector<1x16xf32>,
        %get3A_883 = vector.shape_cast %get3A_882 : vector<1x16xf32> to vector<16xf32>
        %add3A_884 = arith.addf %get3A_875, %get3A_883 : vector<16xf32>
        %swap3A_885 = arith.index_cast %add3A_735 : i32 to index
        %swap3A_886 = arith.constant 96 : index
        %swap3A_887 = tpu.vector_load %arg8[%swap3A_885, %swap3A_886] {strides = array<i32>} : memref<256x128xf32, #tpu.memory_space<vmem>>, vector<1x16xf32>,
        %swap3A_888 = vector.shape_cast %swap3A_887 : vector<1x16xf32> to vector<16xf32>
        %swap3A_889 = vector.shape_cast %add3A_884 : vector<16xf32> to vector<1x16xf32>
        tpu.vector_store %arg8[%swap3A_885, %swap3A_886], %swap3A_889 {strides = array<i32>} : memref<256x128xf32, #tpu.memory_space<vmem>>, vector<1x16xf32>,
        %mul3A_890 = arith.constant 2 : i32
        %mul3A_891 = arith.muli %mul3A_890, %add3A_735 : i32
        %add3A_892 = arith.constant 1 : i32
        %add3A_893 = arith.addi %mul3A_891, %add3A_892 : i32
        %get3A_894 = arith.index_cast %add3A_893 : i32 to index
        %get3A_895 = arith.constant 48 : index
        %get3A_896 = tpu.vector_load %arg8[%get3A_894, %get3A_895] {strides = array<i32>} : memref<256x128xf32, #tpu.memory_space<vmem>>, vector<1x16xf32>,
        %get3A_897 = vector.shape_cast %get3A_896 : vector<1x16xf32> to vector<16xf32>
        %mul3A_898 = arith.constant 2 : i32
        %mul3A_899 = arith.muli %mul3A_898, %add3A_735 : i32
        %add3A_900 = arith.constant 1 : i32
        %add3A_901 = arith.addi %mul3A_899, %add3A_900 : i32
        %get3A_902 = arith.index_cast %add3A_901 : i32 to index
        %get3A_903 = arith.constant 112 : index
        %get3A_904 = tpu.vector_load %arg9[%get3A_902, %get3A_903] {strides = array<i32>} : memref<256x128xf32, #tpu.memory_space<vmem>>, vector<1x16xf32>,
        %get3A_905 = vector.shape_cast %get3A_904 : vector<1x16xf32> to vector<16xf32>
        %add3A_906 = arith.addf %get3A_897, %get3A_905 : vector<16xf32>
        %swap3A_907 = arith.index_cast %add3A_735 : i32 to index
        %swap3A_908 = arith.constant 112 : index
        %swap3A_909 = tpu.vector_load %arg8[%swap3A_907, %swap3A_908] {strides = array<i32>} : memref<256x128xf32, #tpu.memory_space<vmem>>, vector<1x16xf32>,
        %swap3A_910 = vector.shape_cast %swap3A_909 : vector<1x16xf32> to vector<16xf32>
        %swap3A_911 = vector.shape_cast %add3A_906 : vector<16xf32> to vector<1x16xf32>
        tpu.vector_store %arg8[%swap3A_907, %swap3A_908], %swap3A_911 {strides = array<i32>} : memref<256x128xf32, #tpu.memory_space<vmem>>, vector<1x16xf32>,
        %scan3A_912 = arith.constant 3 : i32
        %scan3A_913 = arith.addi %scan3A_369, %scan3A_912 : i32
        %mul3A_914 = arith.constant 1 : i32
        %mul3A_915 = arith.muli %scan3A_913, %mul3A_914 : i32
        %add3A_916 = arith.constant 0 : i32
        %add3A_917 = arith.addi %add3A_916, %mul3A_915 : i32
        %mul3A_918 = arith.constant 2 : i32
        %mul3A_919 = arith.muli %mul3A_918, %add3A_917 : i32
        %add3A_920 = arith.constant 0 : i32
        %add3A_921 = arith.addi %mul3A_919, %add3A_920 : i32
        %get3A_922 = arith.index_cast %add3A_921 : i32 to index
        %get3A_923 = arith.constant 0 : index
        %get3A_924 = tpu.vector_load %arg8[%get3A_922, %get3A_923] {strides = array<i32>} : memref<256x128xf32, #tpu.memory_space<vmem>>, vector<1x16xf32>,
        %get3A_925 = vector.shape_cast %get3A_924 : vector<1x16xf32> to vector<16xf32>
        %mul3A_926 = arith.constant 2 : i32
        %mul3A_927 = arith.muli %mul3A_926, %add3A_917 : i32
        %add3A_928 = arith.constant 0 : i32
        %add3A_929 = arith.addi %mul3A_927, %add3A_928 : i32
        %get3A_930 = arith.index_cast %add3A_929 : i32 to index
        %get3A_931 = arith.constant 64 : index
        %get3A_932 = tpu.vector_load %arg9[%get3A_930, %get3A_931] {strides = array<i32>} : memref<256x128xf32, #tpu.memory_space<vmem>>, vector<1x16xf32>,
        %get3A_933 = vector.shape_cast %get3A_932 : vector<1x16xf32> to vector<16xf32>
        %add3A_934 = arith.addf %get3A_925, %get3A_933 : vector<16xf32>
        %swap3A_935 = arith.index_cast %add3A_917 : i32 to index
        %swap3A_936 = arith.constant 0 : index
        %swap3A_937 = tpu.vector_load %arg8[%swap3A_935, %swap3A_936] {strides = array<i32>} : memref<256x128xf32, #tpu.memory_space<vmem>>, vector<1x16xf32>,
        %swap3A_938 = vector.shape_cast %swap3A_937 : vector<1x16xf32> to vector<16xf32>
        %swap3A_939 = vector.shape_cast %add3A_934 : vector<16xf32> to vector<1x16xf32>
        tpu.vector_store %arg8[%swap3A_935, %swap3A_936], %swap3A_939 {strides = array<i32>} : memref<256x128xf32, #tpu.memory_space<vmem>>, vector<1x16xf32>,
        %mul3A_940 = arith.constant 2 : i32
        %mul3A_941 = arith.muli %mul3A_940, %add3A_917 : i32
        %add3A_942 = arith.constant 0 : i32
        %add3A_943 = arith.addi %mul3A_941, %add3A_942 : i32
        %get3A_944 = arith.index_cast %add3A_943 : i32 to index
        %get3A_945 = arith.constant 16 : index
        %get3A_946 = tpu.vector_load %arg8[%get3A_944, %get3A_945] {strides = array<i32>} : memref<256x128xf32, #tpu.memory_space<vmem>>, vector<1x16xf32>,
        %get3A_947 = vector.shape_cast %get3A_946 : vector<1x16xf32> to vector<16xf32>
        %mul3A_948 = arith.constant 2 : i32
        %mul3A_949 = arith.muli %mul3A_948, %add3A_917 : i32
        %add3A_950 = arith.constant 0 : i32
        %add3A_951 = arith.addi %mul3A_949, %add3A_950 : i32
        %get3A_952 = arith.index_cast %add3A_951 : i32 to index
        %get3A_953 = arith.constant 80 : index
        %get3A_954 = tpu.vector_load %arg9[%get3A_952, %get3A_953] {strides = array<i32>} : memref<256x128xf32, #tpu.memory_space<vmem>>, vector<1x16xf32>,
        %get3A_955 = vector.shape_cast %get3A_954 : vector<1x16xf32> to vector<16xf32>
        %add3A_956 = arith.addf %get3A_947, %get3A_955 : vector<16xf32>
        %swap3A_957 = arith.index_cast %add3A_917 : i32 to index
        %swap3A_958 = arith.constant 16 : index
        %swap3A_959 = tpu.vector_load %arg8[%swap3A_957, %swap3A_958] {strides = array<i32>} : memref<256x128xf32, #tpu.memory_space<vmem>>, vector<1x16xf32>,
        %swap3A_960 = vector.shape_cast %swap3A_959 : vector<1x16xf32> to vector<16xf32>
        %swap3A_961 = vector.shape_cast %add3A_956 : vector<16xf32> to vector<1x16xf32>
        tpu.vector_store %arg8[%swap3A_957, %swap3A_958], %swap3A_961 {strides = array<i32>} : memref<256x128xf32, #tpu.memory_space<vmem>>, vector<1x16xf32>,
        %mul3A_962 = arith.constant 2 : i32
        %mul3A_963 = arith.muli %mul3A_962, %add3A_917 : i32
        %add3A_964 = arith.constant 0 : i32
        %add3A_965 = arith.addi %mul3A_963, %add3A_964 : i32
        %get3A_966 = arith.index_cast %add3A_965 : i32 to index
        %get3A_967 = arith.constant 32 : index
        %get3A_968 = tpu.vector_load %arg8[%get3A_966, %get3A_967] {strides = array<i32>} : memref<256x128xf32, #tpu.memory_space<vmem>>, vector<1x16xf32>,
        %get3A_969 = vector.shape_cast %get3A_968 : vector<1x16xf32> to vector<16xf32>
        %mul3A_970 = arith.constant 2 : i32
        %mul3A_971 = arith.muli %mul3A_970, %add3A_917 : i32
        %add3A_972 = arith.constant 0 : i32
        %add3A_973 = arith.addi %mul3A_971, %add3A_972 : i32
        %get3A_974 = arith.index_cast %add3A_973 : i32 to index
        %get3A_975 = arith.constant 96 : index
        %get3A_976 = tpu.vector_load %arg9[%get3A_974, %get3A_975] {strides = array<i32>} : memref<256x128xf32, #tpu.memory_space<vmem>>, vector<1x16xf32>,
        %get3A_977 = vector.shape_cast %get3A_976 : vector<1x16xf32> to vector<16xf32>
        %add3A_978 = arith.addf %get3A_969, %get3A_977 : vector<16xf32>
        %swap3A_979 = arith.index_cast %add3A_917 : i32 to index
        %swap3A_980 = arith.constant 32 : index
        %swap3A_981 = tpu.vector_load %arg8[%swap3A_979, %swap3A_980] {strides = array<i32>} : memref<256x128xf32, #tpu.memory_space<vmem>>, vector<1x16xf32>,
        %swap3A_982 = vector.shape_cast %swap3A_981 : vector<1x16xf32> to vector<16xf32>
        %swap3A_983 = vector.shape_cast %add3A_978 : vector<16xf32> to vector<1x16xf32>
        tpu.vector_store %arg8[%swap3A_979, %swap3A_980], %swap3A_983 {strides = array<i32>} : memref<256x128xf32, #tpu.memory_space<vmem>>, vector<1x16xf32>,
        %mul3A_984 = arith.constant 2 : i32
        %mul3A_985 = arith.muli %mul3A_984, %add3A_917 : i32
        %add3A_986 = arith.constant 0 : i32
        %add3A_987 = arith.addi %mul3A_985, %add3A_986 : i32
        %get3A_988 = arith.index_cast %add3A_987 : i32 to index
        %get3A_989 = arith.constant 48 : index
        %get3A_990 = tpu.vector_load %arg8[%get3A_988, %get3A_989] {strides = array<i32>} : memref<256x128xf32, #tpu.memory_space<vmem>>, vector<1x16xf32>,
        %get3A_991 = vector.shape_cast %get3A_990 : vector<1x16xf32> to vector<16xf32>
        %mul3A_992 = arith.constant 2 : i32
        %mul3A_993 = arith.muli %mul3A_992, %add3A_917 : i32
        %add3A_994 = arith.constant 0 : i32
        %add3A_995 = arith.addi %mul3A_993, %add3A_994 : i32
        %get3A_996 = arith.index_cast %add3A_995 : i32 to index
        %get3A_997 = arith.constant 112 : index
        %get3A_998 = tpu.vector_load %arg9[%get3A_996, %get3A_997] {strides = array<i32>} : memref<256x128xf32, #tpu.memory_space<vmem>>, vector<1x16xf32>,
        %get3A_999 = vector.shape_cast %get3A_998 : vector<1x16xf32> to vector<16xf32>
        %add3A_1000 = arith.addf %get3A_991, %get3A_999 : vector<16xf32>
        %swap3A_1001 = arith.index_cast %add3A_917 : i32 to index
        %swap3A_1002 = arith.constant 48 : index
        %swap3A_1003 = tpu.vector_load %arg8[%swap3A_1001, %swap3A_1002] {strides = array<i32>} : memref<256x128xf32, #tpu.memory_space<vmem>>, vector<1x16xf32>,
        %swap3A_1004 = vector.shape_cast %swap3A_1003 : vector<1x16xf32> to vector<16xf32>
        %swap3A_1005 = vector.shape_cast %add3A_1000 : vector<16xf32> to vector<1x16xf32>
        tpu.vector_store %arg8[%swap3A_1001, %swap3A_1002], %swap3A_1005 {strides = array<i32>} : memref<256x128xf32, #tpu.memory_space<vmem>>, vector<1x16xf32>,
        %mul3A_1006 = arith.constant 2 : i32
        %mul3A_1007 = arith.muli %mul3A_1006, %add3A_917 : i32
        %add3A_1008 = arith.constant 1 : i32
        %add3A_1009 = arith.addi %mul3A_1007, %add3A_1008 : i32
        %get3A_1010 = arith.index_cast %add3A_1009 : i32 to index
        %get3A_1011 = arith.constant 0 : index
        %get3A_1012 = tpu.vector_load %arg8[%get3A_1010, %get3A_1011] {strides = array<i32>} : memref<256x128xf32, #tpu.memory_space<vmem>>, vector<1x16xf32>,
        %get3A_1013 = vector.shape_cast %get3A_1012 : vector<1x16xf32> to vector<16xf32>
        %mul3A_1014 = arith.constant 2 : i32
        %mul3A_1015 = arith.muli %mul3A_1014, %add3A_917 : i32
        %add3A_1016 = arith.constant 1 : i32
        %add3A_1017 = arith.addi %mul3A_1015, %add3A_1016 : i32
        %get3A_1018 = arith.index_cast %add3A_1017 : i32 to index
        %get3A_1019 = arith.constant 64 : index
        %get3A_1020 = tpu.vector_load %arg9[%get3A_1018, %get3A_1019] {strides = array<i32>} : memref<256x128xf32, #tpu.memory_space<vmem>>, vector<1x16xf32>,
        %get3A_1021 = vector.shape_cast %get3A_1020 : vector<1x16xf32> to vector<16xf32>
        %add3A_1022 = arith.addf %get3A_1013, %get3A_1021 : vector<16xf32>
        %swap3A_1023 = arith.index_cast %add3A_917 : i32 to index
        %swap3A_1024 = arith.constant 64 : index
        %swap3A_1025 = tpu.vector_load %arg8[%swap3A_1023, %swap3A_1024] {strides = array<i32>} : memref<256x128xf32, #tpu.memory_space<vmem>>, vector<1x16xf32>,
        %swap3A_1026 = vector.shape_cast %swap3A_1025 : vector<1x16xf32> to vector<16xf32>
        %swap3A_1027 = vector.shape_cast %add3A_1022 : vector<16xf32> to vector<1x16xf32>
        tpu.vector_store %arg8[%swap3A_1023, %swap3A_1024], %swap3A_1027 {strides = array<i32>} : memref<256x128xf32, #tpu.memory_space<vmem>>, vector<1x16xf32>,
        %mul3A_1028 = arith.constant 2 : i32
        %mul3A_1029 = arith.muli %mul3A_1028, %add3A_917 : i32
        %add3A_1030 = arith.constant 1 : i32
        %add3A_1031 = arith.addi %mul3A_1029, %add3A_1030 : i32
        %get3A_1032 = arith.index_cast %add3A_1031 : i32 to index
        %get3A_1033 = arith.constant 16 : index
        %get3A_1034 = tpu.vector_load %arg8[%get3A_1032, %get3A_1033] {strides = array<i32>} : memref<256x128xf32, #tpu.memory_space<vmem>>, vector<1x16xf32>,
        %get3A_1035 = vector.shape_cast %get3A_1034 : vector<1x16xf32> to vector<16xf32>
        %mul3A_1036 = arith.constant 2 : i32
        %mul3A_1037 = arith.muli %mul3A_1036, %add3A_917 : i32
        %add3A_1038 = arith.constant 1 : i32
        %add3A_1039 = arith.addi %mul3A_1037, %add3A_1038 : i32
        %get3A_1040 = arith.index_cast %add3A_1039 : i32 to index
        %get3A_1041 = arith.constant 80 : index
        %get3A_1042 = tpu.vector_load %arg9[%get3A_1040, %get3A_1041] {strides = array<i32>} : memref<256x128xf32, #tpu.memory_space<vmem>>, vector<1x16xf32>,
        %get3A_1043 = vector.shape_cast %get3A_1042 : vector<1x16xf32> to vector<16xf32>
        %add3A_1044 = arith.addf %get3A_1035, %get3A_1043 : vector<16xf32>
        %swap3A_1045 = arith.index_cast %add3A_917 : i32 to index
        %swap3A_1046 = arith.constant 80 : index
        %swap3A_1047 = tpu.vector_load %arg8[%swap3A_1045, %swap3A_1046] {strides = array<i32>} : memref<256x128xf32, #tpu.memory_space<vmem>>, vector<1x16xf32>,
        %swap3A_1048 = vector.shape_cast %swap3A_1047 : vector<1x16xf32> to vector<16xf32>
        %swap3A_1049 = vector.shape_cast %add3A_1044 : vector<16xf32> to vector<1x16xf32>
        tpu.vector_store %arg8[%swap3A_1045, %swap3A_1046], %swap3A_1049 {strides = array<i32>} : memref<256x128xf32, #tpu.memory_space<vmem>>, vector<1x16xf32>,
        %mul3A_1050 = arith.constant 2 : i32
        %mul3A_1051 = arith.muli %mul3A_1050, %add3A_917 : i32
        %add3A_1052 = arith.constant 1 : i32
        %add3A_1053 = arith.addi %mul3A_1051, %add3A_1052 : i32
        %get3A_1054 = arith.index_cast %add3A_1053 : i32 to index
        %get3A_1055 = arith.constant 32 : index
        %get3A_1056 = tpu.vector_load %arg8[%get3A_1054, %get3A_1055] {strides = array<i32>} : memref<256x128xf32, #tpu.memory_space<vmem>>, vector<1x16xf32>,
        %get3A_1057 = vector.shape_cast %get3A_1056 : vector<1x16xf32> to vector<16xf32>
        %mul3A_1058 = arith.constant 2 : i32
        %mul3A_1059 = arith.muli %mul3A_1058, %add3A_917 : i32
        %add3A_1060 = arith.constant 1 : i32
        %add3A_1061 = arith.addi %mul3A_1059, %add3A_1060 : i32
        %get3A_1062 = arith.index_cast %add3A_1061 : i32 to index
        %get3A_1063 = arith.constant 96 : index
        %get3A_1064 = tpu.vector_load %arg9[%get3A_1062, %get3A_1063] {strides = array<i32>} : memref<256x128xf32, #tpu.memory_space<vmem>>, vector<1x16xf32>,
        %get3A_1065 = vector.shape_cast %get3A_1064 : vector<1x16xf32> to vector<16xf32>
        %add3A_1066 = arith.addf %get3A_1057, %get3A_1065 : vector<16xf32>
        %swap3A_1067 = arith.index_cast %add3A_917 : i32 to index
        %swap3A_1068 = arith.constant 96 : index
        %swap3A_1069 = tpu.vector_load %arg8[%swap3A_1067, %swap3A_1068] {strides = array<i32>} : memref<256x128xf32, #tpu.memory_space<vmem>>, vector<1x16xf32>,
        %swap3A_1070 = vector.shape_cast %swap3A_1069 : vector<1x16xf32> to vector<16xf32>
        %swap3A_1071 = vector.shape_cast %add3A_1066 : vector<16xf32> to vector<1x16xf32>
        tpu.vector_store %arg8[%swap3A_1067, %swap3A_1068], %swap3A_1071 {strides = array<i32>} : memref<256x128xf32, #tpu.memory_space<vmem>>, vector<1x16xf32>,
        %mul3A_1072 = arith.constant 2 : i32
        %mul3A_1073 = arith.muli %mul3A_1072, %add3A_917 : i32
        %add3A_1074 = arith.constant 1 : i32
        %add3A_1075 = arith.addi %mul3A_1073, %add3A_1074 : i32
        %get3A_1076 = arith.index_cast %add3A_1075 : i32 to index
        %get3A_1077 = arith.constant 48 : index
        %get3A_1078 = tpu.vector_load %arg8[%get3A_1076, %get3A_1077] {strides = array<i32>} : memref<256x128xf32, #tpu.memory_space<vmem>>, vector<1x16xf32>,
        %get3A_1079 = vector.shape_cast %get3A_1078 : vector<1x16xf32> to vector<16xf32>
        %mul3A_1080 = arith.constant 2 : i32
        %mul3A_1081 = arith.muli %mul3A_1080, %add3A_917 : i32
        %add3A_1082 = arith.constant 1 : i32
        %add3A_1083 = arith.addi %mul3A_1081, %add3A_1082 : i32
        %get3A_1084 = arith.index_cast %add3A_1083 : i32 to index
        %get3A_1085 = arith.constant 112 : index
        %get3A_1086 = tpu.vector_load %arg9[%get3A_1084, %get3A_1085] {strides = array<i32>} : memref<256x128xf32, #tpu.memory_space<vmem>>, vector<1x16xf32>,
        %get3A_1087 = vector.shape_cast %get3A_1086 : vector<1x16xf32> to vector<16xf32>
        %add3A_1088 = arith.addf %get3A_1079, %get3A_1087 : vector<16xf32>
        %swap3A_1089 = arith.index_cast %add3A_917 : i32 to index
        %swap3A_1090 = arith.constant 112 : index
        %swap3A_1091 = tpu.vector_load %arg8[%swap3A_1089, %swap3A_1090] {strides = array<i32>} : memref<256x128xf32, #tpu.memory_space<vmem>>, vector<1x16xf32>,
        %swap3A_1092 = vector.shape_cast %swap3A_1091 : vector<1x16xf32> to vector<16xf32>
        %swap3A_1093 = vector.shape_cast %add3A_1088 : vector<16xf32> to vector<1x16xf32>
        tpu.vector_store %arg8[%swap3A_1089, %swap3A_1090], %swap3A_1093 {strides = array<i32>} : memref<256x128xf32, #tpu.memory_space<vmem>>, vector<1x16xf32>,
      }
      %scan3A_275 = arith.constant 128 : i32
      %add3A_276 = arith.constant 4 : i32
      %add3A_277 = arith.addi %add3A_14, %add3A_276 : i32
      %mul3A_278 = arith.constant 64 : i32
      %mul3A_279 = arith.muli %add3A_277, %mul3A_278 : i32
      "tpu.region"() ({
        %run_scoped3A = tpu.sem_alloc : memref<!tpu.dma_semaphore, #tpu.memory_space<semaphore_mem>>
        %dma_start3A_369 = arith.constant 0 : i32
        %dma_start3A_370 = arith.constant 0 : i32
        %dma_start3A_371 = tpu.memref_slice %arg8[%dma_start3A_369, %dma_start3A_370] : memref<256x128xf32, #tpu.memory_space<vmem>> -> memref<128x128xf32, #tpu.memory_space<vmem>>
        %dma_start3A_372 = arith.constant 0 : i32
        %dma_start3A_373 = tpu.memref_slice %arg5[%mul3A_279, %dma_start3A_372] : memref<409600x128xf32, #tpu.memory_space<hbm>> -> memref<128x128xf32, #tpu.memory_space<hbm>>
        %dma_start3A_374 = arith.constant 0 : i32
        %dma_start3A_375 = tpu.memref_slice %arg5[%mul3A_279, %dma_start3A_374] : memref<409600x128xf32, #tpu.memory_space<hbm>> -> memref<128x128xf32, #tpu.memory_space<hbm>>
        %dma_start3A_376 = arith.constant 0 : i32
        %dma_start3A_377 = arith.constant 0 : i32
        %dma_start3A_378 = tpu.memref_slice %arg8[%dma_start3A_376, %dma_start3A_377] : memref<256x128xf32, #tpu.memory_space<vmem>> -> memref<128x128xf32, #tpu.memory_space<vmem>>
        tpu.enqueue_dma source(%dma_start3A_378 : memref<128x128xf32, #tpu.memory_space<vmem>>) target(%dma_start3A_375 : memref<128x128xf32, #tpu.memory_space<hbm>>) target_semaphore(%run_scoped3A : memref<!tpu.dma_semaphore, #tpu.memory_space<semaphore_mem>>)
        %dma_wait3A_379 = arith.constant 0 : i32
        %dma_wait3A_380 = arith.constant 0 : i32
        %dma_wait3A_381 = tpu.memref_slice %arg8[%dma_wait3A_379, %dma_wait3A_380] : memref<256x128xf32, #tpu.memory_space<vmem>> -> memref<128x128xf32, #tpu.memory_space<vmem>>
        %dma_wait3A_382 = arith.constant 0 : i32
        %dma_wait3A_383 = tpu.memref_slice %arg5[%mul3A_279, %dma_wait3A_382] : memref<409600x128xf32, #tpu.memory_space<hbm>> -> memref<128x128xf32, #tpu.memory_space<hbm>>
        %dma_wait3A_384 = arith.constant 0 : i32
        %dma_wait3A_385 = tpu.memref_slice %arg5[%mul3A_279, %dma_wait3A_384] : memref<409600x128xf32, #tpu.memory_space<hbm>> -> memref<128x128xf32, #tpu.memory_space<hbm>>
        %dma_wait3A_386 = arith.constant 0 : i32
        %dma_wait3A_387 = arith.constant 0 : i32
        %dma_wait3A_388 = tpu.memref_slice %arg8[%dma_wait3A_386, %dma_wait3A_387] : memref<256x128xf32, #tpu.memory_space<vmem>> -> memref<128x128xf32, #tpu.memory_space<vmem>>
        tpu.wait_dma2 semaphore(%run_scoped3A : memref<!tpu.dma_semaphore, #tpu.memory_space<semaphore_mem>>) src(%dma_wait3A_388 : memref<128x128xf32, #tpu.memory_space<vmem>>) dst(%dma_wait3A_385 : memref<128x128xf32, #tpu.memory_space<hbm>>)
        tpu.yield
      }) : () -> ()
      %dma_start3A_280 = arith.constant 6 : i32
      %dma_start3A_281 = arith.constant 0 : i32
      %dma_start3A_282 = arith.constant 0 : i32
      %dma_start3A_283 = tpu.memref_slice %arg8[%dma_start3A_281, %dma_start3A_282] : memref<256x128xf32, #tpu.memory_space<vmem>> -> memref<128x128xf32, #tpu.memory_space<vmem>>
      %dma_start3A_284 = arith.constant 0 : i32
      %dma_start3A_285 = tpu.memref_slice %arg6[%dma_start3A_280, %dma_start3A_284] : memref<8x128xi32, #tpu.memory_space<vmem>> -> memref<1x128xi32, #tpu.memory_space<vmem>>
      %dma_start3A_286 = tpu.memref_squeeze %dma_start3A_285 : memref<1x128xi32, #tpu.memory_space<vmem>> -> memref<128xi32, #tpu.memory_space<vmem>>
      %dma_start3A_287 = arith.constant 0 : i32
      %dma_start3A_288 = arith.constant 0 : i32
      %dma_start3A_289 = tpu.memref_slice %arg2[%dma_start3A_287, %dma_start3A_288] : memref<50008x128xf32, #tpu.memory_space<hbm>> -> memref<50008x128xf32, #tpu.memory_space<hbm>>
      tpu.enqueue_indirect_dma source(%dma_start3A_289 : memref<50008x128xf32, #tpu.memory_space<hbm>>) target(%dma_start3A_283 : memref<128x128xf32, #tpu.memory_space<vmem>>) offsets(%dma_start3A_286 : memref<128xi32, #tpu.memory_space<vmem>>) semaphore(%arg10 : memref<!tpu.dma_semaphore, #tpu.memory_space<semaphore_mem>>)
      %dma_start3A_290 = arith.constant 6 : i32
      %dma_start3A_291 = arith.constant 0 : i32
      %dma_start3A_292 = arith.constant 0 : i32
      %dma_start3A_293 = tpu.memref_slice %arg9[%dma_start3A_291, %dma_start3A_292] : memref<256x128xf32, #tpu.memory_space<vmem>> -> memref<128x128xf32, #tpu.memory_space<vmem>>
      %dma_start3A_294 = arith.constant 0 : i32
      %dma_start3A_295 = tpu.memref_slice %arg7[%dma_start3A_290, %dma_start3A_294] : memref<8x128xi32, #tpu.memory_space<vmem>> -> memref<1x128xi32, #tpu.memory_space<vmem>>
      %dma_start3A_296 = tpu.memref_squeeze %dma_start3A_295 : memref<1x128xi32, #tpu.memory_space<vmem>> -> memref<128xi32, #tpu.memory_space<vmem>>
      %dma_start3A_297 = arith.constant 0 : i32
      %dma_start3A_298 = arith.constant 0 : i32
      %dma_start3A_299 = tpu.memref_slice %arg2[%dma_start3A_297, %dma_start3A_298] : memref<50008x128xf32, #tpu.memory_space<hbm>> -> memref<50008x128xf32, #tpu.memory_space<hbm>>
      tpu.enqueue_indirect_dma source(%dma_start3A_299 : memref<50008x128xf32, #tpu.memory_space<hbm>>) target(%dma_start3A_293 : memref<128x128xf32, #tpu.memory_space<vmem>>) offsets(%dma_start3A_296 : memref<128xi32, #tpu.memory_space<vmem>>) semaphore(%arg11 : memref<!tpu.dma_semaphore, #tpu.memory_space<semaphore_mem>>)
      %dma_start3A_300 = arith.constant 7 : i32
      %dma_start3A_301 = arith.constant 128 : i32
      %dma_start3A_302 = arith.constant 0 : i32
      %dma_start3A_303 = tpu.memref_slice %arg8[%dma_start3A_301, %dma_start3A_302] : memref<256x128xf32, #tpu.memory_space<vmem>> -> memref<128x128xf32, #tpu.memory_space<vmem>>
      %dma_start3A_304 = arith.constant 0 : i32
      %dma_start3A_305 = tpu.memref_slice %arg6[%dma_start3A_300, %dma_start3A_304] : memref<8x128xi32, #tpu.memory_space<vmem>> -> memref<1x128xi32, #tpu.memory_space<vmem>>
      %dma_start3A_306 = tpu.memref_squeeze %dma_start3A_305 : memref<1x128xi32, #tpu.memory_space<vmem>> -> memref<128xi32, #tpu.memory_space<vmem>>
      %dma_start3A_307 = arith.constant 0 : i32
      %dma_start3A_308 = arith.constant 0 : i32
      %dma_start3A_309 = tpu.memref_slice %arg2[%dma_start3A_307, %dma_start3A_308] : memref<50008x128xf32, #tpu.memory_space<hbm>> -> memref<50008x128xf32, #tpu.memory_space<hbm>>
      tpu.enqueue_indirect_dma source(%dma_start3A_309 : memref<50008x128xf32, #tpu.memory_space<hbm>>) target(%dma_start3A_303 : memref<128x128xf32, #tpu.memory_space<vmem>>) offsets(%dma_start3A_306 : memref<128xi32, #tpu.memory_space<vmem>>) semaphore(%arg10 : memref<!tpu.dma_semaphore, #tpu.memory_space<semaphore_mem>>)
      %dma_start3A_310 = arith.constant 7 : i32
      %dma_start3A_311 = arith.constant 128 : i32
      %dma_start3A_312 = arith.constant 0 : i32
      %dma_start3A_313 = tpu.memref_slice %arg9[%dma_start3A_311, %dma_start3A_312] : memref<256x128xf32, #tpu.memory_space<vmem>> -> memref<128x128xf32, #tpu.memory_space<vmem>>
      %dma_start3A_314 = arith.constant 0 : i32
      %dma_start3A_315 = tpu.memref_slice %arg7[%dma_start3A_310, %dma_start3A_314] : memref<8x128xi32, #tpu.memory_space<vmem>> -> memref<1x128xi32, #tpu.memory_space<vmem>>
      %dma_start3A_316 = tpu.memref_squeeze %dma_start3A_315 : memref<1x128xi32, #tpu.memory_space<vmem>> -> memref<128xi32, #tpu.memory_space<vmem>>
      %dma_start3A_317 = arith.constant 0 : i32
      %dma_start3A_318 = arith.constant 0 : i32
      %dma_start3A_319 = tpu.memref_slice %arg2[%dma_start3A_317, %dma_start3A_318] : memref<50008x128xf32, #tpu.memory_space<hbm>> -> memref<50008x128xf32, #tpu.memory_space<hbm>>
      tpu.enqueue_indirect_dma source(%dma_start3A_319 : memref<50008x128xf32, #tpu.memory_space<hbm>>) target(%dma_start3A_313 : memref<128x128xf32, #tpu.memory_space<vmem>>) offsets(%dma_start3A_316 : memref<128xi32, #tpu.memory_space<vmem>>) semaphore(%arg11 : memref<!tpu.dma_semaphore, #tpu.memory_space<semaphore_mem>>)
      %dma_wait3A_320 = arith.constant 6 : i32
      %dma_wait3A_321 = arith.constant 0 : i32
      %dma_wait3A_322 = arith.constant 0 : i32
      %dma_wait3A_323 = tpu.memref_slice %arg8[%dma_wait3A_321, %dma_wait3A_322] : memref<256x128xf32, #tpu.memory_space<vmem>> -> memref<128x128xf32, #tpu.memory_space<vmem>>
      %dma_wait3A_324 = arith.constant 0 : i32
      %dma_wait3A_325 = tpu.memref_slice %arg6[%dma_wait3A_320, %dma_wait3A_324] : memref<8x128xi32, #tpu.memory_space<vmem>> -> memref<1x128xi32, #tpu.memory_space<vmem>>
      %dma_wait3A_326 = tpu.memref_squeeze %dma_wait3A_325 : memref<1x128xi32, #tpu.memory_space<vmem>> -> memref<128xi32, #tpu.memory_space<vmem>>
      %dma_wait3A_327 = arith.constant 0 : i32
      %dma_wait3A_328 = arith.constant 0 : i32
      %dma_wait3A_329 = tpu.memref_slice %arg2[%dma_wait3A_327, %dma_wait3A_328] : memref<50008x128xf32, #tpu.memory_space<hbm>> -> memref<50008x128xf32, #tpu.memory_space<hbm>>
      tpu.wait_indirect_dma semaphore(%arg10 : memref<!tpu.dma_semaphore, #tpu.memory_space<semaphore_mem>>) src(%dma_wait3A_329 : memref<50008x128xf32, #tpu.memory_space<hbm>>) dst(%dma_wait3A_323 : memref<128x128xf32, #tpu.memory_space<vmem>>)
      %dma_wait3A_330 = arith.constant 6 : i32
      %dma_wait3A_331 = arith.constant 0 : i32
      %dma_wait3A_332 = arith.constant 0 : i32
      %dma_wait3A_333 = tpu.memref_slice %arg9[%dma_wait3A_331, %dma_wait3A_332] : memref<256x128xf32, #tpu.memory_space<vmem>> -> memref<128x128xf32, #tpu.memory_space<vmem>>
      %dma_wait3A_334 = arith.constant 0 : i32
      %dma_wait3A_335 = tpu.memref_slice %arg7[%dma_wait3A_330, %dma_wait3A_334] : memref<8x128xi32, #tpu.memory_space<vmem>> -> memref<1x128xi32, #tpu.memory_space<vmem>>
      %dma_wait3A_336 = tpu.memref_squeeze %dma_wait3A_335 : memref<1x128xi32, #tpu.memory_space<vmem>> -> memref<128xi32, #tpu.memory_space<vmem>>
      %dma_wait3A_337 = arith.constant 0 : i32
      %dma_wait3A_338 = arith.constant 0 : i32
      %dma_wait3A_339 = tpu.memref_slice %arg2[%dma_wait3A_337, %dma_wait3A_338] : memref<50008x128xf32, #tpu.memory_space<hbm>> -> memref<50008x128xf32, #tpu.memory_space<hbm>>
      tpu.wait_indirect_dma semaphore(%arg11 : memref<!tpu.dma_semaphore, #tpu.memory_space<semaphore_mem>>) src(%dma_wait3A_339 : memref<50008x128xf32, #tpu.memory_space<hbm>>) dst(%dma_wait3A_333 : memref<128x128xf32, #tpu.memory_space<vmem>>)
      %dma_wait3A_340 = arith.constant 7 : i32
      %dma_wait3A_341 = arith.constant 128 : i32
      %dma_wait3A_342 = arith.constant 0 : i32
      %dma_wait3A_343 = tpu.memref_slice %arg8[%dma_wait3A_341, %dma_wait3A_342] : memref<256x128xf32, #tpu.memory_space<vmem>> -> memref<128x128xf32, #tpu.memory_space<vmem>>
      %dma_wait3A_344 = arith.constant 0 : i32
      %dma_wait3A_345 = tpu.memref_slice %arg6[%dma_wait3A_340, %dma_wait3A_344] : memref<8x128xi32, #tpu.memory_space<vmem>> -> memref<1x128xi32, #tpu.memory_space<vmem>>
      %dma_wait3A_346 = tpu.memref_squeeze %dma_wait3A_345 : memref<1x128xi32, #tpu.memory_space<vmem>> -> memref<128xi32, #tpu.memory_space<vmem>>
      %dma_wait3A_347 = arith.constant 0 : i32
      %dma_wait3A_348 = arith.constant 0 : i32
      %dma_wait3A_349 = tpu.memref_slice %arg2[%dma_wait3A_347, %dma_wait3A_348] : memref<50008x128xf32, #tpu.memory_space<hbm>> -> memref<50008x128xf32, #tpu.memory_space<hbm>>
      tpu.wait_indirect_dma semaphore(%arg10 : memref<!tpu.dma_semaphore, #tpu.memory_space<semaphore_mem>>) src(%dma_wait3A_349 : memref<50008x128xf32, #tpu.memory_space<hbm>>) dst(%dma_wait3A_343 : memref<128x128xf32, #tpu.memory_space<vmem>>)
      %dma_wait3A_350 = arith.constant 7 : i32
      %dma_wait3A_351 = arith.constant 128 : i32
      %dma_wait3A_352 = arith.constant 0 : i32
      %dma_wait3A_353 = tpu.memref_slice %arg9[%dma_wait3A_351, %dma_wait3A_352] : memref<256x128xf32, #tpu.memory_space<vmem>> -> memref<128x128xf32, #tpu.memory_space<vmem>>
      %dma_wait3A_354 = arith.constant 0 : i32
      %dma_wait3A_355 = tpu.memref_slice %arg7[%dma_wait3A_350, %dma_wait3A_354] : memref<8x128xi32, #tpu.memory_space<vmem>> -> memref<1x128xi32, #tpu.memory_space<vmem>>
      %dma_wait3A_356 = tpu.memref_squeeze %dma_wait3A_355 : memref<1x128xi32, #tpu.memory_space<vmem>> -> memref<128xi32, #tpu.memory_space<vmem>>
      %dma_wait3A_357 = arith.constant 0 : i32
      %dma_wait3A_358 = arith.constant 0 : i32
      %dma_wait3A_359 = tpu.memref_slice %arg2[%dma_wait3A_357, %dma_wait3A_358] : memref<50008x128xf32, #tpu.memory_space<hbm>> -> memref<50008x128xf32, #tpu.memory_space<hbm>>
      tpu.wait_indirect_dma semaphore(%arg11 : memref<!tpu.dma_semaphore, #tpu.memory_space<semaphore_mem>>) src(%dma_wait3A_359 : memref<50008x128xf32, #tpu.memory_space<hbm>>) dst(%dma_wait3A_353 : memref<128x128xf32, #tpu.memory_space<vmem>>)
      %scan3A_360 = arith.constant 0 : i32
      %scan3A_361 = arith.constant 128 : i32
      %scan3A_362 = arith.addi %scan3A_360, %scan3A_361 : i32
      %scan3A_363 = arith.constant 4 : i32
      scf.for %scan3A_369 = %scan3A_360 to %scan3A_362 step %scan3A_363  : i32 {
        %mul3A_370 = arith.constant 1 : i32
        %mul3A_371 = arith.muli %scan3A_369, %mul3A_370 : i32
        %add3A_372 = arith.constant 0 : i32
        %add3A_373 = arith.addi %add3A_372, %mul3A_371 : i32
        %mul3A_374 = arith.constant 2 : i32
        %mul3A_375 = arith.muli %mul3A_374, %add3A_373 : i32
        %add3A_376 = arith.constant 0 : i32
        %add3A_377 = arith.addi %mul3A_375, %add3A_376 : i32
        %get3A = arith.index_cast %add3A_377 : i32 to index
        %get3A_378 = arith.constant 0 : index
        %get3A_379 = tpu.vector_load %arg8[%get3A, %get3A_378] {strides = array<i32>} : memref<256x128xf32, #tpu.memory_space<vmem>>, vector<1x16xf32>,
        %get3A_380 = vector.shape_cast %get3A_379 : vector<1x16xf32> to vector<16xf32>
        %mul3A_381 = arith.constant 2 : i32
        %mul3A_382 = arith.muli %mul3A_381, %add3A_373 : i32
        %add3A_383 = arith.constant 0 : i32
        %add3A_384 = arith.addi %mul3A_382, %add3A_383 : i32
        %get3A_385 = arith.index_cast %add3A_384 : i32 to index
        %get3A_386 = arith.constant 64 : index
        %get3A_387 = tpu.vector_load %arg9[%get3A_385, %get3A_386] {strides = array<i32>} : memref<256x128xf32, #tpu.memory_space<vmem>>, vector<1x16xf32>,
        %get3A_388 = vector.shape_cast %get3A_387 : vector<1x16xf32> to vector<16xf32>
        %add3A_389 = arith.addf %get3A_380, %get3A_388 : vector<16xf32>
        %swap3A = arith.index_cast %add3A_373 : i32 to index
        %swap3A_390 = arith.constant 0 : index
        %swap3A_391 = tpu.vector_load %arg8[%swap3A, %swap3A_390] {strides = array<i32>} : memref<256x128xf32, #tpu.memory_space<vmem>>, vector<1x16xf32>,
        %swap3A_392 = vector.shape_cast %swap3A_391 : vector<1x16xf32> to vector<16xf32>
        %swap3A_393 = vector.shape_cast %add3A_389 : vector<16xf32> to vector<1x16xf32>
        tpu.vector_store %arg8[%swap3A, %swap3A_390], %swap3A_393 {strides = array<i32>} : memref<256x128xf32, #tpu.memory_space<vmem>>, vector<1x16xf32>,
        %mul3A_394 = arith.constant 2 : i32
        %mul3A_395 = arith.muli %mul3A_394, %add3A_373 : i32
        %add3A_396 = arith.constant 0 : i32
        %add3A_397 = arith.addi %mul3A_395, %add3A_396 : i32
        %get3A_398 = arith.index_cast %add3A_397 : i32 to index
        %get3A_399 = arith.constant 16 : index
        %get3A_400 = tpu.vector_load %arg8[%get3A_398, %get3A_399] {strides = array<i32>} : memref<256x128xf32, #tpu.memory_space<vmem>>, vector<1x16xf32>,
        %get3A_401 = vector.shape_cast %get3A_400 : vector<1x16xf32> to vector<16xf32>
        %mul3A_402 = arith.constant 2 : i32
        %mul3A_403 = arith.muli %mul3A_402, %add3A_373 : i32
        %add3A_404 = arith.constant 0 : i32
        %add3A_405 = arith.addi %mul3A_403, %add3A_404 : i32
        %get3A_406 = arith.index_cast %add3A_405 : i32 to index
        %get3A_407 = arith.constant 80 : index
        %get3A_408 = tpu.vector_load %arg9[%get3A_406, %get3A_407] {strides = array<i32>} : memref<256x128xf32, #tpu.memory_space<vmem>>, vector<1x16xf32>,
        %get3A_409 = vector.shape_cast %get3A_408 : vector<1x16xf32> to vector<16xf32>
        %add3A_410 = arith.addf %get3A_401, %get3A_409 : vector<16xf32>
        %swap3A_411 = arith.index_cast %add3A_373 : i32 to index
        %swap3A_412 = arith.constant 16 : index
        %swap3A_413 = tpu.vector_load %arg8[%swap3A_411, %swap3A_412] {strides = array<i32>} : memref<256x128xf32, #tpu.memory_space<vmem>>, vector<1x16xf32>,
        %swap3A_414 = vector.shape_cast %swap3A_413 : vector<1x16xf32> to vector<16xf32>
        %swap3A_415 = vector.shape_cast %add3A_410 : vector<16xf32> to vector<1x16xf32>
        tpu.vector_store %arg8[%swap3A_411, %swap3A_412], %swap3A_415 {strides = array<i32>} : memref<256x128xf32, #tpu.memory_space<vmem>>, vector<1x16xf32>,
        %mul3A_416 = arith.constant 2 : i32
        %mul3A_417 = arith.muli %mul3A_416, %add3A_373 : i32
        %add3A_418 = arith.constant 0 : i32
        %add3A_419 = arith.addi %mul3A_417, %add3A_418 : i32
        %get3A_420 = arith.index_cast %add3A_419 : i32 to index
        %get3A_421 = arith.constant 32 : index
        %get3A_422 = tpu.vector_load %arg8[%get3A_420, %get3A_421] {strides = array<i32>} : memref<256x128xf32, #tpu.memory_space<vmem>>, vector<1x16xf32>,
        %get3A_423 = vector.shape_cast %get3A_422 : vector<1x16xf32> to vector<16xf32>
        %mul3A_424 = arith.constant 2 : i32
        %mul3A_425 = arith.muli %mul3A_424, %add3A_373 : i32
        %add3A_426 = arith.constant 0 : i32
        %add3A_427 = arith.addi %mul3A_425, %add3A_426 : i32
        %get3A_428 = arith.index_cast %add3A_427 : i32 to index
        %get3A_429 = arith.constant 96 : index
        %get3A_430 = tpu.vector_load %arg9[%get3A_428, %get3A_429] {strides = array<i32>} : memref<256x128xf32, #tpu.memory_space<vmem>>, vector<1x16xf32>,
        %get3A_431 = vector.shape_cast %get3A_430 : vector<1x16xf32> to vector<16xf32>
        %add3A_432 = arith.addf %get3A_423, %get3A_431 : vector<16xf32>
        %swap3A_433 = arith.index_cast %add3A_373 : i32 to index
        %swap3A_434 = arith.constant 32 : index
        %swap3A_435 = tpu.vector_load %arg8[%swap3A_433, %swap3A_434] {strides = array<i32>} : memref<256x128xf32, #tpu.memory_space<vmem>>, vector<1x16xf32>,
        %swap3A_436 = vector.shape_cast %swap3A_435 : vector<1x16xf32> to vector<16xf32>
        %swap3A_437 = vector.shape_cast %add3A_432 : vector<16xf32> to vector<1x16xf32>
        tpu.vector_store %arg8[%swap3A_433, %swap3A_434], %swap3A_437 {strides = array<i32>} : memref<256x128xf32, #tpu.memory_space<vmem>>, vector<1x16xf32>,
        %mul3A_438 = arith.constant 2 : i32
        %mul3A_439 = arith.muli %mul3A_438, %add3A_373 : i32
        %add3A_440 = arith.constant 0 : i32
        %add3A_441 = arith.addi %mul3A_439, %add3A_440 : i32
        %get3A_442 = arith.index_cast %add3A_441 : i32 to index
        %get3A_443 = arith.constant 48 : index
        %get3A_444 = tpu.vector_load %arg8[%get3A_442, %get3A_443] {strides = array<i32>} : memref<256x128xf32, #tpu.memory_space<vmem>>, vector<1x16xf32>,
        %get3A_445 = vector.shape_cast %get3A_444 : vector<1x16xf32> to vector<16xf32>
        %mul3A_446 = arith.constant 2 : i32
        %mul3A_447 = arith.muli %mul3A_446, %add3A_373 : i32
        %add3A_448 = arith.constant 0 : i32
        %add3A_449 = arith.addi %mul3A_447, %add3A_448 : i32
        %get3A_450 = arith.index_cast %add3A_449 : i32 to index
        %get3A_451 = arith.constant 112 : index
        %get3A_452 = tpu.vector_load %arg9[%get3A_450, %get3A_451] {strides = array<i32>} : memref<256x128xf32, #tpu.memory_space<vmem>>, vector<1x16xf32>,
        %get3A_453 = vector.shape_cast %get3A_452 : vector<1x16xf32> to vector<16xf32>
        %add3A_454 = arith.addf %get3A_445, %get3A_453 : vector<16xf32>
        %swap3A_455 = arith.index_cast %add3A_373 : i32 to index
        %swap3A_456 = arith.constant 48 : index
        %swap3A_457 = tpu.vector_load %arg8[%swap3A_455, %swap3A_456] {strides = array<i32>} : memref<256x128xf32, #tpu.memory_space<vmem>>, vector<1x16xf32>,
        %swap3A_458 = vector.shape_cast %swap3A_457 : vector<1x16xf32> to vector<16xf32>
        %swap3A_459 = vector.shape_cast %add3A_454 : vector<16xf32> to vector<1x16xf32>
        tpu.vector_store %arg8[%swap3A_455, %swap3A_456], %swap3A_459 {strides = array<i32>} : memref<256x128xf32, #tpu.memory_space<vmem>>, vector<1x16xf32>,
        %mul3A_460 = arith.constant 2 : i32
        %mul3A_461 = arith.muli %mul3A_460, %add3A_373 : i32
        %add3A_462 = arith.constant 1 : i32
        %add3A_463 = arith.addi %mul3A_461, %add3A_462 : i32
        %get3A_464 = arith.index_cast %add3A_463 : i32 to index
        %get3A_465 = arith.constant 0 : index
        %get3A_466 = tpu.vector_load %arg8[%get3A_464, %get3A_465] {strides = array<i32>} : memref<256x128xf32, #tpu.memory_space<vmem>>, vector<1x16xf32>,
        %get3A_467 = vector.shape_cast %get3A_466 : vector<1x16xf32> to vector<16xf32>
        %mul3A_468 = arith.constant 2 : i32
        %mul3A_469 = arith.muli %mul3A_468, %add3A_373 : i32
        %add3A_470 = arith.constant 1 : i32
        %add3A_471 = arith.addi %mul3A_469, %add3A_470 : i32
        %get3A_472 = arith.index_cast %add3A_471 : i32 to index
        %get3A_473 = arith.constant 64 : index
        %get3A_474 = tpu.vector_load %arg9[%get3A_472, %get3A_473] {strides = array<i32>} : memref<256x128xf32, #tpu.memory_space<vmem>>, vector<1x16xf32>,
        %get3A_475 = vector.shape_cast %get3A_474 : vector<1x16xf32> to vector<16xf32>
        %add3A_476 = arith.addf %get3A_467, %get3A_475 : vector<16xf32>
        %swap3A_477 = arith.index_cast %add3A_373 : i32 to index
        %swap3A_478 = arith.constant 64 : index
        %swap3A_479 = tpu.vector_load %arg8[%swap3A_477, %swap3A_478] {strides = array<i32>} : memref<256x128xf32, #tpu.memory_space<vmem>>, vector<1x16xf32>,
        %swap3A_480 = vector.shape_cast %swap3A_479 : vector<1x16xf32> to vector<16xf32>
        %swap3A_481 = vector.shape_cast %add3A_476 : vector<16xf32> to vector<1x16xf32>
        tpu.vector_store %arg8[%swap3A_477, %swap3A_478], %swap3A_481 {strides = array<i32>} : memref<256x128xf32, #tpu.memory_space<vmem>>, vector<1x16xf32>,
        %mul3A_482 = arith.constant 2 : i32
        %mul3A_483 = arith.muli %mul3A_482, %add3A_373 : i32
        %add3A_484 = arith.constant 1 : i32
        %add3A_485 = arith.addi %mul3A_483, %add3A_484 : i32
        %get3A_486 = arith.index_cast %add3A_485 : i32 to index
        %get3A_487 = arith.constant 16 : index
        %get3A_488 = tpu.vector_load %arg8[%get3A_486, %get3A_487] {strides = array<i32>} : memref<256x128xf32, #tpu.memory_space<vmem>>, vector<1x16xf32>,
        %get3A_489 = vector.shape_cast %get3A_488 : vector<1x16xf32> to vector<16xf32>
        %mul3A_490 = arith.constant 2 : i32
        %mul3A_491 = arith.muli %mul3A_490, %add3A_373 : i32
        %add3A_492 = arith.constant 1 : i32
        %add3A_493 = arith.addi %mul3A_491, %add3A_492 : i32
        %get3A_494 = arith.index_cast %add3A_493 : i32 to index
        %get3A_495 = arith.constant 80 : index
        %get3A_496 = tpu.vector_load %arg9[%get3A_494, %get3A_495] {strides = array<i32>} : memref<256x128xf32, #tpu.memory_space<vmem>>, vector<1x16xf32>,
        %get3A_497 = vector.shape_cast %get3A_496 : vector<1x16xf32> to vector<16xf32>
        %add3A_498 = arith.addf %get3A_489, %get3A_497 : vector<16xf32>
        %swap3A_499 = arith.index_cast %add3A_373 : i32 to index
        %swap3A_500 = arith.constant 80 : index
        %swap3A_501 = tpu.vector_load %arg8[%swap3A_499, %swap3A_500] {strides = array<i32>} : memref<256x128xf32, #tpu.memory_space<vmem>>, vector<1x16xf32>,
        %swap3A_502 = vector.shape_cast %swap3A_501 : vector<1x16xf32> to vector<16xf32>
        %swap3A_503 = vector.shape_cast %add3A_498 : vector<16xf32> to vector<1x16xf32>
        tpu.vector_store %arg8[%swap3A_499, %swap3A_500], %swap3A_503 {strides = array<i32>} : memref<256x128xf32, #tpu.memory_space<vmem>>, vector<1x16xf32>,
        %mul3A_504 = arith.constant 2 : i32
        %mul3A_505 = arith.muli %mul3A_504, %add3A_373 : i32
        %add3A_506 = arith.constant 1 : i32
        %add3A_507 = arith.addi %mul3A_505, %add3A_506 : i32
        %get3A_508 = arith.index_cast %add3A_507 : i32 to index
        %get3A_509 = arith.constant 32 : index
        %get3A_510 = tpu.vector_load %arg8[%get3A_508, %get3A_509] {strides = array<i32>} : memref<256x128xf32, #tpu.memory_space<vmem>>, vector<1x16xf32>,
        %get3A_511 = vector.shape_cast %get3A_510 : vector<1x16xf32> to vector<16xf32>
        %mul3A_512 = arith.constant 2 : i32
        %mul3A_513 = arith.muli %mul3A_512, %add3A_373 : i32
        %add3A_514 = arith.constant 1 : i32
        %add3A_515 = arith.addi %mul3A_513, %add3A_514 : i32
        %get3A_516 = arith.index_cast %add3A_515 : i32 to index
        %get3A_517 = arith.constant 96 : index
        %get3A_518 = tpu.vector_load %arg9[%get3A_516, %get3A_517] {strides = array<i32>} : memref<256x128xf32, #tpu.memory_space<vmem>>, vector<1x16xf32>,
        %get3A_519 = vector.shape_cast %get3A_518 : vector<1x16xf32> to vector<16xf32>
        %add3A_520 = arith.addf %get3A_511, %get3A_519 : vector<16xf32>
        %swap3A_521 = arith.index_cast %add3A_373 : i32 to index
        %swap3A_522 = arith.constant 96 : index
        %swap3A_523 = tpu.vector_load %arg8[%swap3A_521, %swap3A_522] {strides = array<i32>} : memref<256x128xf32, #tpu.memory_space<vmem>>, vector<1x16xf32>,
        %swap3A_524 = vector.shape_cast %swap3A_523 : vector<1x16xf32> to vector<16xf32>
        %swap3A_525 = vector.shape_cast %add3A_520 : vector<16xf32> to vector<1x16xf32>
        tpu.vector_store %arg8[%swap3A_521, %swap3A_522], %swap3A_525 {strides = array<i32>} : memref<256x128xf32, #tpu.memory_space<vmem>>, vector<1x16xf32>,
        %mul3A_526 = arith.constant 2 : i32
        %mul3A_527 = arith.muli %mul3A_526, %add3A_373 : i32
        %add3A_528 = arith.constant 1 : i32
        %add3A_529 = arith.addi %mul3A_527, %add3A_528 : i32
        %get3A_530 = arith.index_cast %add3A_529 : i32 to index
        %get3A_531 = arith.constant 48 : index
        %get3A_532 = tpu.vector_load %arg8[%get3A_530, %get3A_531] {strides = array<i32>} : memref<256x128xf32, #tpu.memory_space<vmem>>, vector<1x16xf32>,
        %get3A_533 = vector.shape_cast %get3A_532 : vector<1x16xf32> to vector<16xf32>
        %mul3A_534 = arith.constant 2 : i32
        %mul3A_535 = arith.muli %mul3A_534, %add3A_373 : i32
        %add3A_536 = arith.constant 1 : i32
        %add3A_537 = arith.addi %mul3A_535, %add3A_536 : i32
        %get3A_538 = arith.index_cast %add3A_537 : i32 to index
        %get3A_539 = arith.constant 112 : index
        %get3A_540 = tpu.vector_load %arg9[%get3A_538, %get3A_539] {strides = array<i32>} : memref<256x128xf32, #tpu.memory_space<vmem>>, vector<1x16xf32>,
        %get3A_541 = vector.shape_cast %get3A_540 : vector<1x16xf32> to vector<16xf32>
        %add3A_542 = arith.addf %get3A_533, %get3A_541 : vector<16xf32>
        %swap3A_543 = arith.index_cast %add3A_373 : i32 to index
        %swap3A_544 = arith.constant 112 : index
        %swap3A_545 = tpu.vector_load %arg8[%swap3A_543, %swap3A_544] {strides = array<i32>} : memref<256x128xf32, #tpu.memory_space<vmem>>, vector<1x16xf32>,
        %swap3A_546 = vector.shape_cast %swap3A_545 : vector<1x16xf32> to vector<16xf32>
        %swap3A_547 = vector.shape_cast %add3A_542 : vector<16xf32> to vector<1x16xf32>
        tpu.vector_store %arg8[%swap3A_543, %swap3A_544], %swap3A_547 {strides = array<i32>} : memref<256x128xf32, #tpu.memory_space<vmem>>, vector<1x16xf32>,
        %scan3A_548 = arith.constant 1 : i32
        %scan3A_549 = arith.addi %scan3A_369, %scan3A_548 : i32
        %mul3A_550 = arith.constant 1 : i32
        %mul3A_551 = arith.muli %scan3A_549, %mul3A_550 : i32
        %add3A_552 = arith.constant 0 : i32
        %add3A_553 = arith.addi %add3A_552, %mul3A_551 : i32
        %mul3A_554 = arith.constant 2 : i32
        %mul3A_555 = arith.muli %mul3A_554, %add3A_553 : i32
        %add3A_556 = arith.constant 0 : i32
        %add3A_557 = arith.addi %mul3A_555, %add3A_556 : i32
        %get3A_558 = arith.index_cast %add3A_557 : i32 to index
        %get3A_559 = arith.constant 0 : index
        %get3A_560 = tpu.vector_load %arg8[%get3A_558, %get3A_559] {strides = array<i32>} : memref<256x128xf32, #tpu.memory_space<vmem>>, vector<1x16xf32>,
        %get3A_561 = vector.shape_cast %get3A_560 : vector<1x16xf32> to vector<16xf32>
        %mul3A_562 = arith.constant 2 : i32
        %mul3A_563 = arith.muli %mul3A_562, %add3A_553 : i32
        %add3A_564 = arith.constant 0 : i32
        %add3A_565 = arith.addi %mul3A_563, %add3A_564 : i32
        %get3A_566 = arith.index_cast %add3A_565 : i32 to index
        %get3A_567 = arith.constant 64 : index
        %get3A_568 = tpu.vector_load %arg9[%get3A_566, %get3A_567] {strides = array<i32>} : memref<256x128xf32, #tpu.memory_space<vmem>>, vector<1x16xf32>,
        %get3A_569 = vector.shape_cast %get3A_568 : vector<1x16xf32> to vector<16xf32>
        %add3A_570 = arith.addf %get3A_561, %get3A_569 : vector<16xf32>
        %swap3A_571 = arith.index_cast %add3A_553 : i32 to index
        %swap3A_572 = arith.constant 0 : index
        %swap3A_573 = tpu.vector_load %arg8[%swap3A_571, %swap3A_572] {strides = array<i32>} : memref<256x128xf32, #tpu.memory_space<vmem>>, vector<1x16xf32>,
        %swap3A_574 = vector.shape_cast %swap3A_573 : vector<1x16xf32> to vector<16xf32>
        %swap3A_575 = vector.shape_cast %add3A_570 : vector<16xf32> to vector<1x16xf32>
        tpu.vector_store %arg8[%swap3A_571, %swap3A_572], %swap3A_575 {strides = array<i32>} : memref<256x128xf32, #tpu.memory_space<vmem>>, vector<1x16xf32>,
        %mul3A_576 = arith.constant 2 : i32
        %mul3A_577 = arith.muli %mul3A_576, %add3A_553 : i32
        %add3A_578 = arith.constant 0 : i32
        %add3A_579 = arith.addi %mul3A_577, %add3A_578 : i32
        %get3A_580 = arith.index_cast %add3A_579 : i32 to index
        %get3A_581 = arith.constant 16 : index
        %get3A_582 = tpu.vector_load %arg8[%get3A_580, %get3A_581] {strides = array<i32>} : memref<256x128xf32, #tpu.memory_space<vmem>>, vector<1x16xf32>,
        %get3A_583 = vector.shape_cast %get3A_582 : vector<1x16xf32> to vector<16xf32>
        %mul3A_584 = arith.constant 2 : i32
        %mul3A_585 = arith.muli %mul3A_584, %add3A_553 : i32
        %add3A_586 = arith.constant 0 : i32
        %add3A_587 = arith.addi %mul3A_585, %add3A_586 : i32
        %get3A_588 = arith.index_cast %add3A_587 : i32 to index
        %get3A_589 = arith.constant 80 : index
        %get3A_590 = tpu.vector_load %arg9[%get3A_588, %get3A_589] {strides = array<i32>} : memref<256x128xf32, #tpu.memory_space<vmem>>, vector<1x16xf32>,
        %get3A_591 = vector.shape_cast %get3A_590 : vector<1x16xf32> to vector<16xf32>
        %add3A_592 = arith.addf %get3A_583, %get3A_591 : vector<16xf32>
        %swap3A_593 = arith.index_cast %add3A_553 : i32 to index
        %swap3A_594 = arith.constant 16 : index
        %swap3A_595 = tpu.vector_load %arg8[%swap3A_593, %swap3A_594] {strides = array<i32>} : memref<256x128xf32, #tpu.memory_space<vmem>>, vector<1x16xf32>,
        %swap3A_596 = vector.shape_cast %swap3A_595 : vector<1x16xf32> to vector<16xf32>
        %swap3A_597 = vector.shape_cast %add3A_592 : vector<16xf32> to vector<1x16xf32>
        tpu.vector_store %arg8[%swap3A_593, %swap3A_594], %swap3A_597 {strides = array<i32>} : memref<256x128xf32, #tpu.memory_space<vmem>>, vector<1x16xf32>,
        %mul3A_598 = arith.constant 2 : i32
        %mul3A_599 = arith.muli %mul3A_598, %add3A_553 : i32
        %add3A_600 = arith.constant 0 : i32
        %add3A_601 = arith.addi %mul3A_599, %add3A_600 : i32
        %get3A_602 = arith.index_cast %add3A_601 : i32 to index
        %get3A_603 = arith.constant 32 : index
        %get3A_604 = tpu.vector_load %arg8[%get3A_602, %get3A_603] {strides = array<i32>} : memref<256x128xf32, #tpu.memory_space<vmem>>, vector<1x16xf32>,
        %get3A_605 = vector.shape_cast %get3A_604 : vector<1x16xf32> to vector<16xf32>
        %mul3A_606 = arith.constant 2 : i32
        %mul3A_607 = arith.muli %mul3A_606, %add3A_553 : i32
        %add3A_608 = arith.constant 0 : i32
        %add3A_609 = arith.addi %mul3A_607, %add3A_608 : i32
        %get3A_610 = arith.index_cast %add3A_609 : i32 to index
        %get3A_611 = arith.constant 96 : index
        %get3A_612 = tpu.vector_load %arg9[%get3A_610, %get3A_611] {strides = array<i32>} : memref<256x128xf32, #tpu.memory_space<vmem>>, vector<1x16xf32>,
        %get3A_613 = vector.shape_cast %get3A_612 : vector<1x16xf32> to vector<16xf32>
        %add3A_614 = arith.addf %get3A_605, %get3A_613 : vector<16xf32>
        %swap3A_615 = arith.index_cast %add3A_553 : i32 to index
        %swap3A_616 = arith.constant 32 : index
        %swap3A_617 = tpu.vector_load %arg8[%swap3A_615, %swap3A_616] {strides = array<i32>} : memref<256x128xf32, #tpu.memory_space<vmem>>, vector<1x16xf32>,
        %swap3A_618 = vector.shape_cast %swap3A_617 : vector<1x16xf32> to vector<16xf32>
        %swap3A_619 = vector.shape_cast %add3A_614 : vector<16xf32> to vector<1x16xf32>
        tpu.vector_store %arg8[%swap3A_615, %swap3A_616], %swap3A_619 {strides = array<i32>} : memref<256x128xf32, #tpu.memory_space<vmem>>, vector<1x16xf32>,
        %mul3A_620 = arith.constant 2 : i32
        %mul3A_621 = arith.muli %mul3A_620, %add3A_553 : i32
        %add3A_622 = arith.constant 0 : i32
        %add3A_623 = arith.addi %mul3A_621, %add3A_622 : i32
        %get3A_624 = arith.index_cast %add3A_623 : i32 to index
        %get3A_625 = arith.constant 48 : index
        %get3A_626 = tpu.vector_load %arg8[%get3A_624, %get3A_625] {strides = array<i32>} : memref<256x128xf32, #tpu.memory_space<vmem>>, vector<1x16xf32>,
        %get3A_627 = vector.shape_cast %get3A_626 : vector<1x16xf32> to vector<16xf32>
        %mul3A_628 = arith.constant 2 : i32
        %mul3A_629 = arith.muli %mul3A_628, %add3A_553 : i32
        %add3A_630 = arith.constant 0 : i32
        %add3A_631 = arith.addi %mul3A_629, %add3A_630 : i32
        %get3A_632 = arith.index_cast %add3A_631 : i32 to index
        %get3A_633 = arith.constant 112 : index
        %get3A_634 = tpu.vector_load %arg9[%get3A_632, %get3A_633] {strides = array<i32>} : memref<256x128xf32, #tpu.memory_space<vmem>>, vector<1x16xf32>,
        %get3A_635 = vector.shape_cast %get3A_634 : vector<1x16xf32> to vector<16xf32>
        %add3A_636 = arith.addf %get3A_627, %get3A_635 : vector<16xf32>
        %swap3A_637 = arith.index_cast %add3A_553 : i32 to index
        %swap3A_638 = arith.constant 48 : index
        %swap3A_639 = tpu.vector_load %arg8[%swap3A_637, %swap3A_638] {strides = array<i32>} : memref<256x128xf32, #tpu.memory_space<vmem>>, vector<1x16xf32>,
        %swap3A_640 = vector.shape_cast %swap3A_639 : vector<1x16xf32> to vector<16xf32>
        %swap3A_641 = vector.shape_cast %add3A_636 : vector<16xf32> to vector<1x16xf32>
        tpu.vector_store %arg8[%swap3A_637, %swap3A_638], %swap3A_641 {strides = array<i32>} : memref<256x128xf32, #tpu.memory_space<vmem>>, vector<1x16xf32>,
        %mul3A_642 = arith.constant 2 : i32
        %mul3A_643 = arith.muli %mul3A_642, %add3A_553 : i32
        %add3A_644 = arith.constant 1 : i32
        %add3A_645 = arith.addi %mul3A_643, %add3A_644 : i32
        %get3A_646 = arith.index_cast %add3A_645 : i32 to index
        %get3A_647 = arith.constant 0 : index
        %get3A_648 = tpu.vector_load %arg8[%get3A_646, %get3A_647] {strides = array<i32>} : memref<256x128xf32, #tpu.memory_space<vmem>>, vector<1x16xf32>,
        %get3A_649 = vector.shape_cast %get3A_648 : vector<1x16xf32> to vector<16xf32>
        %mul3A_650 = arith.constant 2 : i32
        %mul3A_651 = arith.muli %mul3A_650, %add3A_553 : i32
        %add3A_652 = arith.constant 1 : i32
        %add3A_653 = arith.addi %mul3A_651, %add3A_652 : i32
        %get3A_654 = arith.index_cast %add3A_653 : i32 to index
        %get3A_655 = arith.constant 64 : index
        %get3A_656 = tpu.vector_load %arg9[%get3A_654, %get3A_655] {strides = array<i32>} : memref<256x128xf32, #tpu.memory_space<vmem>>, vector<1x16xf32>,
        %get3A_657 = vector.shape_cast %get3A_656 : vector<1x16xf32> to vector<16xf32>
        %add3A_658 = arith.addf %get3A_649, %get3A_657 : vector<16xf32>
        %swap3A_659 = arith.index_cast %add3A_553 : i32 to index
        %swap3A_660 = arith.constant 64 : index
        %swap3A_661 = tpu.vector_load %arg8[%swap3A_659, %swap3A_660] {strides = array<i32>} : memref<256x128xf32, #tpu.memory_space<vmem>>, vector<1x16xf32>,
        %swap3A_662 = vector.shape_cast %swap3A_661 : vector<1x16xf32> to vector<16xf32>
        %swap3A_663 = vector.shape_cast %add3A_658 : vector<16xf32> to vector<1x16xf32>
        tpu.vector_store %arg8[%swap3A_659, %swap3A_660], %swap3A_663 {strides = array<i32>} : memref<256x128xf32, #tpu.memory_space<vmem>>, vector<1x16xf32>,
        %mul3A_664 = arith.constant 2 : i32
        %mul3A_665 = arith.muli %mul3A_664, %add3A_553 : i32
        %add3A_666 = arith.constant 1 : i32
        %add3A_667 = arith.addi %mul3A_665, %add3A_666 : i32
        %get3A_668 = arith.index_cast %add3A_667 : i32 to index
        %get3A_669 = arith.constant 16 : index
        %get3A_670 = tpu.vector_load %arg8[%get3A_668, %get3A_669] {strides = array<i32>} : memref<256x128xf32, #tpu.memory_space<vmem>>, vector<1x16xf32>,
        %get3A_671 = vector.shape_cast %get3A_670 : vector<1x16xf32> to vector<16xf32>
        %mul3A_672 = arith.constant 2 : i32
        %mul3A_673 = arith.muli %mul3A_672, %add3A_553 : i32
        %add3A_674 = arith.constant 1 : i32
        %add3A_675 = arith.addi %mul3A_673, %add3A_674 : i32
        %get3A_676 = arith.index_cast %add3A_675 : i32 to index
        %get3A_677 = arith.constant 80 : index
        %get3A_678 = tpu.vector_load %arg9[%get3A_676, %get3A_677] {strides = array<i32>} : memref<256x128xf32, #tpu.memory_space<vmem>>, vector<1x16xf32>,
        %get3A_679 = vector.shape_cast %get3A_678 : vector<1x16xf32> to vector<16xf32>
        %add3A_680 = arith.addf %get3A_671, %get3A_679 : vector<16xf32>
        %swap3A_681 = arith.index_cast %add3A_553 : i32 to index
        %swap3A_682 = arith.constant 80 : index
        %swap3A_683 = tpu.vector_load %arg8[%swap3A_681, %swap3A_682] {strides = array<i32>} : memref<256x128xf32, #tpu.memory_space<vmem>>, vector<1x16xf32>,
        %swap3A_684 = vector.shape_cast %swap3A_683 : vector<1x16xf32> to vector<16xf32>
        %swap3A_685 = vector.shape_cast %add3A_680 : vector<16xf32> to vector<1x16xf32>
        tpu.vector_store %arg8[%swap3A_681, %swap3A_682], %swap3A_685 {strides = array<i32>} : memref<256x128xf32, #tpu.memory_space<vmem>>, vector<1x16xf32>,
        %mul3A_686 = arith.constant 2 : i32
        %mul3A_687 = arith.muli %mul3A_686, %add3A_553 : i32
        %add3A_688 = arith.constant 1 : i32
        %add3A_689 = arith.addi %mul3A_687, %add3A_688 : i32
        %get3A_690 = arith.index_cast %add3A_689 : i32 to index
        %get3A_691 = arith.constant 32 : index
        %get3A_692 = tpu.vector_load %arg8[%get3A_690, %get3A_691] {strides = array<i32>} : memref<256x128xf32, #tpu.memory_space<vmem>>, vector<1x16xf32>,
        %get3A_693 = vector.shape_cast %get3A_692 : vector<1x16xf32> to vector<16xf32>
        %mul3A_694 = arith.constant 2 : i32
        %mul3A_695 = arith.muli %mul3A_694, %add3A_553 : i32
        %add3A_696 = arith.constant 1 : i32
        %add3A_697 = arith.addi %mul3A_695, %add3A_696 : i32
        %get3A_698 = arith.index_cast %add3A_697 : i32 to index
        %get3A_699 = arith.constant 96 : index
        %get3A_700 = tpu.vector_load %arg9[%get3A_698, %get3A_699] {strides = array<i32>} : memref<256x128xf32, #tpu.memory_space<vmem>>, vector<1x16xf32>,
        %get3A_701 = vector.shape_cast %get3A_700 : vector<1x16xf32> to vector<16xf32>
        %add3A_702 = arith.addf %get3A_693, %get3A_701 : vector<16xf32>
        %swap3A_703 = arith.index_cast %add3A_553 : i32 to index
        %swap3A_704 = arith.constant 96 : index
        %swap3A_705 = tpu.vector_load %arg8[%swap3A_703, %swap3A_704] {strides = array<i32>} : memref<256x128xf32, #tpu.memory_space<vmem>>, vector<1x16xf32>,
        %swap3A_706 = vector.shape_cast %swap3A_705 : vector<1x16xf32> to vector<16xf32>
        %swap3A_707 = vector.shape_cast %add3A_702 : vector<16xf32> to vector<1x16xf32>
        tpu.vector_store %arg8[%swap3A_703, %swap3A_704], %swap3A_707 {strides = array<i32>} : memref<256x128xf32, #tpu.memory_space<vmem>>, vector<1x16xf32>,
        %mul3A_708 = arith.constant 2 : i32
        %mul3A_709 = arith.muli %mul3A_708, %add3A_553 : i32
        %add3A_710 = arith.constant 1 : i32
        %add3A_711 = arith.addi %mul3A_709, %add3A_710 : i32
        %get3A_712 = arith.index_cast %add3A_711 : i32 to index
        %get3A_713 = arith.constant 48 : index
        %get3A_714 = tpu.vector_load %arg8[%get3A_712, %get3A_713] {strides = array<i32>} : memref<256x128xf32, #tpu.memory_space<vmem>>, vector<1x16xf32>,
        %get3A_715 = vector.shape_cast %get3A_714 : vector<1x16xf32> to vector<16xf32>
        %mul3A_716 = arith.constant 2 : i32
        %mul3A_717 = arith.muli %mul3A_716, %add3A_553 : i32
        %add3A_718 = arith.constant 1 : i32
        %add3A_719 = arith.addi %mul3A_717, %add3A_718 : i32
        %get3A_720 = arith.index_cast %add3A_719 : i32 to index
        %get3A_721 = arith.constant 112 : index
        %get3A_722 = tpu.vector_load %arg9[%get3A_720, %get3A_721] {strides = array<i32>} : memref<256x128xf32, #tpu.memory_space<vmem>>, vector<1x16xf32>,
        %get3A_723 = vector.shape_cast %get3A_722 : vector<1x16xf32> to vector<16xf32>
        %add3A_724 = arith.addf %get3A_715, %get3A_723 : vector<16xf32>
        %swap3A_725 = arith.index_cast %add3A_553 : i32 to index
        %swap3A_726 = arith.constant 112 : index
        %swap3A_727 = tpu.vector_load %arg8[%swap3A_725, %swap3A_726] {strides = array<i32>} : memref<256x128xf32, #tpu.memory_space<vmem>>, vector<1x16xf32>,
        %swap3A_728 = vector.shape_cast %swap3A_727 : vector<1x16xf32> to vector<16xf32>
        %swap3A_729 = vector.shape_cast %add3A_724 : vector<16xf32> to vector<1x16xf32>
        tpu.vector_store %arg8[%swap3A_725, %swap3A_726], %swap3A_729 {strides = array<i32>} : memref<256x128xf32, #tpu.memory_space<vmem>>, vector<1x16xf32>,
        %scan3A_730 = arith.constant 2 : i32
        %scan3A_731 = arith.addi %scan3A_369, %scan3A_730 : i32
        %mul3A_732 = arith.constant 1 : i32
        %mul3A_733 = arith.muli %scan3A_731, %mul3A_732 : i32
        %add3A_734 = arith.constant 0 : i32
        %add3A_735 = arith.addi %add3A_734, %mul3A_733 : i32
        %mul3A_736 = arith.constant 2 : i32
        %mul3A_737 = arith.muli %mul3A_736, %add3A_735 : i32
        %add3A_738 = arith.constant 0 : i32
        %add3A_739 = arith.addi %mul3A_737, %add3A_738 : i32
        %get3A_740 = arith.index_cast %add3A_739 : i32 to index
        %get3A_741 = arith.constant 0 : index
        %get3A_742 = tpu.vector_load %arg8[%get3A_740, %get3A_741] {strides = array<i32>} : memref<256x128xf32, #tpu.memory_space<vmem>>, vector<1x16xf32>,
        %get3A_743 = vector.shape_cast %get3A_742 : vector<1x16xf32> to vector<16xf32>
        %mul3A_744 = arith.constant 2 : i32
        %mul3A_745 = arith.muli %mul3A_744, %add3A_735 : i32
        %add3A_746 = arith.constant 0 : i32
        %add3A_747 = arith.addi %mul3A_745, %add3A_746 : i32
        %get3A_748 = arith.index_cast %add3A_747 : i32 to index
        %get3A_749 = arith.constant 64 : index
        %get3A_750 = tpu.vector_load %arg9[%get3A_748, %get3A_749] {strides = array<i32>} : memref<256x128xf32, #tpu.memory_space<vmem>>, vector<1x16xf32>,
        %get3A_751 = vector.shape_cast %get3A_750 : vector<1x16xf32> to vector<16xf32>
        %add3A_752 = arith.addf %get3A_743, %get3A_751 : vector<16xf32>
        %swap3A_753 = arith.index_cast %add3A_735 : i32 to index
        %swap3A_754 = arith.constant 0 : index
        %swap3A_755 = tpu.vector_load %arg8[%swap3A_753, %swap3A_754] {strides = array<i32>} : memref<256x128xf32, #tpu.memory_space<vmem>>, vector<1x16xf32>,
        %swap3A_756 = vector.shape_cast %swap3A_755 : vector<1x16xf32> to vector<16xf32>
        %swap3A_757 = vector.shape_cast %add3A_752 : vector<16xf32> to vector<1x16xf32>
        tpu.vector_store %arg8[%swap3A_753, %swap3A_754], %swap3A_757 {strides = array<i32>} : memref<256x128xf32, #tpu.memory_space<vmem>>, vector<1x16xf32>,
        %mul3A_758 = arith.constant 2 : i32
        %mul3A_759 = arith.muli %mul3A_758, %add3A_735 : i32
        %add3A_760 = arith.constant 0 : i32
        %add3A_761 = arith.addi %mul3A_759, %add3A_760 : i32
        %get3A_762 = arith.index_cast %add3A_761 : i32 to index
        %get3A_763 = arith.constant 16 : index
        %get3A_764 = tpu.vector_load %arg8[%get3A_762, %get3A_763] {strides = array<i32>} : memref<256x128xf32, #tpu.memory_space<vmem>>, vector<1x16xf32>,
        %get3A_765 = vector.shape_cast %get3A_764 : vector<1x16xf32> to vector<16xf32>
        %mul3A_766 = arith.constant 2 : i32
        %mul3A_767 = arith.muli %mul3A_766, %add3A_735 : i32
        %add3A_768 = arith.constant 0 : i32
        %add3A_769 = arith.addi %mul3A_767, %add3A_768 : i32
        %get3A_770 = arith.index_cast %add3A_769 : i32 to index
        %get3A_771 = arith.constant 80 : index
        %get3A_772 = tpu.vector_load %arg9[%get3A_770, %get3A_771] {strides = array<i32>} : memref<256x128xf32, #tpu.memory_space<vmem>>, vector<1x16xf32>,
        %get3A_773 = vector.shape_cast %get3A_772 : vector<1x16xf32> to vector<16xf32>
        %add3A_774 = arith.addf %get3A_765, %get3A_773 : vector<16xf32>
        %swap3A_775 = arith.index_cast %add3A_735 : i32 to index
        %swap3A_776 = arith.constant 16 : index
        %swap3A_777 = tpu.vector_load %arg8[%swap3A_775, %swap3A_776] {strides = array<i32>} : memref<256x128xf32, #tpu.memory_space<vmem>>, vector<1x16xf32>,
        %swap3A_778 = vector.shape_cast %swap3A_777 : vector<1x16xf32> to vector<16xf32>
        %swap3A_779 = vector.shape_cast %add3A_774 : vector<16xf32> to vector<1x16xf32>
        tpu.vector_store %arg8[%swap3A_775, %swap3A_776], %swap3A_779 {strides = array<i32>} : memref<256x128xf32, #tpu.memory_space<vmem>>, vector<1x16xf32>,
        %mul3A_780 = arith.constant 2 : i32
        %mul3A_781 = arith.muli %mul3A_780, %add3A_735 : i32
        %add3A_782 = arith.constant 0 : i32
        %add3A_783 = arith.addi %mul3A_781, %add3A_782 : i32
        %get3A_784 = arith.index_cast %add3A_783 : i32 to index
        %get3A_785 = arith.constant 32 : index
        %get3A_786 = tpu.vector_load %arg8[%get3A_784, %get3A_785] {strides = array<i32>} : memref<256x128xf32, #tpu.memory_space<vmem>>, vector<1x16xf32>,
        %get3A_787 = vector.shape_cast %get3A_786 : vector<1x16xf32> to vector<16xf32>
        %mul3A_788 = arith.constant 2 : i32
        %mul3A_789 = arith.muli %mul3A_788, %add3A_735 : i32
        %add3A_790 = arith.constant 0 : i32
        %add3A_791 = arith.addi %mul3A_789, %add3A_790 : i32
        %get3A_792 = arith.index_cast %add3A_791 : i32 to index
        %get3A_793 = arith.constant 96 : index
        %get3A_794 = tpu.vector_load %arg9[%get3A_792, %get3A_793] {strides = array<i32>} : memref<256x128xf32, #tpu.memory_space<vmem>>, vector<1x16xf32>,
        %get3A_795 = vector.shape_cast %get3A_794 : vector<1x16xf32> to vector<16xf32>
        %add3A_796 = arith.addf %get3A_787, %get3A_795 : vector<16xf32>
        %swap3A_797 = arith.index_cast %add3A_735 : i32 to index
        %swap3A_798 = arith.constant 32 : index
        %swap3A_799 = tpu.vector_load %arg8[%swap3A_797, %swap3A_798] {strides = array<i32>} : memref<256x128xf32, #tpu.memory_space<vmem>>, vector<1x16xf32>,
        %swap3A_800 = vector.shape_cast %swap3A_799 : vector<1x16xf32> to vector<16xf32>
        %swap3A_801 = vector.shape_cast %add3A_796 : vector<16xf32> to vector<1x16xf32>
        tpu.vector_store %arg8[%swap3A_797, %swap3A_798], %swap3A_801 {strides = array<i32>} : memref<256x128xf32, #tpu.memory_space<vmem>>, vector<1x16xf32>,
        %mul3A_802 = arith.constant 2 : i32
        %mul3A_803 = arith.muli %mul3A_802, %add3A_735 : i32
        %add3A_804 = arith.constant 0 : i32
        %add3A_805 = arith.addi %mul3A_803, %add3A_804 : i32
        %get3A_806 = arith.index_cast %add3A_805 : i32 to index
        %get3A_807 = arith.constant 48 : index
        %get3A_808 = tpu.vector_load %arg8[%get3A_806, %get3A_807] {strides = array<i32>} : memref<256x128xf32, #tpu.memory_space<vmem>>, vector<1x16xf32>,
        %get3A_809 = vector.shape_cast %get3A_808 : vector<1x16xf32> to vector<16xf32>
        %mul3A_810 = arith.constant 2 : i32
        %mul3A_811 = arith.muli %mul3A_810, %add3A_735 : i32
        %add3A_812 = arith.constant 0 : i32
        %add3A_813 = arith.addi %mul3A_811, %add3A_812 : i32
        %get3A_814 = arith.index_cast %add3A_813 : i32 to index
        %get3A_815 = arith.constant 112 : index
        %get3A_816 = tpu.vector_load %arg9[%get3A_814, %get3A_815] {strides = array<i32>} : memref<256x128xf32, #tpu.memory_space<vmem>>, vector<1x16xf32>,
        %get3A_817 = vector.shape_cast %get3A_816 : vector<1x16xf32> to vector<16xf32>
        %add3A_818 = arith.addf %get3A_809, %get3A_817 : vector<16xf32>
        %swap3A_819 = arith.index_cast %add3A_735 : i32 to index
        %swap3A_820 = arith.constant 48 : index
        %swap3A_821 = tpu.vector_load %arg8[%swap3A_819, %swap3A_820] {strides = array<i32>} : memref<256x128xf32, #tpu.memory_space<vmem>>, vector<1x16xf32>,
        %swap3A_822 = vector.shape_cast %swap3A_821 : vector<1x16xf32> to vector<16xf32>
        %swap3A_823 = vector.shape_cast %add3A_818 : vector<16xf32> to vector<1x16xf32>
        tpu.vector_store %arg8[%swap3A_819, %swap3A_820], %swap3A_823 {strides = array<i32>} : memref<256x128xf32, #tpu.memory_space<vmem>>, vector<1x16xf32>,
        %mul3A_824 = arith.constant 2 : i32
        %mul3A_825 = arith.muli %mul3A_824, %add3A_735 : i32
        %add3A_826 = arith.constant 1 : i32
        %add3A_827 = arith.addi %mul3A_825, %add3A_826 : i32
        %get3A_828 = arith.index_cast %add3A_827 : i32 to index
        %get3A_829 = arith.constant 0 : index
        %get3A_830 = tpu.vector_load %arg8[%get3A_828, %get3A_829] {strides = array<i32>} : memref<256x128xf32, #tpu.memory_space<vmem>>, vector<1x16xf32>,
        %get3A_831 = vector.shape_cast %get3A_830 : vector<1x16xf32> to vector<16xf32>
        %mul3A_832 = arith.constant 2 : i32
        %mul3A_833 = arith.muli %mul3A_832, %add3A_735 : i32
        %add3A_834 = arith.constant 1 : i32
        %add3A_835 = arith.addi %mul3A_833, %add3A_834 : i32
        %get3A_836 = arith.index_cast %add3A_835 : i32 to index
        %get3A_837 = arith.constant 64 : index
        %get3A_838 = tpu.vector_load %arg9[%get3A_836, %get3A_837] {strides = array<i32>} : memref<256x128xf32, #tpu.memory_space<vmem>>, vector<1x16xf32>,
        %get3A_839 = vector.shape_cast %get3A_838 : vector<1x16xf32> to vector<16xf32>
        %add3A_840 = arith.addf %get3A_831, %get3A_839 : vector<16xf32>
        %swap3A_841 = arith.index_cast %add3A_735 : i32 to index
        %swap3A_842 = arith.constant 64 : index
        %swap3A_843 = tpu.vector_load %arg8[%swap3A_841, %swap3A_842] {strides = array<i32>} : memref<256x128xf32, #tpu.memory_space<vmem>>, vector<1x16xf32>,
        %swap3A_844 = vector.shape_cast %swap3A_843 : vector<1x16xf32> to vector<16xf32>
        %swap3A_845 = vector.shape_cast %add3A_840 : vector<16xf32> to vector<1x16xf32>
        tpu.vector_store %arg8[%swap3A_841, %swap3A_842], %swap3A_845 {strides = array<i32>} : memref<256x128xf32, #tpu.memory_space<vmem>>, vector<1x16xf32>,
        %mul3A_846 = arith.constant 2 : i32
        %mul3A_847 = arith.muli %mul3A_846, %add3A_735 : i32
        %add3A_848 = arith.constant 1 : i32
        %add3A_849 = arith.addi %mul3A_847, %add3A_848 : i32
        %get3A_850 = arith.index_cast %add3A_849 : i32 to index
        %get3A_851 = arith.constant 16 : index
        %get3A_852 = tpu.vector_load %arg8[%get3A_850, %get3A_851] {strides = array<i32>} : memref<256x128xf32, #tpu.memory_space<vmem>>, vector<1x16xf32>,
        %get3A_853 = vector.shape_cast %get3A_852 : vector<1x16xf32> to vector<16xf32>
        %mul3A_854 = arith.constant 2 : i32
        %mul3A_855 = arith.muli %mul3A_854, %add3A_735 : i32
        %add3A_856 = arith.constant 1 : i32
        %add3A_857 = arith.addi %mul3A_855, %add3A_856 : i32
        %get3A_858 = arith.index_cast %add3A_857 : i32 to index
        %get3A_859 = arith.constant 80 : index
        %get3A_860 = tpu.vector_load %arg9[%get3A_858, %get3A_859] {strides = array<i32>} : memref<256x128xf32, #tpu.memory_space<vmem>>, vector<1x16xf32>,
        %get3A_861 = vector.shape_cast %get3A_860 : vector<1x16xf32> to vector<16xf32>
        %add3A_862 = arith.addf %get3A_853, %get3A_861 : vector<16xf32>
        %swap3A_863 = arith.index_cast %add3A_735 : i32 to index
        %swap3A_864 = arith.constant 80 : index
        %swap3A_865 = tpu.vector_load %arg8[%swap3A_863, %swap3A_864] {strides = array<i32>} : memref<256x128xf32, #tpu.memory_space<vmem>>, vector<1x16xf32>,
        %swap3A_866 = vector.shape_cast %swap3A_865 : vector<1x16xf32> to vector<16xf32>
        %swap3A_867 = vector.shape_cast %add3A_862 : vector<16xf32> to vector<1x16xf32>
        tpu.vector_store %arg8[%swap3A_863, %swap3A_864], %swap3A_867 {strides = array<i32>} : memref<256x128xf32, #tpu.memory_space<vmem>>, vector<1x16xf32>,
        %mul3A_868 = arith.constant 2 : i32
        %mul3A_869 = arith.muli %mul3A_868, %add3A_735 : i32
        %add3A_870 = arith.constant 1 : i32
        %add3A_871 = arith.addi %mul3A_869, %add3A_870 : i32
        %get3A_872 = arith.index_cast %add3A_871 : i32 to index
        %get3A_873 = arith.constant 32 : index
        %get3A_874 = tpu.vector_load %arg8[%get3A_872, %get3A_873] {strides = array<i32>} : memref<256x128xf32, #tpu.memory_space<vmem>>, vector<1x16xf32>,
        %get3A_875 = vector.shape_cast %get3A_874 : vector<1x16xf32> to vector<16xf32>
        %mul3A_876 = arith.constant 2 : i32
        %mul3A_877 = arith.muli %mul3A_876, %add3A_735 : i32
        %add3A_878 = arith.constant 1 : i32
        %add3A_879 = arith.addi %mul3A_877, %add3A_878 : i32
        %get3A_880 = arith.index_cast %add3A_879 : i32 to index
        %get3A_881 = arith.constant 96 : index
        %get3A_882 = tpu.vector_load %arg9[%get3A_880, %get3A_881] {strides = array<i32>} : memref<256x128xf32, #tpu.memory_space<vmem>>, vector<1x16xf32>,
        %get3A_883 = vector.shape_cast %get3A_882 : vector<1x16xf32> to vector<16xf32>
        %add3A_884 = arith.addf %get3A_875, %get3A_883 : vector<16xf32>
        %swap3A_885 = arith.index_cast %add3A_735 : i32 to index
        %swap3A_886 = arith.constant 96 : index
        %swap3A_887 = tpu.vector_load %arg8[%swap3A_885, %swap3A_886] {strides = array<i32>} : memref<256x128xf32, #tpu.memory_space<vmem>>, vector<1x16xf32>,
        %swap3A_888 = vector.shape_cast %swap3A_887 : vector<1x16xf32> to vector<16xf32>
        %swap3A_889 = vector.shape_cast %add3A_884 : vector<16xf32> to vector<1x16xf32>
        tpu.vector_store %arg8[%swap3A_885, %swap3A_886], %swap3A_889 {strides = array<i32>} : memref<256x128xf32, #tpu.memory_space<vmem>>, vector<1x16xf32>,
        %mul3A_890 = arith.constant 2 : i32
        %mul3A_891 = arith.muli %mul3A_890, %add3A_735 : i32
        %add3A_892 = arith.constant 1 : i32
        %add3A_893 = arith.addi %mul3A_891, %add3A_892 : i32
        %get3A_894 = arith.index_cast %add3A_893 : i32 to index
        %get3A_895 = arith.constant 48 : index
        %get3A_896 = tpu.vector_load %arg8[%get3A_894, %get3A_895] {strides = array<i32>} : memref<256x128xf32, #tpu.memory_space<vmem>>, vector<1x16xf32>,
        %get3A_897 = vector.shape_cast %get3A_896 : vector<1x16xf32> to vector<16xf32>
        %mul3A_898 = arith.constant 2 : i32
        %mul3A_899 = arith.muli %mul3A_898, %add3A_735 : i32
        %add3A_900 = arith.constant 1 : i32
        %add3A_901 = arith.addi %mul3A_899, %add3A_900 : i32
        %get3A_902 = arith.index_cast %add3A_901 : i32 to index
        %get3A_903 = arith.constant 112 : index
        %get3A_904 = tpu.vector_load %arg9[%get3A_902, %get3A_903] {strides = array<i32>} : memref<256x128xf32, #tpu.memory_space<vmem>>, vector<1x16xf32>,
        %get3A_905 = vector.shape_cast %get3A_904 : vector<1x16xf32> to vector<16xf32>
        %add3A_906 = arith.addf %get3A_897, %get3A_905 : vector<16xf32>
        %swap3A_907 = arith.index_cast %add3A_735 : i32 to index
        %swap3A_908 = arith.constant 112 : index
        %swap3A_909 = tpu.vector_load %arg8[%swap3A_907, %swap3A_908] {strides = array<i32>} : memref<256x128xf32, #tpu.memory_space<vmem>>, vector<1x16xf32>,
        %swap3A_910 = vector.shape_cast %swap3A_909 : vector<1x16xf32> to vector<16xf32>
        %swap3A_911 = vector.shape_cast %add3A_906 : vector<16xf32> to vector<1x16xf32>
        tpu.vector_store %arg8[%swap3A_907, %swap3A_908], %swap3A_911 {strides = array<i32>} : memref<256x128xf32, #tpu.memory_space<vmem>>, vector<1x16xf32>,
        %scan3A_912 = arith.constant 3 : i32
        %scan3A_913 = arith.addi %scan3A_369, %scan3A_912 : i32
        %mul3A_914 = arith.constant 1 : i32
        %mul3A_915 = arith.muli %scan3A_913, %mul3A_914 : i32
        %add3A_916 = arith.constant 0 : i32
        %add3A_917 = arith.addi %add3A_916, %mul3A_915 : i32
        %mul3A_918 = arith.constant 2 : i32
        %mul3A_919 = arith.muli %mul3A_918, %add3A_917 : i32
        %add3A_920 = arith.constant 0 : i32
        %add3A_921 = arith.addi %mul3A_919, %add3A_920 : i32
        %get3A_922 = arith.index_cast %add3A_921 : i32 to index
        %get3A_923 = arith.constant 0 : index
        %get3A_924 = tpu.vector_load %arg8[%get3A_922, %get3A_923] {strides = array<i32>} : memref<256x128xf32, #tpu.memory_space<vmem>>, vector<1x16xf32>,
        %get3A_925 = vector.shape_cast %get3A_924 : vector<1x16xf32> to vector<16xf32>
        %mul3A_926 = arith.constant 2 : i32
        %mul3A_927 = arith.muli %mul3A_926, %add3A_917 : i32
        %add3A_928 = arith.constant 0 : i32
        %add3A_929 = arith.addi %mul3A_927, %add3A_928 : i32
        %get3A_930 = arith.index_cast %add3A_929 : i32 to index
        %get3A_931 = arith.constant 64 : index
        %get3A_932 = tpu.vector_load %arg9[%get3A_930, %get3A_931] {strides = array<i32>} : memref<256x128xf32, #tpu.memory_space<vmem>>, vector<1x16xf32>,
        %get3A_933 = vector.shape_cast %get3A_932 : vector<1x16xf32> to vector<16xf32>
        %add3A_934 = arith.addf %get3A_925, %get3A_933 : vector<16xf32>
        %swap3A_935 = arith.index_cast %add3A_917 : i32 to index
        %swap3A_936 = arith.constant 0 : index
        %swap3A_937 = tpu.vector_load %arg8[%swap3A_935, %swap3A_936] {strides = array<i32>} : memref<256x128xf32, #tpu.memory_space<vmem>>, vector<1x16xf32>,
        %swap3A_938 = vector.shape_cast %swap3A_937 : vector<1x16xf32> to vector<16xf32>
        %swap3A_939 = vector.shape_cast %add3A_934 : vector<16xf32> to vector<1x16xf32>
        tpu.vector_store %arg8[%swap3A_935, %swap3A_936], %swap3A_939 {strides = array<i32>} : memref<256x128xf32, #tpu.memory_space<vmem>>, vector<1x16xf32>,
        %mul3A_940 = arith.constant 2 : i32
        %mul3A_941 = arith.muli %mul3A_940, %add3A_917 : i32
        %add3A_942 = arith.constant 0 : i32
        %add3A_943 = arith.addi %mul3A_941, %add3A_942 : i32
        %get3A_944 = arith.index_cast %add3A_943 : i32 to index
        %get3A_945 = arith.constant 16 : index
        %get3A_946 = tpu.vector_load %arg8[%get3A_944, %get3A_945] {strides = array<i32>} : memref<256x128xf32, #tpu.memory_space<vmem>>, vector<1x16xf32>,
        %get3A_947 = vector.shape_cast %get3A_946 : vector<1x16xf32> to vector<16xf32>
        %mul3A_948 = arith.constant 2 : i32
        %mul3A_949 = arith.muli %mul3A_948, %add3A_917 : i32
        %add3A_950 = arith.constant 0 : i32
        %add3A_951 = arith.addi %mul3A_949, %add3A_950 : i32
        %get3A_952 = arith.index_cast %add3A_951 : i32 to index
        %get3A_953 = arith.constant 80 : index
        %get3A_954 = tpu.vector_load %arg9[%get3A_952, %get3A_953] {strides = array<i32>} : memref<256x128xf32, #tpu.memory_space<vmem>>, vector<1x16xf32>,
        %get3A_955 = vector.shape_cast %get3A_954 : vector<1x16xf32> to vector<16xf32>
        %add3A_956 = arith.addf %get3A_947, %get3A_955 : vector<16xf32>
        %swap3A_957 = arith.index_cast %add3A_917 : i32 to index
        %swap3A_958 = arith.constant 16 : index
        %swap3A_959 = tpu.vector_load %arg8[%swap3A_957, %swap3A_958] {strides = array<i32>} : memref<256x128xf32, #tpu.memory_space<vmem>>, vector<1x16xf32>,
        %swap3A_960 = vector.shape_cast %swap3A_959 : vector<1x16xf32> to vector<16xf32>
        %swap3A_961 = vector.shape_cast %add3A_956 : vector<16xf32> to vector<1x16xf32>
        tpu.vector_store %arg8[%swap3A_957, %swap3A_958], %swap3A_961 {strides = array<i32>} : memref<256x128xf32, #tpu.memory_space<vmem>>, vector<1x16xf32>,
        %mul3A_962 = arith.constant 2 : i32
        %mul3A_963 = arith.muli %mul3A_962, %add3A_917 : i32
        %add3A_964 = arith.constant 0 : i32
        %add3A_965 = arith.addi %mul3A_963, %add3A_964 : i32
        %get3A_966 = arith.index_cast %add3A_965 : i32 to index
        %get3A_967 = arith.constant 32 : index
        %get3A_968 = tpu.vector_load %arg8[%get3A_966, %get3A_967] {strides = array<i32>} : memref<256x128xf32, #tpu.memory_space<vmem>>, vector<1x16xf32>,
        %get3A_969 = vector.shape_cast %get3A_968 : vector<1x16xf32> to vector<16xf32>
        %mul3A_970 = arith.constant 2 : i32
        %mul3A_971 = arith.muli %mul3A_970, %add3A_917 : i32
        %add3A_972 = arith.constant 0 : i32
        %add3A_973 = arith.addi %mul3A_971, %add3A_972 : i32
        %get3A_974 = arith.index_cast %add3A_973 : i32 to index
        %get3A_975 = arith.constant 96 : index
        %get3A_976 = tpu.vector_load %arg9[%get3A_974, %get3A_975] {strides = array<i32>} : memref<256x128xf32, #tpu.memory_space<vmem>>, vector<1x16xf32>,
        %get3A_977 = vector.shape_cast %get3A_976 : vector<1x16xf32> to vector<16xf32>
        %add3A_978 = arith.addf %get3A_969, %get3A_977 : vector<16xf32>
        %swap3A_979 = arith.index_cast %add3A_917 : i32 to index
        %swap3A_980 = arith.constant 32 : index
        %swap3A_981 = tpu.vector_load %arg8[%swap3A_979, %swap3A_980] {strides = array<i32>} : memref<256x128xf32, #tpu.memory_space<vmem>>, vector<1x16xf32>,
        %swap3A_982 = vector.shape_cast %swap3A_981 : vector<1x16xf32> to vector<16xf32>
        %swap3A_983 = vector.shape_cast %add3A_978 : vector<16xf32> to vector<1x16xf32>
        tpu.vector_store %arg8[%swap3A_979, %swap3A_980], %swap3A_983 {strides = array<i32>} : memref<256x128xf32, #tpu.memory_space<vmem>>, vector<1x16xf32>,
        %mul3A_984 = arith.constant 2 : i32
        %mul3A_985 = arith.muli %mul3A_984, %add3A_917 : i32
        %add3A_986 = arith.constant 0 : i32
        %add3A_987 = arith.addi %mul3A_985, %add3A_986 : i32
        %get3A_988 = arith.index_cast %add3A_987 : i32 to index
        %get3A_989 = arith.constant 48 : index
        %get3A_990 = tpu.vector_load %arg8[%get3A_988, %get3A_989] {strides = array<i32>} : memref<256x128xf32, #tpu.memory_space<vmem>>, vector<1x16xf32>,
        %get3A_991 = vector.shape_cast %get3A_990 : vector<1x16xf32> to vector<16xf32>
        %mul3A_992 = arith.constant 2 : i32
        %mul3A_993 = arith.muli %mul3A_992, %add3A_917 : i32
        %add3A_994 = arith.constant 0 : i32
        %add3A_995 = arith.addi %mul3A_993, %add3A_994 : i32
        %get3A_996 = arith.index_cast %add3A_995 : i32 to index
        %get3A_997 = arith.constant 112 : index
        %get3A_998 = tpu.vector_load %arg9[%get3A_996, %get3A_997] {strides = array<i32>} : memref<256x128xf32, #tpu.memory_space<vmem>>, vector<1x16xf32>,
        %get3A_999 = vector.shape_cast %get3A_998 : vector<1x16xf32> to vector<16xf32>
        %add3A_1000 = arith.addf %get3A_991, %get3A_999 : vector<16xf32>
        %swap3A_1001 = arith.index_cast %add3A_917 : i32 to index
        %swap3A_1002 = arith.constant 48 : index
        %swap3A_1003 = tpu.vector_load %arg8[%swap3A_1001, %swap3A_1002] {strides = array<i32>} : memref<256x128xf32, #tpu.memory_space<vmem>>, vector<1x16xf32>,
        %swap3A_1004 = vector.shape_cast %swap3A_1003 : vector<1x16xf32> to vector<16xf32>
        %swap3A_1005 = vector.shape_cast %add3A_1000 : vector<16xf32> to vector<1x16xf32>
        tpu.vector_store %arg8[%swap3A_1001, %swap3A_1002], %swap3A_1005 {strides = array<i32>} : memref<256x128xf32, #tpu.memory_space<vmem>>, vector<1x16xf32>,
        %mul3A_1006 = arith.constant 2 : i32
        %mul3A_1007 = arith.muli %mul3A_1006, %add3A_917 : i32
        %add3A_1008 = arith.constant 1 : i32
        %add3A_1009 = arith.addi %mul3A_1007, %add3A_1008 : i32
        %get3A_1010 = arith.index_cast %add3A_1009 : i32 to index
        %get3A_1011 = arith.constant 0 : index
        %get3A_1012 = tpu.vector_load %arg8[%get3A_1010, %get3A_1011] {strides = array<i32>} : memref<256x128xf32, #tpu.memory_space<vmem>>, vector<1x16xf32>,
        %get3A_1013 = vector.shape_cast %get3A_1012 : vector<1x16xf32> to vector<16xf32>
        %mul3A_1014 = arith.constant 2 : i32
        %mul3A_1015 = arith.muli %mul3A_1014, %add3A_917 : i32
        %add3A_1016 = arith.constant 1 : i32
        %add3A_1017 = arith.addi %mul3A_1015, %add3A_1016 : i32
        %get3A_1018 = arith.index_cast %add3A_1017 : i32 to index
        %get3A_1019 = arith.constant 64 : index
        %get3A_1020 = tpu.vector_load %arg9[%get3A_1018, %get3A_1019] {strides = array<i32>} : memref<256x128xf32, #tpu.memory_space<vmem>>, vector<1x16xf32>,
        %get3A_1021 = vector.shape_cast %get3A_1020 : vector<1x16xf32> to vector<16xf32>
        %add3A_1022 = arith.addf %get3A_1013, %get3A_1021 : vector<16xf32>
        %swap3A_1023 = arith.index_cast %add3A_917 : i32 to index
        %swap3A_1024 = arith.constant 64 : index
        %swap3A_1025 = tpu.vector_load %arg8[%swap3A_1023, %swap3A_1024] {strides = array<i32>} : memref<256x128xf32, #tpu.memory_space<vmem>>, vector<1x16xf32>,
        %swap3A_1026 = vector.shape_cast %swap3A_1025 : vector<1x16xf32> to vector<16xf32>
        %swap3A_1027 = vector.shape_cast %add3A_1022 : vector<16xf32> to vector<1x16xf32>
        tpu.vector_store %arg8[%swap3A_1023, %swap3A_1024], %swap3A_1027 {strides = array<i32>} : memref<256x128xf32, #tpu.memory_space<vmem>>, vector<1x16xf32>,
        %mul3A_1028 = arith.constant 2 : i32
        %mul3A_1029 = arith.muli %mul3A_1028, %add3A_917 : i32
        %add3A_1030 = arith.constant 1 : i32
        %add3A_1031 = arith.addi %mul3A_1029, %add3A_1030 : i32
        %get3A_1032 = arith.index_cast %add3A_1031 : i32 to index
        %get3A_1033 = arith.constant 16 : index
        %get3A_1034 = tpu.vector_load %arg8[%get3A_1032, %get3A_1033] {strides = array<i32>} : memref<256x128xf32, #tpu.memory_space<vmem>>, vector<1x16xf32>,
        %get3A_1035 = vector.shape_cast %get3A_1034 : vector<1x16xf32> to vector<16xf32>
        %mul3A_1036 = arith.constant 2 : i32
        %mul3A_1037 = arith.muli %mul3A_1036, %add3A_917 : i32
        %add3A_1038 = arith.constant 1 : i32
        %add3A_1039 = arith.addi %mul3A_1037, %add3A_1038 : i32
        %get3A_1040 = arith.index_cast %add3A_1039 : i32 to index
        %get3A_1041 = arith.constant 80 : index
        %get3A_1042 = tpu.vector_load %arg9[%get3A_1040, %get3A_1041] {strides = array<i32>} : memref<256x128xf32, #tpu.memory_space<vmem>>, vector<1x16xf32>,
        %get3A_1043 = vector.shape_cast %get3A_1042 : vector<1x16xf32> to vector<16xf32>
        %add3A_1044 = arith.addf %get3A_1035, %get3A_1043 : vector<16xf32>
        %swap3A_1045 = arith.index_cast %add3A_917 : i32 to index
        %swap3A_1046 = arith.constant 80 : index
        %swap3A_1047 = tpu.vector_load %arg8[%swap3A_1045, %swap3A_1046] {strides = array<i32>} : memref<256x128xf32, #tpu.memory_space<vmem>>, vector<1x16xf32>,
        %swap3A_1048 = vector.shape_cast %swap3A_1047 : vector<1x16xf32> to vector<16xf32>
        %swap3A_1049 = vector.shape_cast %add3A_1044 : vector<16xf32> to vector<1x16xf32>
        tpu.vector_store %arg8[%swap3A_1045, %swap3A_1046], %swap3A_1049 {strides = array<i32>} : memref<256x128xf32, #tpu.memory_space<vmem>>, vector<1x16xf32>,
        %mul3A_1050 = arith.constant 2 : i32
        %mul3A_1051 = arith.muli %mul3A_1050, %add3A_917 : i32
        %add3A_1052 = arith.constant 1 : i32
        %add3A_1053 = arith.addi %mul3A_1051, %add3A_1052 : i32
        %get3A_1054 = arith.index_cast %add3A_1053 : i32 to index
        %get3A_1055 = arith.constant 32 : index
        %get3A_1056 = tpu.vector_load %arg8[%get3A_1054, %get3A_1055] {strides = array<i32>} : memref<256x128xf32, #tpu.memory_space<vmem>>, vector<1x16xf32>,
        %get3A_1057 = vector.shape_cast %get3A_1056 : vector<1x16xf32> to vector<16xf32>
        %mul3A_1058 = arith.constant 2 : i32
        %mul3A_1059 = arith.muli %mul3A_1058, %add3A_917 : i32
        %add3A_1060 = arith.constant 1 : i32
        %add3A_1061 = arith.addi %mul3A_1059, %add3A_1060 : i32
        %get3A_1062 = arith.index_cast %add3A_1061 : i32 to index
        %get3A_1063 = arith.constant 96 : index
        %get3A_1064 = tpu.vector_load %arg9[%get3A_1062, %get3A_1063] {strides = array<i32>} : memref<256x128xf32, #tpu.memory_space<vmem>>, vector<1x16xf32>,
        %get3A_1065 = vector.shape_cast %get3A_1064 : vector<1x16xf32> to vector<16xf32>
        %add3A_1066 = arith.addf %get3A_1057, %get3A_1065 : vector<16xf32>
        %swap3A_1067 = arith.index_cast %add3A_917 : i32 to index
        %swap3A_1068 = arith.constant 96 : index
        %swap3A_1069 = tpu.vector_load %arg8[%swap3A_1067, %swap3A_1068] {strides = array<i32>} : memref<256x128xf32, #tpu.memory_space<vmem>>, vector<1x16xf32>,
        %swap3A_1070 = vector.shape_cast %swap3A_1069 : vector<1x16xf32> to vector<16xf32>
        %swap3A_1071 = vector.shape_cast %add3A_1066 : vector<16xf32> to vector<1x16xf32>
        tpu.vector_store %arg8[%swap3A_1067, %swap3A_1068], %swap3A_1071 {strides = array<i32>} : memref<256x128xf32, #tpu.memory_space<vmem>>, vector<1x16xf32>,
        %mul3A_1072 = arith.constant 2 : i32
        %mul3A_1073 = arith.muli %mul3A_1072, %add3A_917 : i32
        %add3A_1074 = arith.constant 1 : i32
        %add3A_1075 = arith.addi %mul3A_1073, %add3A_1074 : i32
        %get3A_1076 = arith.index_cast %add3A_1075 : i32 to index
        %get3A_1077 = arith.constant 48 : index
        %get3A_1078 = tpu.vector_load %arg8[%get3A_1076, %get3A_1077] {strides = array<i32>} : memref<256x128xf32, #tpu.memory_space<vmem>>, vector<1x16xf32>,
        %get3A_1079 = vector.shape_cast %get3A_1078 : vector<1x16xf32> to vector<16xf32>
        %mul3A_1080 = arith.constant 2 : i32
        %mul3A_1081 = arith.muli %mul3A_1080, %add3A_917 : i32
        %add3A_1082 = arith.constant 1 : i32
        %add3A_1083 = arith.addi %mul3A_1081, %add3A_1082 : i32
        %get3A_1084 = arith.index_cast %add3A_1083 : i32 to index
        %get3A_1085 = arith.constant 112 : index
        %get3A_1086 = tpu.vector_load %arg9[%get3A_1084, %get3A_1085] {strides = array<i32>} : memref<256x128xf32, #tpu.memory_space<vmem>>, vector<1x16xf32>,
        %get3A_1087 = vector.shape_cast %get3A_1086 : vector<1x16xf32> to vector<16xf32>
        %add3A_1088 = arith.addf %get3A_1079, %get3A_1087 : vector<16xf32>
        %swap3A_1089 = arith.index_cast %add3A_917 : i32 to index
        %swap3A_1090 = arith.constant 112 : index
        %swap3A_1091 = tpu.vector_load %arg8[%swap3A_1089, %swap3A_1090] {strides = array<i32>} : memref<256x128xf32, #tpu.memory_space<vmem>>, vector<1x16xf32>,
        %swap3A_1092 = vector.shape_cast %swap3A_1091 : vector<1x16xf32> to vector<16xf32>
        %swap3A_1093 = vector.shape_cast %add3A_1088 : vector<16xf32> to vector<1x16xf32>
        tpu.vector_store %arg8[%swap3A_1089, %swap3A_1090], %swap3A_1093 {strides = array<i32>} : memref<256x128xf32, #tpu.memory_space<vmem>>, vector<1x16xf32>,
      }
      %scan3A_364 = arith.constant 128 : i32
      %add3A_365 = arith.constant 6 : i32
      %add3A_366 = arith.addi %add3A_14, %add3A_365 : i32
      %mul3A_367 = arith.constant 64 : i32
      %mul3A_368 = arith.muli %add3A_366, %mul3A_367 : i32
      "tpu.region"() ({
        %run_scoped3A = tpu.sem_alloc : memref<!tpu.dma_semaphore, #tpu.memory_space<semaphore_mem>>
        %dma_start3A_369 = arith.constant 0 : i32
        %dma_start3A_370 = arith.constant 0 : i32
        %dma_start3A_371 = tpu.memref_slice %arg8[%dma_start3A_369, %dma_start3A_370] : memref<256x128xf32, #tpu.memory_space<vmem>> -> memref<128x128xf32, #tpu.memory_space<vmem>>
        %dma_start3A_372 = arith.constant 0 : i32
        %dma_start3A_373 = tpu.memref_slice %arg5[%mul3A_368, %dma_start3A_372] : memref<409600x128xf32, #tpu.memory_space<hbm>> -> memref<128x128xf32, #tpu.memory_space<hbm>>
        %dma_start3A_374 = arith.constant 0 : i32
        %dma_start3A_375 = tpu.memref_slice %arg5[%mul3A_368, %dma_start3A_374] : memref<409600x128xf32, #tpu.memory_space<hbm>> -> memref<128x128xf32, #tpu.memory_space<hbm>>
        %dma_start3A_376 = arith.constant 0 : i32
        %dma_start3A_377 = arith.constant 0 : i32
        %dma_start3A_378 = tpu.memref_slice %arg8[%dma_start3A_376, %dma_start3A_377] : memref<256x128xf32, #tpu.memory_space<vmem>> -> memref<128x128xf32, #tpu.memory_space<vmem>>
        tpu.enqueue_dma source(%dma_start3A_378 : memref<128x128xf32, #tpu.memory_space<vmem>>) target(%dma_start3A_375 : memref<128x128xf32, #tpu.memory_space<hbm>>) target_semaphore(%run_scoped3A : memref<!tpu.dma_semaphore, #tpu.memory_space<semaphore_mem>>)
        %dma_wait3A_379 = arith.constant 0 : i32
        %dma_wait3A_380 = arith.constant 0 : i32
        %dma_wait3A_381 = tpu.memref_slice %arg8[%dma_wait3A_379, %dma_wait3A_380] : memref<256x128xf32, #tpu.memory_space<vmem>> -> memref<128x128xf32, #tpu.memory_space<vmem>>
        %dma_wait3A_382 = arith.constant 0 : i32
        %dma_wait3A_383 = tpu.memref_slice %arg5[%mul3A_368, %dma_wait3A_382] : memref<409600x128xf32, #tpu.memory_space<hbm>> -> memref<128x128xf32, #tpu.memory_space<hbm>>
        %dma_wait3A_384 = arith.constant 0 : i32
        %dma_wait3A_385 = tpu.memref_slice %arg5[%mul3A_368, %dma_wait3A_384] : memref<409600x128xf32, #tpu.memory_space<hbm>> -> memref<128x128xf32, #tpu.memory_space<hbm>>
        %dma_wait3A_386 = arith.constant 0 : i32
        %dma_wait3A_387 = arith.constant 0 : i32
        %dma_wait3A_388 = tpu.memref_slice %arg8[%dma_wait3A_386, %dma_wait3A_387] : memref<256x128xf32, #tpu.memory_space<vmem>> -> memref<128x128xf32, #tpu.memory_space<vmem>>
        tpu.wait_dma2 semaphore(%run_scoped3A : memref<!tpu.dma_semaphore, #tpu.memory_space<semaphore_mem>>) src(%dma_wait3A_388 : memref<128x128xf32, #tpu.memory_space<vmem>>) dst(%dma_wait3A_385 : memref<128x128xf32, #tpu.memory_space<hbm>>)
        tpu.yield
      }) : () -> ()
    }
    %scan3A_6 = arith.constant 25 : i32
    return
  }
}

module attributes {stable_mosaic.version = 14 : i64} {
  func.func @body(%arg0: i32, %arg1: memref<2048x2xf32, #tpu.memory_space<vmem>>, %arg2: memref<2048x2xf32, #tpu.memory_space<vmem>>, %arg3: memref<2048x5xf32, #tpu.memory_space<vmem>>, %arg4: memref<1x32xf32, #tpu.memory_space<vmem>>, %arg5: memref<41x64xf32, #tpu.memory_space<vmem>>, %arg6: memref<1x64xf32, #tpu.memory_space<vmem>>, %arg7: memref<64x64xf32, #tpu.memory_space<vmem>>, %arg8: memref<1x64xf32, #tpu.memory_space<vmem>>, %arg9: memref<64x64xf32, #tpu.memory_space<vmem>>, %arg10: memref<64x64xf32, #tpu.memory_space<vmem>>, %arg11: memref<2048x64xf32, #tpu.memory_space<vmem>>, %arg12: memref<2048x128xf32, #tpu.memory_space<vmem>>) attributes {dimension_semantics = [#tpu.dimension_semantics<arbitrary>], iteration_bounds = array<i64: 25>, scalar_prefetch = 0 : i64, scratch_operands = 0 : i64, tpu.core_type = #tpu.core_type<tc>, window_params = [{transform_indices = @transform_0, window_bounds = array<i64: 2048, 2>}, {transform_indices = @transform_1, window_bounds = array<i64: 2048, 2>}, {transform_indices = @transform_2, window_bounds = array<i64: 2048, 5>}, {pipeline_mode = #tpu.pipeline_mode<synchronous>, transform_indices = @transform_3, window_bounds = array<i64: 1, 32>}, {pipeline_mode = #tpu.pipeline_mode<synchronous>, transform_indices = @transform_4, window_bounds = array<i64: 41, 64>}, {pipeline_mode = #tpu.pipeline_mode<synchronous>, transform_indices = @transform_5, window_bounds = array<i64: 1, 64>}, {pipeline_mode = #tpu.pipeline_mode<synchronous>, transform_indices = @transform_6, window_bounds = array<i64: 64, 64>}, {pipeline_mode = #tpu.pipeline_mode<synchronous>, transform_indices = @transform_7, window_bounds = array<i64: 1, 64>}, {pipeline_mode = #tpu.pipeline_mode<synchronous>, transform_indices = @transform_8, window_bounds = array<i64: 64, 64>}, {pipeline_mode = #tpu.pipeline_mode<synchronous>, transform_indices = @transform_9, window_bounds = array<i64: 64, 64>}, {transform_indices = @transform_10, window_bounds = array<i64: 2048, 64>}, {transform_indices = @transform_11, window_bounds = array<i64: 2048, 128>}]} {
    %get3A = arith.constant 0 : index
    %get3A_0 = arith.constant 0 : index
    %get3A_1 = vector.load %arg4[%get3A, %get3A_0] : memref<1x32xf32, #tpu.memory_space<vmem>>, vector<1x32xf32>
    %broadcast_in_dim3A = vector.shape_cast %get3A_1 : vector<1x32xf32> to vector<1x32xf32>
    %broadcast_in_dim3A_2 = vector.broadcast %broadcast_in_dim3A : vector<1x32xf32> to vector<2048x32xf32>
    %get3A_3 = arith.constant 0 : index
    %get3A_4 = arith.constant 0 : index
    %get3A_5 = vector.load %arg1[%get3A_3, %get3A_4] : memref<2048x2xf32, #tpu.memory_space<vmem>>, vector<2048x2xf32>
    %get3A_6 = arith.constant 0 : index
    %get3A_7 = arith.constant 0 : index
    %get3A_8 = vector.load %arg2[%get3A_6, %get3A_7] : memref<2048x2xf32, #tpu.memory_space<vmem>>, vector<2048x2xf32>
    %get3A_9 = arith.constant 0 : index
    %get3A_10 = arith.constant 0 : index
    %get3A_11 = vector.load %arg3[%get3A_9, %get3A_10] : memref<2048x5xf32, #tpu.memory_space<vmem>>, vector<2048x5xf32>
    %concatenate3A = tpu.concatenate %get3A_5, %get3A_8, %broadcast_in_dim3A_2, %get3A_11 in 1 : vector<2048x2xf32>, vector<2048x2xf32>, vector<2048x32xf32>, vector<2048x5xf32> -> vector<2048x41xf32>
    %get3A_12 = arith.constant 0 : index
    %get3A_13 = arith.constant 0 : index
    %get3A_14 = vector.load %arg5[%get3A_12, %get3A_13] : memref<41x64xf32, #tpu.memory_space<vmem>>, vector<41x64xf32>
    %dot_general3A = arith.constant dense<0.000000e+00> : vector<2048x64xf32>
    %dot_general3A_15 = tpu.matmul %concatenate3A, %get3A_14, %dot_general3A {dimension_numbers = #tpu.dot_dimension_numbers<[1], [0], [0], [1], [0, 0, 1, 1], [], []>, transpose_lhs_hint = false} : vector<2048x41xf32>, vector<41x64xf32>, vector<2048x64xf32> -> vector<2048x64xf32>
    %get3A_16 = arith.constant 0 : index
    %get3A_17 = arith.constant 0 : index
    %get3A_18 = vector.load %arg6[%get3A_16, %get3A_17] : memref<1x64xf32, #tpu.memory_space<vmem>>, vector<1x64xf32>
    %add3A = vector.broadcast %get3A_18 : vector<1x64xf32> to vector<2048x64xf32>
    %add3A_19 = arith.addf %dot_general3A_15, %add3A : vector<2048x64xf32>
    %max3A = arith.constant 0.000000e+00 : f32
    %max3A_20 = vector.broadcast %max3A : f32 to vector<2048x64xf32>
    %max3A_21 = arith.maximumf %add3A_19, %max3A_20 : vector<2048x64xf32>
    %get3A_22 = arith.constant 0 : index
    %get3A_23 = arith.constant 0 : index
    %get3A_24 = vector.load %arg7[%get3A_22, %get3A_23] : memref<64x64xf32, #tpu.memory_space<vmem>>, vector<64x64xf32>
    %dot_general3A_25 = arith.constant dense<0.000000e+00> : vector<2048x64xf32>
    %dot_general3A_26 = tpu.matmul %max3A_21, %get3A_24, %dot_general3A_25 {dimension_numbers = #tpu.dot_dimension_numbers<[1], [0], [0], [1], [0, 0, 1, 1], [], []>, transpose_lhs_hint = false} : vector<2048x64xf32>, vector<64x64xf32>, vector<2048x64xf32> -> vector<2048x64xf32>
    %get3A_27 = arith.constant 0 : index
    %get3A_28 = arith.constant 0 : index
    %get3A_29 = vector.load %arg8[%get3A_27, %get3A_28] : memref<1x64xf32, #tpu.memory_space<vmem>>, vector<1x64xf32>
    %add3A_30 = vector.broadcast %get3A_29 : vector<1x64xf32> to vector<2048x64xf32>
    %add3A_31 = arith.addf %dot_general3A_26, %add3A_30 : vector<2048x64xf32>
    %swap3A = arith.constant 0 : index
    %swap3A_32 = arith.constant 0 : index
    %swap3A_33 = vector.load %arg11[%swap3A, %swap3A_32] : memref<2048x64xf32, #tpu.memory_space<vmem>>, vector<2048x64xf32>
    tpu.vector_store %arg11[%swap3A, %swap3A_32], %add3A_31 {strides = array<i32>} : memref<2048x64xf32, #tpu.memory_space<vmem>>, vector<2048x64xf32>,
    %get3A_34 = arith.constant 0 : index
    %get3A_35 = arith.constant 0 : index
    %get3A_36 = vector.load %arg9[%get3A_34, %get3A_35] : memref<64x64xf32, #tpu.memory_space<vmem>>, vector<64x64xf32>
    %dot_general3A_37 = arith.constant dense<0.000000e+00> : vector<2048x64xf32>
    %dot_general3A_38 = tpu.matmul %add3A_31, %get3A_36, %dot_general3A_37 {dimension_numbers = #tpu.dot_dimension_numbers<[1], [0], [0], [1], [0, 0, 1, 1], [], []>, transpose_lhs_hint = false} : vector<2048x64xf32>, vector<64x64xf32>, vector<2048x64xf32> -> vector<2048x64xf32>
    %get3A_39 = arith.constant 0 : index
    %get3A_40 = arith.constant 0 : index
    %get3A_41 = vector.load %arg10[%get3A_39, %get3A_40] : memref<64x64xf32, #tpu.memory_space<vmem>>, vector<64x64xf32>
    %dot_general3A_42 = arith.constant dense<0.000000e+00> : vector<2048x64xf32>
    %dot_general3A_43 = tpu.matmul %add3A_31, %get3A_41, %dot_general3A_42 {dimension_numbers = #tpu.dot_dimension_numbers<[1], [0], [0], [1], [0, 0, 1, 1], [], []>, transpose_lhs_hint = false} : vector<2048x64xf32>, vector<64x64xf32>, vector<2048x64xf32> -> vector<2048x64xf32>
    %concatenate3A_44 = tpu.concatenate %dot_general3A_38, %dot_general3A_43 in 1 : vector<2048x64xf32>, vector<2048x64xf32> -> vector<2048x128xf32>
    %swap3A_45 = arith.constant 0 : index
    %swap3A_46 = arith.constant 0 : index
    %swap3A_47 = vector.load %arg12[%swap3A_45, %swap3A_46] : memref<2048x128xf32, #tpu.memory_space<vmem>>, vector<2048x128xf32>
    tpu.vector_store %arg12[%swap3A_45, %swap3A_46], %concatenate3A_44 {strides = array<i32>} : memref<2048x128xf32, #tpu.memory_space<vmem>>, vector<2048x128xf32>,
    return
  }
  func.func @transform_0(%arg0: i32) -> (i32, i32) {
    %c0_i32 = arith.constant 0 : i32
    %c0_i32_0 = arith.constant 0 : i32
    return %arg0, %c0_i32 : i32, i32
  }
  func.func @transform_1(%arg0: i32) -> (i32, i32) {
    %c0_i32 = arith.constant 0 : i32
    %c0_i32_0 = arith.constant 0 : i32
    return %arg0, %c0_i32 : i32, i32
  }
  func.func @transform_2(%arg0: i32) -> (i32, i32) {
    %c0_i32 = arith.constant 0 : i32
    %c0_i32_0 = arith.constant 0 : i32
    return %arg0, %c0_i32 : i32, i32
  }
  func.func @transform_3(%arg0: i32) -> (i32, i32) {
    %c0_i32 = arith.constant 0 : i32
    %c0_i32_0 = arith.constant 0 : i32
    %c0_i32_1 = arith.constant 0 : i32
    return %c0_i32, %c0_i32_0 : i32, i32
  }
  func.func @transform_4(%arg0: i32) -> (i32, i32) {
    %c0_i32 = arith.constant 0 : i32
    %c0_i32_0 = arith.constant 0 : i32
    %c0_i32_1 = arith.constant 0 : i32
    return %c0_i32, %c0_i32_0 : i32, i32
  }
  func.func @transform_5(%arg0: i32) -> (i32, i32) {
    %c0_i32 = arith.constant 0 : i32
    %c0_i32_0 = arith.constant 0 : i32
    %c0_i32_1 = arith.constant 0 : i32
    return %c0_i32, %c0_i32_0 : i32, i32
  }
  func.func @transform_6(%arg0: i32) -> (i32, i32) {
    %c0_i32 = arith.constant 0 : i32
    %c0_i32_0 = arith.constant 0 : i32
    %c0_i32_1 = arith.constant 0 : i32
    return %c0_i32, %c0_i32_0 : i32, i32
  }
  func.func @transform_7(%arg0: i32) -> (i32, i32) {
    %c0_i32 = arith.constant 0 : i32
    %c0_i32_0 = arith.constant 0 : i32
    %c0_i32_1 = arith.constant 0 : i32
    return %c0_i32, %c0_i32_0 : i32, i32
  }
  func.func @transform_8(%arg0: i32) -> (i32, i32) {
    %c0_i32 = arith.constant 0 : i32
    %c0_i32_0 = arith.constant 0 : i32
    %c0_i32_1 = arith.constant 0 : i32
    return %c0_i32, %c0_i32_0 : i32, i32
  }
  func.func @transform_9(%arg0: i32) -> (i32, i32) {
    %c0_i32 = arith.constant 0 : i32
    %c0_i32_0 = arith.constant 0 : i32
    %c0_i32_1 = arith.constant 0 : i32
    return %c0_i32, %c0_i32_0 : i32, i32
  }
  func.func @transform_10(%arg0: i32) -> (i32, i32) {
    %c0_i32 = arith.constant 0 : i32
    %c0_i32_0 = arith.constant 0 : i32
    return %arg0, %c0_i32 : i32, i32
  }
  func.func @transform_11(%arg0: i32) -> (i32, i32) {
    %c0_i32 = arith.constant 0 : i32
    %c0_i32_0 = arith.constant 0 : i32
    return %arg0, %c0_i32 : i32, i32
  }
}

module attributes {stable_mosaic.version = 14 : i64} {
  func.func @body(%arg0: i32, %arg1: memref<4096x8xf32, #tpu.memory_space<vmem>>, %arg2: memref<8x128xf32, #tpu.memory_space<vmem>>, %arg3: memref<1x128xf32, #tpu.memory_space<vmem>>, %arg4: memref<128x128xf32, #tpu.memory_space<vmem>>, %arg5: memref<1x128xf32, #tpu.memory_space<vmem>>, %arg6: memref<4096x128xf32, #tpu.memory_space<vmem>>) attributes {dimension_semantics = [#tpu.dimension_semantics<arbitrary>], iteration_bounds = array<i64: 100>, scalar_prefetch = 0 : i64, scratch_operands = 0 : i64, tpu.core_type = #tpu.core_type<tc>, window_params = [{transform_indices = @transform_0, window_bounds = array<i64: 4096, 8>}, {pipeline_mode = #tpu.pipeline_mode<synchronous>, transform_indices = @transform_1, window_bounds = array<i64: 8, 128>}, {pipeline_mode = #tpu.pipeline_mode<synchronous>, transform_indices = @transform_2, window_bounds = array<i64: 1, 128>}, {pipeline_mode = #tpu.pipeline_mode<synchronous>, transform_indices = @transform_3, window_bounds = array<i64: 128, 128>}, {pipeline_mode = #tpu.pipeline_mode<synchronous>, transform_indices = @transform_4, window_bounds = array<i64: 1, 128>}, {transform_indices = @transform_5, window_bounds = array<i64: 4096, 128>}]} {
    %get3A = arith.constant 0 : index
    %get3A_0 = arith.constant 0 : index
    %get3A_1 = vector.load %arg1[%get3A, %get3A_0] : memref<4096x8xf32, #tpu.memory_space<vmem>>, vector<4096x8xf32>
    %get3A_2 = arith.constant 0 : index
    %get3A_3 = arith.constant 0 : index
    %get3A_4 = vector.load %arg2[%get3A_2, %get3A_3] : memref<8x128xf32, #tpu.memory_space<vmem>>, vector<8x128xf32>
    %dot_general3A = arith.constant dense<0.000000e+00> : vector<4096x128xf32>
    %dot_general3A_5 = tpu.matmul %get3A_1, %get3A_4, %dot_general3A {dimension_numbers = #tpu.dot_dimension_numbers<[1], [0], [0], [1], [0, 0, 1, 1], [], []>, transpose_lhs_hint = false} : vector<4096x8xf32>, vector<8x128xf32>, vector<4096x128xf32> -> vector<4096x128xf32>
    %get3A_6 = arith.constant 0 : index
    %get3A_7 = arith.constant 0 : index
    %get3A_8 = vector.load %arg3[%get3A_6, %get3A_7] : memref<1x128xf32, #tpu.memory_space<vmem>>, vector<1x128xf32>
    %add3A = vector.broadcast %get3A_8 : vector<1x128xf32> to vector<4096x128xf32>
    %add3A_9 = arith.addf %dot_general3A_5, %add3A : vector<4096x128xf32>
    %max3A = arith.constant 0.000000e+00 : f32
    %max3A_10 = vector.broadcast %max3A : f32 to vector<4096x128xf32>
    %max3A_11 = arith.maximumf %add3A_9, %max3A_10 : vector<4096x128xf32>
    %get3A_12 = arith.constant 0 : index
    %get3A_13 = arith.constant 0 : index
    %get3A_14 = vector.load %arg4[%get3A_12, %get3A_13] : memref<128x128xf32, #tpu.memory_space<vmem>>, vector<128x128xf32>
    %dot_general3A_15 = arith.constant dense<0.000000e+00> : vector<4096x128xf32>
    %dot_general3A_16 = tpu.matmul %max3A_11, %get3A_14, %dot_general3A_15 {dimension_numbers = #tpu.dot_dimension_numbers<[1], [0], [0], [1], [0, 0, 1, 1], [], []>, transpose_lhs_hint = false} : vector<4096x128xf32>, vector<128x128xf32>, vector<4096x128xf32> -> vector<4096x128xf32>
    %get3A_17 = arith.constant 0 : index
    %get3A_18 = arith.constant 0 : index
    %get3A_19 = vector.load %arg5[%get3A_17, %get3A_18] : memref<1x128xf32, #tpu.memory_space<vmem>>, vector<1x128xf32>
    %add3A_20 = vector.broadcast %get3A_19 : vector<1x128xf32> to vector<4096x128xf32>
    %add3A_21 = arith.addf %dot_general3A_16, %add3A_20 : vector<4096x128xf32>
    %swap3A = arith.constant 0 : index
    %swap3A_22 = arith.constant 0 : index
    %swap3A_23 = vector.load %arg6[%swap3A, %swap3A_22] : memref<4096x128xf32, #tpu.memory_space<vmem>>, vector<4096x128xf32>
    tpu.vector_store %arg6[%swap3A, %swap3A_22], %add3A_21 {strides = array<i32>} : memref<4096x128xf32, #tpu.memory_space<vmem>>, vector<4096x128xf32>,
    return
  }
  func.func @transform_0(%arg0: i32) -> (i32, i32) {
    %c0_i32 = arith.constant 0 : i32
    %c0_i32_0 = arith.constant 0 : i32
    return %arg0, %c0_i32 : i32, i32
  }
  func.func @transform_1(%arg0: i32) -> (i32, i32) {
    %c0_i32 = arith.constant 0 : i32
    %c0_i32_0 = arith.constant 0 : i32
    %c0_i32_1 = arith.constant 0 : i32
    return %c0_i32, %c0_i32_0 : i32, i32
  }
  func.func @transform_2(%arg0: i32) -> (i32, i32) {
    %c0_i32 = arith.constant 0 : i32
    %c0_i32_0 = arith.constant 0 : i32
    %c0_i32_1 = arith.constant 0 : i32
    return %c0_i32, %c0_i32_0 : i32, i32
  }
  func.func @transform_3(%arg0: i32) -> (i32, i32) {
    %c0_i32 = arith.constant 0 : i32
    %c0_i32_0 = arith.constant 0 : i32
    %c0_i32_1 = arith.constant 0 : i32
    return %c0_i32, %c0_i32_0 : i32, i32
  }
  func.func @transform_4(%arg0: i32) -> (i32, i32) {
    %c0_i32 = arith.constant 0 : i32
    %c0_i32_0 = arith.constant 0 : i32
    %c0_i32_1 = arith.constant 0 : i32
    return %c0_i32, %c0_i32_0 : i32, i32
  }
  func.func @transform_5(%arg0: i32) -> (i32, i32) {
    %c0_i32 = arith.constant 0 : i32
    %c0_i32_0 = arith.constant 0 : i32
    return %arg0, %c0_i32 : i32, i32
  }
}

module attributes {stable_mosaic.version = 14 : i64} {
  func.func @body(%arg0: i32, %arg1: memref<4096x128xf32, #tpu.memory_space<vmem>>, %arg2: memref<4096x128xf32, #tpu.memory_space<vmem>>, %arg3: memref<128x128xf32, #tpu.memory_space<vmem>>, %arg4: memref<1x128xf32, #tpu.memory_space<vmem>>, %arg5: memref<128x128xf32, #tpu.memory_space<vmem>>, %arg6: memref<1x128xf32, #tpu.memory_space<vmem>>, %arg7: memref<4096x128xf32, #tpu.memory_space<vmem>>) attributes {dimension_semantics = [#tpu.dimension_semantics<arbitrary>], iteration_bounds = array<i64: 100>, scalar_prefetch = 0 : i64, scratch_operands = 0 : i64, tpu.core_type = #tpu.core_type<tc>, window_params = [{transform_indices = @transform_0, window_bounds = array<i64: 4096, 128>}, {transform_indices = @transform_1, window_bounds = array<i64: 4096, 128>}, {pipeline_mode = #tpu.pipeline_mode<synchronous>, transform_indices = @transform_2, window_bounds = array<i64: 128, 128>}, {pipeline_mode = #tpu.pipeline_mode<synchronous>, transform_indices = @transform_3, window_bounds = array<i64: 1, 128>}, {pipeline_mode = #tpu.pipeline_mode<synchronous>, transform_indices = @transform_4, window_bounds = array<i64: 128, 128>}, {pipeline_mode = #tpu.pipeline_mode<synchronous>, transform_indices = @transform_5, window_bounds = array<i64: 1, 128>}, {transform_indices = @transform_6, window_bounds = array<i64: 4096, 128>}]} {
    %get3A = arith.constant 0 : index
    %get3A_0 = arith.constant 0 : index
    %get3A_1 = vector.load %arg1[%get3A, %get3A_0] : memref<4096x128xf32, #tpu.memory_space<vmem>>, vector<4096x128xf32>
    %get3A_2 = arith.constant 0 : index
    %get3A_3 = arith.constant 0 : index
    %get3A_4 = vector.load %arg3[%get3A_2, %get3A_3] : memref<128x128xf32, #tpu.memory_space<vmem>>, vector<128x128xf32>
    %dot_general3A = arith.constant dense<0.000000e+00> : vector<4096x128xf32>
    %dot_general3A_5 = tpu.matmul %get3A_1, %get3A_4, %dot_general3A {dimension_numbers = #tpu.dot_dimension_numbers<[1], [0], [0], [1], [0, 0, 1, 1], [], []>, transpose_lhs_hint = false} : vector<4096x128xf32>, vector<128x128xf32>, vector<4096x128xf32> -> vector<4096x128xf32>
    %get3A_6 = arith.constant 0 : index
    %get3A_7 = arith.constant 0 : index
    %get3A_8 = vector.load %arg2[%get3A_6, %get3A_7] : memref<4096x128xf32, #tpu.memory_space<vmem>>, vector<4096x128xf32>
    %add3A = arith.addf %dot_general3A_5, %get3A_8 : vector<4096x128xf32>
    %get3A_9 = arith.constant 0 : index
    %get3A_10 = arith.constant 0 : index
    %get3A_11 = vector.load %arg4[%get3A_9, %get3A_10] : memref<1x128xf32, #tpu.memory_space<vmem>>, vector<1x128xf32>
    %add3A_12 = vector.broadcast %get3A_11 : vector<1x128xf32> to vector<4096x128xf32>
    %add3A_13 = arith.addf %add3A, %add3A_12 : vector<4096x128xf32>
    %max3A = arith.constant 0.000000e+00 : f32
    %max3A_14 = vector.broadcast %max3A : f32 to vector<4096x128xf32>
    %max3A_15 = arith.maximumf %add3A_13, %max3A_14 : vector<4096x128xf32>
    %get3A_16 = arith.constant 0 : index
    %get3A_17 = arith.constant 0 : index
    %get3A_18 = vector.load %arg5[%get3A_16, %get3A_17] : memref<128x128xf32, #tpu.memory_space<vmem>>, vector<128x128xf32>
    %dot_general3A_19 = arith.constant dense<0.000000e+00> : vector<4096x128xf32>
    %dot_general3A_20 = tpu.matmul %max3A_15, %get3A_18, %dot_general3A_19 {dimension_numbers = #tpu.dot_dimension_numbers<[1], [0], [0], [1], [0, 0, 1, 1], [], []>, transpose_lhs_hint = false} : vector<4096x128xf32>, vector<128x128xf32>, vector<4096x128xf32> -> vector<4096x128xf32>
    %add3A_21 = arith.addf %get3A_1, %dot_general3A_20 : vector<4096x128xf32>
    %get3A_22 = arith.constant 0 : index
    %get3A_23 = arith.constant 0 : index
    %get3A_24 = vector.load %arg6[%get3A_22, %get3A_23] : memref<1x128xf32, #tpu.memory_space<vmem>>, vector<1x128xf32>
    %add3A_25 = vector.broadcast %get3A_24 : vector<1x128xf32> to vector<4096x128xf32>
    %add3A_26 = arith.addf %add3A_21, %add3A_25 : vector<4096x128xf32>
    %swap3A = arith.constant 0 : index
    %swap3A_27 = arith.constant 0 : index
    %swap3A_28 = vector.load %arg7[%swap3A, %swap3A_27] : memref<4096x128xf32, #tpu.memory_space<vmem>>, vector<4096x128xf32>
    tpu.vector_store %arg7[%swap3A, %swap3A_27], %add3A_26 {strides = array<i32>} : memref<4096x128xf32, #tpu.memory_space<vmem>>, vector<4096x128xf32>,
    return
  }
  func.func @transform_0(%arg0: i32) -> (i32, i32) {
    %c0_i32 = arith.constant 0 : i32
    %c0_i32_0 = arith.constant 0 : i32
    return %arg0, %c0_i32 : i32, i32
  }
  func.func @transform_1(%arg0: i32) -> (i32, i32) {
    %c0_i32 = arith.constant 0 : i32
    %c0_i32_0 = arith.constant 0 : i32
    return %arg0, %c0_i32 : i32, i32
  }
  func.func @transform_2(%arg0: i32) -> (i32, i32) {
    %c0_i32 = arith.constant 0 : i32
    %c0_i32_0 = arith.constant 0 : i32
    %c0_i32_1 = arith.constant 0 : i32
    return %c0_i32, %c0_i32_0 : i32, i32
  }
  func.func @transform_3(%arg0: i32) -> (i32, i32) {
    %c0_i32 = arith.constant 0 : i32
    %c0_i32_0 = arith.constant 0 : i32
    %c0_i32_1 = arith.constant 0 : i32
    return %c0_i32, %c0_i32_0 : i32, i32
  }
  func.func @transform_4(%arg0: i32) -> (i32, i32) {
    %c0_i32 = arith.constant 0 : i32
    %c0_i32_0 = arith.constant 0 : i32
    %c0_i32_1 = arith.constant 0 : i32
    return %c0_i32, %c0_i32_0 : i32, i32
  }
  func.func @transform_5(%arg0: i32) -> (i32, i32) {
    %c0_i32 = arith.constant 0 : i32
    %c0_i32_0 = arith.constant 0 : i32
    %c0_i32_1 = arith.constant 0 : i32
    return %c0_i32, %c0_i32_0 : i32, i32
  }
  func.func @transform_6(%arg0: i32) -> (i32, i32) {
    %c0_i32 = arith.constant 0 : i32
    %c0_i32_0 = arith.constant 0 : i32
    return %arg0, %c0_i32 : i32, i32
  }
}

module attributes {stable_mosaic.version = 14 : i64} {
  func.func @body(%arg0: i32, %arg1: memref<2048x64xf32, #tpu.memory_space<vmem>>, %arg2: memref<2048x32xf32, #tpu.memory_space<vmem>>, %arg3: memref<2048x32xf32, #tpu.memory_space<vmem>>, %arg4: memref<64x64xf32, #tpu.memory_space<vmem>>, %arg5: memref<32x64xf32, #tpu.memory_space<vmem>>, %arg6: memref<32x64xf32, #tpu.memory_space<vmem>>, %arg7: memref<1x64xf32, #tpu.memory_space<vmem>>, %arg8: memref<64x64xf32, #tpu.memory_space<vmem>>, %arg9: memref<1x64xf32, #tpu.memory_space<vmem>>, %arg10: memref<64x64xf32, #tpu.memory_space<vmem>>, %arg11: memref<64x64xf32, #tpu.memory_space<vmem>>, %arg12: memref<2048x64xf32, #tpu.memory_space<vmem>>, %arg13: memref<2048x128xf32, #tpu.memory_space<vmem>>) attributes {dimension_semantics = [#tpu.dimension_semantics<arbitrary>], iteration_bounds = array<i64: 25>, scalar_prefetch = 0 : i64, scratch_operands = 0 : i64, tpu.core_type = #tpu.core_type<tc>, window_params = [{transform_indices = @transform_0, window_bounds = array<i64: 2048, 64>}, {transform_indices = @transform_1, window_bounds = array<i64: 2048, 32>}, {transform_indices = @transform_2, window_bounds = array<i64: 2048, 32>}, {pipeline_mode = #tpu.pipeline_mode<synchronous>, transform_indices = @transform_3, window_bounds = array<i64: 64, 64>}, {pipeline_mode = #tpu.pipeline_mode<synchronous>, transform_indices = @transform_4, window_bounds = array<i64: 32, 64>}, {pipeline_mode = #tpu.pipeline_mode<synchronous>, transform_indices = @transform_5, window_bounds = array<i64: 32, 64>}, {pipeline_mode = #tpu.pipeline_mode<synchronous>, transform_indices = @transform_6, window_bounds = array<i64: 1, 64>}, {pipeline_mode = #tpu.pipeline_mode<synchronous>, transform_indices = @transform_7, window_bounds = array<i64: 64, 64>}, {pipeline_mode = #tpu.pipeline_mode<synchronous>, transform_indices = @transform_8, window_bounds = array<i64: 1, 64>}, {pipeline_mode = #tpu.pipeline_mode<synchronous>, transform_indices = @transform_9, window_bounds = array<i64: 64, 64>}, {pipeline_mode = #tpu.pipeline_mode<synchronous>, transform_indices = @transform_10, window_bounds = array<i64: 64, 64>}, {transform_indices = @transform_11, window_bounds = array<i64: 2048, 64>}, {transform_indices = @transform_12, window_bounds = array<i64: 2048, 128>}]} {
    %get3A = arith.constant 0 : index
    %get3A_0 = arith.constant 0 : index
    %get3A_1 = vector.load %arg1[%get3A, %get3A_0] : memref<2048x64xf32, #tpu.memory_space<vmem>>, vector<2048x64xf32>
    %get3A_2 = arith.constant 0 : index
    %get3A_3 = arith.constant 0 : index
    %get3A_4 = vector.load %arg4[%get3A_2, %get3A_3] : memref<64x64xf32, #tpu.memory_space<vmem>>, vector<64x64xf32>
    %dot_general3A = arith.constant dense<0.000000e+00> : vector<2048x64xf32>
    %dot_general3A_5 = tpu.matmul %get3A_1, %get3A_4, %dot_general3A {dimension_numbers = #tpu.dot_dimension_numbers<[1], [0], [0], [1], [0, 0, 1, 1], [], []>, transpose_lhs_hint = false} : vector<2048x64xf32>, vector<64x64xf32>, vector<2048x64xf32> -> vector<2048x64xf32>
    %get3A_6 = arith.constant 0 : index
    %get3A_7 = arith.constant 0 : index
    %get3A_8 = vector.load %arg2[%get3A_6, %get3A_7] : memref<2048x32xf32, #tpu.memory_space<vmem>>, vector<2048x32xf32>
    %get3A_9 = arith.constant 0 : index
    %get3A_10 = arith.constant 0 : index
    %get3A_11 = vector.load %arg5[%get3A_9, %get3A_10] : memref<32x64xf32, #tpu.memory_space<vmem>>, vector<32x64xf32>
    %dot_general3A_12 = arith.constant dense<0.000000e+00> : vector<2048x64xf32>
    %dot_general3A_13 = tpu.matmul %get3A_8, %get3A_11, %dot_general3A_12 {dimension_numbers = #tpu.dot_dimension_numbers<[1], [0], [0], [1], [0, 0, 1, 1], [], []>, transpose_lhs_hint = false} : vector<2048x32xf32>, vector<32x64xf32>, vector<2048x64xf32> -> vector<2048x64xf32>
    %add3A = arith.addf %dot_general3A_5, %dot_general3A_13 : vector<2048x64xf32>
    %get3A_14 = arith.constant 0 : index
    %get3A_15 = arith.constant 0 : index
    %get3A_16 = vector.load %arg3[%get3A_14, %get3A_15] : memref<2048x32xf32, #tpu.memory_space<vmem>>, vector<2048x32xf32>
    %get3A_17 = arith.constant 0 : index
    %get3A_18 = arith.constant 0 : index
    %get3A_19 = vector.load %arg6[%get3A_17, %get3A_18] : memref<32x64xf32, #tpu.memory_space<vmem>>, vector<32x64xf32>
    %dot_general3A_20 = arith.constant dense<0.000000e+00> : vector<2048x64xf32>
    %dot_general3A_21 = tpu.matmul %get3A_16, %get3A_19, %dot_general3A_20 {dimension_numbers = #tpu.dot_dimension_numbers<[1], [0], [0], [1], [0, 0, 1, 1], [], []>, transpose_lhs_hint = false} : vector<2048x32xf32>, vector<32x64xf32>, vector<2048x64xf32> -> vector<2048x64xf32>
    %add3A_22 = arith.addf %add3A, %dot_general3A_21 : vector<2048x64xf32>
    %get3A_23 = arith.constant 0 : index
    %get3A_24 = arith.constant 0 : index
    %get3A_25 = vector.load %arg7[%get3A_23, %get3A_24] : memref<1x64xf32, #tpu.memory_space<vmem>>, vector<1x64xf32>
    %add3A_26 = vector.broadcast %get3A_25 : vector<1x64xf32> to vector<2048x64xf32>
    %add3A_27 = arith.addf %add3A_22, %add3A_26 : vector<2048x64xf32>
    %max3A = arith.constant 0.000000e+00 : f32
    %max3A_28 = vector.broadcast %max3A : f32 to vector<2048x64xf32>
    %max3A_29 = arith.maximumf %add3A_27, %max3A_28 : vector<2048x64xf32>
    %get3A_30 = arith.constant 0 : index
    %get3A_31 = arith.constant 0 : index
    %get3A_32 = vector.load %arg8[%get3A_30, %get3A_31] : memref<64x64xf32, #tpu.memory_space<vmem>>, vector<64x64xf32>
    %dot_general3A_33 = arith.constant dense<0.000000e+00> : vector<2048x64xf32>
    %dot_general3A_34 = tpu.matmul %max3A_29, %get3A_32, %dot_general3A_33 {dimension_numbers = #tpu.dot_dimension_numbers<[1], [0], [0], [1], [0, 0, 1, 1], [], []>, transpose_lhs_hint = false} : vector<2048x64xf32>, vector<64x64xf32>, vector<2048x64xf32> -> vector<2048x64xf32>
    %add3A_35 = arith.addf %get3A_1, %dot_general3A_34 : vector<2048x64xf32>
    %get3A_36 = arith.constant 0 : index
    %get3A_37 = arith.constant 0 : index
    %get3A_38 = vector.load %arg9[%get3A_36, %get3A_37] : memref<1x64xf32, #tpu.memory_space<vmem>>, vector<1x64xf32>
    %add3A_39 = vector.broadcast %get3A_38 : vector<1x64xf32> to vector<2048x64xf32>
    %add3A_40 = arith.addf %add3A_35, %add3A_39 : vector<2048x64xf32>
    %swap3A = arith.constant 0 : index
    %swap3A_41 = arith.constant 0 : index
    %swap3A_42 = vector.load %arg12[%swap3A, %swap3A_41] : memref<2048x64xf32, #tpu.memory_space<vmem>>, vector<2048x64xf32>
    tpu.vector_store %arg12[%swap3A, %swap3A_41], %add3A_40 {strides = array<i32>} : memref<2048x64xf32, #tpu.memory_space<vmem>>, vector<2048x64xf32>,
    %get3A_43 = arith.constant 0 : index
    %get3A_44 = arith.constant 0 : index
    %get3A_45 = vector.load %arg10[%get3A_43, %get3A_44] : memref<64x64xf32, #tpu.memory_space<vmem>>, vector<64x64xf32>
    %dot_general3A_46 = arith.constant dense<0.000000e+00> : vector<2048x64xf32>
    %dot_general3A_47 = tpu.matmul %add3A_40, %get3A_45, %dot_general3A_46 {dimension_numbers = #tpu.dot_dimension_numbers<[1], [0], [0], [1], [0, 0, 1, 1], [], []>, transpose_lhs_hint = false} : vector<2048x64xf32>, vector<64x64xf32>, vector<2048x64xf32> -> vector<2048x64xf32>
    %get3A_48 = arith.constant 0 : index
    %get3A_49 = arith.constant 0 : index
    %get3A_50 = vector.load %arg11[%get3A_48, %get3A_49] : memref<64x64xf32, #tpu.memory_space<vmem>>, vector<64x64xf32>
    %dot_general3A_51 = arith.constant dense<0.000000e+00> : vector<2048x64xf32>
    %dot_general3A_52 = tpu.matmul %add3A_40, %get3A_50, %dot_general3A_51 {dimension_numbers = #tpu.dot_dimension_numbers<[1], [0], [0], [1], [0, 0, 1, 1], [], []>, transpose_lhs_hint = false} : vector<2048x64xf32>, vector<64x64xf32>, vector<2048x64xf32> -> vector<2048x64xf32>
    %concatenate3A = tpu.concatenate %dot_general3A_47, %dot_general3A_52 in 1 : vector<2048x64xf32>, vector<2048x64xf32> -> vector<2048x128xf32>
    %swap3A_53 = arith.constant 0 : index
    %swap3A_54 = arith.constant 0 : index
    %swap3A_55 = vector.load %arg13[%swap3A_53, %swap3A_54] : memref<2048x128xf32, #tpu.memory_space<vmem>>, vector<2048x128xf32>
    tpu.vector_store %arg13[%swap3A_53, %swap3A_54], %concatenate3A {strides = array<i32>} : memref<2048x128xf32, #tpu.memory_space<vmem>>, vector<2048x128xf32>,
    return
  }
  func.func @transform_0(%arg0: i32) -> (i32, i32) {
    %c0_i32 = arith.constant 0 : i32
    %c0_i32_0 = arith.constant 0 : i32
    return %arg0, %c0_i32 : i32, i32
  }
  func.func @transform_1(%arg0: i32) -> (i32, i32) {
    %c0_i32 = arith.constant 0 : i32
    %c0_i32_0 = arith.constant 0 : i32
    return %arg0, %c0_i32 : i32, i32
  }
  func.func @transform_2(%arg0: i32) -> (i32, i32) {
    %c0_i32 = arith.constant 0 : i32
    %c0_i32_0 = arith.constant 0 : i32
    return %arg0, %c0_i32 : i32, i32
  }
  func.func @transform_3(%arg0: i32) -> (i32, i32) {
    %c0_i32 = arith.constant 0 : i32
    %c0_i32_0 = arith.constant 0 : i32
    %c0_i32_1 = arith.constant 0 : i32
    return %c0_i32, %c0_i32_0 : i32, i32
  }
  func.func @transform_4(%arg0: i32) -> (i32, i32) {
    %c0_i32 = arith.constant 0 : i32
    %c0_i32_0 = arith.constant 0 : i32
    %c0_i32_1 = arith.constant 0 : i32
    return %c0_i32, %c0_i32_0 : i32, i32
  }
  func.func @transform_5(%arg0: i32) -> (i32, i32) {
    %c0_i32 = arith.constant 0 : i32
    %c0_i32_0 = arith.constant 0 : i32
    %c0_i32_1 = arith.constant 0 : i32
    return %c0_i32, %c0_i32_0 : i32, i32
  }
  func.func @transform_6(%arg0: i32) -> (i32, i32) {
    %c0_i32 = arith.constant 0 : i32
    %c0_i32_0 = arith.constant 0 : i32
    %c0_i32_1 = arith.constant 0 : i32
    return %c0_i32, %c0_i32_0 : i32, i32
  }
  func.func @transform_7(%arg0: i32) -> (i32, i32) {
    %c0_i32 = arith.constant 0 : i32
    %c0_i32_0 = arith.constant 0 : i32
    %c0_i32_1 = arith.constant 0 : i32
    return %c0_i32, %c0_i32_0 : i32, i32
  }
  func.func @transform_8(%arg0: i32) -> (i32, i32) {
    %c0_i32 = arith.constant 0 : i32
    %c0_i32_0 = arith.constant 0 : i32
    %c0_i32_1 = arith.constant 0 : i32
    return %c0_i32, %c0_i32_0 : i32, i32
  }
  func.func @transform_9(%arg0: i32) -> (i32, i32) {
    %c0_i32 = arith.constant 0 : i32
    %c0_i32_0 = arith.constant 0 : i32
    %c0_i32_1 = arith.constant 0 : i32
    return %c0_i32, %c0_i32_0 : i32, i32
  }
  func.func @transform_10(%arg0: i32) -> (i32, i32) {
    %c0_i32 = arith.constant 0 : i32
    %c0_i32_0 = arith.constant 0 : i32
    %c0_i32_1 = arith.constant 0 : i32
    return %c0_i32, %c0_i32_0 : i32, i32
  }
  func.func @transform_11(%arg0: i32) -> (i32, i32) {
    %c0_i32 = arith.constant 0 : i32
    %c0_i32_0 = arith.constant 0 : i32
    return %arg0, %c0_i32 : i32, i32
  }
  func.func @transform_12(%arg0: i32) -> (i32, i32) {
    %c0_i32 = arith.constant 0 : i32
    %c0_i32_0 = arith.constant 0 : i32
    return %arg0, %c0_i32 : i32, i32
  }
}

module attributes {stable_mosaic.version = 14 : i64} {
  func.func @body(%arg0: i32, %arg1: memref<2048x64xf32, #tpu.memory_space<vmem>>, %arg2: memref<1x2048xi32, #tpu.memory_space<vmem>>, %arg3: memref<64x64xf32, #tpu.memory_space<vmem>>, %arg4: memref<1x64xf32, #tpu.memory_space<vmem>>, %arg5: memref<64x64xf32, #tpu.memory_space<vmem>>, %arg6: memref<1x64xf32, #tpu.memory_space<vmem>>, %arg7: memref<64x64xf32, #tpu.memory_space<vmem>>, %arg8: memref<1x64xf32, #tpu.memory_space<vmem>>, %arg9: memref<64x2xf32, #tpu.memory_space<vmem>>, %arg10: memref<1x2xf32, #tpu.memory_space<vmem>>, %arg11: memref<64x64xf32, #tpu.memory_space<vmem>>, %arg12: memref<1x64xf32, #tpu.memory_space<vmem>>, %arg13: memref<64x2xf32, #tpu.memory_space<vmem>>, %arg14: memref<1x2xf32, #tpu.memory_space<vmem>>, %arg15: memref<2048x2xf32, #tpu.memory_space<vmem>>, %arg16: memref<2048x2xf32, #tpu.memory_space<vmem>>, %arg17: memref<16x65xf32, #tpu.memory_space<vmem>>) attributes {dimension_semantics = [#tpu.dimension_semantics<arbitrary>], iteration_bounds = array<i64: 25>, scalar_prefetch = 0 : i64, scratch_operands = 0 : i64, tpu.core_type = #tpu.core_type<tc>, window_params = [{transform_indices = @transform_0, window_bounds = array<i64: 2048, 64>}, {transform_indices = @transform_1, window_bounds = array<i64: 1, 2048>}, {pipeline_mode = #tpu.pipeline_mode<synchronous>, transform_indices = @transform_2, window_bounds = array<i64: 64, 64>}, {pipeline_mode = #tpu.pipeline_mode<synchronous>, transform_indices = @transform_3, window_bounds = array<i64: 1, 64>}, {pipeline_mode = #tpu.pipeline_mode<synchronous>, transform_indices = @transform_4, window_bounds = array<i64: 64, 64>}, {pipeline_mode = #tpu.pipeline_mode<synchronous>, transform_indices = @transform_5, window_bounds = array<i64: 1, 64>}, {pipeline_mode = #tpu.pipeline_mode<synchronous>, transform_indices = @transform_6, window_bounds = array<i64: 64, 64>}, {pipeline_mode = #tpu.pipeline_mode<synchronous>, transform_indices = @transform_7, window_bounds = array<i64: 1, 64>}, {pipeline_mode = #tpu.pipeline_mode<synchronous>, transform_indices = @transform_8, window_bounds = array<i64: 64, 2>}, {pipeline_mode = #tpu.pipeline_mode<synchronous>, transform_indices = @transform_9, window_bounds = array<i64: 1, 2>}, {pipeline_mode = #tpu.pipeline_mode<synchronous>, transform_indices = @transform_10, window_bounds = array<i64: 64, 64>}, {pipeline_mode = #tpu.pipeline_mode<synchronous>, transform_indices = @transform_11, window_bounds = array<i64: 1, 64>}, {pipeline_mode = #tpu.pipeline_mode<synchronous>, transform_indices = @transform_12, window_bounds = array<i64: 64, 2>}, {pipeline_mode = #tpu.pipeline_mode<synchronous>, transform_indices = @transform_13, window_bounds = array<i64: 1, 2>}, {transform_indices = @transform_14, window_bounds = array<i64: 2048, 2>}, {transform_indices = @transform_15, window_bounds = array<i64: 2048, 2>}, {pipeline_mode = #tpu.pipeline_mode<synchronous>, transform_indices = @transform_16, window_bounds = array<i64: 16, 65>}]} {
    %get3A = arith.constant 0 : index
    %get3A_0 = arith.constant 0 : index
    %get3A_1 = vector.load %arg1[%get3A, %get3A_0] : memref<2048x64xf32, #tpu.memory_space<vmem>>, vector<2048x64xf32>
    %get3A_2 = arith.constant 0 : index
    %get3A_3 = arith.constant 0 : index
    %get3A_4 = vector.load %arg3[%get3A_2, %get3A_3] : memref<64x64xf32, #tpu.memory_space<vmem>>, vector<64x64xf32>
    %dot_general3A = arith.constant dense<0.000000e+00> : vector<2048x64xf32>
    %dot_general3A_5 = tpu.matmul %get3A_1, %get3A_4, %dot_general3A {dimension_numbers = #tpu.dot_dimension_numbers<[1], [0], [0], [1], [0, 0, 1, 1], [], []>, transpose_lhs_hint = false} : vector<2048x64xf32>, vector<64x64xf32>, vector<2048x64xf32> -> vector<2048x64xf32>
    %get3A_6 = arith.constant 0 : index
    %get3A_7 = arith.constant 0 : index
    %get3A_8 = vector.load %arg4[%get3A_6, %get3A_7] : memref<1x64xf32, #tpu.memory_space<vmem>>, vector<1x64xf32>
    %add3A = vector.broadcast %get3A_8 : vector<1x64xf32> to vector<2048x64xf32>
    %add3A_9 = arith.addf %dot_general3A_5, %add3A : vector<2048x64xf32>
    %max3A = arith.constant 0.000000e+00 : f32
    %max3A_10 = vector.broadcast %max3A : f32 to vector<2048x64xf32>
    %max3A_11 = arith.maximumf %add3A_9, %max3A_10 : vector<2048x64xf32>
    %get3A_12 = arith.constant 0 : index
    %get3A_13 = arith.constant 0 : index
    %get3A_14 = vector.load %arg5[%get3A_12, %get3A_13] : memref<64x64xf32, #tpu.memory_space<vmem>>, vector<64x64xf32>
    %dot_general3A_15 = arith.constant dense<0.000000e+00> : vector<2048x64xf32>
    %dot_general3A_16 = tpu.matmul %max3A_11, %get3A_14, %dot_general3A_15 {dimension_numbers = #tpu.dot_dimension_numbers<[1], [0], [0], [1], [0, 0, 1, 1], [], []>, transpose_lhs_hint = false} : vector<2048x64xf32>, vector<64x64xf32>, vector<2048x64xf32> -> vector<2048x64xf32>
    %get3A_17 = arith.constant 0 : index
    %get3A_18 = arith.constant 0 : index
    %get3A_19 = vector.load %arg6[%get3A_17, %get3A_18] : memref<1x64xf32, #tpu.memory_space<vmem>>, vector<1x64xf32>
    %add3A_20 = vector.broadcast %get3A_19 : vector<1x64xf32> to vector<2048x64xf32>
    %add3A_21 = arith.addf %dot_general3A_16, %add3A_20 : vector<2048x64xf32>
    %get3A_22 = arith.constant 0 : index
    %get3A_23 = arith.constant 0 : index
    %get3A_24 = vector.load %arg7[%get3A_22, %get3A_23] : memref<64x64xf32, #tpu.memory_space<vmem>>, vector<64x64xf32>
    %dot_general3A_25 = arith.constant dense<0.000000e+00> : vector<2048x64xf32>
    %dot_general3A_26 = tpu.matmul %add3A_21, %get3A_24, %dot_general3A_25 {dimension_numbers = #tpu.dot_dimension_numbers<[1], [0], [0], [1], [0, 0, 1, 1], [], []>, transpose_lhs_hint = false} : vector<2048x64xf32>, vector<64x64xf32>, vector<2048x64xf32> -> vector<2048x64xf32>
    %get3A_27 = arith.constant 0 : index
    %get3A_28 = arith.constant 0 : index
    %get3A_29 = vector.load %arg8[%get3A_27, %get3A_28] : memref<1x64xf32, #tpu.memory_space<vmem>>, vector<1x64xf32>
    %add3A_30 = vector.broadcast %get3A_29 : vector<1x64xf32> to vector<2048x64xf32>
    %add3A_31 = arith.addf %dot_general3A_26, %add3A_30 : vector<2048x64xf32>
    %max3A_32 = arith.constant 0.000000e+00 : f32
    %max3A_33 = vector.broadcast %max3A_32 : f32 to vector<2048x64xf32>
    %max3A_34 = arith.maximumf %add3A_31, %max3A_33 : vector<2048x64xf32>
    %get3A_35 = arith.constant 0 : index
    %get3A_36 = arith.constant 0 : index
    %get3A_37 = vector.load %arg9[%get3A_35, %get3A_36] : memref<64x2xf32, #tpu.memory_space<vmem>>, vector<64x2xf32>
    %dot_general3A_38 = arith.constant dense<0.000000e+00> : vector<2048x2xf32>
    %dot_general3A_39 = tpu.matmul %max3A_34, %get3A_37, %dot_general3A_38 {dimension_numbers = #tpu.dot_dimension_numbers<[1], [0], [0], [1], [0, 0, 1, 1], [], []>, transpose_lhs_hint = false} : vector<2048x64xf32>, vector<64x2xf32>, vector<2048x2xf32> -> vector<2048x2xf32>
    %get3A_40 = arith.constant 0 : index
    %get3A_41 = arith.constant 0 : index
    %get3A_42 = vector.load %arg10[%get3A_40, %get3A_41] : memref<1x2xf32, #tpu.memory_space<vmem>>, vector<1x2xf32>
    %add3A_43 = vector.broadcast %get3A_42 : vector<1x2xf32> to vector<2048x2xf32>
    %add3A_44 = arith.addf %dot_general3A_39, %add3A_43 : vector<2048x2xf32>
    %swap3A = arith.constant 0 : index
    %swap3A_45 = arith.constant 0 : index
    %swap3A_46 = vector.load %arg15[%swap3A, %swap3A_45] : memref<2048x2xf32, #tpu.memory_space<vmem>>, vector<2048x2xf32>
    tpu.vector_store %arg15[%swap3A, %swap3A_45], %add3A_44 {strides = array<i32>} : memref<2048x2xf32, #tpu.memory_space<vmem>>, vector<2048x2xf32>,
    %get3A_47 = arith.constant 0 : index
    %get3A_48 = arith.constant 0 : index
    %get3A_49 = vector.load %arg11[%get3A_47, %get3A_48] : memref<64x64xf32, #tpu.memory_space<vmem>>, vector<64x64xf32>
    %dot_general3A_50 = arith.constant dense<0.000000e+00> : vector<2048x64xf32>
    %dot_general3A_51 = tpu.matmul %add3A_21, %get3A_49, %dot_general3A_50 {dimension_numbers = #tpu.dot_dimension_numbers<[1], [0], [0], [1], [0, 0, 1, 1], [], []>, transpose_lhs_hint = false} : vector<2048x64xf32>, vector<64x64xf32>, vector<2048x64xf32> -> vector<2048x64xf32>
    %get3A_52 = arith.constant 0 : index
    %get3A_53 = arith.constant 0 : index
    %get3A_54 = vector.load %arg12[%get3A_52, %get3A_53] : memref<1x64xf32, #tpu.memory_space<vmem>>, vector<1x64xf32>
    %add3A_55 = vector.broadcast %get3A_54 : vector<1x64xf32> to vector<2048x64xf32>
    %add3A_56 = arith.addf %dot_general3A_51, %add3A_55 : vector<2048x64xf32>
    %max3A_57 = arith.constant 0.000000e+00 : f32
    %max3A_58 = vector.broadcast %max3A_57 : f32 to vector<2048x64xf32>
    %max3A_59 = arith.maximumf %add3A_56, %max3A_58 : vector<2048x64xf32>
    %get3A_60 = arith.constant 0 : index
    %get3A_61 = arith.constant 0 : index
    %get3A_62 = vector.load %arg13[%get3A_60, %get3A_61] : memref<64x2xf32, #tpu.memory_space<vmem>>, vector<64x2xf32>
    %dot_general3A_63 = arith.constant dense<0.000000e+00> : vector<2048x2xf32>
    %dot_general3A_64 = tpu.matmul %max3A_59, %get3A_62, %dot_general3A_63 {dimension_numbers = #tpu.dot_dimension_numbers<[1], [0], [0], [1], [0, 0, 1, 1], [], []>, transpose_lhs_hint = false} : vector<2048x64xf32>, vector<64x2xf32>, vector<2048x2xf32> -> vector<2048x2xf32>
    %get3A_65 = arith.constant 0 : index
    %get3A_66 = arith.constant 0 : index
    %get3A_67 = vector.load %arg14[%get3A_65, %get3A_66] : memref<1x2xf32, #tpu.memory_space<vmem>>, vector<1x2xf32>
    %add3A_68 = vector.broadcast %get3A_67 : vector<1x2xf32> to vector<2048x2xf32>
    %add3A_69 = arith.addf %dot_general3A_64, %add3A_68 : vector<2048x2xf32>
    %jit3A = arith.constant -1.000000e+01 : f32
    %jit3A_70 = arith.constant 2.000000e+00 : f32
    %max3A_71 = vector.broadcast %jit3A : f32 to vector<2048x2xf32>
    %max3A_72 = arith.maximumf %max3A_71, %add3A_69 : vector<2048x2xf32>
    %min3A = vector.broadcast %jit3A_70 : f32 to vector<2048x2xf32>
    %min3A_73 = arith.minimumf %min3A, %max3A_72 : vector<2048x2xf32>
    %swap3A_74 = arith.constant 0 : index
    %swap3A_75 = arith.constant 0 : index
    %swap3A_76 = vector.load %arg16[%swap3A_74, %swap3A_75] : memref<2048x2xf32, #tpu.memory_space<vmem>>, vector<2048x2xf32>
    tpu.vector_store %arg16[%swap3A_74, %swap3A_75], %min3A_73 {strides = array<i32>} : memref<2048x2xf32, #tpu.memory_space<vmem>>, vector<2048x2xf32>,
    %iota3A = tpu.iota {dimensions = array<i32: 0>} : vector<16x2048xi32>
    %iota3A_77 = tpu.iota {dimensions = array<i32: 1>} : vector<16x2048xi32>
    %mul3A = arith.constant 2048 : i32
    %mul3A_78 = arith.muli %arg0, %mul3A : i32
    %add3A_79 = vector.broadcast %mul3A_78 : i32 to vector<16x2048xi32>
    %add3A_80 = arith.addi %iota3A_77, %add3A_79 : vector<16x2048xi32>
    %get3A_81 = arith.constant 0 : index
    %get3A_82 = arith.constant 0 : index
    %get3A_83 = vector.load %arg2[%get3A_81, %get3A_82] : memref<1x2048xi32, #tpu.memory_space<vmem>>, vector<1x2048xi32>
    %eq3A = vector.broadcast %get3A_83 : vector<1x2048xi32> to vector<16x2048xi32>
    %eq3A_84 = arith.cmpi eq, %iota3A, %eq3A : vector<16x2048xi32>
    %lt3A = arith.constant 50000 : i32
    %lt3A_85 = vector.broadcast %lt3A : i32 to vector<16x2048xi32>
    %lt3A_86 = arith.cmpi slt, %add3A_80, %lt3A_85 : vector<16x2048xi32>
    %and3A = arith.andi %eq3A_84, %lt3A_86 : vector<16x2048xi1>
    %jit3A_87 = arith.constant 1.000000e+00 : f32
    %jit3A_88 = arith.constant 0.000000e+00 : f32
    %broadcast_in_dim3A = vector.broadcast %jit3A_87 : f32 to vector<16x2048xf32>
    %broadcast_in_dim3A_89 = vector.broadcast %jit3A_88 : f32 to vector<16x2048xf32>
    %select_n3A = arith.select %and3A, %broadcast_in_dim3A, %broadcast_in_dim3A_89 : vector<16x2048xi1>, vector<16x2048xf32>
    %iota3A_90 = tpu.iota {dimensions = array<i32: 0>} : vector<2048x1xi32>
    %mul3A_91 = arith.constant 2048 : i32
    %mul3A_92 = arith.muli %arg0, %mul3A_91 : i32
    %add3A_93 = vector.broadcast %mul3A_92 : i32 to vector<2048x1xi32>
    %add3A_94 = arith.addi %iota3A_90, %add3A_93 : vector<2048x1xi32>
    %broadcast_in_dim3A_95 = arith.constant 1.000000e+00 : f32
    %broadcast_in_dim3A_96 = vector.broadcast %broadcast_in_dim3A_95 : f32 to vector<2048x1xf32>
    %concatenate3A = tpu.concatenate %add3A_21, %broadcast_in_dim3A_96 in 1 : vector<2048x64xf32>, vector<2048x1xf32> -> vector<2048x65xf32>
    %lt3A_97 = arith.constant 50000 : i32
    %lt3A_98 = vector.broadcast %lt3A_97 : i32 to vector<2048x1xi32>
    %lt3A_99 = arith.cmpi slt, %add3A_94, %lt3A_98 : vector<2048x1xi32>
    %jit3A_100 = arith.constant 0.000000e+00 : f32
    %broadcast_in_dim3A_101 = vector.shape_cast %lt3A_99 : vector<2048x1xi1> to vector<2048x1xi1>
    %broadcast_in_dim3A_102 = vector.broadcast %broadcast_in_dim3A_101 : vector<2048x1xi1> to vector<2048x65xi1>
    %broadcast_in_dim3A_103 = vector.broadcast %jit3A_100 : f32 to vector<2048x65xf32>
    %select_n3A_104 = arith.select %broadcast_in_dim3A_102, %concatenate3A, %broadcast_in_dim3A_103 : vector<2048x65xi1>, vector<2048x65xf32>
    %dot_general3A_105 = arith.constant dense<0.000000e+00> : vector<16x65xf32>
    %dot_general3A_106 = tpu.matmul %select_n3A, %select_n3A_104, %dot_general3A_105 {dimension_numbers = #tpu.dot_dimension_numbers<[1], [0], [0], [1], [0, 0, 1, 1], [], []>, precision = #tpu.contract_precision<fp32>, transpose_lhs_hint = false} : vector<16x2048xf32>, vector<2048x65xf32>, vector<16x65xf32> -> vector<16x65xf32>
    %eq3A_107 = arith.constant 0 : i32
    %eq3A_108 = arith.cmpi eq, %arg0, %eq3A_107 : i32
    %convert_element_type3A = arith.extui %eq3A_108 : i1 to i32
    %cond3A = arith.constant 0 : i32
    %cond3A_109 = arith.cmpi ne, %convert_element_type3A, %cond3A : i32
    scf.if %cond3A_109 {
      %broadcast_in_dim3A_117 = arith.constant 0.000000e+00 : f32
      %broadcast_in_dim3A_118 = vector.broadcast %broadcast_in_dim3A_117 : f32 to vector<16x65xf32>
      %swap3A_119 = arith.constant 0 : index
      %swap3A_120 = arith.constant 0 : index
      %swap3A_121 = vector.load %arg17[%swap3A_119, %swap3A_120] : memref<16x65xf32, #tpu.memory_space<vmem>>, vector<16x65xf32>
      tpu.vector_store %arg17[%swap3A_119, %swap3A_120], %broadcast_in_dim3A_118 {strides = array<i32>} : memref<16x65xf32, #tpu.memory_space<vmem>>, vector<16x65xf32>,
    } else {
    }
    %get3A_110 = arith.constant 0 : index
    %get3A_111 = arith.constant 0 : index
    %get3A_112 = vector.load %arg17[%get3A_110, %get3A_111] : memref<16x65xf32, #tpu.memory_space<vmem>>, vector<16x65xf32>
    %add3A_113 = arith.addf %get3A_112, %dot_general3A_106 : vector<16x65xf32>
    %swap3A_114 = arith.constant 0 : index
    %swap3A_115 = arith.constant 0 : index
    %swap3A_116 = vector.load %arg17[%swap3A_114, %swap3A_115] : memref<16x65xf32, #tpu.memory_space<vmem>>, vector<16x65xf32>
    tpu.vector_store %arg17[%swap3A_114, %swap3A_115], %add3A_113 {strides = array<i32>} : memref<16x65xf32, #tpu.memory_space<vmem>>, vector<16x65xf32>,
    return
  }
  func.func @transform_0(%arg0: i32) -> (i32, i32) {
    %c0_i32 = arith.constant 0 : i32
    %c0_i32_0 = arith.constant 0 : i32
    return %arg0, %c0_i32 : i32, i32
  }
  func.func @transform_1(%arg0: i32) -> (i32, i32) {
    %c0_i32 = arith.constant 0 : i32
    %c0_i32_0 = arith.constant 0 : i32
    return %c0_i32, %arg0 : i32, i32
  }
  func.func @transform_2(%arg0: i32) -> (i32, i32) {
    %c0_i32 = arith.constant 0 : i32
    %c0_i32_0 = arith.constant 0 : i32
    %c0_i32_1 = arith.constant 0 : i32
    return %c0_i32, %c0_i32_0 : i32, i32
  }
  func.func @transform_3(%arg0: i32) -> (i32, i32) {
    %c0_i32 = arith.constant 0 : i32
    %c0_i32_0 = arith.constant 0 : i32
    %c0_i32_1 = arith.constant 0 : i32
    return %c0_i32, %c0_i32_0 : i32, i32
  }
  func.func @transform_4(%arg0: i32) -> (i32, i32) {
    %c0_i32 = arith.constant 0 : i32
    %c0_i32_0 = arith.constant 0 : i32
    %c0_i32_1 = arith.constant 0 : i32
    return %c0_i32, %c0_i32_0 : i32, i32
  }
  func.func @transform_5(%arg0: i32) -> (i32, i32) {
    %c0_i32 = arith.constant 0 : i32
    %c0_i32_0 = arith.constant 0 : i32
    %c0_i32_1 = arith.constant 0 : i32
    return %c0_i32, %c0_i32_0 : i32, i32
  }
  func.func @transform_6(%arg0: i32) -> (i32, i32) {
    %c0_i32 = arith.constant 0 : i32
    %c0_i32_0 = arith.constant 0 : i32
    %c0_i32_1 = arith.constant 0 : i32
    return %c0_i32, %c0_i32_0 : i32, i32
  }
  func.func @transform_7(%arg0: i32) -> (i32, i32) {
    %c0_i32 = arith.constant 0 : i32
    %c0_i32_0 = arith.constant 0 : i32
    %c0_i32_1 = arith.constant 0 : i32
    return %c0_i32, %c0_i32_0 : i32, i32
  }
  func.func @transform_8(%arg0: i32) -> (i32, i32) {
    %c0_i32 = arith.constant 0 : i32
    %c0_i32_0 = arith.constant 0 : i32
    %c0_i32_1 = arith.constant 0 : i32
    return %c0_i32, %c0_i32_0 : i32, i32
  }
  func.func @transform_9(%arg0: i32) -> (i32, i32) {
    %c0_i32 = arith.constant 0 : i32
    %c0_i32_0 = arith.constant 0 : i32
    %c0_i32_1 = arith.constant 0 : i32
    return %c0_i32, %c0_i32_0 : i32, i32
  }
  func.func @transform_10(%arg0: i32) -> (i32, i32) {
    %c0_i32 = arith.constant 0 : i32
    %c0_i32_0 = arith.constant 0 : i32
    %c0_i32_1 = arith.constant 0 : i32
    return %c0_i32, %c0_i32_0 : i32, i32
  }
  func.func @transform_11(%arg0: i32) -> (i32, i32) {
    %c0_i32 = arith.constant 0 : i32
    %c0_i32_0 = arith.constant 0 : i32
    %c0_i32_1 = arith.constant 0 : i32
    return %c0_i32, %c0_i32_0 : i32, i32
  }
  func.func @transform_12(%arg0: i32) -> (i32, i32) {
    %c0_i32 = arith.constant 0 : i32
    %c0_i32_0 = arith.constant 0 : i32
    %c0_i32_1 = arith.constant 0 : i32
    return %c0_i32, %c0_i32_0 : i32, i32
  }
  func.func @transform_13(%arg0: i32) -> (i32, i32) {
    %c0_i32 = arith.constant 0 : i32
    %c0_i32_0 = arith.constant 0 : i32
    %c0_i32_1 = arith.constant 0 : i32
    return %c0_i32, %c0_i32_0 : i32, i32
  }
  func.func @transform_14(%arg0: i32) -> (i32, i32) {
    %c0_i32 = arith.constant 0 : i32
    %c0_i32_0 = arith.constant 0 : i32
    return %arg0, %c0_i32 : i32, i32
  }
  func.func @transform_15(%arg0: i32) -> (i32, i32) {
    %c0_i32 = arith.constant 0 : i32
    %c0_i32_0 = arith.constant 0 : i32
    return %arg0, %c0_i32 : i32, i32
  }
  func.func @transform_16(%arg0: i32) -> (i32, i32) {
    %c0_i32 = arith.constant 0 : i32
    %c0_i32_0 = arith.constant 0 : i32
    %c0_i32_1 = arith.constant 0 : i32
    return %c0_i32, %c0_i32_0 : i32, i32
  }
}

module attributes {stable_mosaic.version = 14 : i64} {
  func.func @body(%arg0: i32, %arg1: memref<16x65xf32, #tpu.memory_space<vmem>>, %arg2: memref<1x1xf32, #tpu.memory_space<vmem>>, %arg3: memref<64x120xf32, #tpu.memory_space<vmem>>, %arg4: memref<1x120xf32, #tpu.memory_space<vmem>>, %arg5: memref<120x64xf32, #tpu.memory_space<vmem>>, %arg6: memref<1x64xf32, #tpu.memory_space<vmem>>, %arg7: memref<64x1xf32, #tpu.memory_space<vmem>>, %arg8: memref<1x1xf32, #tpu.memory_space<vmem>>, %arg9: memref<16x1xf32, #tpu.memory_space<vmem>>) attributes {dimension_semantics = [#tpu.dimension_semantics<arbitrary>], iteration_bounds = array<i64: 1>, scalar_prefetch = 0 : i64, scratch_operands = 0 : i64, tpu.core_type = #tpu.core_type<tc>, window_params = [{pipeline_mode = #tpu.pipeline_mode<synchronous>, transform_indices = @transform_0, window_bounds = array<i64: 16, 65>}, {pipeline_mode = #tpu.pipeline_mode<synchronous>, transform_indices = @transform_1, window_bounds = array<i64: 1, 1>}, {pipeline_mode = #tpu.pipeline_mode<synchronous>, transform_indices = @transform_2, window_bounds = array<i64: 64, 120>}, {pipeline_mode = #tpu.pipeline_mode<synchronous>, transform_indices = @transform_3, window_bounds = array<i64: 1, 120>}, {pipeline_mode = #tpu.pipeline_mode<synchronous>, transform_indices = @transform_4, window_bounds = array<i64: 120, 64>}, {pipeline_mode = #tpu.pipeline_mode<synchronous>, transform_indices = @transform_5, window_bounds = array<i64: 1, 64>}, {pipeline_mode = #tpu.pipeline_mode<synchronous>, transform_indices = @transform_6, window_bounds = array<i64: 64, 1>}, {pipeline_mode = #tpu.pipeline_mode<synchronous>, transform_indices = @transform_7, window_bounds = array<i64: 1, 1>}, {pipeline_mode = #tpu.pipeline_mode<synchronous>, transform_indices = @transform_8, window_bounds = array<i64: 16, 1>}]} {
    %get3A = arith.constant 0 : index
    %get3A_0 = arith.constant 0 : index
    %get3A_1 = vector.load %arg1[%get3A, %get3A_0] : memref<16x65xf32, #tpu.memory_space<vmem>>, vector<16x64xf32>
    %get3A_2 = arith.constant 0 : index
    %get3A_3 = arith.constant 64 : index
    %get3A_4 = vector.load %arg1[%get3A_2, %get3A_3] : memref<16x65xf32, #tpu.memory_space<vmem>>, vector<16x1xf32>
    %get3A_5 = arith.constant 0 : index
    %get3A_6 = arith.constant 0 : index
    %get3A_7 = vector.load %arg2[%get3A_5, %get3A_6] : memref<1x1xf32, #tpu.memory_space<vmem>>, vector<1x1xf32>
    %add3A = vector.broadcast %get3A_7 : vector<1x1xf32> to vector<16x1xf32>
    %add3A_8 = arith.addf %get3A_4, %add3A : vector<16x1xf32>
    %jit3A = arith.constant 1.000000e+00 : f32
    %max3A = vector.broadcast %jit3A : f32 to vector<16x1xf32>
    %max3A_9 = arith.maximumf %max3A, %add3A_8 : vector<16x1xf32>
    %sqrt3A = math.sqrt %max3A_9 : vector<16x1xf32>
    %div3A = vector.broadcast %sqrt3A : vector<16x1xf32> to vector<16x64xf32>
    %div3A_10 = arith.divf %get3A_1, %div3A : vector<16x64xf32>
    %get3A_11 = arith.constant 0 : index
    %get3A_12 = arith.constant 0 : index
    %get3A_13 = vector.load %arg3[%get3A_11, %get3A_12] : memref<64x120xf32, #tpu.memory_space<vmem>>, vector<64x120xf32>
    %dot_general3A = arith.constant dense<0.000000e+00> : vector<16x120xf32>
    %dot_general3A_14 = tpu.matmul %div3A_10, %get3A_13, %dot_general3A {dimension_numbers = #tpu.dot_dimension_numbers<[1], [0], [0], [1], [0, 0, 1, 1], [], []>, transpose_lhs_hint = false} : vector<16x64xf32>, vector<64x120xf32>, vector<16x120xf32> -> vector<16x120xf32>
    %get3A_15 = arith.constant 0 : index
    %get3A_16 = arith.constant 0 : index
    %get3A_17 = vector.load %arg4[%get3A_15, %get3A_16] : memref<1x120xf32, #tpu.memory_space<vmem>>, vector<1x120xf32>
    %add3A_18 = vector.broadcast %get3A_17 : vector<1x120xf32> to vector<16x120xf32>
    %add3A_19 = arith.addf %dot_general3A_14, %add3A_18 : vector<16x120xf32>
    %max3A_20 = arith.constant 0.000000e+00 : f32
    %max3A_21 = vector.broadcast %max3A_20 : f32 to vector<16x120xf32>
    %max3A_22 = arith.maximumf %add3A_19, %max3A_21 : vector<16x120xf32>
    %get3A_23 = arith.constant 0 : index
    %get3A_24 = arith.constant 0 : index
    %get3A_25 = vector.load %arg5[%get3A_23, %get3A_24] : memref<120x64xf32, #tpu.memory_space<vmem>>, vector<120x64xf32>
    %dot_general3A_26 = arith.constant dense<0.000000e+00> : vector<16x64xf32>
    %dot_general3A_27 = tpu.matmul %max3A_22, %get3A_25, %dot_general3A_26 {dimension_numbers = #tpu.dot_dimension_numbers<[1], [0], [0], [1], [0, 0, 1, 1], [], []>, transpose_lhs_hint = false} : vector<16x120xf32>, vector<120x64xf32>, vector<16x64xf32> -> vector<16x64xf32>
    %get3A_28 = arith.constant 0 : index
    %get3A_29 = arith.constant 0 : index
    %get3A_30 = vector.load %arg6[%get3A_28, %get3A_29] : memref<1x64xf32, #tpu.memory_space<vmem>>, vector<1x64xf32>
    %add3A_31 = vector.broadcast %get3A_30 : vector<1x64xf32> to vector<16x64xf32>
    %add3A_32 = arith.addf %dot_general3A_27, %add3A_31 : vector<16x64xf32>
    %max3A_33 = arith.constant 0.000000e+00 : f32
    %max3A_34 = vector.broadcast %max3A_33 : f32 to vector<16x64xf32>
    %max3A_35 = arith.maximumf %add3A_32, %max3A_34 : vector<16x64xf32>
    %get3A_36 = arith.constant 0 : index
    %get3A_37 = arith.constant 0 : index
    %get3A_38 = vector.load %arg7[%get3A_36, %get3A_37] : memref<64x1xf32, #tpu.memory_space<vmem>>, vector<64x1xf32>
    %dot_general3A_39 = arith.constant dense<0.000000e+00> : vector<16x1xf32>
    %dot_general3A_40 = tpu.matmul %max3A_35, %get3A_38, %dot_general3A_39 {dimension_numbers = #tpu.dot_dimension_numbers<[1], [0], [0], [1], [0, 0, 1, 1], [], []>, transpose_lhs_hint = false} : vector<16x64xf32>, vector<64x1xf32>, vector<16x1xf32> -> vector<16x1xf32>
    %get3A_41 = arith.constant 0 : index
    %get3A_42 = arith.constant 0 : index
    %get3A_43 = vector.load %arg8[%get3A_41, %get3A_42] : memref<1x1xf32, #tpu.memory_space<vmem>>, vector<1x1xf32>
    %add3A_44 = vector.broadcast %get3A_43 : vector<1x1xf32> to vector<16x1xf32>
    %add3A_45 = arith.addf %dot_general3A_40, %add3A_44 : vector<16x1xf32>
    %swap3A = arith.constant 0 : index
    %swap3A_46 = arith.constant 0 : index
    %swap3A_47 = vector.load %arg9[%swap3A, %swap3A_46] : memref<16x1xf32, #tpu.memory_space<vmem>>, vector<16x1xf32>
    tpu.vector_store %arg9[%swap3A, %swap3A_46], %add3A_45 {strides = array<i32>} : memref<16x1xf32, #tpu.memory_space<vmem>>, vector<16x1xf32>,
    return
  }
  func.func @transform_0(%arg0: i32) -> (i32, i32) {
    %c0_i32 = arith.constant 0 : i32
    %c0_i32_0 = arith.constant 0 : i32
    %c0_i32_1 = arith.constant 0 : i32
    return %c0_i32, %c0_i32_0 : i32, i32
  }
  func.func @transform_1(%arg0: i32) -> (i32, i32) {
    %c0_i32 = arith.constant 0 : i32
    %c0_i32_0 = arith.constant 0 : i32
    %c0_i32_1 = arith.constant 0 : i32
    return %c0_i32, %c0_i32_0 : i32, i32
  }
  func.func @transform_2(%arg0: i32) -> (i32, i32) {
    %c0_i32 = arith.constant 0 : i32
    %c0_i32_0 = arith.constant 0 : i32
    %c0_i32_1 = arith.constant 0 : i32
    return %c0_i32, %c0_i32_0 : i32, i32
  }
  func.func @transform_3(%arg0: i32) -> (i32, i32) {
    %c0_i32 = arith.constant 0 : i32
    %c0_i32_0 = arith.constant 0 : i32
    %c0_i32_1 = arith.constant 0 : i32
    return %c0_i32, %c0_i32_0 : i32, i32
  }
  func.func @transform_4(%arg0: i32) -> (i32, i32) {
    %c0_i32 = arith.constant 0 : i32
    %c0_i32_0 = arith.constant 0 : i32
    %c0_i32_1 = arith.constant 0 : i32
    return %c0_i32, %c0_i32_0 : i32, i32
  }
  func.func @transform_5(%arg0: i32) -> (i32, i32) {
    %c0_i32 = arith.constant 0 : i32
    %c0_i32_0 = arith.constant 0 : i32
    %c0_i32_1 = arith.constant 0 : i32
    return %c0_i32, %c0_i32_0 : i32, i32
  }
  func.func @transform_6(%arg0: i32) -> (i32, i32) {
    %c0_i32 = arith.constant 0 : i32
    %c0_i32_0 = arith.constant 0 : i32
    %c0_i32_1 = arith.constant 0 : i32
    return %c0_i32, %c0_i32_0 : i32, i32
  }
  func.func @transform_7(%arg0: i32) -> (i32, i32) {
    %c0_i32 = arith.constant 0 : i32
    %c0_i32_0 = arith.constant 0 : i32
    %c0_i32_1 = arith.constant 0 : i32
    return %c0_i32, %c0_i32_0 : i32, i32
  }
  func.func @transform_8(%arg0: i32) -> (i32, i32) {
    %c0_i32 = arith.constant 0 : i32
    %c0_i32_0 = arith.constant 0 : i32
    %c0_i32_1 = arith.constant 0 : i32
    return %c0_i32, %c0_i32_0 : i32, i32
  }
}

</mosaic_0001>

<sc_bundles>
// kernel: closed_call.26.cloned.1.call-start
scs
__scs_entry_jumppad:
0x0: {  	(pc) =	sbr.rel $0x88, $3  }
0x1: {  	(tag) =	ssettag $0x0;
	lr =	simm.s32 $0x1  }
0x2: {  	[smem:$0x3F67] =	sst lr;
	_ =	strace $0xD0000000  }
0x3: {  	_ = 	snop  }
0x4: {  	_ = 	snop  }
0x5: {  	_ = 	snop  }
0x6: {  	_ = 	snop  }
0x7: {  	_ = 	snop  }
__scs_overlays_trampoline_lowered:
0x8: {  	[smem:$0x3F76] =	sst s0  }
0x9: {  	[smem:$0x3F77] =	sst s1  }
0xa: {  	[smem:$0x3F78] =	sst s2  }
0xb: {  	[smem:$0x3F79] =	sst s3  }
0xc: {  	[smem:$0x3F7A] =	sst s4  }
0xd: {  	[smem:$0x3F7B] =	sst s5  }
0xe: {  	[smem:$0x3F7C] =	sst s6  }
0xf: {  	[smem:$0x3F7D] =	sst s7  }
0x10: {  	[smem:$0x3F7E] =	sst s8  }
0x11: {  	[smem:$0x3F7F] =	sst s9;
	s0 =	simm.s32 @!p0 $0x0  }
0x12: {  	s1 =	sld [smem:$0x3F65];
	s0 =	simm.s32 @p0 $0x1  }
0x13: {  	[smem:$0x3F80] =	sst s0;
	s0 =	simm.s32 @!p1 $0x0  }
0x14: {  	s2 =	sld [smem:$0x3F64];
	s0 =	simm.s32 @p1 $0x1  }
0x15: {  	[smem:$0x3F81] =	sst s0;
	s0 =	simm.s32 @!p2 $0x0  }
0x16: {  	s3 =	sld [smem:$0x3FDB];
	s0 =	simm.s32 @p2 $0x1  }
0x17: {  	s4 =	simm.s32 $0x1BF5;
	[smem:$0x3F83] =	sst s0  }
0x18: {  	s0 =	sld [smem:$0x3F66];
	_ =	swait.ge [sflag:s4], $0x0  }
0x19: {  	s7 =	sld [smem:$0x3F67]  }
0x1a: {  	s8 =	sadd.s32 $0xFFFFE003, lr  }
0x1b: {  	s9 =	sadd.s32 $0xFFFFFEF7, lr;
	s5 =	simm.s32 $0xFFFFFFFF;
	p2 =	slt.u32 s8, $0xFFFFF086  }
0x1c: {  	p1 =	slt.u32 s9, $0xF7A;
	s5 =	simm.s32 @!p2 $0x0  }
0x1d: {  	s5 =	simm.s32 @p1 $0x1;
	p0 =	seq.s32 s7, s2  }
0x1e: {  	s7 =	smul.u32 @!p0 $0xF7A, s2;
	p2 =	seq.s32 @!p0 s5, $0x0  }
0x1f: {  	s9 =	smul.u32 $0xF7A, s1;
	s8 =	simm.s32 @!p0 $0x1BF5;
	p2 =	por !p2, p0  }
0x20: {  	[sflag:s8] =	ssyncset.s32 @!p0 $0xFFFFF086;
	s6 =	sadd.s32 @!p0 s3, s7;
	s7 =	simm.s32 @!p0 $0x108  }
0x21: {  	s3 =	sadd.s32 s3, s9;
	s6 =	sadd.s32 @!p0 $0x88, s6;
	s7 =	simm.s32 @p2 $0x1082  }
0x22: {  	[simem:s7], [sflag:s8] =	dma.local @!p0 [hbm:s6], $0xF7A  }
0x23: {  	s9 =	sor.u32 $0xD0000000, s2;
	s6 =	simm.s32 $0x108;
	_ =	swait.ge @!p0 [sflag:s8], $0x0  }
0x24: {  	s3 =	sadd.s32 $0x88, s3;
	s6 =	simm.s32 @!p1 $0x1082;
	[sflag:s4] =	ssyncset.s32 $0xFFFFF086  }
0x25: {  	[simem:s6], [sflag:s4] =	dma.local [hbm:s3], $0xF7A  }
0x26: {  	[smem:$0x3F67] =	sst s1;
	(tag) =	ssettag s2;
	_ =	strace s9  }
0x27: {  	s1 =	sld [smem:$0x3F77]  }
0x28: {  	s2 =	sld [smem:$0x3F78]  }
0x29: {  	s4 =	sld [smem:$0x3F7A]  }
0x2a: {  	p0 =	seq.s32 s5, $0x0;
	s5 =	sld [smem:$0x3F7B]  }
0x2b: {  	s6 =	sld [smem:$0x3F7C]  }
0x2c: {  	s7 =	sld [smem:$0x3F7D]  }
0x2d: {  	s3 =	simm.s32 $0x108;
	s8 =	sld [smem:$0x3F7E]  }
0x2e: {  	s3 =	simm.s32 @!p0 $0x1082;
	s9 =	sld [smem:$0x3F7F]  }
0x2f: {  	lr =	sadd.s32 s0, s3;
	s0 =	sld [smem:$0x3F76]  }
0x30: {  	s3 =	sld [smem:$0x3F79]  }
0x31: {  	[smem:$0x3F82] =	sst s10  }
0x32: {  	s10 =	sld [smem:$0x3F80];
	_ =	sdelay $0x3  }
0x33: {  	p0 =	seq.s32 s10, $0x1;
	s10 =	sld [smem:$0x3F82];
	_ =	sdelay $0x3  }
0x34: {  	[smem:$0x3F82] =	sst s10  }
0x35: {  	s10 =	sld [smem:$0x3F81];
	_ =	sdelay $0x3  }
0x36: {  	p1 =	seq.s32 s10, $0x1;
	s10 =	sld [smem:$0x3F82];
	_ =	sdelay $0x3  }
0x37: {  	[smem:$0x3F82] =	sst s10  }
0x38: {  	s10 =	sld [smem:$0x3F83]  }
0x39: {  	_ = 	snop;
	(pc) =	sbr.ind lr, $3  }
0x3a: {  	_ = 	snop  }
0x3b: {  	_ = 	snop  }
0x3c: {  	p2 =	seq.s32 s10, $0x1;
	s10 =	sld [smem:$0x3F82]  }
0x3d: {  	_ =	shalt  }
0x3e: {  	_ =	shalt  }
0x3f: {  	_ =	shalt  }
0x40: {  	_ =	shalt  }
0x41: {  	_ =	shalt  }
0x42: {  	_ =	shalt  }
0x43: {  	_ =	shalt  }
0x44: {  	_ =	shalt  }
0x45: {  	_ =	shalt  }
0x46: {  	_ =	shalt  }
0x47: {  	_ =	shalt  }
0x48: {  	_ =	shalt  }
0x49: {  	_ =	shalt  }
0x4a: {  	_ =	shalt  }
0x4b: {  	_ =	shalt  }
0x4c: {  	_ =	shalt  }
0x4d: {  	_ =	shalt  }
0x4e: {  	_ =	shalt  }
0x4f: {  	_ =	shalt  }
0x50: {  	_ =	shalt  }
0x51: {  	_ =	shalt  }
0x52: {  	_ =	shalt  }
0x53: {  	_ =	shalt  }
0x54: {  	_ =	shalt  }
0x55: {  	_ =	shalt  }
0x56: {  	_ =	shalt  }
0x57: {  	_ =	shalt  }
0x58: {  	_ =	shalt  }
0x59: {  	_ =	shalt  }
0x5a: {  	_ =	shalt  }
0x5b: {  	_ =	shalt  }
0x5c: {  	_ =	shalt  }
0x5d: {  	_ =	shalt  }
0x5e: {  	_ =	shalt  }
0x5f: {  	_ =	shalt  }
0x60: {  	_ =	shalt  }
0x61: {  	_ =	shalt  }
0x62: {  	_ =	shalt  }
0x63: {  	_ =	shalt  }
0x64: {  	_ =	shalt  }
0x65: {  	_ =	shalt  }
0x66: {  	_ =	shalt  }
0x67: {  	_ =	shalt  }
0x68: {  	_ =	shalt  }
0x69: {  	_ =	shalt  }
0x6a: {  	_ =	shalt  }
0x6b: {  	_ =	shalt  }
0x6c: {  	_ =	shalt  }
0x6d: {  	_ =	shalt  }
0x6e: {  	_ =	shalt  }
0x6f: {  	_ =	shalt  }
0x70: {  	_ =	shalt  }
0x71: {  	_ =	shalt  }
0x72: {  	_ =	shalt  }
0x73: {  	_ =	shalt  }
0x74: {  	_ =	shalt  }
0x75: {  	_ =	shalt  }
0x76: {  	_ =	shalt  }
0x77: {  	_ =	shalt  }
0x78: {  	_ =	shalt  }
0x79: {  	_ =	shalt  }
0x7a: {  	_ =	shalt  }
0x7b: {  	_ =	shalt  }
0x7c: {  	_ =	shalt  }
0x7d: {  	_ =	shalt  }
0x7e: {  	_ =	shalt  }
0x7f: {  	_ =	shalt  }
0x80: {  	_ =	shalt  }
0x81: {  	_ =	shalt  }
0x82: {  	_ =	shalt  }
0x83: {  	_ =	shalt  }
0x84: {  	_ =	shalt  }
0x85: {  	_ =	shalt  }
0x86: {  	_ =	shalt  }
0x87: {  	_ =	shalt  }
.Lfunc_end0:
.L_simem_size_0:
called_computation.1_lowered:
.L_overlay_start_0:
0x88: {  	s2 =	sld [smem:$0x3FD9]  }
0x89: {  	s3 =	sld [smem:$0x3FFE];
	_ =	sdelay $0x1  }
0x8a: {  	s1 =	srdreg.scid  }
0x8b: {  	s0 =	sand.u32 $0x1, s1  }
0x8c: {  	s16 =	sshll.u32 s0, $0xA;
	s2 =	sadd.s32 s3, s2  }
0x8d: {  	s2 =	sadd.s32 s2, s16  }
0x8e: {  	[smem:$0x3F8E] =	sst s2  }
0x8f: {  	_ = 	snop  }
0x90: {  	(tm) =	ssettm $0x1  }
0x91: {  	s17 =	sld [smem:$0x3FFB];
	_ =	sdelay $0x3  }
0x92: {  	_ =	strace s17  }
0x93: {  	s2 =	sld [smem:$0x3FFC];
	_ =	sdelay $0x3  }
0x94: {  	_ =	strace s2  }
0x95: {  	s2 =	sld [smem:$0x3FFD];
	_ =	sdelay $0x3  }
0x96: {  	_ =	strace s2  }
0x97: {  	_ =	strace $0x8FFFFFFF  }
0x98: {  	s18 =	sld [smem:$0x3FDB];
	_ =	sdelay $0x1  }
0x99: {  	s19 =	simm.s32 $_scs_section_size  }
0x9a: {  	s4 =	simm.s32 $_size__tile_overlayer_lowered;
	s5 =	simm.s32 $_tile_overlayer_lowered  }
0x9b: {  	s22 =	simm.s32 $0x1BFF;
	s21 =	sshll.u32 s5, $0x1;
	s2 =	sadd.s32 s19, s18  }
0x9c: {  	s6 =	simm.s32 $0x0;
	s20 =	sshll.u32 s4, $0x1;
	s4 =	sadd.s32 s21, s2  }
0x9d: {  	[timem:s6], [sflag:s22] =	dma.local [hbm:s4], s20  }
0x9e: {  	_ =	swait.ge [sflag:s22], s20  }
0x9f: {  	s3 =	ssub.s32 $0x0, s20;
	[sflag:s22] =	ssyncset.done $0x0  }
0xa0: {  	[sflag:s22] =	ssyncadd.s32 s3;
	_ =	sdelay $0x1  }
0xa1: {  	s23 =	simm.s32 $0x1B8B  }
0xa2: {  	_ =	swait.ge [sflag:s23], $0x1  }
0xa3: {  	[sflag:s23] =	ssyncset.done $0x0  }
0xa4: {  	s25 =	simm.s32 $0x1B8E;
	s24 =	sld [smem:$0x3FFE];
	[sflag:s23] =	ssyncadd.s32 $0xFFFFFFFF  }
0xa5: {  	s26 =	simm.s32 $execute0_lowered;
	[smem:$0x3FD2] =	sst s25  }
0xa6: {  	s4 =	sshll.u32 s26, $0x1;
	_ =	strace $0x80000046;
	[dreg:$0x1] =	wrdreg $0xFFFFFFFF  }
0xa7: {  	s28 =	simm.s32 $_size_execute0_lowered;
	s2 =	sadd.s32 s2, s4;
	[dreg:$0x0] =	wrdreg $0x0  }
0xa8: {  	s4 =	sshll.u32 s28, $0x1;
	[dreg:$0x2] =	wrdreg s2  }
0xa9: {  	[dreg:$0x3] =	wrdreg s4  }
0xaa: {  	[dreg:$0x4] =	wrdreg $0xC0  }
0xab: {  	_ =	task [dreg:s6], $0x5FFFF  }
0xac: {  	[dreg:$0x1] =	wrdreg $0xFFFFFFFF  }
0xad: {  	[dreg:$0x0] =	wrdreg $0x60  }
0xae: {  	[dreg:$0x2] =	wrdreg s24  }
0xaf: {  	[dreg:$0x3] =	wrdreg $0x9  }
0xb0: {  	_ =	task.clear_ibuf [dreg:s6], $0x4FFFF;
	_ =	strace $0x90000046  }
0xb1: {  	s29 =	simm.s32 $0x9;
	_ =	strace $0x80000048  }
0xb2: {  	_ =	swait.ge [sflag:s29], $0x1  }
0xb3: {  	[sflag:s29] =	ssyncadd.s32 $0xFFFFFFFF  }
0xb4: {  	_ =	strace $0x90000048  }
0xb5: {  	_ =	sfence  }
0xb6: {  	s30 =	sld [smem:$0x0];
	_ =	sdelay $0x2  }
0xb7: {  	s31 =	sshll.u32 s1, $0xD;
	s1 =	sshrl.u32 s1, $0x2  }
0xb8: {  	s3 =	sand.u32 $0x4000, s31;
	s1 =	sadd.s32 s1, s30  }
0xb9: {  	s0 =	sor.u32 s3, s0;
	s1 =	sshll.u32 s1, $0x11  }
0xba: {  	s0 =	sor.u32 s1, s0  }
0xbb: {  	s0 =	sadd.s32 $0x8F2B, s0  }
0xbc: {  	[sflag:s0] =	ssyncadd.remote.s32 $0x1  }
0xbd: {  	_ =	sfence.sel $0xFFFF  }
0xbe: {  	[dreg:$0x0] =	wrdreg $0xFFFFFFFF;
	(pc) =	sbr.abs _section_cstart, $3  }
0xbf: {  	[dreg:$0x1] =	wrdreg $0xFFFFFFFF  }
0xc0: {  	_ =	task.clear_ibuf [dreg:s6], $0x2FFFF;
	_ =	strace $0x9FFFFFFF  }
0xc1: {  	(tm) =	ssettm $0x7FFFFFFF  }
tec
execute0_lowered:
.L_overlay_start_1:
0x0: {  	(tag) =	ssettag $0x1  }
0x1: {  	s0 =	rddreg [dreg:$0x0];
	s1 =	simm.s32 $0x0;
	s2 =	srdreg.scid  }
0x2: {  	s9 =	stileid.u32;
	s12 =	simm.s32 $0x3;
	s13 =	simm.s32 $0x400  }
0x3: {  	s14 =	simm.s32 $0x80;
	s15 =	simm.s32 $0x800;
	s16 =	simm.s32 $0x8800  }
0x4: {  	s17 =	simm.s32 $0x4800;
	s19 =	simm.s32 $0xC800;
	s20 =	simm.s32 $0x1  }
0x5: {  	s21 =	simm.s32 $0x2;
	s31 =	simm.s32 $0x300;
	s22 =	simm.s32 $0x0  }
0x6: {  	[smem:$0x7FF] =	sst s1;
	s3 =	sadd.s32 $0x317A00, s0;
	s4 =	sadd.s32 $0xDA00, s0  }
0x7: {  	s2 =	sand.u32 $0x1, s2;
	s5 =	sadd.s32 $0x3FA00, s0;
	s6 =	sadd.s32 $0x3DB000, s0  }
0x8: {  	s9 =	sshll.u32 s9, $0x1;
	s10 =	sadd.s32 $0x3DC800, s0;
	s7 =	ssub.s32 $0x2, s2  }
0x9: {  	_ =	strace $0x80000047;
	s2 =	sor.u32 s2, s9;
	s8 =	sshrl.u32 s7, $0x1  }
0xa: {  	s9 =	sadd.s32 $0x3DC000, s0;
	s11 =	ssub.s32 s7, s8;
	s7 =	sadd.s32 $0x3DB800, s0  }
0xb: {  	s8 =	smul.u32 $0xC8, s2;
	s0 =	simm.s32 $0x700;
	s30 =	smax.u32 s11, $0x1  }
0xc: {  	s2 =	simm.s32 $0x380;
	s11 =	simm.s32 $0x780;
	[dreg:$0x2] =	wrdreg s30  }
.LBB2_1:
0xd: {  	[dreg:$0x3] =	wrdreg s22;
	s18 =	simm.s32 $0x0  }
.LBB2_2:
0xe: {  	s22 =	sshll.u32 s18, $0x3  }
0xf: {  	s22 =	sadd.s32 s8, s22  }
0x10: {  	s23 =	sshll.u32 s22, $0x4  }
0x11: {  	s24 =	sadd.s32 s4, s23  }
0x12: {  	[tilespmem:s1], [sflag:$0x3] =	stream.linear.gather [hbm4b:s24+s1], $0x400, $0x38;
	[tilespmem:$0x10800] =	vst v63  }
0x13: {  	_ =	swait.ge [sflag:s12], $0x400  }
0x14: {  	[sflag:s12] =	ssyncset.done $0x0  }
0x15: {  	s23 =	sadd.s32 s5, s23;
	[sflag:s12] =	ssyncadd.s32 $0xFFFFFC00  }
0x16: {  	[tilespmem:s13], [sflag:$0x3] =	stream.linear.gather [hbm4b:s23+s1], $0x400, $0x38;
	[tilespmem:$0x10800] =	vst v63  }
0x17: {  	_ =	swait.ge [sflag:s12], $0x400  }
0x18: {  	[sflag:s12] =	ssyncset.done $0x0  }
0x19: {  	[sflag:s12] =	ssyncadd.s32 $0xFFFFFC00  }
0x1a: {  	[tilespmem:s15], [sflag:$0x1] =	stream.indirect.gather [hbm4b:s3+s14], $0x80, s1, s14, $0xb8;
	[tilespmem:$0x10800] =	vst v63  }
0x1b: {  	_ = 	snop  }
0x1c: {  	[tilespmem:s16], [sflag:$0x2] =	stream.indirect.gather [hbm4b:s3+s14], $0x80, s13, s14, $0xb8;
	[tilespmem:$0x10800] =	vst v63  }
0x1d: {  	_ = 	snop  }
0x1e: {  	[tilespmem:s17], [sflag:$0x1] =	stream.indirect.gather [hbm4b:s3+s14], $0x80, s14, s14, $0xb8;
	[tilespmem:$0x10800] =	vst v63  }
0x1f: {  	s26 =	simm.s32 $0x480  }
0x20: {  	[tilespmem:s19], [sflag:$0x2] =	stream.indirect.gather [hbm4b:s3+s14], $0x80, s26, s14, $0xb8;
	[tilespmem:$0x10800] =	vst v63  }
0x21: {  	_ =	swait.ge [sflag:s20], $0x4000  }
0x22: {  	[sflag:s20] =	ssyncset.done $0x0  }
0x23: {  	[sflag:s20] =	ssyncadd.s32 $0xFFFFC000  }
0x24: {  	_ =	swait.ge [sflag:s21], $0x4000  }
0x25: {  	[sflag:s21] =	ssyncset.done $0x0  }
0x26: {  	[sflag:s21] =	ssyncadd.s32 $0xFFFFC000  }
0x27: {  	_ =	swait.ge [sflag:s20], $0x4000  }
0x28: {  	[sflag:s20] =	ssyncset.done $0x0  }
0x29: {  	[sflag:s20] =	ssyncadd.s32 $0xFFFFC000  }
0x2a: {  	_ =	swait.ge [sflag:s21], $0x4000  }
0x2b: {  	[sflag:s21] =	ssyncset.done $0x0  }
0x2c: {  	s24 =	simm.s32 $0xA00;
	[sflag:s21] =	ssyncadd.s32 $0xFFFFC000  }
0x2d: {  	s25 =	simm.s32 $0x8A40;
	v0 =	vld [tilespmem:s24+$0xFFFFFE00]  }
0x2e: {  	v1 =	vld [tilespmem:s25+$0xFFFFFE00];
	_ =	sdelay $0x4  }
0x2f: {  	v0 =	vadd.f32 v1, v0  }
0x30: {  	s23 =	simm.s32 $0x900  }
0x31: {  	[tilespmem:s23+$0xFFFFFF00] =	vst v0  }
0x32: {  	v0 =	vld [tilespmem:s25+$0xFFFFFE10]  }
0x33: {  	v1 =	vld [tilespmem:s24+$0xFFFFFE10];
	_ =	sdelay $0x4  }
0x34: {  	v0 =	vadd.f32 v0, v1;
	_ =	sdelay $0x1  }
0x35: {  	[tilespmem:s23+$0xFFFFFF10] =	vst v0  }
0x36: {  	v0 =	vld [tilespmem:s24+$0xFFFFFE20]  }
0x37: {  	v1 =	vld [tilespmem:s25+$0xFFFFFE20];
	_ =	sdelay $0x4  }
0x38: {  	v0 =	vadd.f32 v1, v0;
	_ =	sdelay $0x1  }
0x39: {  	[tilespmem:s23+$0xFFFFFF20] =	vst v0  }
0x3a: {  	v0 =	vld [tilespmem:s24+$0xFFFFFE30]  }
0x3b: {  	v1 =	vld [tilespmem:s25+$0xFFFFFE30];
	_ =	sdelay $0x4  }
0x3c: {  	v0 =	vadd.f32 v1, v0;
	_ =	sdelay $0x1  }
0x3d: {  	[tilespmem:s23+$0xFFFFFF30] =	vst v0  }
0x3e: {  	v0 =	vld [tilespmem:s24+$0xFFFFFE80]  }
0x3f: {  	v1 =	vld [tilespmem:s25+$0xFFFFFE80];
	_ =	sdelay $0x4  }
0x40: {  	v0 =	vadd.f32 v1, v0;
	_ =	sdelay $0x1  }
0x41: {  	[tilespmem:s23+$0xFFFFFF40] =	vst v0  }
0x42: {  	v0 =	vld [tilespmem:s24+$0xFFFFFE90]  }
0x43: {  	v1 =	vld [tilespmem:s25+$0xFFFFFE90];
	_ =	sdelay $0x4  }
0x44: {  	v0 =	vadd.f32 v1, v0;
	_ =	sdelay $0x1  }
0x45: {  	[tilespmem:s23+$0xFFFFFF50] =	vst v0  }
0x46: {  	v0 =	vld [tilespmem:s24+$0xFFFFFEA0]  }
0x47: {  	v1 =	vld [tilespmem:s25+$0xFFFFFEA0];
	_ =	sdelay $0x4  }
0x48: {  	v0 =	vadd.f32 v1, v0;
	_ =	sdelay $0x1  }
0x49: {  	[tilespmem:s23+$0xFFFFFF60] =	vst v0  }
0x4a: {  	v0 =	vld [tilespmem:s24+$0xFFFFFEB0]  }
0x4b: {  	v1 =	vld [tilespmem:s25+$0xFFFFFEB0];
	_ =	sdelay $0x4  }
0x4c: {  	v0 =	vadd.f32 v1, v0;
	_ =	sdelay $0x1  }
0x4d: {  	[tilespmem:s23+$0xFFFFFF70] =	vst v0  }
0x4e: {  	v0 =	vld [tilespmem:s24+$0xFFFFFF00]  }
0x4f: {  	v1 =	vld [tilespmem:s25+$0xFFFFFF00];
	_ =	sdelay $0x4  }
0x50: {  	v0 =	vadd.f32 v1, v0;
	_ =	sdelay $0x1  }
0x51: {  	[tilespmem:s23+$0xFFFFFF80] =	vst v0  }
0x52: {  	v0 =	vld [tilespmem:s24+$0xFFFFFF10]  }
0x53: {  	v1 =	vld [tilespmem:s25+$0xFFFFFF10];
	_ =	sdelay $0x4  }
0x54: {  	v0 =	vadd.f32 v1, v0;
	_ =	sdelay $0x1  }
0x55: {  	[tilespmem:s23+$0xFFFFFF90] =	vst v0  }
0x56: {  	v0 =	vld [tilespmem:s24+$0xFFFFFF20]  }
0x57: {  	v1 =	vld [tilespmem:s25+$0xFFFFFF20];
	_ =	sdelay $0x4  }
0x58: {  	v0 =	vadd.f32 v1, v0;
	_ =	sdelay $0x1  }
0x59: {  	[tilespmem:s23+$0xFFFFFFA0] =	vst v0  }
0x5a: {  	v0 =	vld [tilespmem:s24+$0xFFFFFF30]  }
0x5b: {  	v1 =	vld [tilespmem:s25+$0xFFFFFF30];
	_ =	sdelay $0x4  }
0x5c: {  	v0 =	vadd.f32 v1, v0;
	_ =	sdelay $0x1  }
0x5d: {  	[tilespmem:s23+$0xFFFFFFB0] =	vst v0  }
0x5e: {  	v0 =	vld [tilespmem:s24+$0xFFFFFF80]  }
0x5f: {  	v1 =	vld [tilespmem:s25+$0xFFFFFF80];
	_ =	sdelay $0x4  }
0x60: {  	v0 =	vadd.f32 v1, v0;
	_ =	sdelay $0x1  }
0x61: {  	[tilespmem:s23+$0xFFFFFFC0] =	vst v0  }
0x62: {  	v0 =	vld [tilespmem:s24+$0xFFFFFF90]  }
0x63: {  	v1 =	vld [tilespmem:s25+$0xFFFFFF90];
	_ =	sdelay $0x4  }
0x64: {  	v0 =	vadd.f32 v1, v0;
	_ =	sdelay $0x1  }
0x65: {  	[tilespmem:s23+$0xFFFFFFD0] =	vst v0  }
0x66: {  	v0 =	vld [tilespmem:s24+$0xFFFFFFA0]  }
0x67: {  	v1 =	vld [tilespmem:s25+$0xFFFFFFA0];
	_ =	sdelay $0x4  }
0x68: {  	v0 =	vadd.f32 v1, v0;
	_ =	sdelay $0x1  }
0x69: {  	[tilespmem:s23+$0xFFFFFFE0] =	vst v0  }
0x6a: {  	v0 =	vld [tilespmem:s24+$0xFFFFFFB0]  }
0x6b: {  	v1 =	vld [tilespmem:s25+$0xFFFFFFB0];
	_ =	sdelay $0x4  }
0x6c: {  	v0 =	vadd.f32 v1, v0;
	_ =	sdelay $0x1  }
0x6d: {  	[tilespmem:s23+$0xFFFFFFF0] =	vst v0  }
0x6e: {  	v0 =	vld [tilespmem:s24+$0x0]  }
0x6f: {  	v1 =	vld [tilespmem:s25+$0x0];
	_ =	sdelay $0x4  }
0x70: {  	v0 =	vadd.f32 v1, v0;
	_ =	sdelay $0x1  }
0x71: {  	[tilespmem:s23+$0x0] =	vst v0  }
0x72: {  	v0 =	vld [tilespmem:s24+$0x10]  }
0x73: {  	v1 =	vld [tilespmem:s25+$0x10];
	_ =	sdelay $0x4  }
0x74: {  	v0 =	vadd.f32 v1, v0;
	_ =	sdelay $0x1  }
0x75: {  	[tilespmem:s23+$0x10] =	vst v0  }
0x76: {  	v0 =	vld [tilespmem:s24+$0x20]  }
0x77: {  	v1 =	vld [tilespmem:s25+$0x20];
	_ =	sdelay $0x4  }
0x78: {  	v0 =	vadd.f32 v1, v0;
	_ =	sdelay $0x1  }
0x79: {  	[tilespmem:s23+$0x20] =	vst v0  }
0x7a: {  	v0 =	vld [tilespmem:s24+$0x30]  }
0x7b: {  	v1 =	vld [tilespmem:s25+$0x30];
	_ =	sdelay $0x4  }
0x7c: {  	v0 =	vadd.f32 v1, v0;
	_ =	sdelay $0x1  }
0x7d: {  	[tilespmem:s23+$0x30] =	vst v0  }
0x7e: {  	v0 =	vld [tilespmem:s24+$0x80]  }
0x7f: {  	v1 =	vld [tilespmem:s25+$0x80];
	_ =	sdelay $0x4  }
0x80: {  	v0 =	vadd.f32 v1, v0;
	_ =	sdelay $0x1  }
0x81: {  	[tilespmem:s23+$0x40] =	vst v0  }
0x82: {  	v0 =	vld [tilespmem:s24+$0x90]  }
0x83: {  	v1 =	vld [tilespmem:s25+$0x90];
	_ =	sdelay $0x4  }
0x84: {  	v0 =	vadd.f32 v1, v0;
	_ =	sdelay $0x1  }
0x85: {  	[tilespmem:s23+$0x50] =	vst v0  }
0x86: {  	v0 =	vld [tilespmem:s24+$0xA0]  }
0x87: {  	v1 =	vld [tilespmem:s25+$0xA0];
	_ =	sdelay $0x4  }
0x88: {  	v0 =	vadd.f32 v1, v0;
	_ =	sdelay $0x1  }
0x89: {  	[tilespmem:s23+$0x60] =	vst v0  }
0x8a: {  	v0 =	vld [tilespmem:s24+$0xB0]  }
0x8b: {  	v1 =	vld [tilespmem:s25+$0xB0];
	_ =	sdelay $0x4  }
0x8c: {  	v0 =	vadd.f32 v1, v0;
	_ =	sdelay $0x1  }
0x8d: {  	[tilespmem:s23+$0x70] =	vst v0  }
0x8e: {  	v0 =	vld [tilespmem:s24+$0x100]  }
0x8f: {  	v1 =	vld [tilespmem:s25+$0x100];
	_ =	sdelay $0x4  }
0x90: {  	v0 =	vadd.f32 v1, v0;
	_ =	sdelay $0x1  }
0x91: {  	[tilespmem:s23+$0x80] =	vst v0  }
0x92: {  	v0 =	vld [tilespmem:s24+$0x110]  }
0x93: {  	v1 =	vld [tilespmem:s25+$0x110];
	_ =	sdelay $0x4  }
0x94: {  	v0 =	vadd.f32 v1, v0;
	_ =	sdelay $0x1  }
0x95: {  	[tilespmem:s23+$0x90] =	vst v0  }
0x96: {  	v0 =	vld [tilespmem:s24+$0x120]  }
0x97: {  	v1 =	vld [tilespmem:s25+$0x120];
	_ =	sdelay $0x4  }
0x98: {  	v0 =	vadd.f32 v1, v0;
	_ =	sdelay $0x1  }
0x99: {  	[tilespmem:s23+$0xA0] =	vst v0  }
0x9a: {  	v0 =	vld [tilespmem:s24+$0x130]  }
0x9b: {  	v1 =	vld [tilespmem:s25+$0x130];
	_ =	sdelay $0x4  }
0x9c: {  	v0 =	vadd.f32 v1, v0;
	_ =	sdelay $0x1  }
0x9d: {  	[tilespmem:s23+$0xB0] =	vst v0  }
0x9e: {  	v0 =	vld [tilespmem:s24+$0x180]  }
0x9f: {  	v1 =	vld [tilespmem:s25+$0x180]  }
0xa0: {  	s29 =	simm.s32 $0x0  }
0xa1: {  	s30 =	simm.s32 $0xB00;
	s28 =	simm.s32 $0x8A40;
	s26 =	simm.s32 $0xA00  }
.LBB2_3:
0xa2: {  	s29 =	sadd.s32 $0x4, s29;
	s25 =	sadd.s32 $0x400, s25;
	s24 =	sadd.s32 $0x400, s24  }
0xa3: {  	p0 =	slt.u32 s29, $0x7C  }
0xa4: {  	v0 =	vadd.f32 v1, v0;
	_ =	sdelay $0x1  }
0xa5: {  	[tilespmem:s23+$0xC0] =	vst v0  }
0xa6: {  	v0 =	vld [tilespmem:s26+$0x190]  }
0xa7: {  	v1 =	vld [tilespmem:s28+$0x190];
	_ =	sdelay $0x4  }
0xa8: {  	v0 =	vadd.f32 v1, v0;
	_ =	sdelay $0x1  }
0xa9: {  	[tilespmem:s23+$0xD0] =	vst v0  }
0xaa: {  	v0 =	vld [tilespmem:s26+$0x1A0]  }
0xab: {  	v1 =	vld [tilespmem:s28+$0x1A0];
	_ =	sdelay $0x4  }
0xac: {  	v0 =	vadd.f32 v1, v0;
	_ =	sdelay $0x1  }
0xad: {  	[tilespmem:s23+$0xE0] =	vst v0  }
0xae: {  	v0 =	vld [tilespmem:s26+$0x1B0];
	s26 =	smov.u32 s24  }
0xaf: {  	v1 =	vld [tilespmem:s28+$0x1B0];
	s28 =	smov.u32 s25;
	_ =	sdelay $0x4  }
0xb0: {  	v0 =	vadd.f32 v1, v0;
	_ =	sdelay $0x1  }
0xb1: {  	[tilespmem:s23+$0xF0] =	vst v0;
	s23 =	smov.u32 s30  }
0xb2: {  	v0 =	vld [tilespmem:s24+$0xFFFFFE00]  }
0xb3: {  	v1 =	vld [tilespmem:s25+$0xFFFFFE00];
	_ =	sdelay $0x4  }
0xb4: {  	v0 =	vadd.f32 v1, v0;
	_ =	sdelay $0x1  }
0xb5: {  	[tilespmem:s30+$0xFFFFFF00] =	vst v0  }
0xb6: {  	v0 =	vld [tilespmem:s25+$0xFFFFFE10]  }
0xb7: {  	v1 =	vld [tilespmem:s24+$0xFFFFFE10];
	_ =	sdelay $0x4  }
0xb8: {  	v0 =	vadd.f32 v0, v1;
	_ =	sdelay $0x1  }
0xb9: {  	[tilespmem:s30+$0xFFFFFF10] =	vst v0  }
0xba: {  	v0 =	vld [tilespmem:s24+$0xFFFFFE20]  }
0xbb: {  	v1 =	vld [tilespmem:s25+$0xFFFFFE20];
	_ =	sdelay $0x4  }
0xbc: {  	v0 =	vadd.f32 v1, v0;
	_ =	sdelay $0x1  }
0xbd: {  	[tilespmem:s30+$0xFFFFFF20] =	vst v0  }
0xbe: {  	v0 =	vld [tilespmem:s24+$0xFFFFFE30]  }
0xbf: {  	v1 =	vld [tilespmem:s25+$0xFFFFFE30];
	_ =	sdelay $0x4  }
0xc0: {  	v0 =	vadd.f32 v1, v0;
	_ =	sdelay $0x1  }
0xc1: {  	[tilespmem:s30+$0xFFFFFF30] =	vst v0  }
0xc2: {  	v0 =	vld [tilespmem:s24+$0xFFFFFE80]  }
0xc3: {  	v1 =	vld [tilespmem:s25+$0xFFFFFE80];
	_ =	sdelay $0x4  }
0xc4: {  	v0 =	vadd.f32 v1, v0;
	_ =	sdelay $0x1  }
0xc5: {  	[tilespmem:s30+$0xFFFFFF40] =	vst v0  }
0xc6: {  	v0 =	vld [tilespmem:s24+$0xFFFFFE90]  }
0xc7: {  	v1 =	vld [tilespmem:s25+$0xFFFFFE90];
	_ =	sdelay $0x4  }
0xc8: {  	v0 =	vadd.f32 v1, v0;
	_ =	sdelay $0x1  }
0xc9: {  	[tilespmem:s30+$0xFFFFFF50] =	vst v0  }
0xca: {  	v0 =	vld [tilespmem:s24+$0xFFFFFEA0]  }
0xcb: {  	v1 =	vld [tilespmem:s25+$0xFFFFFEA0];
	_ =	sdelay $0x4  }
0xcc: {  	v0 =	vadd.f32 v1, v0;
	_ =	sdelay $0x1  }
0xcd: {  	[tilespmem:s30+$0xFFFFFF60] =	vst v0  }
0xce: {  	v0 =	vld [tilespmem:s24+$0xFFFFFEB0]  }
0xcf: {  	v1 =	vld [tilespmem:s25+$0xFFFFFEB0];
	_ =	sdelay $0x4  }
0xd0: {  	v0 =	vadd.f32 v1, v0;
	_ =	sdelay $0x1  }
0xd1: {  	[tilespmem:s30+$0xFFFFFF70] =	vst v0  }
0xd2: {  	v0 =	vld [tilespmem:s24+$0xFFFFFF00]  }
0xd3: {  	v1 =	vld [tilespmem:s25+$0xFFFFFF00];
	_ =	sdelay $0x4  }
0xd4: {  	v0 =	vadd.f32 v1, v0;
	_ =	sdelay $0x1  }
0xd5: {  	[tilespmem:s30+$0xFFFFFF80] =	vst v0  }
0xd6: {  	v0 =	vld [tilespmem:s24+$0xFFFFFF10]  }
0xd7: {  	v1 =	vld [tilespmem:s25+$0xFFFFFF10];
	_ =	sdelay $0x4  }
0xd8: {  	v0 =	vadd.f32 v1, v0;
	_ =	sdelay $0x1  }
0xd9: {  	[tilespmem:s30+$0xFFFFFF90] =	vst v0  }
0xda: {  	v0 =	vld [tilespmem:s24+$0xFFFFFF20]  }
0xdb: {  	v1 =	vld [tilespmem:s25+$0xFFFFFF20];
	_ =	sdelay $0x4  }
0xdc: {  	v0 =	vadd.f32 v1, v0;
	_ =	sdelay $0x1  }
0xdd: {  	[tilespmem:s30+$0xFFFFFFA0] =	vst v0  }
0xde: {  	v0 =	vld [tilespmem:s24+$0xFFFFFF30]  }
0xdf: {  	v1 =	vld [tilespmem:s25+$0xFFFFFF30];
	_ =	sdelay $0x4  }
0xe0: {  	v0 =	vadd.f32 v1, v0;
	_ =	sdelay $0x1  }
0xe1: {  	[tilespmem:s30+$0xFFFFFFB0] =	vst v0  }
0xe2: {  	v0 =	vld [tilespmem:s24+$0xFFFFFF80]  }
0xe3: {  	v1 =	vld [tilespmem:s25+$0xFFFFFF80];
	_ =	sdelay $0x4  }
0xe4: {  	v0 =	vadd.f32 v1, v0;
	_ =	sdelay $0x1  }
0xe5: {  	[tilespmem:s30+$0xFFFFFFC0] =	vst v0  }
0xe6: {  	v0 =	vld [tilespmem:s24+$0xFFFFFF90]  }
0xe7: {  	v1 =	vld [tilespmem:s25+$0xFFFFFF90];
	_ =	sdelay $0x4  }
0xe8: {  	v0 =	vadd.f32 v1, v0;
	_ =	sdelay $0x1  }
0xe9: {  	[tilespmem:s30+$0xFFFFFFD0] =	vst v0  }
0xea: {  	v0 =	vld [tilespmem:s24+$0xFFFFFFA0]  }
0xeb: {  	v1 =	vld [tilespmem:s25+$0xFFFFFFA0];
	_ =	sdelay $0x4  }
0xec: {  	v0 =	vadd.f32 v1, v0;
	_ =	sdelay $0x1  }
0xed: {  	[tilespmem:s30+$0xFFFFFFE0] =	vst v0  }
0xee: {  	v0 =	vld [tilespmem:s24+$0xFFFFFFB0]  }
0xef: {  	v1 =	vld [tilespmem:s25+$0xFFFFFFB0];
	_ =	sdelay $0x4  }
0xf0: {  	v0 =	vadd.f32 v1, v0;
	_ =	sdelay $0x1  }
0xf1: {  	[tilespmem:s30+$0xFFFFFFF0] =	vst v0  }
0xf2: {  	v0 =	vld [tilespmem:s24+$0x0]  }
0xf3: {  	v1 =	vld [tilespmem:s25+$0x0];
	_ =	sdelay $0x4  }
0xf4: {  	v0 =	vadd.f32 v1, v0;
	_ =	sdelay $0x1  }
0xf5: {  	[tilespmem:s30+$0x0] =	vst v0  }
0xf6: {  	v0 =	vld [tilespmem:s24+$0x10]  }
0xf7: {  	v1 =	vld [tilespmem:s25+$0x10];
	_ =	sdelay $0x4  }
0xf8: {  	v0 =	vadd.f32 v1, v0;
	_ =	sdelay $0x1  }
0xf9: {  	[tilespmem:s30+$0x10] =	vst v0  }
0xfa: {  	v0 =	vld [tilespmem:s24+$0x20]  }
0xfb: {  	v1 =	vld [tilespmem:s25+$0x20];
	_ =	sdelay $0x4  }
0xfc: {  	v0 =	vadd.f32 v1, v0;
	_ =	sdelay $0x1  }
0xfd: {  	[tilespmem:s30+$0x20] =	vst v0  }
0xfe: {  	v0 =	vld [tilespmem:s24+$0x30]  }
0xff: {  	v1 =	vld [tilespmem:s25+$0x30];
	_ =	sdelay $0x4  }
0x100: {  	v0 =	vadd.f32 v1, v0;
	_ =	sdelay $0x1  }
0x101: {  	[tilespmem:s30+$0x30] =	vst v0  }
0x102: {  	v0 =	vld [tilespmem:s24+$0x80]  }
0x103: {  	v1 =	vld [tilespmem:s25+$0x80];
	_ =	sdelay $0x4  }
0x104: {  	v0 =	vadd.f32 v1, v0;
	_ =	sdelay $0x1  }
0x105: {  	[tilespmem:s30+$0x40] =	vst v0  }
0x106: {  	v0 =	vld [tilespmem:s24+$0x90]  }
0x107: {  	v1 =	vld [tilespmem:s25+$0x90];
	_ =	sdelay $0x4  }
0x108: {  	v0 =	vadd.f32 v1, v0;
	_ =	sdelay $0x1  }
0x109: {  	[tilespmem:s30+$0x50] =	vst v0  }
0x10a: {  	v0 =	vld [tilespmem:s24+$0xA0]  }
0x10b: {  	v1 =	vld [tilespmem:s25+$0xA0];
	_ =	sdelay $0x4  }
0x10c: {  	v0 =	vadd.f32 v1, v0;
	_ =	sdelay $0x1  }
0x10d: {  	[tilespmem:s30+$0x60] =	vst v0  }
0x10e: {  	v0 =	vld [tilespmem:s24+$0xB0]  }
0x10f: {  	v1 =	vld [tilespmem:s25+$0xB0];
	_ =	sdelay $0x4  }
0x110: {  	v0 =	vadd.f32 v1, v0;
	_ =	sdelay $0x1  }
0x111: {  	[tilespmem:s30+$0x70] =	vst v0  }
0x112: {  	v0 =	vld [tilespmem:s24+$0x100]  }
0x113: {  	v1 =	vld [tilespmem:s25+$0x100];
	_ =	sdelay $0x4  }
0x114: {  	v0 =	vadd.f32 v1, v0;
	_ =	sdelay $0x1  }
0x115: {  	[tilespmem:s30+$0x80] =	vst v0  }
0x116: {  	v0 =	vld [tilespmem:s24+$0x110]  }
0x117: {  	v1 =	vld [tilespmem:s25+$0x110];
	_ =	sdelay $0x4  }
0x118: {  	v0 =	vadd.f32 v1, v0;
	_ =	sdelay $0x1  }
0x119: {  	[tilespmem:s30+$0x90] =	vst v0  }
0x11a: {  	v0 =	vld [tilespmem:s24+$0x120]  }
0x11b: {  	v1 =	vld [tilespmem:s25+$0x120];
	_ =	sdelay $0x4  }
0x11c: {  	v0 =	vadd.f32 v1, v0;
	_ =	sdelay $0x1  }
0x11d: {  	[tilespmem:s30+$0xA0] =	vst v0  }
0x11e: {  	v0 =	vld [tilespmem:s24+$0x130]  }
0x11f: {  	v1 =	vld [tilespmem:s25+$0x130];
	_ =	sdelay $0x4  }
0x120: {  	v0 =	vadd.f32 v1, v0;
	_ =	sdelay $0x1  }
.Ltmp0:
0x121: {  	[tilespmem:s30+$0xB0] =	vst v0;
	(pc) =	sbr.rel @p0 .LBB2_3-.Ltmp0, $3  }
0x122: {  	v0 =	vld [tilespmem:s24+$0x180]  }
0x123: {  	v1 =	vld [tilespmem:s25+$0x180];
	_ =	sdelay $0x1  }
0x124: {  	s30 =	sadd.s32 $0x200, s30  }
0x125: {  	_ =	sdelay $0x1  }
0x126: {  	v0 =	vadd.f32 v1, v0;
	_ =	sdelay $0x1  }
0x127: {  	[tilespmem:s23+$0xC0] =	vst v0  }
0x128: {  	v0 =	vld [tilespmem:s26+$0x190]  }
0x129: {  	v1 =	vld [tilespmem:s28+$0x190];
	_ =	sdelay $0x4  }
0x12a: {  	v0 =	vadd.f32 v1, v0;
	_ =	sdelay $0x1  }
0x12b: {  	[tilespmem:s23+$0xD0] =	vst v0  }
0x12c: {  	v0 =	vld [tilespmem:s26+$0x1A0]  }
0x12d: {  	v1 =	vld [tilespmem:s28+$0x1A0];
	_ =	sdelay $0x4  }
0x12e: {  	v0 =	vadd.f32 v1, v0;
	_ =	sdelay $0x1  }
0x12f: {  	[tilespmem:s23+$0xE0] =	vst v0  }
0x130: {  	v0 =	vld [tilespmem:s26+$0x1B0]  }
0x131: {  	v1 =	vld [tilespmem:s28+$0x1B0];
	_ =	sdelay $0x4  }
0x132: {  	v0 =	vadd.f32 v1, v0  }
0x133: {  	s22 =	sshll.u32 s22, $0xA  }
0x134: {  	s25 =	sadd.s32 s6, s22;
	[tilespmem:s23+$0xF0] =	vst v0  }
0x135: {  	[hbm4b:s25+s1] =	stream.linear.scatter [tilespmem:s15], [sflag:$0x3], $0x4000, $0x38;
	[tilespmem:$0x10800] =	vst v63  }
0x136: {  	_ =	swait.ge [sflag:s12], $0x4000  }
0x137: {  	[sflag:s12] =	ssyncset.done $0x0  }
0x138: {  	s26 =	simm.s32 $0x100;
	[sflag:s12] =	ssyncadd.s32 $0xFFFFC000  }
0x139: {  	[tilespmem:s15], [sflag:$0x1] =	stream.indirect.gather [hbm4b:s3+s14], $0x80, s26, s14, $0xb8;
	[tilespmem:$0x10800] =	vst v63  }
0x13a: {  	s24 =	simm.s32 $0x500  }
0x13b: {  	[tilespmem:s16], [sflag:$0x2] =	stream.indirect.gather [hbm4b:s3+s14], $0x80, s24, s14, $0xb8;
	[tilespmem:$0x10800] =	vst v63  }
0x13c: {  	s25 =	simm.s32 $0x180  }
0x13d: {  	[tilespmem:s17], [sflag:$0x1] =	stream.indirect.gather [hbm4b:s3+s14], $0x80, s25, s14, $0xb8;
	[tilespmem:$0x10800] =	vst v63  }
0x13e: {  	s26 =	simm.s32 $0x580  }
0x13f: {  	[tilespmem:s19], [sflag:$0x2] =	stream.indirect.gather [hbm4b:s3+s14], $0x80, s26, s14, $0xb8;
	[tilespmem:$0x10800] =	vst v63  }
0x140: {  	_ =	swait.ge [sflag:s20], $0x4000  }
0x141: {  	[sflag:s20] =	ssyncset.done $0x0  }
0x142: {  	[sflag:s20] =	ssyncadd.s32 $0xFFFFC000  }
0x143: {  	_ =	swait.ge [sflag:s21], $0x4000  }
0x144: {  	[sflag:s21] =	ssyncset.done $0x0  }
0x145: {  	[sflag:s21] =	ssyncadd.s32 $0xFFFFC000  }
0x146: {  	_ =	swait.ge [sflag:s20], $0x4000  }
0x147: {  	[sflag:s20] =	ssyncset.done $0x0  }
0x148: {  	[sflag:s20] =	ssyncadd.s32 $0xFFFFC000  }
0x149: {  	_ =	swait.ge [sflag:s21], $0x4000  }
0x14a: {  	[sflag:s21] =	ssyncset.done $0x0  }
0x14b: {  	s24 =	simm.s32 $0xA00;
	[sflag:s21] =	ssyncadd.s32 $0xFFFFC000  }
0x14c: {  	s25 =	simm.s32 $0x8A40;
	v0 =	vld [tilespmem:s24+$0xFFFFFE00]  }
0x14d: {  	v1 =	vld [tilespmem:s25+$0xFFFFFE00];
	_ =	sdelay $0x4  }
0x14e: {  	v0 =	vadd.f32 v1, v0  }
0x14f: {  	s23 =	simm.s32 $0x900  }
0x150: {  	[tilespmem:s23+$0xFFFFFF00] =	vst v0  }
0x151: {  	v0 =	vld [tilespmem:s25+$0xFFFFFE10]  }
0x152: {  	v1 =	vld [tilespmem:s24+$0xFFFFFE10];
	_ =	sdelay $0x4  }
0x153: {  	v0 =	vadd.f32 v0, v1;
	_ =	sdelay $0x1  }
0x154: {  	[tilespmem:s23+$0xFFFFFF10] =	vst v0  }
0x155: {  	v0 =	vld [tilespmem:s24+$0xFFFFFE20]  }
0x156: {  	v1 =	vld [tilespmem:s25+$0xFFFFFE20];
	_ =	sdelay $0x4  }
0x157: {  	v0 =	vadd.f32 v1, v0;
	_ =	sdelay $0x1  }
0x158: {  	[tilespmem:s23+$0xFFFFFF20] =	vst v0  }
0x159: {  	v0 =	vld [tilespmem:s24+$0xFFFFFE30]  }
0x15a: {  	v1 =	vld [tilespmem:s25+$0xFFFFFE30];
	_ =	sdelay $0x4  }
0x15b: {  	v0 =	vadd.f32 v1, v0;
	_ =	sdelay $0x1  }
0x15c: {  	[tilespmem:s23+$0xFFFFFF30] =	vst v0  }
0x15d: {  	v0 =	vld [tilespmem:s24+$0xFFFFFE80]  }
0x15e: {  	v1 =	vld [tilespmem:s25+$0xFFFFFE80];
	_ =	sdelay $0x4  }
0x15f: {  	v0 =	vadd.f32 v1, v0;
	_ =	sdelay $0x1  }
0x160: {  	[tilespmem:s23+$0xFFFFFF40] =	vst v0  }
0x161: {  	v0 =	vld [tilespmem:s24+$0xFFFFFE90]  }
0x162: {  	v1 =	vld [tilespmem:s25+$0xFFFFFE90];
	_ =	sdelay $0x4  }
0x163: {  	v0 =	vadd.f32 v1, v0;
	_ =	sdelay $0x1  }
0x164: {  	[tilespmem:s23+$0xFFFFFF50] =	vst v0  }
0x165: {  	v0 =	vld [tilespmem:s24+$0xFFFFFEA0]  }
0x166: {  	v1 =	vld [tilespmem:s25+$0xFFFFFEA0];
	_ =	sdelay $0x4  }
0x167: {  	v0 =	vadd.f32 v1, v0;
	_ =	sdelay $0x1  }
0x168: {  	[tilespmem:s23+$0xFFFFFF60] =	vst v0  }
0x169: {  	v0 =	vld [tilespmem:s24+$0xFFFFFEB0]  }
0x16a: {  	v1 =	vld [tilespmem:s25+$0xFFFFFEB0];
	_ =	sdelay $0x4  }
0x16b: {  	v0 =	vadd.f32 v1, v0;
	_ =	sdelay $0x1  }
0x16c: {  	[tilespmem:s23+$0xFFFFFF70] =	vst v0  }
0x16d: {  	v0 =	vld [tilespmem:s24+$0xFFFFFF00]  }
0x16e: {  	v1 =	vld [tilespmem:s25+$0xFFFFFF00];
	_ =	sdelay $0x4  }
0x16f: {  	v0 =	vadd.f32 v1, v0;
	_ =	sdelay $0x1  }
0x170: {  	[tilespmem:s23+$0xFFFFFF80] =	vst v0  }
0x171: {  	v0 =	vld [tilespmem:s24+$0xFFFFFF10]  }
0x172: {  	v1 =	vld [tilespmem:s25+$0xFFFFFF10];
	_ =	sdelay $0x4  }
0x173: {  	v0 =	vadd.f32 v1, v0;
	_ =	sdelay $0x1  }
0x174: {  	[tilespmem:s23+$0xFFFFFF90] =	vst v0  }
0x175: {  	v0 =	vld [tilespmem:s24+$0xFFFFFF20]  }
0x176: {  	v1 =	vld [tilespmem:s25+$0xFFFFFF20];
	_ =	sdelay $0x4  }
0x177: {  	v0 =	vadd.f32 v1, v0;
	_ =	sdelay $0x1  }
0x178: {  	[tilespmem:s23+$0xFFFFFFA0] =	vst v0  }
0x179: {  	v0 =	vld [tilespmem:s24+$0xFFFFFF30]  }
0x17a: {  	v1 =	vld [tilespmem:s25+$0xFFFFFF30];
	_ =	sdelay $0x4  }
0x17b: {  	v0 =	vadd.f32 v1, v0;
	_ =	sdelay $0x1  }
0x17c: {  	[tilespmem:s23+$0xFFFFFFB0] =	vst v0  }
0x17d: {  	v0 =	vld [tilespmem:s24+$0xFFFFFF80]  }
0x17e: {  	v1 =	vld [tilespmem:s25+$0xFFFFFF80];
	_ =	sdelay $0x4  }
0x17f: {  	v0 =	vadd.f32 v1, v0;
	_ =	sdelay $0x1  }
0x180: {  	[tilespmem:s23+$0xFFFFFFC0] =	vst v0  }
0x181: {  	v0 =	vld [tilespmem:s24+$0xFFFFFF90]  }
0x182: {  	v1 =	vld [tilespmem:s25+$0xFFFFFF90];
	_ =	sdelay $0x4  }
0x183: {  	v0 =	vadd.f32 v1, v0;
	_ =	sdelay $0x1  }
0x184: {  	[tilespmem:s23+$0xFFFFFFD0] =	vst v0  }
0x185: {  	v0 =	vld [tilespmem:s24+$0xFFFFFFA0]  }
0x186: {  	v1 =	vld [tilespmem:s25+$0xFFFFFFA0];
	_ =	sdelay $0x4  }
0x187: {  	v0 =	vadd.f32 v1, v0;
	_ =	sdelay $0x1  }
0x188: {  	[tilespmem:s23+$0xFFFFFFE0] =	vst v0  }
0x189: {  	v0 =	vld [tilespmem:s24+$0xFFFFFFB0]  }
0x18a: {  	v1 =	vld [tilespmem:s25+$0xFFFFFFB0];
	_ =	sdelay $0x4  }
0x18b: {  	v0 =	vadd.f32 v1, v0;
	_ =	sdelay $0x1  }
0x18c: {  	[tilespmem:s23+$0xFFFFFFF0] =	vst v0  }
0x18d: {  	v0 =	vld [tilespmem:s24+$0x0]  }
0x18e: {  	v1 =	vld [tilespmem:s25+$0x0];
	_ =	sdelay $0x4  }
0x18f: {  	v0 =	vadd.f32 v1, v0;
	_ =	sdelay $0x1  }
0x190: {  	[tilespmem:s23+$0x0] =	vst v0  }
0x191: {  	v0 =	vld [tilespmem:s24+$0x10]  }
0x192: {  	v1 =	vld [tilespmem:s25+$0x10];
	_ =	sdelay $0x4  }
0x193: {  	v0 =	vadd.f32 v1, v0;
	_ =	sdelay $0x1  }
0x194: {  	[tilespmem:s23+$0x10] =	vst v0  }
0x195: {  	v0 =	vld [tilespmem:s24+$0x20]  }
0x196: {  	v1 =	vld [tilespmem:s25+$0x20];
	_ =	sdelay $0x4  }
0x197: {  	v0 =	vadd.f32 v1, v0;
	_ =	sdelay $0x1  }
0x198: {  	[tilespmem:s23+$0x20] =	vst v0  }
0x199: {  	v0 =	vld [tilespmem:s24+$0x30]  }
0x19a: {  	v1 =	vld [tilespmem:s25+$0x30];
	_ =	sdelay $0x4  }
0x19b: {  	v0 =	vadd.f32 v1, v0;
	_ =	sdelay $0x1  }
0x19c: {  	[tilespmem:s23+$0x30] =	vst v0  }
0x19d: {  	v0 =	vld [tilespmem:s24+$0x80]  }
0x19e: {  	v1 =	vld [tilespmem:s25+$0x80];
	_ =	sdelay $0x4  }
0x19f: {  	v0 =	vadd.f32 v1, v0;
	_ =	sdelay $0x1  }
0x1a0: {  	[tilespmem:s23+$0x40] =	vst v0  }
0x1a1: {  	v0 =	vld [tilespmem:s24+$0x90]  }
0x1a2: {  	v1 =	vld [tilespmem:s25+$0x90];
	_ =	sdelay $0x4  }
0x1a3: {  	v0 =	vadd.f32 v1, v0;
	_ =	sdelay $0x1  }
0x1a4: {  	[tilespmem:s23+$0x50] =	vst v0  }
0x1a5: {  	v0 =	vld [tilespmem:s24+$0xA0]  }
0x1a6: {  	v1 =	vld [tilespmem:s25+$0xA0];
	_ =	sdelay $0x4  }
0x1a7: {  	v0 =	vadd.f32 v1, v0;
	_ =	sdelay $0x1  }
0x1a8: {  	[tilespmem:s23+$0x60] =	vst v0  }
0x1a9: {  	v0 =	vld [tilespmem:s24+$0xB0]  }
0x1aa: {  	v1 =	vld [tilespmem:s25+$0xB0];
	_ =	sdelay $0x4  }
0x1ab: {  	v0 =	vadd.f32 v1, v0;
	_ =	sdelay $0x1  }
0x1ac: {  	[tilespmem:s23+$0x70] =	vst v0  }
0x1ad: {  	v0 =	vld [tilespmem:s24+$0x100]  }
0x1ae: {  	v1 =	vld [tilespmem:s25+$0x100];
	_ =	sdelay $0x4  }
0x1af: {  	v0 =	vadd.f32 v1, v0;
	_ =	sdelay $0x1  }
0x1b0: {  	[tilespmem:s23+$0x80] =	vst v0  }
0x1b1: {  	v0 =	vld [tilespmem:s24+$0x110]  }
0x1b2: {  	v1 =	vld [tilespmem:s25+$0x110];
	_ =	sdelay $0x4  }
0x1b3: {  	v0 =	vadd.f32 v1, v0;
	_ =	sdelay $0x1  }
0x1b4: {  	[tilespmem:s23+$0x90] =	vst v0  }
0x1b5: {  	v0 =	vld [tilespmem:s24+$0x120]  }
0x1b6: {  	v1 =	vld [tilespmem:s25+$0x120];
	_ =	sdelay $0x4  }
0x1b7: {  	v0 =	vadd.f32 v1, v0;
	_ =	sdelay $0x1  }
0x1b8: {  	[tilespmem:s23+$0xA0] =	vst v0  }
0x1b9: {  	v0 =	vld [tilespmem:s24+$0x130]  }
0x1ba: {  	v1 =	vld [tilespmem:s25+$0x130];
	_ =	sdelay $0x4  }
0x1bb: {  	v0 =	vadd.f32 v1, v0;
	_ =	sdelay $0x1  }
0x1bc: {  	[tilespmem:s23+$0xB0] =	vst v0  }
0x1bd: {  	v0 =	vld [tilespmem:s24+$0x180]  }
0x1be: {  	v1 =	vld [tilespmem:s25+$0x180]  }
0x1bf: {  	s29 =	simm.s32 $0x0  }
0x1c0: {  	s30 =	simm.s32 $0xB00;
	s28 =	simm.s32 $0x8A40;
	s26 =	simm.s32 $0xA00  }
.LBB2_5:
0x1c1: {  	s29 =	sadd.s32 $0x4, s29;
	s25 =	sadd.s32 $0x400, s25;
	s24 =	sadd.s32 $0x400, s24  }
0x1c2: {  	p0 =	slt.u32 s29, $0x7C  }
0x1c3: {  	v0 =	vadd.f32 v1, v0;
	_ =	sdelay $0x1  }
0x1c4: {  	[tilespmem:s23+$0xC0] =	vst v0  }
0x1c5: {  	v0 =	vld [tilespmem:s26+$0x190]  }
0x1c6: {  	v1 =	vld [tilespmem:s28+$0x190];
	_ =	sdelay $0x4  }
0x1c7: {  	v0 =	vadd.f32 v1, v0;
	_ =	sdelay $0x1  }
0x1c8: {  	[tilespmem:s23+$0xD0] =	vst v0  }
0x1c9: {  	v0 =	vld [tilespmem:s26+$0x1A0]  }
0x1ca: {  	v1 =	vld [tilespmem:s28+$0x1A0];
	_ =	sdelay $0x4  }
0x1cb: {  	v0 =	vadd.f32 v1, v0;
	_ =	sdelay $0x1  }
0x1cc: {  	[tilespmem:s23+$0xE0] =	vst v0  }
0x1cd: {  	v0 =	vld [tilespmem:s26+$0x1B0];
	s26 =	smov.u32 s24  }
0x1ce: {  	v1 =	vld [tilespmem:s28+$0x1B0];
	s28 =	smov.u32 s25;
	_ =	sdelay $0x4  }
0x1cf: {  	v0 =	vadd.f32 v1, v0;
	_ =	sdelay $0x1  }
0x1d0: {  	[tilespmem:s23+$0xF0] =	vst v0;
	s23 =	smov.u32 s30  }
0x1d1: {  	v0 =	vld [tilespmem:s24+$0xFFFFFE00]  }
0x1d2: {  	v1 =	vld [tilespmem:s25+$0xFFFFFE00];
	_ =	sdelay $0x4  }
0x1d3: {  	v0 =	vadd.f32 v1, v0;
	_ =	sdelay $0x1  }
0x1d4: {  	[tilespmem:s30+$0xFFFFFF00] =	vst v0  }
0x1d5: {  	v0 =	vld [tilespmem:s25+$0xFFFFFE10]  }
0x1d6: {  	v1 =	vld [tilespmem:s24+$0xFFFFFE10];
	_ =	sdelay $0x4  }
0x1d7: {  	v0 =	vadd.f32 v0, v1;
	_ =	sdelay $0x1  }
0x1d8: {  	[tilespmem:s30+$0xFFFFFF10] =	vst v0  }
0x1d9: {  	v0 =	vld [tilespmem:s24+$0xFFFFFE20]  }
0x1da: {  	v1 =	vld [tilespmem:s25+$0xFFFFFE20];
	_ =	sdelay $0x4  }
0x1db: {  	v0 =	vadd.f32 v1, v0;
	_ =	sdelay $0x1  }
0x1dc: {  	[tilespmem:s30+$0xFFFFFF20] =	vst v0  }
0x1dd: {  	v0 =	vld [tilespmem:s24+$0xFFFFFE30]  }
0x1de: {  	v1 =	vld [tilespmem:s25+$0xFFFFFE30];
	_ =	sdelay $0x4  }
0x1df: {  	v0 =	vadd.f32 v1, v0;
	_ =	sdelay $0x1  }
0x1e0: {  	[tilespmem:s30+$0xFFFFFF30] =	vst v0  }
0x1e1: {  	v0 =	vld [tilespmem:s24+$0xFFFFFE80]  }
0x1e2: {  	v1 =	vld [tilespmem:s25+$0xFFFFFE80];
	_ =	sdelay $0x4  }
0x1e3: {  	v0 =	vadd.f32 v1, v0;
	_ =	sdelay $0x1  }
0x1e4: {  	[tilespmem:s30+$0xFFFFFF40] =	vst v0  }
0x1e5: {  	v0 =	vld [tilespmem:s24+$0xFFFFFE90]  }
0x1e6: {  	v1 =	vld [tilespmem:s25+$0xFFFFFE90];
	_ =	sdelay $0x4  }
0x1e7: {  	v0 =	vadd.f32 v1, v0;
	_ =	sdelay $0x1  }
0x1e8: {  	[tilespmem:s30+$0xFFFFFF50] =	vst v0  }
0x1e9: {  	v0 =	vld [tilespmem:s24+$0xFFFFFEA0]  }
0x1ea: {  	v1 =	vld [tilespmem:s25+$0xFFFFFEA0];
	_ =	sdelay $0x4  }
0x1eb: {  	v0 =	vadd.f32 v1, v0;
	_ =	sdelay $0x1  }
0x1ec: {  	[tilespmem:s30+$0xFFFFFF60] =	vst v0  }
0x1ed: {  	v0 =	vld [tilespmem:s24+$0xFFFFFEB0]  }
0x1ee: {  	v1 =	vld [tilespmem:s25+$0xFFFFFEB0];
	_ =	sdelay $0x4  }
0x1ef: {  	v0 =	vadd.f32 v1, v0;
	_ =	sdelay $0x1  }
0x1f0: {  	[tilespmem:s30+$0xFFFFFF70] =	vst v0  }
0x1f1: {  	v0 =	vld [tilespmem:s24+$0xFFFFFF00]  }
0x1f2: {  	v1 =	vld [tilespmem:s25+$0xFFFFFF00];
	_ =	sdelay $0x4  }
0x1f3: {  	v0 =	vadd.f32 v1, v0;
	_ =	sdelay $0x1  }
0x1f4: {  	[tilespmem:s30+$0xFFFFFF80] =	vst v0  }
0x1f5: {  	v0 =	vld [tilespmem:s24+$0xFFFFFF10]  }
0x1f6: {  	v1 =	vld [tilespmem:s25+$0xFFFFFF10];
	_ =	sdelay $0x4  }
0x1f7: {  	v0 =	vadd.f32 v1, v0;
	_ =	sdelay $0x1  }
0x1f8: {  	[tilespmem:s30+$0xFFFFFF90] =	vst v0  }
0x1f9: {  	v0 =	vld [tilespmem:s24+$0xFFFFFF20]  }
0x1fa: {  	v1 =	vld [tilespmem:s25+$0xFFFFFF20];
	_ =	sdelay $0x4  }
0x1fb: {  	v0 =	vadd.f32 v1, v0;
	_ =	sdelay $0x1  }
0x1fc: {  	[tilespmem:s30+$0xFFFFFFA0] =	vst v0  }
0x1fd: {  	v0 =	vld [tilespmem:s24+$0xFFFFFF30]  }
0x1fe: {  	v1 =	vld [tilespmem:s25+$0xFFFFFF30];
	_ =	sdelay $0x4  }
0x1ff: {  	v0 =	vadd.f32 v1, v0;
	_ =	sdelay $0x1  }
0x200: {  	[tilespmem:s30+$0xFFFFFFB0] =	vst v0  }
0x201: {  	v0 =	vld [tilespmem:s24+$0xFFFFFF80]  }
0x202: {  	v1 =	vld [tilespmem:s25+$0xFFFFFF80];
	_ =	sdelay $0x4  }
0x203: {  	v0 =	vadd.f32 v1, v0;
	_ =	sdelay $0x1  }
0x204: {  	[tilespmem:s30+$0xFFFFFFC0] =	vst v0  }
0x205: {  	v0 =	vld [tilespmem:s24+$0xFFFFFF90]  }
0x206: {  	v1 =	vld [tilespmem:s25+$0xFFFFFF90];
	_ =	sdelay $0x4  }
0x207: {  	v0 =	vadd.f32 v1, v0;
	_ =	sdelay $0x1  }
0x208: {  	[tilespmem:s30+$0xFFFFFFD0] =	vst v0  }
0x209: {  	v0 =	vld [tilespmem:s24+$0xFFFFFFA0]  }
0x20a: {  	v1 =	vld [tilespmem:s25+$0xFFFFFFA0];
	_ =	sdelay $0x4  }
0x20b: {  	v0 =	vadd.f32 v1, v0;
	_ =	sdelay $0x1  }
0x20c: {  	[tilespmem:s30+$0xFFFFFFE0] =	vst v0  }
0x20d: {  	v0 =	vld [tilespmem:s24+$0xFFFFFFB0]  }
0x20e: {  	v1 =	vld [tilespmem:s25+$0xFFFFFFB0];
	_ =	sdelay $0x4  }
0x20f: {  	v0 =	vadd.f32 v1, v0;
	_ =	sdelay $0x1  }
0x210: {  	[tilespmem:s30+$0xFFFFFFF0] =	vst v0  }
0x211: {  	v0 =	vld [tilespmem:s24+$0x0]  }
0x212: {  	v1 =	vld [tilespmem:s25+$0x0];
	_ =	sdelay $0x4  }
0x213: {  	v0 =	vadd.f32 v1, v0;
	_ =	sdelay $0x1  }
0x214: {  	[tilespmem:s30+$0x0] =	vst v0  }
0x215: {  	v0 =	vld [tilespmem:s24+$0x10]  }
0x216: {  	v1 =	vld [tilespmem:s25+$0x10];
	_ =	sdelay $0x4  }
0x217: {  	v0 =	vadd.f32 v1, v0;
	_ =	sdelay $0x1  }
0x218: {  	[tilespmem:s30+$0x10] =	vst v0  }
0x219: {  	v0 =	vld [tilespmem:s24+$0x20]  }
0x21a: {  	v1 =	vld [tilespmem:s25+$0x20];
	_ =	sdelay $0x4  }
0x21b: {  	v0 =	vadd.f32 v1, v0;
	_ =	sdelay $0x1  }
0x21c: {  	[tilespmem:s30+$0x20] =	vst v0  }
0x21d: {  	v0 =	vld [tilespmem:s24+$0x30]  }
0x21e: {  	v1 =	vld [tilespmem:s25+$0x30];
	_ =	sdelay $0x4  }
0x21f: {  	v0 =	vadd.f32 v1, v0;
	_ =	sdelay $0x1  }
0x220: {  	[tilespmem:s30+$0x30] =	vst v0  }
0x221: {  	v0 =	vld [tilespmem:s24+$0x80]  }
0x222: {  	v1 =	vld [tilespmem:s25+$0x80];
	_ =	sdelay $0x4  }
0x223: {  	v0 =	vadd.f32 v1, v0;
	_ =	sdelay $0x1  }
0x224: {  	[tilespmem:s30+$0x40] =	vst v0  }
0x225: {  	v0 =	vld [tilespmem:s24+$0x90]  }
0x226: {  	v1 =	vld [tilespmem:s25+$0x90];
	_ =	sdelay $0x4  }
0x227: {  	v0 =	vadd.f32 v1, v0;
	_ =	sdelay $0x1  }
0x228: {  	[tilespmem:s30+$0x50] =	vst v0  }
0x229: {  	v0 =	vld [tilespmem:s24+$0xA0]  }
0x22a: {  	v1 =	vld [tilespmem:s25+$0xA0];
	_ =	sdelay $0x4  }
0x22b: {  	v0 =	vadd.f32 v1, v0;
	_ =	sdelay $0x1  }
0x22c: {  	[tilespmem:s30+$0x60] =	vst v0  }
0x22d: {  	v0 =	vld [tilespmem:s24+$0xB0]  }
0x22e: {  	v1 =	vld [tilespmem:s25+$0xB0];
	_ =	sdelay $0x4  }
0x22f: {  	v0 =	vadd.f32 v1, v0;
	_ =	sdelay $0x1  }
0x230: {  	[tilespmem:s30+$0x70] =	vst v0  }
0x231: {  	v0 =	vld [tilespmem:s24+$0x100]  }
0x232: {  	v1 =	vld [tilespmem:s25+$0x100];
	_ =	sdelay $0x4  }
0x233: {  	v0 =	vadd.f32 v1, v0;
	_ =	sdelay $0x1  }
0x234: {  	[tilespmem:s30+$0x80] =	vst v0  }
0x235: {  	v0 =	vld [tilespmem:s24+$0x110]  }
0x236: {  	v1 =	vld [tilespmem:s25+$0x110];
	_ =	sdelay $0x4  }
0x237: {  	v0 =	vadd.f32 v1, v0;
	_ =	sdelay $0x1  }
0x238: {  	[tilespmem:s30+$0x90] =	vst v0  }
0x239: {  	v0 =	vld [tilespmem:s24+$0x120]  }
0x23a: {  	v1 =	vld [tilespmem:s25+$0x120];
	_ =	sdelay $0x4  }
0x23b: {  	v0 =	vadd.f32 v1, v0;
	_ =	sdelay $0x1  }
0x23c: {  	[tilespmem:s30+$0xA0] =	vst v0  }
0x23d: {  	v0 =	vld [tilespmem:s24+$0x130]  }
0x23e: {  	v1 =	vld [tilespmem:s25+$0x130];
	_ =	sdelay $0x4  }
0x23f: {  	v0 =	vadd.f32 v1, v0;
	_ =	sdelay $0x1  }
.Ltmp1:
0x240: {  	[tilespmem:s30+$0xB0] =	vst v0;
	(pc) =	sbr.rel @p0 .LBB2_5-.Ltmp1, $3  }
0x241: {  	v0 =	vld [tilespmem:s24+$0x180]  }
0x242: {  	v1 =	vld [tilespmem:s25+$0x180];
	_ =	sdelay $0x1  }
0x243: {  	s30 =	sadd.s32 $0x200, s30  }
0x244: {  	_ =	sdelay $0x1  }
0x245: {  	v0 =	vadd.f32 v1, v0;
	_ =	sdelay $0x1  }
0x246: {  	[tilespmem:s23+$0xC0] =	vst v0  }
0x247: {  	v0 =	vld [tilespmem:s26+$0x190]  }
0x248: {  	v1 =	vld [tilespmem:s28+$0x190];
	_ =	sdelay $0x4  }
0x249: {  	v0 =	vadd.f32 v1, v0;
	_ =	sdelay $0x1  }
0x24a: {  	[tilespmem:s23+$0xD0] =	vst v0  }
0x24b: {  	v0 =	vld [tilespmem:s26+$0x1A0]  }
0x24c: {  	v1 =	vld [tilespmem:s28+$0x1A0];
	_ =	sdelay $0x4  }
0x24d: {  	v0 =	vadd.f32 v1, v0;
	_ =	sdelay $0x1  }
0x24e: {  	[tilespmem:s23+$0xE0] =	vst v0  }
0x24f: {  	v0 =	vld [tilespmem:s26+$0x1B0]  }
0x250: {  	v1 =	vld [tilespmem:s28+$0x1B0];
	_ =	sdelay $0x4  }
0x251: {  	v0 =	vadd.f32 v1, v0;
	_ =	sdelay $0x1  }
0x252: {  	s25 =	sadd.s32 s22, s7;
	[tilespmem:s23+$0xF0] =	vst v0  }
0x253: {  	[hbm4b:s25+s1] =	stream.linear.scatter [tilespmem:s15], [sflag:$0x3], $0x4000, $0x38;
	[tilespmem:$0x10800] =	vst v63  }
0x254: {  	_ =	swait.ge [sflag:s12], $0x4000  }
0x255: {  	[sflag:s12] =	ssyncset.done $0x0  }
0x256: {  	s26 =	simm.s32 $0x200;
	[sflag:s12] =	ssyncadd.s32 $0xFFFFC000  }
0x257: {  	[tilespmem:s15], [sflag:$0x1] =	stream.indirect.gather [hbm4b:s3+s14], $0x80, s26, s14, $0xb8;
	[tilespmem:$0x10800] =	vst v63  }
0x258: {  	s24 =	simm.s32 $0x600  }
0x259: {  	[tilespmem:s16], [sflag:$0x2] =	stream.indirect.gather [hbm4b:s3+s14], $0x80, s24, s14, $0xb8;
	[tilespmem:$0x10800] =	vst v63  }
0x25a: {  	s25 =	simm.s32 $0x280  }
0x25b: {  	[tilespmem:s17], [sflag:$0x1] =	stream.indirect.gather [hbm4b:s3+s14], $0x80, s25, s14, $0xb8;
	[tilespmem:$0x10800] =	vst v63  }
0x25c: {  	s26 =	simm.s32 $0x680  }
0x25d: {  	[tilespmem:s19], [sflag:$0x2] =	stream.indirect.gather [hbm4b:s3+s14], $0x80, s26, s14, $0xb8;
	[tilespmem:$0x10800] =	vst v63  }
0x25e: {  	_ =	swait.ge [sflag:s20], $0x4000  }
0x25f: {  	[sflag:s20] =	ssyncset.done $0x0  }
0x260: {  	[sflag:s20] =	ssyncadd.s32 $0xFFFFC000  }
0x261: {  	_ =	swait.ge [sflag:s21], $0x4000  }
0x262: {  	[sflag:s21] =	ssyncset.done $0x0  }
0x263: {  	[sflag:s21] =	ssyncadd.s32 $0xFFFFC000  }
0x264: {  	_ =	swait.ge [sflag:s20], $0x4000  }
0x265: {  	[sflag:s20] =	ssyncset.done $0x0  }
0x266: {  	[sflag:s20] =	ssyncadd.s32 $0xFFFFC000  }
0x267: {  	_ =	swait.ge [sflag:s21], $0x4000  }
0x268: {  	[sflag:s21] =	ssyncset.done $0x0  }
0x269: {  	s24 =	simm.s32 $0xA00;
	[sflag:s21] =	ssyncadd.s32 $0xFFFFC000  }
0x26a: {  	s25 =	simm.s32 $0x8A40;
	v0 =	vld [tilespmem:s24+$0xFFFFFE00]  }
0x26b: {  	v1 =	vld [tilespmem:s25+$0xFFFFFE00];
	_ =	sdelay $0x4  }
0x26c: {  	v0 =	vadd.f32 v1, v0  }
0x26d: {  	s23 =	simm.s32 $0x900  }
0x26e: {  	[tilespmem:s23+$0xFFFFFF00] =	vst v0  }
0x26f: {  	v0 =	vld [tilespmem:s25+$0xFFFFFE10]  }
0x270: {  	v1 =	vld [tilespmem:s24+$0xFFFFFE10];
	_ =	sdelay $0x4  }
0x271: {  	v0 =	vadd.f32 v0, v1;
	_ =	sdelay $0x1  }
0x272: {  	[tilespmem:s23+$0xFFFFFF10] =	vst v0  }
0x273: {  	v0 =	vld [tilespmem:s24+$0xFFFFFE20]  }
0x274: {  	v1 =	vld [tilespmem:s25+$0xFFFFFE20];
	_ =	sdelay $0x4  }
0x275: {  	v0 =	vadd.f32 v1, v0;
	_ =	sdelay $0x1  }
0x276: {  	[tilespmem:s23+$0xFFFFFF20] =	vst v0  }
0x277: {  	v0 =	vld [tilespmem:s24+$0xFFFFFE30]  }
0x278: {  	v1 =	vld [tilespmem:s25+$0xFFFFFE30];
	_ =	sdelay $0x4  }
0x279: {  	v0 =	vadd.f32 v1, v0;
	_ =	sdelay $0x1  }
0x27a: {  	[tilespmem:s23+$0xFFFFFF30] =	vst v0  }
0x27b: {  	v0 =	vld [tilespmem:s24+$0xFFFFFE80]  }
0x27c: {  	v1 =	vld [tilespmem:s25+$0xFFFFFE80];
	_ =	sdelay $0x4  }
0x27d: {  	v0 =	vadd.f32 v1, v0;
	_ =	sdelay $0x1  }
0x27e: {  	[tilespmem:s23+$0xFFFFFF40] =	vst v0  }
0x27f: {  	v0 =	vld [tilespmem:s24+$0xFFFFFE90]  }
0x280: {  	v1 =	vld [tilespmem:s25+$0xFFFFFE90];
	_ =	sdelay $0x4  }
0x281: {  	v0 =	vadd.f32 v1, v0;
	_ =	sdelay $0x1  }
0x282: {  	[tilespmem:s23+$0xFFFFFF50] =	vst v0  }
0x283: {  	v0 =	vld [tilespmem:s24+$0xFFFFFEA0]  }
0x284: {  	v1 =	vld [tilespmem:s25+$0xFFFFFEA0];
	_ =	sdelay $0x4  }
0x285: {  	v0 =	vadd.f32 v1, v0;
	_ =	sdelay $0x1  }
0x286: {  	[tilespmem:s23+$0xFFFFFF60] =	vst v0  }
0x287: {  	v0 =	vld [tilespmem:s24+$0xFFFFFEB0]  }
0x288: {  	v1 =	vld [tilespmem:s25+$0xFFFFFEB0];
	_ =	sdelay $0x4  }
0x289: {  	v0 =	vadd.f32 v1, v0;
	_ =	sdelay $0x1  }
0x28a: {  	[tilespmem:s23+$0xFFFFFF70] =	vst v0  }
0x28b: {  	v0 =	vld [tilespmem:s24+$0xFFFFFF00]  }
0x28c: {  	v1 =	vld [tilespmem:s25+$0xFFFFFF00];
	_ =	sdelay $0x4  }
0x28d: {  	v0 =	vadd.f32 v1, v0;
	_ =	sdelay $0x1  }
0x28e: {  	[tilespmem:s23+$0xFFFFFF80] =	vst v0  }
0x28f: {  	v0 =	vld [tilespmem:s24+$0xFFFFFF10]  }
0x290: {  	v1 =	vld [tilespmem:s25+$0xFFFFFF10];
	_ =	sdelay $0x4  }
0x291: {  	v0 =	vadd.f32 v1, v0;
	_ =	sdelay $0x1  }
0x292: {  	[tilespmem:s23+$0xFFFFFF90] =	vst v0  }
0x293: {  	v0 =	vld [tilespmem:s24+$0xFFFFFF20]  }
0x294: {  	v1 =	vld [tilespmem:s25+$0xFFFFFF20];
	_ =	sdelay $0x4  }
0x295: {  	v0 =	vadd.f32 v1, v0;
	_ =	sdelay $0x1  }
0x296: {  	[tilespmem:s23+$0xFFFFFFA0] =	vst v0  }
0x297: {  	v0 =	vld [tilespmem:s24+$0xFFFFFF30]  }
0x298: {  	v1 =	vld [tilespmem:s25+$0xFFFFFF30];
	_ =	sdelay $0x4  }
0x299: {  	v0 =	vadd.f32 v1, v0;
	_ =	sdelay $0x1  }
0x29a: {  	[tilespmem:s23+$0xFFFFFFB0] =	vst v0  }
0x29b: {  	v0 =	vld [tilespmem:s24+$0xFFFFFF80]  }
0x29c: {  	v1 =	vld [tilespmem:s25+$0xFFFFFF80];
	_ =	sdelay $0x4  }
0x29d: {  	v0 =	vadd.f32 v1, v0;
	_ =	sdelay $0x1  }
0x29e: {  	[tilespmem:s23+$0xFFFFFFC0] =	vst v0  }
0x29f: {  	v0 =	vld [tilespmem:s24+$0xFFFFFF90]  }
0x2a0: {  	v1 =	vld [tilespmem:s25+$0xFFFFFF90];
	_ =	sdelay $0x4  }
0x2a1: {  	v0 =	vadd.f32 v1, v0;
	_ =	sdelay $0x1  }
0x2a2: {  	[tilespmem:s23+$0xFFFFFFD0] =	vst v0  }
0x2a3: {  	v0 =	vld [tilespmem:s24+$0xFFFFFFA0]  }
0x2a4: {  	v1 =	vld [tilespmem:s25+$0xFFFFFFA0];
	_ =	sdelay $0x4  }
0x2a5: {  	v0 =	vadd.f32 v1, v0;
	_ =	sdelay $0x1  }
0x2a6: {  	[tilespmem:s23+$0xFFFFFFE0] =	vst v0  }
0x2a7: {  	v0 =	vld [tilespmem:s24+$0xFFFFFFB0]  }
0x2a8: {  	v1 =	vld [tilespmem:s25+$0xFFFFFFB0];
	_ =	sdelay $0x4  }
0x2a9: {  	v0 =	vadd.f32 v1, v0;
	_ =	sdelay $0x1  }
0x2aa: {  	[tilespmem:s23+$0xFFFFFFF0] =	vst v0  }
0x2ab: {  	v0 =	vld [tilespmem:s24+$0x0]  }
0x2ac: {  	v1 =	vld [tilespmem:s25+$0x0];
	_ =	sdelay $0x4  }
0x2ad: {  	v0 =	vadd.f32 v1, v0;
	_ =	sdelay $0x1  }
0x2ae: {  	[tilespmem:s23+$0x0] =	vst v0  }
0x2af: {  	v0 =	vld [tilespmem:s24+$0x10]  }
0x2b0: {  	v1 =	vld [tilespmem:s25+$0x10];
	_ =	sdelay $0x4  }
0x2b1: {  	v0 =	vadd.f32 v1, v0;
	_ =	sdelay $0x1  }
0x2b2: {  	[tilespmem:s23+$0x10] =	vst v0  }
0x2b3: {  	v0 =	vld [tilespmem:s24+$0x20]  }
0x2b4: {  	v1 =	vld [tilespmem:s25+$0x20];
	_ =	sdelay $0x4  }
0x2b5: {  	v0 =	vadd.f32 v1, v0;
	_ =	sdelay $0x1  }
0x2b6: {  	[tilespmem:s23+$0x20] =	vst v0  }
0x2b7: {  	v0 =	vld [tilespmem:s24+$0x30]  }
0x2b8: {  	v1 =	vld [tilespmem:s25+$0x30];
	_ =	sdelay $0x4  }
0x2b9: {  	v0 =	vadd.f32 v1, v0;
	_ =	sdelay $0x1  }
0x2ba: {  	[tilespmem:s23+$0x30] =	vst v0  }
0x2bb: {  	v0 =	vld [tilespmem:s24+$0x80]  }
0x2bc: {  	v1 =	vld [tilespmem:s25+$0x80];
	_ =	sdelay $0x4  }
0x2bd: {  	v0 =	vadd.f32 v1, v0;
	_ =	sdelay $0x1  }
0x2be: {  	[tilespmem:s23+$0x40] =	vst v0  }
0x2bf: {  	v0 =	vld [tilespmem:s24+$0x90]  }
0x2c0: {  	v1 =	vld [tilespmem:s25+$0x90];
	_ =	sdelay $0x4  }
0x2c1: {  	v0 =	vadd.f32 v1, v0;
	_ =	sdelay $0x1  }
0x2c2: {  	[tilespmem:s23+$0x50] =	vst v0  }
0x2c3: {  	v0 =	vld [tilespmem:s24+$0xA0]  }
0x2c4: {  	v1 =	vld [tilespmem:s25+$0xA0];
	_ =	sdelay $0x4  }
0x2c5: {  	v0 =	vadd.f32 v1, v0;
	_ =	sdelay $0x1  }
0x2c6: {  	[tilespmem:s23+$0x60] =	vst v0  }
0x2c7: {  	v0 =	vld [tilespmem:s24+$0xB0]  }
0x2c8: {  	v1 =	vld [tilespmem:s25+$0xB0];
	_ =	sdelay $0x4  }
0x2c9: {  	v0 =	vadd.f32 v1, v0;
	_ =	sdelay $0x1  }
0x2ca: {  	[tilespmem:s23+$0x70] =	vst v0  }
0x2cb: {  	v0 =	vld [tilespmem:s24+$0x100]  }
0x2cc: {  	v1 =	vld [tilespmem:s25+$0x100];
	_ =	sdelay $0x4  }
0x2cd: {  	v0 =	vadd.f32 v1, v0;
	_ =	sdelay $0x1  }
0x2ce: {  	[tilespmem:s23+$0x80] =	vst v0  }
0x2cf: {  	v0 =	vld [tilespmem:s24+$0x110]  }
0x2d0: {  	v1 =	vld [tilespmem:s25+$0x110];
	_ =	sdelay $0x4  }
0x2d1: {  	v0 =	vadd.f32 v1, v0;
	_ =	sdelay $0x1  }
0x2d2: {  	[tilespmem:s23+$0x90] =	vst v0  }
0x2d3: {  	v0 =	vld [tilespmem:s24+$0x120]  }
0x2d4: {  	v1 =	vld [tilespmem:s25+$0x120];
	_ =	sdelay $0x4  }
0x2d5: {  	v0 =	vadd.f32 v1, v0;
	_ =	sdelay $0x1  }
0x2d6: {  	[tilespmem:s23+$0xA0] =	vst v0  }
0x2d7: {  	v0 =	vld [tilespmem:s24+$0x130]  }
0x2d8: {  	v1 =	vld [tilespmem:s25+$0x130];
	_ =	sdelay $0x4  }
0x2d9: {  	v0 =	vadd.f32 v1, v0;
	_ =	sdelay $0x1  }
0x2da: {  	[tilespmem:s23+$0xB0] =	vst v0  }
0x2db: {  	v0 =	vld [tilespmem:s24+$0x180]  }
0x2dc: {  	v1 =	vld [tilespmem:s25+$0x180]  }
0x2dd: {  	s29 =	simm.s32 $0x0  }
0x2de: {  	s30 =	simm.s32 $0xB00;
	s28 =	simm.s32 $0x8A40;
	s26 =	simm.s32 $0xA00  }
.LBB2_7:
0x2df: {  	s29 =	sadd.s32 $0x4, s29;
	s25 =	sadd.s32 $0x400, s25;
	s24 =	sadd.s32 $0x400, s24  }
0x2e0: {  	p0 =	slt.u32 s29, $0x7C  }
0x2e1: {  	v0 =	vadd.f32 v1, v0;
	_ =	sdelay $0x1  }
0x2e2: {  	[tilespmem:s23+$0xC0] =	vst v0  }
0x2e3: {  	v0 =	vld [tilespmem:s26+$0x190]  }
0x2e4: {  	v1 =	vld [tilespmem:s28+$0x190];
	_ =	sdelay $0x4  }
0x2e5: {  	v0 =	vadd.f32 v1, v0;
	_ =	sdelay $0x1  }
0x2e6: {  	[tilespmem:s23+$0xD0] =	vst v0  }
0x2e7: {  	v0 =	vld [tilespmem:s26+$0x1A0]  }
0x2e8: {  	v1 =	vld [tilespmem:s28+$0x1A0];
	_ =	sdelay $0x4  }
0x2e9: {  	v0 =	vadd.f32 v1, v0;
	_ =	sdelay $0x1  }
0x2ea: {  	[tilespmem:s23+$0xE0] =	vst v0  }
0x2eb: {  	v0 =	vld [tilespmem:s26+$0x1B0];
	s26 =	smov.u32 s24  }
0x2ec: {  	v1 =	vld [tilespmem:s28+$0x1B0];
	s28 =	smov.u32 s25;
	_ =	sdelay $0x4  }
0x2ed: {  	v0 =	vadd.f32 v1, v0;
	_ =	sdelay $0x1  }
0x2ee: {  	[tilespmem:s23+$0xF0] =	vst v0;
	s23 =	smov.u32 s30  }
0x2ef: {  	v0 =	vld [tilespmem:s24+$0xFFFFFE00]  }
0x2f0: {  	v1 =	vld [tilespmem:s25+$0xFFFFFE00];
	_ =	sdelay $0x4  }
0x2f1: {  	v0 =	vadd.f32 v1, v0;
	_ =	sdelay $0x1  }
0x2f2: {  	[tilespmem:s30+$0xFFFFFF00] =	vst v0  }
0x2f3: {  	v0 =	vld [tilespmem:s25+$0xFFFFFE10]  }
0x2f4: {  	v1 =	vld [tilespmem:s24+$0xFFFFFE10];
	_ =	sdelay $0x4  }
0x2f5: {  	v0 =	vadd.f32 v0, v1;
	_ =	sdelay $0x1  }
0x2f6: {  	[tilespmem:s30+$0xFFFFFF10] =	vst v0  }
0x2f7: {  	v0 =	vld [tilespmem:s24+$0xFFFFFE20]  }
0x2f8: {  	v1 =	vld [tilespmem:s25+$0xFFFFFE20];
	_ =	sdelay $0x4  }
0x2f9: {  	v0 =	vadd.f32 v1, v0;
	_ =	sdelay $0x1  }
0x2fa: {  	[tilespmem:s30+$0xFFFFFF20] =	vst v0  }
0x2fb: {  	v0 =	vld [tilespmem:s24+$0xFFFFFE30]  }
0x2fc: {  	v1 =	vld [tilespmem:s25+$0xFFFFFE30];
	_ =	sdelay $0x4  }
0x2fd: {  	v0 =	vadd.f32 v1, v0;
	_ =	sdelay $0x1  }
0x2fe: {  	[tilespmem:s30+$0xFFFFFF30] =	vst v0  }
0x2ff: {  	v0 =	vld [tilespmem:s24+$0xFFFFFE80]  }
0x300: {  	v1 =	vld [tilespmem:s25+$0xFFFFFE80];
	_ =	sdelay $0x4  }
0x301: {  	v0 =	vadd.f32 v1, v0;
	_ =	sdelay $0x1  }
0x302: {  	[tilespmem:s30+$0xFFFFFF40] =	vst v0  }
0x303: {  	v0 =	vld [tilespmem:s24+$0xFFFFFE90]  }
0x304: {  	v1 =	vld [tilespmem:s25+$0xFFFFFE90];
	_ =	sdelay $0x4  }
0x305: {  	v0 =	vadd.f32 v1, v0;
	_ =	sdelay $0x1  }
0x306: {  	[tilespmem:s30+$0xFFFFFF50] =	vst v0  }
0x307: {  	v0 =	vld [tilespmem:s24+$0xFFFFFEA0]  }
0x308: {  	v1 =	vld [tilespmem:s25+$0xFFFFFEA0];
	_ =	sdelay $0x4  }
0x309: {  	v0 =	vadd.f32 v1, v0;
	_ =	sdelay $0x1  }
0x30a: {  	[tilespmem:s30+$0xFFFFFF60] =	vst v0  }
0x30b: {  	v0 =	vld [tilespmem:s24+$0xFFFFFEB0]  }
0x30c: {  	v1 =	vld [tilespmem:s25+$0xFFFFFEB0];
	_ =	sdelay $0x4  }
0x30d: {  	v0 =	vadd.f32 v1, v0;
	_ =	sdelay $0x1  }
0x30e: {  	[tilespmem:s30+$0xFFFFFF70] =	vst v0  }
0x30f: {  	v0 =	vld [tilespmem:s24+$0xFFFFFF00]  }
0x310: {  	v1 =	vld [tilespmem:s25+$0xFFFFFF00];
	_ =	sdelay $0x4  }
0x311: {  	v0 =	vadd.f32 v1, v0;
	_ =	sdelay $0x1  }
0x312: {  	[tilespmem:s30+$0xFFFFFF80] =	vst v0  }
0x313: {  	v0 =	vld [tilespmem:s24+$0xFFFFFF10]  }
0x314: {  	v1 =	vld [tilespmem:s25+$0xFFFFFF10];
	_ =	sdelay $0x4  }
0x315: {  	v0 =	vadd.f32 v1, v0;
	_ =	sdelay $0x1  }
0x316: {  	[tilespmem:s30+$0xFFFFFF90] =	vst v0  }
0x317: {  	v0 =	vld [tilespmem:s24+$0xFFFFFF20]  }
0x318: {  	v1 =	vld [tilespmem:s25+$0xFFFFFF20];
	_ =	sdelay $0x4  }
0x319: {  	v0 =	vadd.f32 v1, v0;
	_ =	sdelay $0x1  }
0x31a: {  	[tilespmem:s30+$0xFFFFFFA0] =	vst v0  }
0x31b: {  	v0 =	vld [tilespmem:s24+$0xFFFFFF30]  }
0x31c: {  	v1 =	vld [tilespmem:s25+$0xFFFFFF30];
	_ =	sdelay $0x4  }
0x31d: {  	v0 =	vadd.f32 v1, v0;
	_ =	sdelay $0x1  }
0x31e: {  	[tilespmem:s30+$0xFFFFFFB0] =	vst v0  }
0x31f: {  	v0 =	vld [tilespmem:s24+$0xFFFFFF80]  }
0x320: {  	v1 =	vld [tilespmem:s25+$0xFFFFFF80];
	_ =	sdelay $0x4  }
0x321: {  	v0 =	vadd.f32 v1, v0;
	_ =	sdelay $0x1  }
0x322: {  	[tilespmem:s30+$0xFFFFFFC0] =	vst v0  }
0x323: {  	v0 =	vld [tilespmem:s24+$0xFFFFFF90]  }
0x324: {  	v1 =	vld [tilespmem:s25+$0xFFFFFF90];
	_ =	sdelay $0x4  }
0x325: {  	v0 =	vadd.f32 v1, v0;
	_ =	sdelay $0x1  }
0x326: {  	[tilespmem:s30+$0xFFFFFFD0] =	vst v0  }
0x327: {  	v0 =	vld [tilespmem:s24+$0xFFFFFFA0]  }
0x328: {  	v1 =	vld [tilespmem:s25+$0xFFFFFFA0];
	_ =	sdelay $0x4  }
0x329: {  	v0 =	vadd.f32 v1, v0;
	_ =	sdelay $0x1  }
0x32a: {  	[tilespmem:s30+$0xFFFFFFE0] =	vst v0  }
0x32b: {  	v0 =	vld [tilespmem:s24+$0xFFFFFFB0]  }
0x32c: {  	v1 =	vld [tilespmem:s25+$0xFFFFFFB0];
	_ =	sdelay $0x4  }
0x32d: {  	v0 =	vadd.f32 v1, v0;
	_ =	sdelay $0x1  }
0x32e: {  	[tilespmem:s30+$0xFFFFFFF0] =	vst v0  }
0x32f: {  	v0 =	vld [tilespmem:s24+$0x0]  }
0x330: {  	v1 =	vld [tilespmem:s25+$0x0];
	_ =	sdelay $0x4  }
0x331: {  	v0 =	vadd.f32 v1, v0;
	_ =	sdelay $0x1  }
0x332: {  	[tilespmem:s30+$0x0] =	vst v0  }
0x333: {  	v0 =	vld [tilespmem:s24+$0x10]  }
0x334: {  	v1 =	vld [tilespmem:s25+$0x10];
	_ =	sdelay $0x4  }
0x335: {  	v0 =	vadd.f32 v1, v0;
	_ =	sdelay $0x1  }
0x336: {  	[tilespmem:s30+$0x10] =	vst v0  }
0x337: {  	v0 =	vld [tilespmem:s24+$0x20]  }
0x338: {  	v1 =	vld [tilespmem:s25+$0x20];
	_ =	sdelay $0x4  }
0x339: {  	v0 =	vadd.f32 v1, v0;
	_ =	sdelay $0x1  }
0x33a: {  	[tilespmem:s30+$0x20] =	vst v0  }
0x33b: {  	v0 =	vld [tilespmem:s24+$0x30]  }
0x33c: {  	v1 =	vld [tilespmem:s25+$0x30];
	_ =	sdelay $0x4  }
0x33d: {  	v0 =	vadd.f32 v1, v0;
	_ =	sdelay $0x1  }
0x33e: {  	[tilespmem:s30+$0x30] =	vst v0  }
0x33f: {  	v0 =	vld [tilespmem:s24+$0x80]  }
0x340: {  	v1 =	vld [tilespmem:s25+$0x80];
	_ =	sdelay $0x4  }
0x341: {  	v0 =	vadd.f32 v1, v0;
	_ =	sdelay $0x1  }
0x342: {  	[tilespmem:s30+$0x40] =	vst v0  }
0x343: {  	v0 =	vld [tilespmem:s24+$0x90]  }
0x344: {  	v1 =	vld [tilespmem:s25+$0x90];
	_ =	sdelay $0x4  }
0x345: {  	v0 =	vadd.f32 v1, v0;
	_ =	sdelay $0x1  }
0x346: {  	[tilespmem:s30+$0x50] =	vst v0  }
0x347: {  	v0 =	vld [tilespmem:s24+$0xA0]  }
0x348: {  	v1 =	vld [tilespmem:s25+$0xA0];
	_ =	sdelay $0x4  }
0x349: {  	v0 =	vadd.f32 v1, v0;
	_ =	sdelay $0x1  }
0x34a: {  	[tilespmem:s30+$0x60] =	vst v0  }
0x34b: {  	v0 =	vld [tilespmem:s24+$0xB0]  }
0x34c: {  	v1 =	vld [tilespmem:s25+$0xB0];
	_ =	sdelay $0x4  }
0x34d: {  	v0 =	vadd.f32 v1, v0;
	_ =	sdelay $0x1  }
0x34e: {  	[tilespmem:s30+$0x70] =	vst v0  }
0x34f: {  	v0 =	vld [tilespmem:s24+$0x100]  }
0x350: {  	v1 =	vld [tilespmem:s25+$0x100];
	_ =	sdelay $0x4  }
0x351: {  	v0 =	vadd.f32 v1, v0;
	_ =	sdelay $0x1  }
0x352: {  	[tilespmem:s30+$0x80] =	vst v0  }
0x353: {  	v0 =	vld [tilespmem:s24+$0x110]  }
0x354: {  	v1 =	vld [tilespmem:s25+$0x110];
	_ =	sdelay $0x4  }
0x355: {  	v0 =	vadd.f32 v1, v0;
	_ =	sdelay $0x1  }
0x356: {  	[tilespmem:s30+$0x90] =	vst v0  }
0x357: {  	v0 =	vld [tilespmem:s24+$0x120]  }
0x358: {  	v1 =	vld [tilespmem:s25+$0x120];
	_ =	sdelay $0x4  }
0x359: {  	v0 =	vadd.f32 v1, v0;
	_ =	sdelay $0x1  }
0x35a: {  	[tilespmem:s30+$0xA0] =	vst v0  }
0x35b: {  	v0 =	vld [tilespmem:s24+$0x130]  }
0x35c: {  	v1 =	vld [tilespmem:s25+$0x130];
	_ =	sdelay $0x4  }
0x35d: {  	v0 =	vadd.f32 v1, v0;
	_ =	sdelay $0x1  }
.Ltmp2:
0x35e: {  	[tilespmem:s30+$0xB0] =	vst v0;
	(pc) =	sbr.rel @p0 .LBB2_7-.Ltmp2, $3  }
0x35f: {  	v0 =	vld [tilespmem:s24+$0x180]  }
0x360: {  	v1 =	vld [tilespmem:s25+$0x180];
	_ =	sdelay $0x1  }
0x361: {  	s30 =	sadd.s32 $0x200, s30  }
0x362: {  	_ =	sdelay $0x1  }
0x363: {  	v0 =	vadd.f32 v1, v0;
	_ =	sdelay $0x1  }
0x364: {  	[tilespmem:s23+$0xC0] =	vst v0  }
0x365: {  	v0 =	vld [tilespmem:s26+$0x190]  }
0x366: {  	v1 =	vld [tilespmem:s28+$0x190];
	_ =	sdelay $0x4  }
0x367: {  	v0 =	vadd.f32 v1, v0;
	_ =	sdelay $0x1  }
0x368: {  	[tilespmem:s23+$0xD0] =	vst v0  }
0x369: {  	v0 =	vld [tilespmem:s26+$0x1A0]  }
0x36a: {  	v1 =	vld [tilespmem:s28+$0x1A0];
	_ =	sdelay $0x4  }
0x36b: {  	v0 =	vadd.f32 v1, v0;
	_ =	sdelay $0x1  }
0x36c: {  	[tilespmem:s23+$0xE0] =	vst v0  }
0x36d: {  	v0 =	vld [tilespmem:s26+$0x1B0]  }
0x36e: {  	v1 =	vld [tilespmem:s28+$0x1B0];
	_ =	sdelay $0x4  }
0x36f: {  	v0 =	vadd.f32 v1, v0;
	_ =	sdelay $0x1  }
0x370: {  	s26 =	sadd.s32 s22, s9;
	[tilespmem:s23+$0xF0] =	vst v0  }
0x371: {  	[hbm4b:s26+s1] =	stream.linear.scatter [tilespmem:s15], [sflag:$0x3], $0x4000, $0x38;
	[tilespmem:$0x10800] =	vst v63  }
0x372: {  	_ =	swait.ge [sflag:s12], $0x4000  }
0x373: {  	[sflag:s12] =	ssyncset.done $0x0  }
0x374: {  	[sflag:s12] =	ssyncadd.s32 $0xFFFFC000  }
0x375: {  	[tilespmem:s15], [sflag:$0x1] =	stream.indirect.gather [hbm4b:s3+s14], $0x80, s31, s14, $0xb8;
	[tilespmem:$0x10800] =	vst v63  }
0x376: {  	_ = 	snop  }
0x377: {  	[tilespmem:s16], [sflag:$0x2] =	stream.indirect.gather [hbm4b:s3+s14], $0x80, s0, s14, $0xb8;
	[tilespmem:$0x10800] =	vst v63  }
0x378: {  	_ = 	snop  }
0x379: {  	[tilespmem:s17], [sflag:$0x1] =	stream.indirect.gather [hbm4b:s3+s14], $0x80, s2, s14, $0xb8;
	[tilespmem:$0x10800] =	vst v63  }
0x37a: {  	_ = 	snop  }
0x37b: {  	[tilespmem:s19], [sflag:$0x2] =	stream.indirect.gather [hbm4b:s3+s14], $0x80, s11, s14, $0xb8;
	[tilespmem:$0x10800] =	vst v63  }
0x37c: {  	_ =	swait.ge [sflag:s20], $0x4000  }
0x37d: {  	[sflag:s20] =	ssyncset.done $0x0  }
0x37e: {  	[sflag:s20] =	ssyncadd.s32 $0xFFFFC000  }
0x37f: {  	_ =	swait.ge [sflag:s21], $0x4000  }
0x380: {  	[sflag:s21] =	ssyncset.done $0x0  }
0x381: {  	[sflag:s21] =	ssyncadd.s32 $0xFFFFC000  }
0x382: {  	_ =	swait.ge [sflag:s20], $0x4000  }
0x383: {  	[sflag:s20] =	ssyncset.done $0x0  }
0x384: {  	[sflag:s20] =	ssyncadd.s32 $0xFFFFC000  }
0x385: {  	_ =	swait.ge [sflag:s21], $0x4000  }
0x386: {  	[sflag:s21] =	ssyncset.done $0x0  }
0x387: {  	s24 =	simm.s32 $0xA00;
	[sflag:s21] =	ssyncadd.s32 $0xFFFFC000  }
0x388: {  	s25 =	simm.s32 $0x8A40;
	v0 =	vld [tilespmem:s24+$0xFFFFFE00]  }
0x389: {  	v1 =	vld [tilespmem:s25+$0xFFFFFE00];
	_ =	sdelay $0x4  }
0x38a: {  	v0 =	vadd.f32 v1, v0  }
0x38b: {  	s23 =	simm.s32 $0x900  }
0x38c: {  	[tilespmem:s23+$0xFFFFFF00] =	vst v0  }
0x38d: {  	v0 =	vld [tilespmem:s25+$0xFFFFFE10]  }
0x38e: {  	v1 =	vld [tilespmem:s24+$0xFFFFFE10];
	_ =	sdelay $0x4  }
0x38f: {  	v0 =	vadd.f32 v0, v1;
	_ =	sdelay $0x1  }
0x390: {  	[tilespmem:s23+$0xFFFFFF10] =	vst v0  }
0x391: {  	v0 =	vld [tilespmem:s24+$0xFFFFFE20]  }
0x392: {  	v1 =	vld [tilespmem:s25+$0xFFFFFE20];
	_ =	sdelay $0x4  }
0x393: {  	v0 =	vadd.f32 v1, v0;
	_ =	sdelay $0x1  }
0x394: {  	[tilespmem:s23+$0xFFFFFF20] =	vst v0  }
0x395: {  	v0 =	vld [tilespmem:s24+$0xFFFFFE30]  }
0x396: {  	v1 =	vld [tilespmem:s25+$0xFFFFFE30];
	_ =	sdelay $0x4  }
0x397: {  	v0 =	vadd.f32 v1, v0;
	_ =	sdelay $0x1  }
0x398: {  	[tilespmem:s23+$0xFFFFFF30] =	vst v0  }
0x399: {  	v0 =	vld [tilespmem:s24+$0xFFFFFE80]  }
0x39a: {  	v1 =	vld [tilespmem:s25+$0xFFFFFE80];
	_ =	sdelay $0x4  }
0x39b: {  	v0 =	vadd.f32 v1, v0;
	_ =	sdelay $0x1  }
0x39c: {  	[tilespmem:s23+$0xFFFFFF40] =	vst v0  }
0x39d: {  	v0 =	vld [tilespmem:s24+$0xFFFFFE90]  }
0x39e: {  	v1 =	vld [tilespmem:s25+$0xFFFFFE90];
	_ =	sdelay $0x4  }
0x39f: {  	v0 =	vadd.f32 v1, v0;
	_ =	sdelay $0x1  }
0x3a0: {  	[tilespmem:s23+$0xFFFFFF50] =	vst v0  }
0x3a1: {  	v0 =	vld [tilespmem:s24+$0xFFFFFEA0]  }
0x3a2: {  	v1 =	vld [tilespmem:s25+$0xFFFFFEA0];
	_ =	sdelay $0x4  }
0x3a3: {  	v0 =	vadd.f32 v1, v0;
	_ =	sdelay $0x1  }
0x3a4: {  	[tilespmem:s23+$0xFFFFFF60] =	vst v0  }
0x3a5: {  	v0 =	vld [tilespmem:s24+$0xFFFFFEB0]  }
0x3a6: {  	v1 =	vld [tilespmem:s25+$0xFFFFFEB0];
	_ =	sdelay $0x4  }
0x3a7: {  	v0 =	vadd.f32 v1, v0;
	_ =	sdelay $0x1  }
0x3a8: {  	[tilespmem:s23+$0xFFFFFF70] =	vst v0  }
0x3a9: {  	v0 =	vld [tilespmem:s24+$0xFFFFFF00]  }
0x3aa: {  	v1 =	vld [tilespmem:s25+$0xFFFFFF00];
	_ =	sdelay $0x4  }
0x3ab: {  	v0 =	vadd.f32 v1, v0;
	_ =	sdelay $0x1  }
0x3ac: {  	[tilespmem:s23+$0xFFFFFF80] =	vst v0  }
0x3ad: {  	v0 =	vld [tilespmem:s24+$0xFFFFFF10]  }
0x3ae: {  	v1 =	vld [tilespmem:s25+$0xFFFFFF10];
	_ =	sdelay $0x4  }
0x3af: {  	v0 =	vadd.f32 v1, v0;
	_ =	sdelay $0x1  }
0x3b0: {  	[tilespmem:s23+$0xFFFFFF90] =	vst v0  }
0x3b1: {  	v0 =	vld [tilespmem:s24+$0xFFFFFF20]  }
0x3b2: {  	v1 =	vld [tilespmem:s25+$0xFFFFFF20];
	_ =	sdelay $0x4  }
0x3b3: {  	v0 =	vadd.f32 v1, v0;
	_ =	sdelay $0x1  }
0x3b4: {  	[tilespmem:s23+$0xFFFFFFA0] =	vst v0  }
0x3b5: {  	v0 =	vld [tilespmem:s24+$0xFFFFFF30]  }
0x3b6: {  	v1 =	vld [tilespmem:s25+$0xFFFFFF30];
	_ =	sdelay $0x4  }
0x3b7: {  	v0 =	vadd.f32 v1, v0;
	_ =	sdelay $0x1  }
0x3b8: {  	[tilespmem:s23+$0xFFFFFFB0] =	vst v0  }
0x3b9: {  	v0 =	vld [tilespmem:s24+$0xFFFFFF80]  }
0x3ba: {  	v1 =	vld [tilespmem:s25+$0xFFFFFF80];
	_ =	sdelay $0x4  }
0x3bb: {  	v0 =	vadd.f32 v1, v0;
	_ =	sdelay $0x1  }
0x3bc: {  	[tilespmem:s23+$0xFFFFFFC0] =	vst v0  }
0x3bd: {  	v0 =	vld [tilespmem:s24+$0xFFFFFF90]  }
0x3be: {  	v1 =	vld [tilespmem:s25+$0xFFFFFF90];
	_ =	sdelay $0x4  }
0x3bf: {  	v0 =	vadd.f32 v1, v0;
	_ =	sdelay $0x1  }
0x3c0: {  	[tilespmem:s23+$0xFFFFFFD0] =	vst v0  }
0x3c1: {  	v0 =	vld [tilespmem:s24+$0xFFFFFFA0]  }
0x3c2: {  	v1 =	vld [tilespmem:s25+$0xFFFFFFA0];
	_ =	sdelay $0x4  }
0x3c3: {  	v0 =	vadd.f32 v1, v0;
	_ =	sdelay $0x1  }
0x3c4: {  	[tilespmem:s23+$0xFFFFFFE0] =	vst v0  }
0x3c5: {  	v0 =	vld [tilespmem:s24+$0xFFFFFFB0]  }
0x3c6: {  	v1 =	vld [tilespmem:s25+$0xFFFFFFB0];
	_ =	sdelay $0x4  }
0x3c7: {  	v0 =	vadd.f32 v1, v0;
	_ =	sdelay $0x1  }
0x3c8: {  	[tilespmem:s23+$0xFFFFFFF0] =	vst v0  }
0x3c9: {  	v0 =	vld [tilespmem:s24+$0x0]  }
0x3ca: {  	v1 =	vld [tilespmem:s25+$0x0];
	_ =	sdelay $0x4  }
0x3cb: {  	v0 =	vadd.f32 v1, v0;
	_ =	sdelay $0x1  }
0x3cc: {  	[tilespmem:s23+$0x0] =	vst v0  }
0x3cd: {  	v0 =	vld [tilespmem:s24+$0x10]  }
0x3ce: {  	v1 =	vld [tilespmem:s25+$0x10];
	_ =	sdelay $0x4  }
0x3cf: {  	v0 =	vadd.f32 v1, v0;
	_ =	sdelay $0x1  }
0x3d0: {  	[tilespmem:s23+$0x10] =	vst v0  }
0x3d1: {  	v0 =	vld [tilespmem:s24+$0x20]  }
0x3d2: {  	v1 =	vld [tilespmem:s25+$0x20];
	_ =	sdelay $0x4  }
0x3d3: {  	v0 =	vadd.f32 v1, v0;
	_ =	sdelay $0x1  }
0x3d4: {  	[tilespmem:s23+$0x20] =	vst v0  }
0x3d5: {  	v0 =	vld [tilespmem:s24+$0x30]  }
0x3d6: {  	v1 =	vld [tilespmem:s25+$0x30];
	_ =	sdelay $0x4  }
0x3d7: {  	v0 =	vadd.f32 v1, v0;
	_ =	sdelay $0x1  }
0x3d8: {  	[tilespmem:s23+$0x30] =	vst v0  }
0x3d9: {  	v0 =	vld [tilespmem:s24+$0x80]  }
0x3da: {  	v1 =	vld [tilespmem:s25+$0x80];
	_ =	sdelay $0x4  }
0x3db: {  	v0 =	vadd.f32 v1, v0;
	_ =	sdelay $0x1  }
0x3dc: {  	[tilespmem:s23+$0x40] =	vst v0  }
0x3dd: {  	v0 =	vld [tilespmem:s24+$0x90]  }
0x3de: {  	v1 =	vld [tilespmem:s25+$0x90];
	_ =	sdelay $0x4  }
0x3df: {  	v0 =	vadd.f32 v1, v0;
	_ =	sdelay $0x1  }
0x3e0: {  	[tilespmem:s23+$0x50] =	vst v0  }
0x3e1: {  	v0 =	vld [tilespmem:s24+$0xA0]  }
0x3e2: {  	v1 =	vld [tilespmem:s25+$0xA0];
	_ =	sdelay $0x4  }
0x3e3: {  	v0 =	vadd.f32 v1, v0;
	_ =	sdelay $0x1  }
0x3e4: {  	[tilespmem:s23+$0x60] =	vst v0  }
0x3e5: {  	v0 =	vld [tilespmem:s24+$0xB0]  }
0x3e6: {  	v1 =	vld [tilespmem:s25+$0xB0];
	_ =	sdelay $0x4  }
0x3e7: {  	v0 =	vadd.f32 v1, v0;
	_ =	sdelay $0x1  }
0x3e8: {  	[tilespmem:s23+$0x70] =	vst v0  }
0x3e9: {  	v0 =	vld [tilespmem:s24+$0x100]  }
0x3ea: {  	v1 =	vld [tilespmem:s25+$0x100];
	_ =	sdelay $0x4  }
0x3eb: {  	v0 =	vadd.f32 v1, v0;
	_ =	sdelay $0x1  }
0x3ec: {  	[tilespmem:s23+$0x80] =	vst v0  }
0x3ed: {  	v0 =	vld [tilespmem:s24+$0x110]  }
0x3ee: {  	v1 =	vld [tilespmem:s25+$0x110];
	_ =	sdelay $0x4  }
0x3ef: {  	v0 =	vadd.f32 v1, v0;
	_ =	sdelay $0x1  }
0x3f0: {  	[tilespmem:s23+$0x90] =	vst v0  }
0x3f1: {  	v0 =	vld [tilespmem:s24+$0x120]  }
0x3f2: {  	v1 =	vld [tilespmem:s25+$0x120];
	_ =	sdelay $0x4  }
0x3f3: {  	v0 =	vadd.f32 v1, v0;
	_ =	sdelay $0x1  }
0x3f4: {  	[tilespmem:s23+$0xA0] =	vst v0  }
0x3f5: {  	v0 =	vld [tilespmem:s24+$0x130]  }
0x3f6: {  	v1 =	vld [tilespmem:s25+$0x130];
	_ =	sdelay $0x4  }
0x3f7: {  	v0 =	vadd.f32 v1, v0;
	_ =	sdelay $0x1  }
0x3f8: {  	[tilespmem:s23+$0xB0] =	vst v0  }
0x3f9: {  	v0 =	vld [tilespmem:s24+$0x180]  }
0x3fa: {  	v1 =	vld [tilespmem:s25+$0x180]  }
0x3fb: {  	s29 =	simm.s32 $0x0  }
0x3fc: {  	s30 =	simm.s32 $0xB00;
	s28 =	simm.s32 $0x8A40;
	s26 =	simm.s32 $0xA00  }
.LBB2_9:
0x3fd: {  	s29 =	sadd.s32 $0x4, s29;
	s25 =	sadd.s32 $0x400, s25;
	s24 =	sadd.s32 $0x400, s24  }
0x3fe: {  	p0 =	slt.u32 s29, $0x7C  }
0x3ff: {  	v0 =	vadd.f32 v1, v0;
	_ =	sdelay $0x1  }
0x400: {  	[tilespmem:s23+$0xC0] =	vst v0  }
0x401: {  	v0 =	vld [tilespmem:s26+$0x190]  }
0x402: {  	v1 =	vld [tilespmem:s28+$0x190];
	_ =	sdelay $0x4  }
0x403: {  	v0 =	vadd.f32 v1, v0;
	_ =	sdelay $0x1  }
0x404: {  	[tilespmem:s23+$0xD0] =	vst v0  }
0x405: {  	v0 =	vld [tilespmem:s26+$0x1A0]  }
0x406: {  	v1 =	vld [tilespmem:s28+$0x1A0];
	_ =	sdelay $0x4  }
0x407: {  	v0 =	vadd.f32 v1, v0;
	_ =	sdelay $0x1  }
0x408: {  	[tilespmem:s23+$0xE0] =	vst v0  }
0x409: {  	v0 =	vld [tilespmem:s26+$0x1B0];
	s26 =	smov.u32 s24  }
0x40a: {  	v1 =	vld [tilespmem:s28+$0x1B0];
	s28 =	smov.u32 s25;
	_ =	sdelay $0x4  }
0x40b: {  	v0 =	vadd.f32 v1, v0;
	_ =	sdelay $0x1  }
0x40c: {  	[tilespmem:s23+$0xF0] =	vst v0;
	s23 =	smov.u32 s30  }
0x40d: {  	v0 =	vld [tilespmem:s24+$0xFFFFFE00]  }
0x40e: {  	v1 =	vld [tilespmem:s25+$0xFFFFFE00];
	_ =	sdelay $0x4  }
0x40f: {  	v0 =	vadd.f32 v1, v0;
	_ =	sdelay $0x1  }
0x410: {  	[tilespmem:s30+$0xFFFFFF00] =	vst v0  }
0x411: {  	v0 =	vld [tilespmem:s25+$0xFFFFFE10]  }
0x412: {  	v1 =	vld [tilespmem:s24+$0xFFFFFE10];
	_ =	sdelay $0x4  }
0x413: {  	v0 =	vadd.f32 v0, v1;
	_ =	sdelay $0x1  }
0x414: {  	[tilespmem:s30+$0xFFFFFF10] =	vst v0  }
0x415: {  	v0 =	vld [tilespmem:s24+$0xFFFFFE20]  }
0x416: {  	v1 =	vld [tilespmem:s25+$0xFFFFFE20];
	_ =	sdelay $0x4  }
0x417: {  	v0 =	vadd.f32 v1, v0;
	_ =	sdelay $0x1  }
0x418: {  	[tilespmem:s30+$0xFFFFFF20] =	vst v0  }
0x419: {  	v0 =	vld [tilespmem:s24+$0xFFFFFE30]  }
0x41a: {  	v1 =	vld [tilespmem:s25+$0xFFFFFE30];
	_ =	sdelay $0x4  }
0x41b: {  	v0 =	vadd.f32 v1, v0;
	_ =	sdelay $0x1  }
0x41c: {  	[tilespmem:s30+$0xFFFFFF30] =	vst v0  }
0x41d: {  	v0 =	vld [tilespmem:s24+$0xFFFFFE80]  }
0x41e: {  	v1 =	vld [tilespmem:s25+$0xFFFFFE80];
	_ =	sdelay $0x4  }
0x41f: {  	v0 =	vadd.f32 v1, v0;
	_ =	sdelay $0x1  }
0x420: {  	[tilespmem:s30+$0xFFFFFF40] =	vst v0  }
0x421: {  	v0 =	vld [tilespmem:s24+$0xFFFFFE90]  }
0x422: {  	v1 =	vld [tilespmem:s25+$0xFFFFFE90];
	_ =	sdelay $0x4  }
0x423: {  	v0 =	vadd.f32 v1, v0;
	_ =	sdelay $0x1  }
0x424: {  	[tilespmem:s30+$0xFFFFFF50] =	vst v0  }
0x425: {  	v0 =	vld [tilespmem:s24+$0xFFFFFEA0]  }
0x426: {  	v1 =	vld [tilespmem:s25+$0xFFFFFEA0];
	_ =	sdelay $0x4  }
0x427: {  	v0 =	vadd.f32 v1, v0;
	_ =	sdelay $0x1  }
0x428: {  	[tilespmem:s30+$0xFFFFFF60] =	vst v0  }
0x429: {  	v0 =	vld [tilespmem:s24+$0xFFFFFEB0]  }
0x42a: {  	v1 =	vld [tilespmem:s25+$0xFFFFFEB0];
	_ =	sdelay $0x4  }
0x42b: {  	v0 =	vadd.f32 v1, v0;
	_ =	sdelay $0x1  }
0x42c: {  	[tilespmem:s30+$0xFFFFFF70] =	vst v0  }
0x42d: {  	v0 =	vld [tilespmem:s24+$0xFFFFFF00]  }
0x42e: {  	v1 =	vld [tilespmem:s25+$0xFFFFFF00];
	_ =	sdelay $0x4  }
0x42f: {  	v0 =	vadd.f32 v1, v0;
	_ =	sdelay $0x1  }
0x430: {  	[tilespmem:s30+$0xFFFFFF80] =	vst v0  }
0x431: {  	v0 =	vld [tilespmem:s24+$0xFFFFFF10]  }
0x432: {  	v1 =	vld [tilespmem:s25+$0xFFFFFF10];
	_ =	sdelay $0x4  }
0x433: {  	v0 =	vadd.f32 v1, v0;
	_ =	sdelay $0x1  }
0x434: {  	[tilespmem:s30+$0xFFFFFF90] =	vst v0  }
0x435: {  	v0 =	vld [tilespmem:s24+$0xFFFFFF20]  }
0x436: {  	v1 =	vld [tilespmem:s25+$0xFFFFFF20];
	_ =	sdelay $0x4  }
0x437: {  	v0 =	vadd.f32 v1, v0;
	_ =	sdelay $0x1  }
0x438: {  	[tilespmem:s30+$0xFFFFFFA0] =	vst v0  }
0x439: {  	v0 =	vld [tilespmem:s24+$0xFFFFFF30]  }
0x43a: {  	v1 =	vld [tilespmem:s25+$0xFFFFFF30];
	_ =	sdelay $0x4  }
0x43b: {  	v0 =	vadd.f32 v1, v0;
	_ =	sdelay $0x1  }
0x43c: {  	[tilespmem:s30+$0xFFFFFFB0] =	vst v0  }
0x43d: {  	v0 =	vld [tilespmem:s24+$0xFFFFFF80]  }
0x43e: {  	v1 =	vld [tilespmem:s25+$0xFFFFFF80];
	_ =	sdelay $0x4  }
0x43f: {  	v0 =	vadd.f32 v1, v0;
	_ =	sdelay $0x1  }
0x440: {  	[tilespmem:s30+$0xFFFFFFC0] =	vst v0  }
0x441: {  	v0 =	vld [tilespmem:s24+$0xFFFFFF90]  }
0x442: {  	v1 =	vld [tilespmem:s25+$0xFFFFFF90];
	_ =	sdelay $0x4  }
0x443: {  	v0 =	vadd.f32 v1, v0;
	_ =	sdelay $0x1  }
0x444: {  	[tilespmem:s30+$0xFFFFFFD0] =	vst v0  }
0x445: {  	v0 =	vld [tilespmem:s24+$0xFFFFFFA0]  }
0x446: {  	v1 =	vld [tilespmem:s25+$0xFFFFFFA0];
	_ =	sdelay $0x4  }
0x447: {  	v0 =	vadd.f32 v1, v0;
	_ =	sdelay $0x1  }
0x448: {  	[tilespmem:s30+$0xFFFFFFE0] =	vst v0  }
0x449: {  	v0 =	vld [tilespmem:s24+$0xFFFFFFB0]  }
0x44a: {  	v1 =	vld [tilespmem:s25+$0xFFFFFFB0];
	_ =	sdelay $0x4  }
0x44b: {  	v0 =	vadd.f32 v1, v0;
	_ =	sdelay $0x1  }
0x44c: {  	[tilespmem:s30+$0xFFFFFFF0] =	vst v0  }
0x44d: {  	v0 =	vld [tilespmem:s24+$0x0]  }
0x44e: {  	v1 =	vld [tilespmem:s25+$0x0];
	_ =	sdelay $0x4  }
0x44f: {  	v0 =	vadd.f32 v1, v0;
	_ =	sdelay $0x1  }
0x450: {  	[tilespmem:s30+$0x0] =	vst v0  }
0x451: {  	v0 =	vld [tilespmem:s24+$0x10]  }
0x452: {  	v1 =	vld [tilespmem:s25+$0x10];
	_ =	sdelay $0x4  }
0x453: {  	v0 =	vadd.f32 v1, v0;
	_ =	sdelay $0x1  }
0x454: {  	[tilespmem:s30+$0x10] =	vst v0  }
0x455: {  	v0 =	vld [tilespmem:s24+$0x20]  }
0x456: {  	v1 =	vld [tilespmem:s25+$0x20];
	_ =	sdelay $0x4  }
0x457: {  	v0 =	vadd.f32 v1, v0;
	_ =	sdelay $0x1  }
0x458: {  	[tilespmem:s30+$0x20] =	vst v0  }
0x459: {  	v0 =	vld [tilespmem:s24+$0x30]  }
0x45a: {  	v1 =	vld [tilespmem:s25+$0x30];
	_ =	sdelay $0x4  }
0x45b: {  	v0 =	vadd.f32 v1, v0;
	_ =	sdelay $0x1  }
0x45c: {  	[tilespmem:s30+$0x30] =	vst v0  }
0x45d: {  	v0 =	vld [tilespmem:s24+$0x80]  }
0x45e: {  	v1 =	vld [tilespmem:s25+$0x80];
	_ =	sdelay $0x4  }
0x45f: {  	v0 =	vadd.f32 v1, v0;
	_ =	sdelay $0x1  }
0x460: {  	[tilespmem:s30+$0x40] =	vst v0  }
0x461: {  	v0 =	vld [tilespmem:s24+$0x90]  }
0x462: {  	v1 =	vld [tilespmem:s25+$0x90];
	_ =	sdelay $0x4  }
0x463: {  	v0 =	vadd.f32 v1, v0;
	_ =	sdelay $0x1  }
0x464: {  	[tilespmem:s30+$0x50] =	vst v0  }
0x465: {  	v0 =	vld [tilespmem:s24+$0xA0]  }
0x466: {  	v1 =	vld [tilespmem:s25+$0xA0];
	_ =	sdelay $0x4  }
0x467: {  	v0 =	vadd.f32 v1, v0;
	_ =	sdelay $0x1  }
0x468: {  	[tilespmem:s30+$0x60] =	vst v0  }
0x469: {  	v0 =	vld [tilespmem:s24+$0xB0]  }
0x46a: {  	v1 =	vld [tilespmem:s25+$0xB0];
	_ =	sdelay $0x4  }
0x46b: {  	v0 =	vadd.f32 v1, v0;
	_ =	sdelay $0x1  }
0x46c: {  	[tilespmem:s30+$0x70] =	vst v0  }
0x46d: {  	v0 =	vld [tilespmem:s24+$0x100]  }
0x46e: {  	v1 =	vld [tilespmem:s25+$0x100];
	_ =	sdelay $0x4  }
0x46f: {  	v0 =	vadd.f32 v1, v0;
	_ =	sdelay $0x1  }
0x470: {  	[tilespmem:s30+$0x80] =	vst v0  }
0x471: {  	v0 =	vld [tilespmem:s24+$0x110]  }
0x472: {  	v1 =	vld [tilespmem:s25+$0x110];
	_ =	sdelay $0x4  }
0x473: {  	v0 =	vadd.f32 v1, v0;
	_ =	sdelay $0x1  }
0x474: {  	[tilespmem:s30+$0x90] =	vst v0  }
0x475: {  	v0 =	vld [tilespmem:s24+$0x120]  }
0x476: {  	v1 =	vld [tilespmem:s25+$0x120];
	_ =	sdelay $0x4  }
0x477: {  	v0 =	vadd.f32 v1, v0;
	_ =	sdelay $0x1  }
0x478: {  	[tilespmem:s30+$0xA0] =	vst v0  }
0x479: {  	v0 =	vld [tilespmem:s24+$0x130]  }
0x47a: {  	v1 =	vld [tilespmem:s25+$0x130];
	_ =	sdelay $0x4  }
0x47b: {  	v0 =	vadd.f32 v1, v0;
	_ =	sdelay $0x1  }
.Ltmp3:
0x47c: {  	[tilespmem:s30+$0xB0] =	vst v0;
	(pc) =	sbr.rel @p0 .LBB2_9-.Ltmp3, $3  }
0x47d: {  	v0 =	vld [tilespmem:s24+$0x180]  }
0x47e: {  	v1 =	vld [tilespmem:s25+$0x180];
	_ =	sdelay $0x1  }
0x47f: {  	s30 =	sadd.s32 $0x200, s30  }
0x480: {  	_ =	sdelay $0x1  }
0x481: {  	v0 =	vadd.f32 v1, v0;
	_ =	sdelay $0x1  }
0x482: {  	[tilespmem:s23+$0xC0] =	vst v0  }
0x483: {  	v0 =	vld [tilespmem:s26+$0x190]  }
0x484: {  	v61 =	vld [tilespmem:s28+$0x190];
	_ =	sdelay $0x4  }
0x485: {  	v0 =	vadd.f32 v61, v0;
	_ =	sdelay $0x1  }
0x486: {  	[tilespmem:s23+$0xD0] =	vst v0  }
0x487: {  	v0 =	vld [tilespmem:s26+$0x1A0]  }
0x488: {  	v62 =	vld [tilespmem:s28+$0x1A0];
	_ =	sdelay $0x4  }
0x489: {  	v0 =	vadd.f32 v62, v0;
	_ =	sdelay $0x1  }
0x48a: {  	[tilespmem:s23+$0xE0] =	vst v0  }
0x48b: {  	v0 =	vld [tilespmem:s26+$0x1B0]  }
0x48c: {  	v63 =	vld [tilespmem:s28+$0x1B0];
	_ =	sdelay $0x4  }
0x48d: {  	s18 =	sadd.s32 $0x1, s18;
	v0 =	vadd.f32 v63, v0  }
0x48e: {  	p0 =	sne.s32 s18, $0x19  }
.Ltmp4:
0x48f: {  	s22 =	sadd.s32 s22, s10;
	[tilespmem:s23+$0xF0] =	vst v0;
	(pc) =	sbr.rel @p0 .LBB2_2-.Ltmp4, $4  }
0x490: {  	[hbm4b:s22+s1] =	stream.linear.scatter [tilespmem:s15], [sflag:$0x3], $0x4000, $0x38;
	[tilespmem:$0x10800] =	vst v63  }
0x491: {  	_ =	swait.ge [sflag:s12], $0x4000  }
0x492: {  	[sflag:s12] =	ssyncset.done $0x0  }
0x493: {  	[sflag:s12] =	ssyncadd.s32 $0xFFFFC000  }
0x494: {  	s22 =	rddreg [dreg:$0x3]  }
0x495: {  	s18 =	rddreg [dreg:$0x2];
	s22 =	sadd.s32 $0x1, s22  }
0x496: {  	p0 =	sne.s32 s22, s18  }
.Ltmp5:
0x497: {  	_ = 	snop;
	(pc) =	sbr.rel @p0 .LBB2_1-.Ltmp5, $1  }
0x498: {  	_ =	sdelay $0x3  }
0x499: {  	_ =	sfence.sel $0x180000  }
0x49a: {  	[bflag:$0x0] =	sbarrier.arrive $0xFFFF  }
0x49b: {  	_ =	strace $0x90000047  }
0x49c: {  	s0 =	stileid.u32;
	[bflag:$0x2] =	sbarrier.arrive $0xFFFF  }
0x49d: {  	p0 =	sne.s32 s0, $0x0;
	s0 =	rddreg [dreg:$0x1]  }
0x49e: {  	s0 =	sadd.s32 @!p0 $0x100000, s0  }
0x49f: {  	[sflag:s0] =	ssyncadd.tile.s32 @!p0 $0x1;
	_ =	shalt  }
.Lfunc_end2:
_tile_overlayer_lowered:
.L_overlay_start_2:
0x4a0: {  	(tag) =	ssettag $0x2  }
0x4a1: {  	s0 =	rddreg [dreg:$0x0];
	s2 =	stileid.u32  }
0x4a2: {  	s1 =	rddreg [dreg:$0x1];
	p0 =	sne.s32 s2, $0x0  }
0x4a3: {  	s3 =	rddreg [dreg:$0x2];
	[bflag:$0x3] =	sbarrier.arrive $0xFFFF;
	s2 =	simm.s32 @!p0 $0x1C03  }
0x4a4: {  	[timem:s3], [sflag:s2] =	dma.local @!p0 [hbm:s0], s1  }
0x4a5: {  	s0 =	simm.s32 @!p0 $0x3  }
0x4a6: {  	_ =	swait.ge @!p0 [sflag:s0], s1  }
0x4a7: {  	s1 =	ssub.s32 @!p0 $0x0, s1;
	[sflag:s0] =	ssyncset.done @!p0 $0x0  }
0x4a8: {  	[sflag:s0] =	ssyncadd.s32 @!p0 s1  }
0x4a9: {  	[bflag:$0x3] =	sbarrier.arrive $0xFFFF  }
0x4aa: {  	_ =	shalt  }

// kernel: scatter_offload_async_start.2
scs
__scs_entry_jumppad:
0x0: {  	(pc) =	sbr.rel $0x88, $3  }
0x1: {  	(tag) =	ssettag $0x0;
	lr =	simm.s32 $0x1  }
0x2: {  	[smem:$0x3F67] =	sst lr;
	_ =	strace $0xD0000000  }
0x3: {  	_ = 	snop  }
0x4: {  	_ = 	snop  }
0x5: {  	_ = 	snop  }
0x6: {  	_ = 	snop  }
0x7: {  	_ = 	snop  }
__scs_overlays_trampoline_lowered:
0x8: {  	[smem:$0x3F76] =	sst s0  }
0x9: {  	[smem:$0x3F77] =	sst s1  }
0xa: {  	[smem:$0x3F78] =	sst s2  }
0xb: {  	[smem:$0x3F79] =	sst s3  }
0xc: {  	[smem:$0x3F7A] =	sst s4  }
0xd: {  	[smem:$0x3F7B] =	sst s5  }
0xe: {  	[smem:$0x3F7C] =	sst s6  }
0xf: {  	[smem:$0x3F7D] =	sst s7  }
0x10: {  	[smem:$0x3F7E] =	sst s8  }
0x11: {  	[smem:$0x3F7F] =	sst s9;
	s0 =	simm.s32 @!p0 $0x0  }
0x12: {  	s1 =	sld [smem:$0x3F65];
	s0 =	simm.s32 @p0 $0x1  }
0x13: {  	[smem:$0x3F80] =	sst s0;
	s0 =	simm.s32 @!p1 $0x0  }
0x14: {  	s2 =	sld [smem:$0x3F64];
	s0 =	simm.s32 @p1 $0x1  }
0x15: {  	[smem:$0x3F81] =	sst s0;
	s0 =	simm.s32 @!p2 $0x0  }
0x16: {  	s3 =	sld [smem:$0x3FDB];
	s0 =	simm.s32 @p2 $0x1  }
0x17: {  	s4 =	simm.s32 $0x1BF5;
	[smem:$0x3F83] =	sst s0  }
0x18: {  	s0 =	sld [smem:$0x3F66];
	_ =	swait.ge [sflag:s4], $0x0  }
0x19: {  	s7 =	sld [smem:$0x3F67]  }
0x1a: {  	s8 =	sadd.s32 $0xFFFFE003, lr  }
0x1b: {  	s9 =	sadd.s32 $0xFFFFFEF7, lr;
	s5 =	simm.s32 $0xFFFFFFFF;
	p2 =	slt.u32 s8, $0xFFFFF086  }
0x1c: {  	p1 =	slt.u32 s9, $0xF7A;
	s5 =	simm.s32 @!p2 $0x0  }
0x1d: {  	s5 =	simm.s32 @p1 $0x1;
	p0 =	seq.s32 s7, s2  }
0x1e: {  	s7 =	smul.u32 @!p0 $0xF7A, s2;
	p2 =	seq.s32 @!p0 s5, $0x0  }
0x1f: {  	s9 =	smul.u32 $0xF7A, s1;
	s8 =	simm.s32 @!p0 $0x1BF5;
	p2 =	por !p2, p0  }
0x20: {  	[sflag:s8] =	ssyncset.s32 @!p0 $0xFFFFF086;
	s6 =	sadd.s32 @!p0 s3, s7;
	s7 =	simm.s32 @!p0 $0x108  }
0x21: {  	s3 =	sadd.s32 s3, s9;
	s6 =	sadd.s32 @!p0 $0x88, s6;
	s7 =	simm.s32 @p2 $0x1082  }
0x22: {  	[simem:s7], [sflag:s8] =	dma.local @!p0 [hbm:s6], $0xF7A  }
0x23: {  	s9 =	sor.u32 $0xD0000000, s2;
	s6 =	simm.s32 $0x108;
	_ =	swait.ge @!p0 [sflag:s8], $0x0  }
0x24: {  	s3 =	sadd.s32 $0x88, s3;
	s6 =	simm.s32 @!p1 $0x1082;
	[sflag:s4] =	ssyncset.s32 $0xFFFFF086  }
0x25: {  	[simem:s6], [sflag:s4] =	dma.local [hbm:s3], $0xF7A  }
0x26: {  	[smem:$0x3F67] =	sst s1;
	(tag) =	ssettag s2;
	_ =	strace s9  }
0x27: {  	s1 =	sld [smem:$0x3F77]  }
0x28: {  	s2 =	sld [smem:$0x3F78]  }
0x29: {  	s4 =	sld [smem:$0x3F7A]  }
0x2a: {  	p0 =	seq.s32 s5, $0x0;
	s5 =	sld [smem:$0x3F7B]  }
0x2b: {  	s6 =	sld [smem:$0x3F7C]  }
0x2c: {  	s7 =	sld [smem:$0x3F7D]  }
0x2d: {  	s3 =	simm.s32 $0x108;
	s8 =	sld [smem:$0x3F7E]  }
0x2e: {  	s3 =	simm.s32 @!p0 $0x1082;
	s9 =	sld [smem:$0x3F7F]  }
0x2f: {  	lr =	sadd.s32 s0, s3;
	s0 =	sld [smem:$0x3F76]  }
0x30: {  	s3 =	sld [smem:$0x3F79]  }
0x31: {  	[smem:$0x3F82] =	sst s10  }
0x32: {  	s10 =	sld [smem:$0x3F80];
	_ =	sdelay $0x3  }
0x33: {  	p0 =	seq.s32 s10, $0x1;
	s10 =	sld [smem:$0x3F82];
	_ =	sdelay $0x3  }
0x34: {  	[smem:$0x3F82] =	sst s10  }
0x35: {  	s10 =	sld [smem:$0x3F81];
	_ =	sdelay $0x3  }
0x36: {  	p1 =	seq.s32 s10, $0x1;
	s10 =	sld [smem:$0x3F82];
	_ =	sdelay $0x3  }
0x37: {  	[smem:$0x3F82] =	sst s10  }
0x38: {  	s10 =	sld [smem:$0x3F83]  }
0x39: {  	_ = 	snop;
	(pc) =	sbr.ind lr, $3  }
0x3a: {  	_ = 	snop  }
0x3b: {  	_ = 	snop  }
0x3c: {  	p2 =	seq.s32 s10, $0x1;
	s10 =	sld [smem:$0x3F82]  }
0x3d: {  	_ =	shalt  }
0x3e: {  	_ =	shalt  }
0x3f: {  	_ =	shalt  }
0x40: {  	_ =	shalt  }
0x41: {  	_ =	shalt  }
0x42: {  	_ =	shalt  }
0x43: {  	_ =	shalt  }
0x44: {  	_ =	shalt  }
0x45: {  	_ =	shalt  }
0x46: {  	_ =	shalt  }
0x47: {  	_ =	shalt  }
0x48: {  	_ =	shalt  }
0x49: {  	_ =	shalt  }
0x4a: {  	_ =	shalt  }
0x4b: {  	_ =	shalt  }
0x4c: {  	_ =	shalt  }
0x4d: {  	_ =	shalt  }
0x4e: {  	_ =	shalt  }
0x4f: {  	_ =	shalt  }
0x50: {  	_ =	shalt  }
0x51: {  	_ =	shalt  }
0x52: {  	_ =	shalt  }
0x53: {  	_ =	shalt  }
0x54: {  	_ =	shalt  }
0x55: {  	_ =	shalt  }
0x56: {  	_ =	shalt  }
0x57: {  	_ =	shalt  }
0x58: {  	_ =	shalt  }
0x59: {  	_ =	shalt  }
0x5a: {  	_ =	shalt  }
0x5b: {  	_ =	shalt  }
0x5c: {  	_ =	shalt  }
0x5d: {  	_ =	shalt  }
0x5e: {  	_ =	shalt  }
0x5f: {  	_ =	shalt  }
0x60: {  	_ =	shalt  }
0x61: {  	_ =	shalt  }
0x62: {  	_ =	shalt  }
0x63: {  	_ =	shalt  }
0x64: {  	_ =	shalt  }
0x65: {  	_ =	shalt  }
0x66: {  	_ =	shalt  }
0x67: {  	_ =	shalt  }
0x68: {  	_ =	shalt  }
0x69: {  	_ =	shalt  }
0x6a: {  	_ =	shalt  }
0x6b: {  	_ =	shalt  }
0x6c: {  	_ =	shalt  }
0x6d: {  	_ =	shalt  }
0x6e: {  	_ =	shalt  }
0x6f: {  	_ =	shalt  }
0x70: {  	_ =	shalt  }
0x71: {  	_ =	shalt  }
0x72: {  	_ =	shalt  }
0x73: {  	_ =	shalt  }
0x74: {  	_ =	shalt  }
0x75: {  	_ =	shalt  }
0x76: {  	_ =	shalt  }
0x77: {  	_ =	shalt  }
0x78: {  	_ =	shalt  }
0x79: {  	_ =	shalt  }
0x7a: {  	_ =	shalt  }
0x7b: {  	_ =	shalt  }
0x7c: {  	_ =	shalt  }
0x7d: {  	_ =	shalt  }
0x7e: {  	_ =	shalt  }
0x7f: {  	_ =	shalt  }
0x80: {  	_ =	shalt  }
0x81: {  	_ =	shalt  }
0x82: {  	_ =	shalt  }
0x83: {  	_ =	shalt  }
0x84: {  	_ =	shalt  }
0x85: {  	_ =	shalt  }
0x86: {  	_ =	shalt  }
0x87: {  	_ =	shalt  }
.Lfunc_end0:
.L_simem_size_0:
called_computation_lowered:
.L_overlay_start_0:
0x88: {  	s2 =	sld [smem:$0x3FD9]  }
0x89: {  	s3 =	sld [smem:$0x3FFE];
	_ =	sdelay $0x1  }
0x8a: {  	s1 =	srdreg.scid  }
0x8b: {  	s0 =	sand.u32 $0x1, s1  }
0x8c: {  	s15 =	sshll.u32 s0, $0xA;
	s2 =	sadd.s32 s3, s2  }
0x8d: {  	s2 =	sadd.s32 s2, s15  }
0x8e: {  	[smem:$0x3F8E] =	sst s2  }
0x8f: {  	_ = 	snop  }
0x90: {  	(tm) =	ssettm $0x1  }
0x91: {  	s16 =	sld [smem:$0x3FFB];
	_ =	sdelay $0x3  }
0x92: {  	_ =	strace s16  }
0x93: {  	s2 =	sld [smem:$0x3FFC];
	_ =	sdelay $0x3  }
0x94: {  	_ =	strace s2  }
0x95: {  	s2 =	sld [smem:$0x3FFD];
	_ =	sdelay $0x3  }
0x96: {  	_ =	strace s2  }
0x97: {  	_ =	strace $0x8FFFFFFF  }
0x98: {  	s17 =	sld [smem:$0x3FDB];
	_ =	sdelay $0x1  }
0x99: {  	s18 =	simm.s32 $_scs_section_size  }
0x9a: {  	s4 =	simm.s32 $_size__tile_overlayer_lowered;
	s5 =	simm.s32 $_tile_overlayer_lowered  }
0x9b: {  	s21 =	simm.s32 $0x1BFF;
	s20 =	sshll.u32 s5, $0x1;
	s2 =	sadd.s32 s18, s17  }
0x9c: {  	s6 =	simm.s32 $0x0;
	s19 =	sshll.u32 s4, $0x1;
	s4 =	sadd.s32 s20, s2  }
0x9d: {  	[timem:s6], [sflag:s21] =	dma.local [hbm:s4], s19  }
0x9e: {  	_ =	swait.ge [sflag:s21], s19  }
0x9f: {  	s3 =	ssub.s32 $0x0, s19;
	[sflag:s21] =	ssyncset.done $0x0  }
0xa0: {  	[sflag:s21] =	ssyncadd.s32 s3;
	_ =	sdelay $0x1  }
0xa1: {  	s22 =	simm.s32 $0x1B8B  }
0xa2: {  	_ =	swait.ge [sflag:s22], $0x1  }
0xa3: {  	[sflag:s22] =	ssyncset.done $0x0  }
0xa4: {  	s23 =	sld [smem:$0x3FFE];
	[sflag:s22] =	ssyncadd.s32 $0xFFFFFFFF  }
0xa5: {  	s25 =	simm.s32 $0x1B8E;
	s24 =	sld [smem:$0x0]  }
0xa6: {  	s26 =	simm.s32 $execute0_lowered;
	[smem:$0x3FD2] =	sst s25  }
0xa7: {  	s5 =	sshll.u32 s26, $0x1;
	_ =	strace $0x80000049;
	[dreg:$0x1] =	wrdreg $0xFFFFFFFF  }
0xa8: {  	s28 =	simm.s32 $_size_execute0_lowered;
	s2 =	sadd.s32 s2, s5;
	[dreg:$0x0] =	wrdreg $0x0  }
0xa9: {  	s5 =	sshll.u32 s28, $0x1;
	[dreg:$0x2] =	wrdreg s2  }
0xaa: {  	[dreg:$0x3] =	wrdreg s5  }
0xab: {  	[dreg:$0x4] =	wrdreg $0xC0  }
0xac: {  	_ =	task [dreg:s6], $0x5FFFF  }
0xad: {  	[dreg:$0x1] =	wrdreg $0xFFFFFFFF  }
0xae: {  	[dreg:$0x0] =	wrdreg $0x60  }
0xaf: {  	[dreg:$0x2] =	wrdreg s23  }
0xb0: {  	[dreg:$0x3] =	wrdreg s1  }
0xb1: {  	[dreg:$0x4] =	wrdreg s24  }
0xb2: {  	[dreg:$0x5] =	wrdreg $0x9  }
0xb3: {  	_ =	task.clear_ibuf [dreg:s6], $0x6FFFF;
	_ =	strace $0x90000049  }
0xb4: {  	s29 =	simm.s32 $0x9;
	_ =	strace $0x8000004B  }
0xb5: {  	_ =	swait.ge [sflag:s29], $0x1  }
0xb6: {  	[sflag:s29] =	ssyncadd.s32 $0xFFFFFFFF  }
0xb7: {  	_ =	strace $0x9000004B  }
0xb8: {  	_ =	sfence  }
0xb9: {  	s30 =	sld [smem:$0x0];
	_ =	sdelay $0x2  }
0xba: {  	s31 =	sshll.u32 s1, $0xD;
	s1 =	sshrl.u32 s1, $0x2  }
0xbb: {  	s3 =	sand.u32 $0x4000, s31;
	s1 =	sadd.s32 s1, s30  }
0xbc: {  	s0 =	sor.u32 s3, s0;
	s1 =	sshll.u32 s1, $0x11  }
0xbd: {  	s0 =	sor.u32 s1, s0  }
0xbe: {  	s0 =	sadd.s32 $0x8F2B, s0  }
0xbf: {  	[sflag:s0] =	ssyncadd.remote.s32 $0x1  }
0xc0: {  	_ =	sfence.sel $0xFFFF  }
0xc1: {  	[dreg:$0x0] =	wrdreg $0xFFFFFFFF;
	(pc) =	sbr.abs _section_cstart, $3  }
0xc2: {  	[dreg:$0x1] =	wrdreg $0xFFFFFFFF  }
0xc3: {  	_ =	task.clear_ibuf [dreg:s6], $0x2FFFF;
	_ =	strace $0x9FFFFFFF  }
0xc4: {  	(tm) =	ssettm $0x7FFFFFFF  }
0xc5: {  	_ =	shalt  }
tec
execute0_lowered:
.L_overlay_start_1:
0x0: {  	(tag) =	ssettag $0x1  }
0x1: {  	s2 =	rddreg [dreg:$0x0]  }
0x2: {  	s4 =	rddreg [dreg:$0x1];
	_ =	strace $0x8000004A;
	s0 =	simm.s32 $0x1  }
0x3: {  	s3 =	simm.s32 $0x88;
	v0 =	vimm.s32 $0x0;
	[sflag:s0] =	ssyncpa.u1 $0x0  }
0x4: {  	[tilespmem:s3+$0x30] =	vst v0  }
0x5: {  	s1 =	sadd.s32 $0x8AA00, s2;
	s0 =	sadd.s32 $0x58A00, s2;
	s6 =	sadd.s32 $0x105B000, s2;
	[tilespmem:s3+$0x20] =	vst v0  }
0x6: {  	s2 =	sadd.s32 $0x71A00, s2;
	s5 =	sand.u32 $0x1, s4;
	s4 =	simm.s32 $0x40;
	[tilespmem:s3+$0x10] =	vst v0  }
.LBB2_1:
0x7: {  	s4 =	sadd.s32 $0x40, s4  }
0x8: {  	[tilespmem:s3+$0x0] =	vst v0;
	s3 =	sadd.s32 $0x40, s3;
	p0 =	slt.u32 s4, $0x5040  }
.Ltmp0:
0x9: {  	(pc) =	sbr.rel @p0 .LBB2_1-.Ltmp0, $4  }
0xa: {  	_ = 	snop  }
0xb: {  	[tilespmem:s3+$0x30] =	vst v0  }
0xc: {  	[tilespmem:s3+$0x20] =	vst v0  }
0xd: {  	[tilespmem:s3+$0x10] =	vst v0  }
0xe: {  	s28 =	simm.s32 $0x2  }
0xf: {  	s4 =	stileid.u32;
	s29 =	simm.s32 $0x9;
	s30 =	simm.s32 $0xA  }
0x10: {  	s7 =	simm.s32 $0xB;
	[dreg:$0x4] =	wrdreg s5;
	s31 =	smul.u32 $0xC800, s5  }
0x11: {  	s16 =	simm.s32 $0x0;
	p0 =	por $0x1, $0x1;
	s17 =	simm.s32 $0xFF  }
0x12: {  	p1 =	por $0x0, $0x0;
	s18 =	simm.s32 $0x1;
	s12 =	simm.s32 $0xC  }
0x13: {  	s23 =	simm.s32 $0x0;
	s21 =	simm.s32 $0x0;
	s9 =	smul.u32 $0x6400, s4  }
.Ltmp1:
0x14: {  	s20 =	simm.s32 $0x0;
	s0 =	sadd.s32 s31, s0;
	(pc) =	sbr.rel .LBB2_3-.Ltmp1, $4  }
0x15: {  	[tilespmem:s3+$0x0] =	vst v0;
	v0 =	vimm.s32 $0xFFFFFFFF;
	[sflag:s28] =	ssyncpa.u1 $0x0;
	s15 =	sshll.u32 s4, $0x7;
	[dreg:$0x8] =	wrdreg s0  }
0x16: {  	[tilespmem:$0xA108] =	vst v0;
	[sflag:s29] =	ssyncpa.u1 $0x0;
	s11 =	sadd.s32 s31, s2;
	[dreg:$0x5] =	wrdreg s9  }
0x17: {  	[sflag:s30] =	ssyncpa.u1 $0x0;
	s10 =	sadd.s32 $0x6400, s9;
	[dreg:$0x7] =	wrdreg s11  }
0x18: {  	v0 =	vlaneseq.u32;
	s22 =	smov.u32 s9;
	[sflag:s7] =	ssyncpa.u1 $0x0;
	[dreg:$0x6] =	wrdreg s10  }
.LBB2_22:
0x19: {  	s2 =	sshrl.u32 s4, $0x2  }
.LBB2_24:
0x1a: {  	_ =	swait.ge [sflag:s12], s2  }
0x1b: {  	s31 =	ssub.s32 $0x0, s2;
	v1 =	vmov s26;
	vm0 =	veq.s32 v0, $0x0;
	[sflag:s12] =	ssyncset.done $0x0  }
0x1c: {  	vm15 =	veq.s32 v0, $0x2;
	v1 =	vsel vm0, s0, v1;
	[sflag:s12] =	ssyncadd.s32 s31  }
0x1d: {  	v1 =	vsel vm15, s23, v1;
	[sflag:s12] =	ssyncpa.u1 $0x1  }
0x1e: {  	[tilespmem:$0xA108] =	vst v1  }
.LBB2_25:
0x1f: {  	s0 =	sadd.s32 $0x140, s22  }
0x20: {  	s2 =	smov.u32 s9;
	s20 =	sadd.s32 $0x1, s20;
	p2 =	slt.s32 s0, s10  }
0x21: {  	s2 =	smov.u32 @p2 s0;
	p2 =	sne.s32 s20, $0x52  }
.Ltmp2:
0x22: {  	_ = 	snop;
	(pc) =	sbr.rel @!p2 .LBB2_26-.Ltmp2, $3  }
0x23: {  	_ =	sdelay $0x1  }
0x24: {  	s23 =	smov.u32 s21;
	s21 =	smov.u32 s22;
	p0 =	por !p0, !p0  }
0x25: {  	s17 =	sadd.s32 $0x1, s17;
	p1 =	por !p1, !p1;
	s22 =	smov.u32 s2  }
.LBB2_3:
0x26: {  	p2 =	sgt.u32 s20, $0x4F  }
0x27: {  	s0 =	smul.u32 @!p2 $0xAB, s20;
	_ =	sdelay $0x1  }
0x28: {  	s0 =	sshrl.u32 @!p2 s0, $0x9  }
0x29: {  	s2 =	smov.u32 s22;
	p3 =	sgt.s32 @!p2 s22, $0x63EC0;
	s0 =	sand.u32 @!p2 $0x7F, s0  }
0x2a: {  	s3 =	sshra.s32 @!p2 s22, $0x1F;
	p3 =	por !p3, p2;
	s0 =	smul.u32 @!p2 $0x3, s0  }
0x2b: {  	s3 =	sand.u32 @!p2 s3, s22;
	s2 =	simm.s32 @p3 $0x63EC0  }
0x2c: {  	s2 =	ssub.s32 @!p2 s2, s3;
	s0 =	ssub.s32 @!p2 s20, s0  }
0x2d: {  	s2 =	sadd.s32 @!p2 $0xFFF9C140, s2;
	s0 =	sand.u32 @!p2 $0xFF, s0  }
0x2e: {  	s3 =	sshll.u32 @!p2 s2, $0x2;
	p3 =	sgt.s32 @!p2 s2, $0x13F;
	s0 =	smul.u32 @!p2 $0x500, s0  }
0x2f: {  	s4 =	sand.u32 @!p2 $0x7, s22;
	s2 =	ssub.s32 @!p2 $0x500, s3;
	p3 =	por !p3, p2  }
0x30: {  	s3 =	sshrl.u32 @!p2 s22, $0x3;
	s2 =	sshrl.u32 @!p2 s2, $0x2;
	s0 =	sshrl.u32 @!p2 s0, $0x2  }
0x31: {  	s3 =	sadd.s32 @!p2 s3, s11;
	s2 =	simm.s32 @!p3 $0x0;
	s0 =	sadd.s32 @!p2 $0xA948, s0  }
0x32: {  	[tilespmem:s0], [sflag:$0xA] =	stream.linear.gather @!p2 [hbm4b:s3+s4], s2, $0x38;
	[tilespmem:$0x1EF88] =	vst v63  }
0x33: {  	s0 =	sadd.s32 $0xFFFFFFFF, s20  }
0x34: {  	p2 =	sgt.u32 s0, $0x4F  }
.Ltmp3:
0x35: {  	_ = 	snop;
	(pc) =	sbr.rel @p2 .LBB2_7-.Ltmp3, $1  }
0x36: {  	_ =	sdelay $0x3  }
0x37: {  	p2 =	sgt.s32 s21, $0x63EC0;
	s2 =	smov.u32 s21;
	s3 =	sshra.s32 s21, $0x1F  }
0x38: {  	s4 =	sand.u32 $0xFF, s17;
	s2 =	simm.s32 @!p2 $0x63EC0;
	s3 =	sand.u32 s3, s21  }
0x39: {  	s31 =	smulhi.u32 $0x55555556, s4;
	s2 =	ssub.s32 s2, s3  }
0x3a: {  	s0 =	sand.u32 $0x1, s0;
	s4 =	smul.u32 $0x500, s4;
	s2 =	sadd.s32 $0xFFF9C140, s2  }
0x3b: {  	s7 =	simm.s32 $0xA;
	s0 =	smul.u32 $0x500, s0;
	s5 =	sshll.u32 s2, $0x2  }
0x3c: {  	s9 =	sshrl.u32 s21, $0x3;
	s3 =	smul.u32 $0xF00, s31;
	s5 =	ssub.s32 $0x500, s5  }
0x3d: {  	s11 =	sand.u32 $0x7, s21;
	p2 =	sgt.s32 s2, $0x13F;
	s2 =	sshrl.u32 s5, $0x2  }
0x3e: {  	s0 =	sshrl.u32 s0, $0x2;
	s3 =	ssub.s32 s4, s3;
	s2 =	simm.s32 @p2 $0x0  }
0x3f: {  	s0 =	sadd.s32 $0xAD08, s0;
	s3 =	sshra.s32 s3, $0x2;
	_ =	swait.ge [sflag:s7], s2  }
0x40: {  	s8 =	ssub.s32 $0x0, s2;
	[sflag:s7] =	ssyncset.done $0x0;
	s10 =	rddreg [dreg:$0x8]  }
0x41: {  	s28 =	sadd.s32 $0xA948, s3;
	[sflag:s7] =	ssyncadd.s32 s8;
	s3 =	sadd.s32 s9, s10  }
0x42: {  	[tilespmem:s0], [sflag:$0xB] =	stream.linear.gather [hbm4b:s3+s11], s2, $0x38;
	[tilespmem:$0x1EF88] =	vst v63  }
0x43: {  	v1 =	vld.msk [tilespmem:s28+$0x0], $0xffff;
	_ =	sdelay $0x4  }
0x44: {  	v1 =	vshll.u32 v1, $0x4  }
0x45: {  	(v2sf) =	vpush v1, $0x0  }
0x46: {  	(v2sf) =	vpush v1, $0x1  }
0x47: {  	(v2sf) =	vpush v1, $0x2;
	_ =	sdelay $0x1  }
0x48: {  	(v2sf) =	vpush v1, $0x3;
	_ =	sdelay $0x1  }
0x49: {  	s0 =	simm.s32 $0x1;
	(v2sf) =	vpush v1, $0x4  }
0x4a: {  	s0 =	simm.s32 @!p0 $0x0  }
0x4b: {  	s0 =	smul.u32 $0x28000, s0;
	(v2sf) =	vpush v1, $0x5;
	_ =	sdelay $0x1  }
0x4c: {  	s0 =	sshrl.u32 s0, $0x2;
	(v2sf) =	vpush v1, $0x6  }
0x4d: {  	s24 =	sadd.s32 $0xB708, s0  }
0x4e: {  	s28 =	sadd.s32 $0x10, s28;
	s0 =	sadd.s32 $0xFFFFFE80, s24;
	s2 =	sadd.s32 $0xFFFFFD00, s24;
	(v2sf) =	vpush v1, $0x7  }
0x4f: {  	s4 =	sadd.s32 $0xFFFFFD80, s24;
	s3 =	sadd.s32 $0xFFFFFE00, s24;
	s5 =	sadd.s32 $0xFFFFFB80, s24  }
0x50: {  	s26 =	sadd.s32 $0xFFFFFA00, s24;
	s29 =	sadd.s32 $0xFFFFFA80, s24;
	s30 =	sadd.s32 $0xFFFFFB00, s24;
	(v2sf) =	vpush v1, $0x8  }
0x51: {  	s31 =	sadd.s32 $0xFFFFF900, s24;
	s7 =	sadd.s32 $0xFFFFF980, s24;
	s8 =	spop (v2sf)  }
0x52: {  	s10 =	sadd.s32 $0xFFFFF880, s24;
	(v2sf) =	vpush v1, $0x9;
	s8 =	sand.u32 $0x1FFFFFF0, s8;
	s11 =	spop (v2sf)  }
0x53: {  	s8 =	sadd.s32 s6, s8;
	s11 =	sand.u32 $0x1FFFFFF0, s11;
	s13 =	spop (v2sf)  }
0x54: {  	[tilespmem:s10], [sflag:$0x9] =	stream.linear.gather [hbm4b:s8+s16], $0x40, $0x38;
	[tilespmem:$0x1EF88] =	vst v63  }
0x55: {  	(v2sf) =	vpush v1, $0xA;
	s12 =	sadd.s32 s6, s11;
	s19 =	sand.u32 $0x1FFFFFF0, s13;
	s9 =	spop (v2sf)  }
0x56: {  	(v2sf) =	vpush v1, $0xB;
	[tilespmem:s31], [sflag:$0x9] =	stream.linear.gather [hbm4b:s12+s16], $0x40, $0x38;
	[tilespmem:$0x1EF88] =	vst v63  }
0x57: {  	s10 =	sadd.s32 s6, s19;
	s13 =	spop (v2sf);
	s12 =	sand.u32 $0x1FFFFFF0, s9  }
0x58: {  	(v2sf) =	vpush v1, $0xC;
	[tilespmem:s7], [sflag:$0x9] =	stream.linear.gather [hbm4b:s10+s16], $0x40, $0x38;
	[tilespmem:$0x1EF88] =	vst v63  }
0x59: {  	s31 =	sand.u32 $0x1FFFFFF0, s13;
	s9 =	spop (v2sf);
	s19 =	sadd.s32 s6, s12  }
0x5a: {  	(v2sf) =	vpush v1, $0xD;
	[tilespmem:s26], [sflag:$0x9] =	stream.linear.gather [hbm4b:s19+s16], $0x40, $0x38;
	[tilespmem:$0x1EF88] =	vst v63  }
0x5b: {  	s11 =	sadd.s32 s6, s31;
	s12 =	sand.u32 $0x1FFFFFF0, s9;
	s13 =	spop (v2sf)  }
0x5c: {  	(v2sf) =	vpush v1, $0xE;
	[tilespmem:s29], [sflag:$0x9] =	stream.linear.gather [hbm4b:s11+s16], $0x40, $0x38;
	[tilespmem:$0x1EF88] =	vst v63  }
0x5d: {  	s19 =	sadd.s32 s6, s12;
	s26 =	sand.u32 $0x1FFFFFF0, s13;
	s29 =	spop (v2sf)  }
0x5e: {  	(v2sf) =	vpush v1, $0xF;
	[tilespmem:s30], [sflag:$0x9] =	stream.linear.gather [hbm4b:s19+s16], $0x40, $0x38;
	[tilespmem:$0x1EF88] =	vst v63  }
0x5f: {  	s14 =	sadd.s32 $0xFFFFFC00, s24;
	s9 =	spop (v2sf);
	s30 =	sadd.s32 s6, s26  }
0x60: {  	[tilespmem:s5], [sflag:$0x9] =	stream.linear.gather [hbm4b:s30+s16], $0x40, $0x38;
	[tilespmem:$0x1EF88] =	vst v63  }
0x61: {  	s25 =	sadd.s32 $0xFFFFFC80, s24;
	s31 =	sand.u32 $0x1FFFFFF0, s29;
	s13 =	spop (v2sf)  }
0x62: {  	s11 =	sadd.s32 s6, s31;
	s12 =	sand.u32 $0x1FFFFFF0, s9;
	s19 =	sand.u32 $0x1FFFFFF0, s13  }
0x63: {  	[tilespmem:s14], [sflag:$0x9] =	stream.linear.gather [hbm4b:s11+s16], $0x40, $0x38;
	[tilespmem:$0x1EF88] =	vst v63  }
0x64: {  	s26 =	spop (v2sf);
	s14 =	sadd.s32 s6, s12;
	s29 =	sadd.s32 s6, s19  }
0x65: {  	s30 =	sand.u32 $0x1FFFFFF0, s26;
	s31 =	spop (v2sf);
	s19 =	sadd.s32 $0xFFFFFF00, s24  }
0x66: {  	[tilespmem:s25], [sflag:$0x9] =	stream.linear.gather [hbm4b:s14+s16], $0x40, $0x38;
	[tilespmem:$0x1EF88] =	vst v63  }
0x67: {  	s5 =	sadd.s32 s6, s30;
	s7 =	sand.u32 $0x1FFFFFF0, s31;
	s8 =	spop (v2sf)  }
0x68: {  	[tilespmem:s2], [sflag:$0x9] =	stream.linear.gather [hbm4b:s29+s16], $0x40, $0x38;
	[tilespmem:$0x1EF88] =	vst v63  }
0x69: {  	s31 =	sadd.s32 $0xFFFFFF80, s24;
	s10 =	sand.u32 $0x1FFFFFF0, s8;
	s11 =	spop (v2sf)  }
0x6a: {  	[tilespmem:s4], [sflag:$0x9] =	stream.linear.gather [hbm4b:s5+s16], $0x40, $0x38;
	[tilespmem:$0x1EF88] =	vst v63  }
0x6b: {  	s9 =	sadd.s32 s6, s7;
	s12 =	sadd.s32 s6, s10;
	s14 =	spop (v2sf)  }
0x6c: {  	[tilespmem:s3], [sflag:$0x9] =	stream.linear.gather [hbm4b:s9+s16], $0x40, $0x38;
	[tilespmem:$0x1EF88] =	vst v63  }
0x6d: {  	s13 =	sand.u32 $0x1FFFFFF0, s11;
	s26 =	sand.u32 $0x1FFFFFF0, s14;
	s29 =	spop (v2sf)  }
0x6e: {  	[tilespmem:s0], [sflag:$0x9] =	stream.linear.gather [hbm4b:s12+s16], $0x40, $0x38;
	[tilespmem:$0x1EF88] =	vst v63  }
0x6f: {  	s25 =	sadd.s32 s6, s13;
	s30 =	sadd.s32 s6, s26;
	s0 =	sand.u32 $0x1FFFFFF0, s29  }
0x70: {  	[tilespmem:s19], [sflag:$0x9] =	stream.linear.gather [hbm4b:s25+s16], $0x40, $0x38;
	[tilespmem:$0x1EF88] =	vst v63  }
0x71: {  	s26 =	sadd.s32 $0x800, s24;
	s0 =	sadd.s32 s6, s0;
	s25 =	simm.s32 $0x0  }
0x72: {  	[tilespmem:s31], [sflag:$0x9] =	stream.linear.gather [hbm4b:s30+s16], $0x40, $0x38;
	[tilespmem:$0x1EF88] =	vst v63  }
.LBB2_5:
0x73: {  	[tilespmem:s24], [sflag:$0x9] =	stream.linear.gather [hbm4b:s0+s16], $0x40, $0x38;
	[tilespmem:$0x1EF88] =	vst v63  }
0x74: {  	s25 =	sadd.s32 $0x10, s25;
	s24 =	smov.u32 s26  }
0x75: {  	p2 =	slt.u32 s25, $0x130;
	v1 =	vld.msk [tilespmem:s28+$0x0], $0xffff;
	_ =	sdelay $0x4  }
0x76: {  	v1 =	vshll.u32 v1, $0x4  }
0x77: {  	(v2sf) =	vpush v1, $0x0  }
0x78: {  	(v2sf) =	vpush v1, $0x1  }
0x79: {  	(v2sf) =	vpush v1, $0x2;
	_ =	sdelay $0x1  }
0x7a: {  	(v2sf) =	vpush v1, $0x3;
	_ =	sdelay $0x1  }
0x7b: {  	(v2sf) =	vpush v1, $0x4;
	_ =	sdelay $0x1  }
0x7c: {  	(v2sf) =	vpush v1, $0x5;
	_ =	sdelay $0x1  }
0x7d: {  	(v2sf) =	vpush v1, $0x6  }
0x7e: {  	s30 =	sadd.s32 $0xFFFFFE80, s26;
	s29 =	sadd.s32 $0xFFFFFF00, s26  }
0x7f: {  	s4 =	sadd.s32 $0xFFFFFD00, s26;
	s0 =	sadd.s32 $0xFFFFFD80, s26;
	s31 =	sadd.s32 $0xFFFFFE00, s26;
	(v2sf) =	vpush v1, $0x7  }
0x80: {  	s2 =	sadd.s32 $0xFFFFFB80, s26;
	s3 =	sadd.s32 $0xFFFFFC00, s26;
	s5 =	sadd.s32 $0xFFFFFC80, s26  }
0x81: {  	s7 =	sadd.s32 $0xFFFFFA00, s26;
	s8 =	sadd.s32 $0xFFFFFA80, s26;
	s10 =	sadd.s32 $0xFFFFFB00, s26;
	(v2sf) =	vpush v1, $0x8  }
0x82: {  	s11 =	sadd.s32 $0xFFFFF900, s26;
	s13 =	sadd.s32 $0xFFFFF980, s26;
	s14 =	spop (v2sf)  }
0x83: {  	s9 =	sadd.s32 $0xFFFFF880, s26;
	s14 =	sand.u32 $0x1FFFFFF0, s14;
	s19 =	spop (v2sf);
	(v2sf) =	vpush v1, $0x9  }
0x84: {  	s14 =	sadd.s32 s6, s14;
	s19 =	sand.u32 $0x1FFFFFF0, s19;
	s12 =	spop (v2sf)  }
0x85: {  	[tilespmem:s9], [sflag:$0x9] =	stream.linear.gather [hbm4b:s14+s16], $0x40, $0x38;
	(v2sf) =	vpush v1, $0xA;
	[tilespmem:$0x1EF88] =	vst v63  }
0x86: {  	s9 =	sadd.s32 s6, s19;
	s12 =	sand.u32 $0x1FFFFFF0, s12;
	s14 =	spop (v2sf)  }
0x87: {  	[tilespmem:s11], [sflag:$0x9] =	stream.linear.gather [hbm4b:s9+s16], $0x40, $0x38;
	(v2sf) =	vpush v1, $0xB;
	[tilespmem:$0x1EF88] =	vst v63  }
0x88: {  	s9 =	sadd.s32 s6, s12;
	s11 =	sand.u32 $0x1FFFFFF0, s14;
	s12 =	spop (v2sf)  }
0x89: {  	[tilespmem:s13], [sflag:$0x9] =	stream.linear.gather [hbm4b:s9+s16], $0x40, $0x38;
	(v2sf) =	vpush v1, $0xC;
	[tilespmem:$0x1EF88] =	vst v63  }
0x8a: {  	s9 =	sadd.s32 s6, s11;
	s11 =	sand.u32 $0x1FFFFFF0, s12;
	s12 =	spop (v2sf)  }
0x8b: {  	[tilespmem:s7], [sflag:$0x9] =	stream.linear.gather [hbm4b:s9+s16], $0x40, $0x38;
	(v2sf) =	vpush v1, $0xD;
	[tilespmem:$0x1EF88] =	vst v63  }
0x8c: {  	s7 =	sadd.s32 s6, s11;
	s9 =	sand.u32 $0x1FFFFFF0, s12;
	s11 =	spop (v2sf)  }
0x8d: {  	[tilespmem:s8], [sflag:$0x9] =	stream.linear.gather [hbm4b:s7+s16], $0x40, $0x38;
	(v2sf) =	vpush v1, $0xE;
	[tilespmem:$0x1EF88] =	vst v63  }
0x8e: {  	s7 =	sadd.s32 s6, s9;
	s8 =	sand.u32 $0x1FFFFFF0, s11;
	s9 =	spop (v2sf)  }
0x8f: {  	[tilespmem:s10], [sflag:$0x9] =	stream.linear.gather [hbm4b:s7+s16], $0x40, $0x38;
	(v2sf) =	vpush v1, $0xF;
	[tilespmem:$0x1EF88] =	vst v63  }
0x90: {  	s7 =	sadd.s32 s6, s8;
	s8 =	sand.u32 $0x1FFFFFF0, s9;
	s9 =	spop (v2sf)  }
0x91: {  	[tilespmem:s2], [sflag:$0x9] =	stream.linear.gather [hbm4b:s7+s16], $0x40, $0x38;
	[tilespmem:$0x1EF88] =	vst v63  }
0x92: {  	s2 =	sadd.s32 s6, s8;
	s7 =	sand.u32 $0x1FFFFFF0, s9;
	s8 =	spop (v2sf)  }
0x93: {  	[tilespmem:s3], [sflag:$0x9] =	stream.linear.gather [hbm4b:s2+s16], $0x40, $0x38;
	[tilespmem:$0x1EF88] =	vst v63  }
0x94: {  	s2 =	sadd.s32 s6, s7;
	s3 =	sand.u32 $0x1FFFFFF0, s8;
	s7 =	spop (v2sf)  }
0x95: {  	[tilespmem:s5], [sflag:$0x9] =	stream.linear.gather [hbm4b:s2+s16], $0x40, $0x38;
	[tilespmem:$0x1EF88] =	vst v63  }
0x96: {  	s2 =	sadd.s32 s6, s3;
	s3 =	sand.u32 $0x1FFFFFF0, s7;
	s5 =	spop (v2sf)  }
0x97: {  	[tilespmem:s4], [sflag:$0x9] =	stream.linear.gather [hbm4b:s2+s16], $0x40, $0x38;
	[tilespmem:$0x1EF88] =	vst v63  }
0x98: {  	s2 =	sadd.s32 s6, s3;
	s3 =	sand.u32 $0x1FFFFFF0, s5;
	s4 =	spop (v2sf)  }
0x99: {  	[tilespmem:s0], [sflag:$0x9] =	stream.linear.gather [hbm4b:s2+s16], $0x40, $0x38;
	[tilespmem:$0x1EF88] =	vst v63  }
0x9a: {  	s0 =	sadd.s32 s6, s3;
	s2 =	sand.u32 $0x1FFFFFF0, s4;
	s3 =	spop (v2sf)  }
0x9b: {  	[tilespmem:s31], [sflag:$0x9] =	stream.linear.gather [hbm4b:s0+s16], $0x40, $0x38;
	[tilespmem:$0x1EF88] =	vst v63  }
0x9c: {  	s0 =	sadd.s32 s6, s2;
	s2 =	sand.u32 $0x1FFFFFF0, s3;
	s3 =	spop (v2sf)  }
0x9d: {  	[tilespmem:s30], [sflag:$0x9] =	stream.linear.gather [hbm4b:s0+s16], $0x40, $0x38;
	[tilespmem:$0x1EF88] =	vst v63  }
0x9e: {  	s0 =	sadd.s32 s6, s2  }
.Ltmp4:
0x9f: {  	s2 =	sand.u32 $0x1FFFFFF0, s3;
	s3 =	spop (v2sf);
	(pc) =	sbr.rel @p2 .LBB2_5-.Ltmp4, $4  }
0xa0: {  	[tilespmem:s29], [sflag:$0x9] =	stream.linear.gather [hbm4b:s0+s16], $0x40, $0x38;
	[tilespmem:$0x1EF88] =	vst v63  }
0xa1: {  	s0 =	sadd.s32 s6, s2;
	s2 =	sadd.s32 $0xFFFFFF80, s26;
	s3 =	sand.u32 $0x1FFFFFF0, s3  }
0xa2: {  	[tilespmem:s2], [sflag:$0x9] =	stream.linear.gather [hbm4b:s0+s16], $0x40, $0x38;
	[tilespmem:$0x1EF88] =	vst v63  }
0xa3: {  	s28 =	sadd.s32 $0x10, s28;
	s26 =	sadd.s32 $0x800, s26;
	s0 =	sadd.s32 s6, s3  }
0xa4: {  	[tilespmem:s24], [sflag:$0x9] =	stream.linear.gather [hbm4b:s0+s16], $0x40, $0x38;
	[tilespmem:$0x1EF88] =	vst v63  }
0xa5: {  	s9 =	rddreg [dreg:$0x5]  }
0xa6: {  	s10 =	rddreg [dreg:$0x6]  }
0xa7: {  	s11 =	rddreg [dreg:$0x7];
	s12 =	simm.s32 $0xC  }
.LBB2_7:
0xa8: {  	p2 =	slt.u32 s20, $0x2  }
.Ltmp5:
0xa9: {  	_ = 	snop;
	(pc) =	sbr.rel @p2 .LBB2_25-.Ltmp5, $1  }
0xaa: {  	_ =	sdelay $0x3  }
0xab: {  	p2 =	sgt.s32 s23, $0x63EC0;
	s0 =	smov.u32 s23;
	s2 =	sshra.s32 s23, $0x1F  }
0xac: {  	s0 =	simm.s32 @!p2 $0x63EC0;
	s2 =	sand.u32 s2, s23  }
0xad: {  	s0 =	ssub.s32 s0, s2  }
0xae: {  	s0 =	sadd.s32 $0xFFF9C140, s0  }
0xaf: {  	s3 =	simm.s32 $0x9;
	s30 =	sshll.u32 s0, $0x2  }
0xb0: {  	_ =	swait.ge [sflag:s3], $0x5000;
	s2 =	ssub.s32 $0x500, s30  }
0xb1: {  	[sflag:s3] =	ssyncset.done $0x0;
	p2 =	sgt.s32 s0, $0x13F;
	s0 =	sshrl.u32 s2, $0x2  }
0xb2: {  	s31 =	simm.s32 $0xB;
	[sflag:s3] =	ssyncadd.s32 $0xFFFFB000;
	s0 =	simm.s32 @p2 $0x0  }
0xb3: {  	_ =	swait.ge [sflag:s31], s0  }
0xb4: {  	s0 =	ssub.s32 $0x0, s0;
	[sflag:s31] =	ssyncset.done $0x0  }
0xb5: {  	[sflag:s31] =	ssyncadd.s32 s0  }
0xb6: {  	v1 =	vld [tilespmem:$0xA108];
	_ =	sdelay $0x4  }
0xb7: {  	(v2sf) =	vpush v1, $0x0  }
0xb8: {  	(v2sf) =	vpush v1, $0x1  }
0xb9: {  	(v2sf) =	vpush v1, $0x2;
	_ =	sdelay $0x3  }
0xba: {  	s2 =	sadd.s32 $0x140, s23  }
0xbb: {  	s3 =	ssub.s32 $0xC8000, s23;
	p2 =	slt.s32 s10, s2  }
0xbc: {  	s2 =	smov.u32 @p2 s10;
	p2 =	sgt.s32 s3, $0x0  }
0xbd: {  	s24 =	ssub.s32 s2, s23;
	s3 =	simm.s32 @!p2 $0x0  }
0xbe: {  	p2 =	slt.s32 s3, s24  }
0xbf: {  	s24 =	smov.u32 @p2 s3  }
0xc0: {  	s0 =	simm.s32 $0x1;
	p2 =	slt.s32 s24, $0x1  }
.Ltmp6:
0xc1: {  	s0 =	simm.s32 @!p1 $0x0;
	(pc) =	sbr.rel @p2 .LBB2_12-.Ltmp6, $4  }
0xc2: {  	s4 =	smul.u32 $0x500, s0  }
0xc3: {  	s2 =	spop (v2sf)  }
0xc4: {  	s4 =	sshrl.u32 s4, $0x2;
	s3 =	spop (v2sf)  }
0xc5: {  	s25 =	sadd.s32 $0xAD08, s4;
	s23 =	spop (v2sf)  }
0xc6: {  	s4 =	smin.u32 s24, $0x10  }
0xc7: {  	v1 =	vmov s4  }
0xc8: {  	p3 =	sgt.s32 s24, $0x10;
	vm1 =	vgt.u32 v1, v0  }
.Ltmp7:
0xc9: {  	_ = 	snop;
	(pc) =	sbr.rel @!p3 .LBB2_11-.Ltmp7, $2  }
0xca: {  	_ =	sdelay $0x2  }
0xcb: {  	s5 =	simm.s32 $0x10;
	s26 =	sadd.s32 $0xFFFFFFF0, s24;
	s4 =	smov.u32 s25;
	vm0 =	vmmov vm1  }
.LBB2_10:
0xcc: {  	s7 =	smin.u32 s26, $0x10;
	s5 =	sadd.s32 $0x10, s5;
	v1 =	vld.msk [tilespmem:s4+$0x0 ss:$0x1], vm1  }
0xcd: {  	v2 =	vmov s7;
	p3 =	slt.s32 s5, s24  }
0xce: {  	vm1 =	vgt.u32 v2, v0  }
.Ltmp8:
0xcf: {  	(pc) =	sbr.rel @p3 .LBB2_10-.Ltmp8, $3  }
0xd0: {  	_ =	sdelay $0x1  }
0xd1: {  	v1 =	vshll.u32 v1, $0x4  }
0xd2: {  	s26 =	sadd.s32 $0xFFFFFFF0, s26;
	[tilespmem:s4+$0x0] =	vst.msk vm0, v1;
	s4 =	sadd.s32 $0x10, s4;
	vm0 =	vmmov vm1  }
.LBB2_11:
0xd3: {  	_ =	sdelay $0x4  }
0xd4: {  	v1 =	vld.msk [tilespmem:s4+$0x0 ss:$0x1], vm1;
	_ =	sdelay $0x4  }
0xd5: {  	v1 =	vshll.u32 v1, $0x4  }
0xd6: {  	[tilespmem:s4+$0x0] =	vst.msk vm0, v1  }
.LBB2_12:
0xd7: {  	s4 =	sand.u32 $0x1, s20  }
0xd8: {  	s4 =	smul.u32 $0x140, s4  }
0xd9: {  	p3 =	sne.s32 s3, $0xFFFFFFFF  }
0xda: {  	v1 =	vld.msk @!p3 [tilespmem:s4+$0xAD08], $0x1;
	_ =	sdelay $0x4  }
0xdb: {  	(v2sf) =	vpush @!p3 v1, $0x0;
	_ =	sdelay $0xc  }
.Ltmp9:
0xdc: {  	_ = 	snop;
	(pc) =	sbr.rel @p2 .LBB2_23-.Ltmp9, $4  }
0xdd: {  	_ = 	snop  }
0xde: {  	s30 =	spop @!p3 (v2sf)  }
0xdf: {  	s23 =	simm.s32 @!p3 $0x0;
	s26 =	smov.u32 s30  }
0xe0: {  	[sflag:s12] =	ssyncpa.u1 $0x0;
	s30 =	smov.u32 @p3 s2;
	s26 =	smov.u32 @p3 s3  }
0xe1: {  	v1 =	vld.msk [tilespmem:s25+$0x0], $0x1;
	_ =	sdelay $0x4  }
0xe2: {  	(v2sf) =	vpush v1, $0x0;
	_ =	sdelay $0xe  }
0xe3: {  	s0 =	smul.u32 $0x28000, s0;
	s3 =	spop (v2sf)  }
0xe4: {  	p2 =	seq.s32 s30, s3  }
0xe5: {  	s2 =	smov.u32 s30;
	s0 =	sshrl.u32 s0, $0x2;
	p3 =	sgt.s32 @!p2 s30, $0x0  }
0xe6: {  	s28 =	sadd.s32 $0xAFA8, s0;
	s0 =	sadd.s32 $0xFFFFFFFF, s24;
	p3 =	por !p3, p2  }
0xe7: {  	s2 =	simm.s32 @p3 $0x0;
	p3 =	sne.s32 s0, $0x0  }
.Ltmp10:
0xe8: {  	_ = 	snop;
	(pc) =	sbr.rel @!p3 .LBB2_15-.Ltmp10, $4  }
0xe9: {  	_ = 	snop  }
0xea: {  	s29 =	simm.s32 $0x0;
	s4 =	simm.s32 @!p2 $0x1;
	s2 =	smin.u32 @!p2 s2, $0xC3578  }
0xeb: {  	s5 =	simm.s32 @!p2 $0x50C8;
	s4 =	smov.u32 @p2 s29;
	s7 =	sand.u32 @!p2 $0xFFFF8, s2  }
0xec: {  	s31 =	sand.u32 @!p2 $0x7, s2;
	s2 =	sadd.s32 $0x1, s25;
	s14 =	sadd.s32 @!p2 s1, s7  }
.LBB2_14:
0xed: {  	s7 =	smov.u32 s4  }
0xee: {  	[tilespmem:s5], [sflag:$0x2] =	stream.linear.gather @!p2 [hbm4b:s14+s31], $0x40, $0x38;
	[tilespmem:$0x1EF88] =	vst v63  }
0xef: {  	s0 =	sadd.s32 $0xFFFFFFFF, s0;
	s8 =	smov.u32 s3;
	v1 =	vld.msk [tilespmem:s2+$0x0], $0x1  }
0xf0: {  	p3 =	sne.s32 s0, $0x0;
	_ =	sdelay $0x3  }
0xf1: {  	(v2sf) =	vpush v1, $0x0;
	_ =	sdelay $0xe  }
0xf2: {  	s3 =	spop (v2sf)  }
0xf3: {  	p2 =	seq.s32 s8, s3  }
0xf4: {  	p4 =	sgt.s32 @!p2 s8, $0x0;
	s5 =	sshll.u32 @!p2 s4, $0x8;
	s4 =	sadd.s32 @!p2 $0x1, s4  }
.Ltmp11:
0xf5: {  	p4 =	por !p4, p2;
	s5 =	sshra.s32 @!p2 s5, $0x2;
	(pc) =	sbr.rel @p3 .LBB2_14-.Ltmp11, $4  }
0xf6: {  	s4 =	smov.u32 @p2 s7;
	s8 =	simm.s32 @p4 $0x0;
	s5 =	sadd.s32 @!p2 $0x50C8, s5  }
0xf7: {  	s7 =	smin.u32 @!p2 s8, $0xC3578  }
0xf8: {  	s8 =	sand.u32 @!p2 $0xFFFF8, s7;
	s31 =	sand.u32 @!p2 $0x7, s7  }
0xf9: {  	s2 =	sadd.s32 $0x1, s2;
	s14 =	sadd.s32 @!p2 s1, s8  }
.LBB2_15:
0xfa: {  	[tilespmem:s5], [sflag:$0x2] =	stream.linear.gather @!p2 [hbm4b:s14+s31], $0x40, $0x38;
	[tilespmem:$0x1EF88] =	vst v63  }
.Ltmp12:
0xfb: {  	s0 =	sshll.u32 s4, $0x6;
	(pc) =	sbr.rel .LBB2_16-.Ltmp12, $4  }
0xfc: {  	s2 =	simm.s32 $0x2;
	s0 =	sand.u32 $0x3FFFFFC0, s0  }
0xfd: {  	_ =	swait.ge [sflag:s2], s0  }
0xfe: {  	s0 =	ssub.s32 $0x0, s0;
	[sflag:s2] =	ssyncset.done $0x0  }
0xff: {  	s4 =	simm.s32 $0x0;
	[sflag:s2] =	ssyncadd.s32 s0  }
.LBB2_17:
0x100: {  	v1 =	vld [tilespmem:s28+$0xFFFFFFE0];
	_ =	sdelay $0x4  }
0x101: {  	[tilespmem:s2+$0x88] =	vst.add.f32.msk $0xffff, v1  }
0x102: {  	v1 =	vld [tilespmem:s28+$0xFFFFFFF0];
	_ =	sdelay $0x4  }
0x103: {  	[tilespmem:s2+$0x98] =	vst.add.f32.msk $0xffff, v1  }
0x104: {  	v1 =	vld [tilespmem:s28+$0x0];
	_ =	sdelay $0x4  }
0x105: {  	[tilespmem:s2+$0xA8] =	vst.add.f32.msk $0xffff, v1  }
0x106: {  	v1 =	vld [tilespmem:s28+$0x10];
	_ =	sdelay $0x4  }
0x107: {  	[tilespmem:s2+$0xB8] =	vst.add.f32.msk $0xffff, v1  }
.LBB2_21:
0x108: {  	s24 =	sadd.s32 $0xFFFFFFFF, s24  }
0x109: {  	p2 =	sne.s32 s24, $0x0  }
.Ltmp13:
0x10a: {  	_ = 	snop;
	(pc) =	sbr.rel @!p2 .LBB2_22-.Ltmp13, $2  }
0x10b: {  	_ =	sdelay $0x2  }
0x10c: {  	s28 =	sadd.s32 $0x80, s28;
	s25 =	sadd.s32 $0x1, s25;
	s30 =	smov.u32 s0  }
.LBB2_16:
0x10d: {  	v1 =	vld.msk [tilespmem:s25+$0x0], $0x1;
	_ =	sdelay $0x4  }
0x10e: {  	(v2sf) =	vpush v1, $0x0;
	_ =	sdelay $0xe  }
0x10f: {  	s0 =	spop (v2sf)  }
0x110: {  	p2 =	sne.s32 s30, s0  }
.Ltmp14:
0x111: {  	_ = 	snop;
	(pc) =	sbr.rel @!p2 .LBB2_17-.Ltmp14, $3  }
0x112: {  	_ =	sdelay $0x1  }
0x113: {  	s2 =	sshll.u32 s23, $0x8  }
0x114: {  	s2 =	sshra.s32 s2, $0x2  }
0x115: {  	p2 =	seq.s32 s30, s26  }
.Ltmp15:
0x116: {  	_ = 	snop;
	(pc) =	sbr.rel @!p2 .LBB2_19-.Ltmp15, $1  }
0x117: {  	_ =	sdelay $0x3  }
.Ltmp16:
0x118: {  	s2 =	sadd.s32 $0x88, s2;
	(pc) =	sbr.rel .LBB2_20-.Ltmp16, $4  }
0x119: {  	[spmem:s15] =	stream.linear.scatter [tilespmem:s2], [sflag:$0x1], $0x40, $0x38;
	[tilespmem:$0x1EF88] =	vst v63  }
0x11a: {  	_ =	swait.ge [sflag:s18], $0x40  }
0x11b: {  	[sflag:s18] =	ssyncset.done $0x0  }
0x11c: {  	[sflag:s18] =	ssyncadd.s32 $0xFFFFFFC0  }
.LBB2_19:
0x11d: {  	s3 =	sshll.u32 s29, $0x8  }
0x11e: {  	s3 =	sshra.s32 s3, $0x2  }
0x11f: {  	v1 =	vld [tilespmem:s3+$0x50C8];
	_ =	sdelay $0x4  }
0x120: {  	[tilespmem:s2+$0x88] =	vst.add.f32.msk $0xffff, v1  }
0x121: {  	v1 =	vld [tilespmem:s3+$0x50D8];
	_ =	sdelay $0x4  }
0x122: {  	[tilespmem:s2+$0x98] =	vst.add.f32.msk $0xffff, v1  }
0x123: {  	v1 =	vld [tilespmem:s3+$0x50E8];
	_ =	sdelay $0x4  }
0x124: {  	[tilespmem:s2+$0xA8] =	vst.add.f32.msk $0xffff, v1  }
0x125: {  	v1 =	vld [tilespmem:s3+$0x50F8];
	_ =	sdelay $0x2  }
0x126: {  	p2 =	sgt.u32 s30, $0xC3578  }
0x127: {  	s3 =	sand.u32 @!p2 $0xFFFF8, s30  }
0x128: {  	s5 =	sadd.s32 $0x88, s2;
	[tilespmem:s2+$0xB8] =	vst.add.f32.msk $0xffff, v1;
	s2 =	sadd.s32 @!p2 s1, s3;
	s3 =	sand.u32 @!p2 $0x7, s30  }
0x129: {  	[hbm4b:s2+s3] =	stream.linear.scatter @!p2 [tilespmem:s5], [sflag:$0xC], $0x40, $0x38;
	[tilespmem:$0x1EF88] =	vst v63  }
0x12a: {  	s2 =	simm.s32 $0x0  }
0x12b: {  	s2 =	simm.s32 @!p2 $0x100  }
0x12c: {  	s4 =	sadd.s32 s2, s4  }
.LBB2_20:
0x12d: {  	s2 =	sadd.s32 $0x1, s23  }
0x12e: {  	s3 =	smulhi.u32 $0xCCCCCCCD, s2;
	_ =	sdelay $0x1  }
0x12f: {  	v1 =	vld [tilespmem:s28+$0xFFFFFFE0];
	s3 =	sshrl.u32 s3, $0x8  }
0x130: {  	s3 =	smul.u32 $0x140, s3;
	_ =	sdelay $0x1  }
0x131: {  	s23 =	ssub.s32 s2, s3  }
0x132: {  	s2 =	sshll.u32 s23, $0x6  }
0x133: {  	[tilespmem:s2+$0x88] =	vst v1  }
0x134: {  	v1 =	vld [tilespmem:s28+$0xFFFFFFF0];
	_ =	sdelay $0x4  }
0x135: {  	[tilespmem:s2+$0x98] =	vst v1  }
0x136: {  	v1 =	vld [tilespmem:s28+$0x0];
	_ =	sdelay $0x4  }
0x137: {  	[tilespmem:s2+$0xA8] =	vst v1  }
0x138: {  	v1 =	vld [tilespmem:s28+$0x10]  }
.Ltmp17:
0x139: {  	_ = 	snop;
	(pc) =	sbr.rel .LBB2_21-.Ltmp17, $2  }
0x13a: {  	_ =	sdelay $0x2  }
0x13b: {  	s29 =	sadd.s32 $0x1, s29;
	[tilespmem:s2+$0xB8] =	vst v1  }
.LBB2_23:
.Ltmp18:
0x13c: {  	(pc) =	sbr.rel .LBB2_24-.Ltmp18, $4  }
0x13d: {  	_ = 	snop  }
0x13e: {  	s0 =	simm.s32 $0x2  }
0x13f: {  	_ =	swait.ge [sflag:s0], $0x0  }
0x140: {  	s2 =	simm.s32 $0x0;
	[sflag:s0] =	ssyncset.done $0x0;
	s0 =	smov.u32 s30  }
.LBB2_26:
0x141: {  	_ =	sfence.sel $0x180000  }
0x142: {  	s0 =	simm.s32 $0x9;
	[bflag:$0x0] =	sbarrier.arrive $0xFFFF  }
0x143: {  	s24 =	simm.s32 $0xA;
	[sflag:s0] =	ssyncpa.u1 $0x1  }
0x144: {  	s25 =	simm.s32 $0xB;
	[sflag:s24] =	ssyncpa.u1 $0x1  }
0x145: {  	s26 =	simm.s32 $0x2;
	[sflag:s25] =	ssyncpa.u1 $0x1  }
0x146: {  	[sflag:s26] =	ssyncpa.u1 $0x1  }
0x147: {  	v0 =	vld [tilespmem:$0xA108];
	_ =	sdelay $0x4  }
0x148: {  	(v2sf) =	vpush v0, $0x0  }
0x149: {  	(v2sf) =	vpush v0, $0x1;
	_ =	sdelay $0x1  }
0x14a: {  	(v2sf) =	vpush v0, $0x2;
	_ =	sdelay $0xb  }
0x14b: {  	s0 =	spop (v2sf)  }
0x14c: {  	s2 =	spop (v2sf)  }
0x14d: {  	s3 =	smov.u32 s0;
	p0 =	sne.s32 s0, s2  }
0x14e: {  	s4 =	spop (v2sf);
	s3 =	simm.s32 @!p0 $0xFFFFFFFF  }
0x14f: {  	v2 =	vimm.s32 $0x1;
	v3 =	vlaneseq.u32;
	p0 =	seq.s32 s4, $0xFFFFFFFF;
	v1 =	vmov s3  }
0x150: {  	s14 =	stileid.u32;
	v0 =	vperm.xlane v0, v2;
	p1 =	sne.s32 @!p0 s0, s2;
	v1 =	vperm.xlane v1, v3  }
0x151: {  	vm0 =	vcmask $0x3F04;
	s6 =	simm.s32 $0xA108;
	s0 =	simm.s32 @!p0 $0x1;
	p1 =	por !p1, p0  }
0x152: {  	s3 =	sshll.u32 s14, $0x1;
	s2 =	sshll.u32 @!p0 s4, $0x8;
	s0 =	simm.s32 @p1 $0x0;
	v0 =	vsel vm0, v1, v0  }
0x153: {  	s5 =	sor.u32 $0x800, s3;
	s2 =	sshra.s32 @!p0 s2, $0x2;
	s0 =	sor.u32 @!p0 s0, s3;
	[tilespmem:$0xA108] =	vst v0  }
0x154: {  	[spmem:s5] =	stream.linear.scatter [tilespmem:s6], [sflag:$0x1], $0x2, $0x38;
	[tilespmem:$0x1EF88] =	vst v63  }
0x155: {  	s2 =	sadd.s32 @!p0 $0x88, s2;
	s0 =	sshll.u32 @!p0 s0, $0x6  }
0x156: {  	[spmem:s0] =	stream.linear.scatter @!p0 [tilespmem:s2], [sflag:$0x1], $0x40, $0x38;
	[tilespmem:$0x1EF88] =	vst v63  }
0x157: {  	s0 =	simm.s32 @!p0 $0x42  }
0x158: {  	s28 =	simm.s32 $0x1;
	s0 =	simm.s32 @p0 $0x2  }
0x159: {  	_ =	swait.ge [sflag:s28], s0  }
0x15a: {  	s0 =	ssub.s32 $0x0, s0;
	[sflag:s28] =	ssyncset.done $0x0  }
0x15b: {  	p0 =	sne.s32 s14, $0x0;
	[sflag:s28] =	ssyncadd.s32 s0  }
.Ltmp19:
0x15c: {  	_ =	sfence.stream.spmem;
	(pc) =	sbr.rel @p0 .LBB2_43-.Ltmp19, $4  }
0x15d: {  	s29 =	simm.s32 $0x3;
	[bflag:$0x0] =	sbarrier.arrive $0xFFFF  }
0x15e: {  	s30 =	simm.s32 $0x4;
	[sflag:s29] =	ssyncpa.u1 $0x1  }
0x15f: {  	s31 =	simm.s32 $0x3C;
	[sflag:s30] =	ssyncpa.u1 $0x1  }
0x160: {  	s13 =	rddreg [dreg:$0x4];
	[sflag:s31] =	ssyncpa.u1 $0x1  }
0x161: {  	_ =	sfence.stream.spmem;
	s0 =	simm.s32 $0x5  }
0x162: {  	s2 =	simm.s32 $0x800;
	s3 =	simm.s32 $0xA118;
	[sflag:s0] =	ssyncpa.u1 $0x0  }
0x163: {  	[tilespmem:s3], [sflag:$0x5] =	stream.linear.gather [spmem:s2], $0x20, $0x38;
	[tilespmem:$0x1EF88] =	vst v63  }
0x164: {  	s26 =	simm.s32 $0x0;
	s28 =	simm.s32 $0xA138  }
0x165: {  	[tilespmem:s28], [sflag:$0x5] =	stream.linear.gather [spmem:s26], $0x800, $0x38;
	[tilespmem:$0x1EF88] =	vst v63  }
0x166: {  	_ =	swait.ge [sflag:s0], $0x820  }
0x167: {  	[sflag:s0] =	ssyncset.done $0x0  }
0x168: {  	s29 =	simm.s32 $0x0;
	[sflag:s0] =	ssyncadd.s32 $0xFFFFF7E0  }
0x169: {  	v0 =	vld.msk [tilespmem:s29+$0xA118], $0x1;
	_ =	sdelay $0x1  }
0x16a: {  	s30 =	simm.s32 $0x1  }
0x16b: {  	v1 =	vld.msk [tilespmem:s30+$0xA118], $0x1;
	_ =	sdelay $0x1  }
0x16c: {  	(v2sf) =	vpush v0, $0x0;
	_ =	sdelay $0x2  }
0x16d: {  	(v2sf) =	vpush v1, $0x0;
	_ =	sdelay $0x2  }
0x16e: {  	s31 =	simm.s32 $0x2  }
0x16f: {  	v0 =	vld.msk [tilespmem:s31+$0xA118], $0x1;
	_ =	sdelay $0x2  }
0x170: {  	s2 =	simm.s32 $0xFFFFFFFF;
	s3 =	simm.s32 $0xFFFFFFFF;
	s0 =	simm.s32 $0xC  }
.LBB2_28:
0x171: {  	s4 =	smov.u32 s3;
	s5 =	smov.u32 s2  }
0x172: {  	s2 =	sshra.s32 s0, $0x2;
	p1 =	sne.s32 s0, $0x7C;
	s0 =	sadd.s32 $0x4, s0;
	(v2sf) =	vpush v0, $0x0  }
0x173: {  	v0 =	vld.msk [tilespmem:s2+$0xA118], $0x1  }
.Ltmp20:
0x174: {  	(pc) =	sbr.rel @p1 .LBB2_28-.Ltmp20, $4  }
0x175: {  	s3 =	spop (v2sf)  }
0x176: {  	p2 =	sne.s32 s5, $0xFFFFFFFF;
	s2 =	smov.u32 s3  }
0x177: {  	p3 =	seq.s32 s3, $0xFFFFFFFF;
	s2 =	smov.u32 @p2 s5  }
0x178: {  	s3 =	smov.u32 @p3 s4;
	s2 =	smov.u32 @p3 s5  }
0x179: {  	(v2sf) =	vpush v0, $0x0;
	_ =	sdelay $0x8  }
0x17a: {  	s0 =	spop (v2sf)  }
0x17b: {  	p1 =	sne.s32 s2, $0xFFFFFFFF;
	s4 =	smov.u32 s0  }
0x17c: {  	s9 =	simm.s32 $0x6;
	p2 =	seq.s32 s0, $0xFFFFFFFF;
	s4 =	smov.u32 @p1 s2  }
0x17d: {  	s6 =	simm.s32 $0x0;
	s4 =	smov.u32 @p2 s2;
	s2 =	spop (v2sf)  }
0x17e: {  	s0 =	smov.u32 @p2 s3;
	p1 =	sne.s32 s4, $0xFFFFFFFF;
	s5 =	smov.u32 s2  }
.Ltmp21:
0x17f: {  	p2 =	seq.s32 s2, $0xFFFFFFFF;
	s5 =	smov.u32 @p1 s4;
	(pc) =	sbr.rel .LBB2_30-.Ltmp21, $4  }
0x180: {  	s10 =	simm.s32 $0xA0C8;
	s5 =	smov.u32 @p2 s4;
	s7 =	spop (v2sf)  }
0x181: {  	s11 =	simm.s32 $0x0;
	p1 =	sne.s32 s5, $0xFFFFFFFF;
	s8 =	smov.u32 s7  }
0x182: {  	s2 =	smov.u32 @p2 s0;
	p2 =	seq.s32 s7, $0xFFFFFFFF;
	s8 =	smov.u32 @p1 s5  }
0x183: {  	[sflag:s9] =	ssyncpa.u1 $0x0;
	s7 =	smov.u32 @p2 s2;
	s8 =	smov.u32 @p2 s5  }
.LBB2_36:
0x184: {  	p1 =	sgt.u32 s0, $0xC3578  }
0x185: {  	p2 =	seq.s32 @!p1 s0, s8  }
0x186: {  	p1 =	por p1, p2  }
0x187: {  	p2 =	sne.s32 @!p1 s0, s7  }
0x188: {  	p1 =	por p1, !p2  }
0x189: {  	s0 =	sshll.u32 @p1 s11, $0x8  }
0x18a: {  	s2 =	sand.u32 @!p1 $0xFFFF8, s0  }
0x18b: {  	s0 =	sand.u32 @!p1 $0x7, s0;
	s2 =	sadd.s32 @!p1 s1, s2  }
0x18c: {  	[tilespmem:s10], [sflag:$0x6] =	stream.linear.gather @!p1 [hbm4b:s2+s0], $0x40, $0x38;
	[tilespmem:$0x1EF88] =	vst v63  }
0x18d: {  	_ =	swait.ge @!p1 [sflag:s9], $0x40  }
0x18e: {  	[sflag:s9] =	ssyncset.done @!p1 $0x0  }
0x18f: {  	[sflag:s9] =	ssyncadd.s32 @!p1 $0xFFFFFFC0  }
0x190: {  	v1 =	vld @!p1 [tilespmem:$0xA0C8];
	_ =	sdelay $0x2  }
0x191: {  	s0 =	sshll.u32 @!p1 s11, $0x8  }
0x192: {  	s2 =	sshrl.u32 @!p1 s0, $0x2  }
0x193: {  	[tilespmem:s2+$0xA138] =	vst.add.f32.msk @!p1 $0xffff, v1  }
0x194: {  	v1 =	vld @!p1 [tilespmem:$0xA0D8];
	_ =	sdelay $0x4  }
0x195: {  	[tilespmem:s2+$0xA148] =	vst.add.f32.msk @!p1 $0xffff, v1  }
0x196: {  	v1 =	vld @!p1 [tilespmem:$0xA0E8];
	_ =	sdelay $0x4  }
0x197: {  	[tilespmem:s2+$0xA158] =	vst.add.f32.msk @!p1 $0xffff, v1  }
0x198: {  	v1 =	vld @!p1 [tilespmem:$0xA0F8];
	_ =	sdelay $0x4  }
0x199: {  	[tilespmem:s2+$0xA168] =	vst.add.f32.msk @!p1 $0xffff, v1  }
0x19a: {  	s0 =	sshrl.u32 s0, $0x2;
	[tilespmem:s6+$0xA118] =	vst.msk $0x1, v0  }
0x19b: {  	v0 =	vld [tilespmem:s0+$0xA138];
	_ =	sdelay $0x2  }
0x19c: {  	s31 =	sshll.u32 s6, $0x8  }
0x19d: {  	s2 =	sshra.s32 s31, $0x2  }
0x19e: {  	[tilespmem:s2+$0xA138] =	vst v0  }
0x19f: {  	v0 =	vld [tilespmem:s0+$0xA148];
	_ =	sdelay $0x4  }
0x1a0: {  	[tilespmem:s2+$0xA148] =	vst v0  }
0x1a1: {  	v0 =	vld [tilespmem:s0+$0xA158];
	_ =	sdelay $0x4  }
0x1a2: {  	[tilespmem:s2+$0xA158] =	vst v0  }
0x1a3: {  	v0 =	vld [tilespmem:s0+$0xA168];
	_ =	sdelay $0x4  }
0x1a4: {  	s6 =	sadd.s32 $0x1, s6;
	[tilespmem:s2+$0xA168] =	vst v0  }
.LBB2_37:
0x1a5: {  	s11 =	sadd.s32 $0x1, s11  }
0x1a6: {  	p1 =	sne.s32 s11, $0x20  }
.Ltmp22:
0x1a7: {  	_ = 	snop;
	(pc) =	sbr.rel @!p1 .LBB2_38-.Ltmp22, $1  }
0x1a8: {  	_ =	sdelay $0x3  }
.LBB2_30:
0x1a9: {  	v0 =	vld.msk [tilespmem:s11+$0xA118], $0x1;
	_ =	sdelay $0x4  }
0x1aa: {  	(v2sf) =	vpush v0, $0x0;
	_ =	sdelay $0xe  }
0x1ab: {  	s0 =	spop (v2sf)  }
0x1ac: {  	p1 =	seq.s32 s0, $0xFFFFFFFF  }
.Ltmp23:
0x1ad: {  	_ = 	snop;
	(pc) =	sbr.rel @p1 .LBB2_37-.Ltmp23, $1  }
0x1ae: {  	_ =	sdelay $0x3  }
0x1af: {  	p1 =	slt.s32 s6, $0x1  }
.Ltmp24:
0x1b0: {  	_ = 	snop;
	(pc) =	sbr.rel @p1 .LBB2_36-.Ltmp24, $1  }
0x1b1: {  	_ =	sdelay $0x3  }
0x1b2: {  	s2 =	simm.s32 $0xA118;
	p1 =	por $0x0, $0x0  }
0x1b3: {  	v1 =	vld.msk @!p1 [tilespmem:s2+$0x0], $0x1;
	_ =	sdelay $0x4  }
0x1b4: {  	(v2sf) =	vpush @!p1 v1, $0x0;
	_ =	sdelay $0xd  }
0x1b5: {  	p3 =	sne.s32 s6, $0x1  }
.Ltmp25:
0x1b6: {  	s3 =	spop @!p1 (v2sf);
	(pc) =	sbr.rel @!p3 .LBB2_34-.Ltmp25, $4  }
0x1b7: {  	p2 =	seq.s32 @!p1 s0, s3  }
0x1b8: {  	s3 =	simm.s32 $0x0;
	p2 =	por !p2, p1  }
0x1b9: {  	s5 =	simm.s32 $0xFFFFFFFF;
	s3 =	simm.s32 @p2 $0xFFFFFFFF  }
0x1ba: {  	s4 =	simm.s32 $0x1;
	s3 =	smov.u32 @p1 s5  }
.LBB2_33:
0x1bb: {  	s5 =	smov.u32 s3;
	p1 =	sne.s32 s3, $0xFFFFFFFF  }
0x1bc: {  	s2 =	sadd.s32 $0x1, s2;
	s3 =	smov.u32 s4;
	s4 =	sadd.s32 $0x1, s4  }
0x1bd: {  	p2 =	sne.s32 s6, s4;
	v1 =	vld.msk @!p1 [tilespmem:s2+$0x0], $0x1;
	_ =	sdelay $0x4  }
0x1be: {  	(v2sf) =	vpush @!p1 v1, $0x0;
	_ =	sdelay $0xe  }
.Ltmp26:
0x1bf: {  	s12 =	spop @!p1 (v2sf);
	(pc) =	sbr.rel @p2 .LBB2_33-.Ltmp26, $4  }
0x1c0: {  	p3 =	seq.s32 @!p1 s0, s12  }
0x1c1: {  	p3 =	por !p3, p1  }
0x1c2: {  	s3 =	simm.s32 @p3 $0xFFFFFFFF  }
0x1c3: {  	s3 =	smov.u32 @p1 s5  }
.LBB2_34:
0x1c4: {  	p1 =	seq.s32 s3, $0xFFFFFFFF  }
.Ltmp27:
0x1c5: {  	_ = 	snop;
	(pc) =	sbr.rel @p1 .LBB2_36-.Ltmp27, $1  }
0x1c6: {  	_ =	sdelay $0x3  }
0x1c7: {  	s0 =	sshll.u32 s11, $0x6  }
0x1c8: {  	s0 =	sand.u32 $0x3FFFFFC0, s0  }
0x1c9: {  	v0 =	vld [tilespmem:s0+$0xA138];
	_ =	sdelay $0x2  }
0x1ca: {  	s2 =	sshll.u32 s3, $0x8  }
0x1cb: {  	s2 =	sshra.s32 s2, $0x2  }
0x1cc: {  	[tilespmem:s2+$0xA138] =	vst.add.f32.msk $0xffff, v0  }
0x1cd: {  	v0 =	vld [tilespmem:s0+$0xA148];
	_ =	sdelay $0x4  }
0x1ce: {  	[tilespmem:s2+$0xA148] =	vst.add.f32.msk $0xffff, v0  }
0x1cf: {  	v0 =	vld [tilespmem:s0+$0xA158];
	_ =	sdelay $0x4  }
0x1d0: {  	[tilespmem:s2+$0xA158] =	vst.add.f32.msk $0xffff, v0  }
0x1d1: {  	v0 =	vld [tilespmem:s0+$0xA168]  }
.Ltmp28:
0x1d2: {  	_ = 	snop;
	(pc) =	sbr.rel .LBB2_37-.Ltmp28, $2  }
0x1d3: {  	_ =	sdelay $0x2  }
0x1d4: {  	[tilespmem:s2+$0xA168] =	vst.add.f32.msk $0xffff, v0  }
.LBB2_38:
0x1d5: {  	s0 =	simm.s32 $0x6;
	p1 =	seq.s32 s6, $0x0  }
0x1d6: {  	[sflag:s0] =	ssyncpa.u1 $0x1;
	v0 =	vimm.s32 @p1 $0xFFFFFFFF  }
0x1d7: {  	s0 =	sadd.s32 $0xFFFFFFFF, s6;
	[tilespmem:$0xA938] =	vst @p1 v0  }
0x1d8: {  	v0 =	vld.msk @!p1 [tilespmem:s0+$0xA118], $0x1;
	_ =	sdelay $0x1  }
0x1d9: {  	v1 =	vld.msk @!p1 [tilespmem:$0xA118], $0x1;
	_ =	sdelay $0x2  }
0x1da: {  	p2 =	seq.s32 @!p1 s0, $0x0;
	v0 =	vbroadcast @!p1 v0, $0x0  }
0x1db: {  	vm0 =	vmmov @!p1 $0x1;
	p2 =	por !p2, p1  }
0x1dc: {  	v1 =	vnsel @!p1 vm0, $0xFFFFFFFF, v1;
	vm0 =	vcmask @!p1 $0x308;
	v0 =	vpsel !p2, $0xFFFFFFFF, v0  }
0x1dd: {  	p2 =	sne.s32 @!p1 s8, s7;
	v0 =	vsel @!p1 vm0, v1, v0  }
0x1de: {  	s2 =	simm.s32 @!p1 $0xA138;
	s3 =	simm.s32 @!p1 $0x0;
	p3 =	por !p2, p1;
	[tilespmem:$0xA938] =	vst @!p1 v0  }
0x1df: {  	[spmem:s3] =	stream.linear.scatter @!p1 [tilespmem:s2], [sflag:$0x1], $0x40, $0x38;
	[tilespmem:$0x1EF88] =	vst v63  }
0x1e0: {  	s2 =	sshll.u32 @!p3 s0, $0x8  }
0x1e1: {  	s2 =	sshra.s32 @!p3 s2, $0x2  }
0x1e2: {  	s3 =	simm.s32 @!p3 $0x40;
	s2 =	sadd.s32 @!p3 $0xA138, s2  }
0x1e3: {  	[spmem:s3] =	stream.linear.scatter @!p3 [tilespmem:s2], [sflag:$0x1], $0x40, $0x38;
	[tilespmem:$0x1EF88] =	vst v63  }
0x1e4: {  	s2 =	simm.s32 @!p3 $0x1  }
0x1e5: {  	_ =	swait.ge @!p3 [sflag:s2], $0x80  }
0x1e6: {  	p1 =	por p2, p1;
	[sflag:s2] =	ssyncset.done @!p3 $0x0  }
0x1e7: {  	[sflag:s2] =	ssyncadd.s32 @!p3 $0xFFFFFF80;
	s2 =	simm.s32 @!p1 $0x1  }
0x1e8: {  	_ =	swait.ge @!p1 [sflag:s2], $0x40  }
0x1e9: {  	s29 =	simm.s32 $0xA938;
	[sflag:s2] =	ssyncset.done @!p1 $0x0  }
0x1ea: {  	s30 =	simm.s32 $0x800;
	s31 =	simm.s32 $0x1;
	[sflag:s2] =	ssyncadd.s32 @!p1 $0xFFFFFFC0  }
0x1eb: {  	[spmem:s30] =	stream.linear.scatter [tilespmem:s29], [sflag:$0x1], $0x10, $0x38;
	[tilespmem:$0x1EF88] =	vst v63  }
0x1ec: {  	_ =	swait.ge [sflag:s31], $0x10  }
0x1ed: {  	[sflag:s31] =	ssyncset.done $0x0  }
0x1ee: {  	p1 =	seq.s32 s13, $0x0;
	s9 =	rddreg [dreg:$0x1];
	[sflag:s31] =	ssyncadd.s32 $0xFFFFFFF0  }
0x1ef: {  	s3 =	sshll.u32 @p1 s9, $0xE;
	s8 =	rddreg [dreg:$0x2]  }
0x1f0: {  	s2 =	sadd.s32 @p1 $0x15C3C, s3;
	s3 =	sshll.u32 @p1 s8, $0x11  }
0x1f1: {  	_ =	sfence.stream.spmem;
	s2 =	sor.u32 @p1 s3, s2  }
0x1f2: {  	[sflag:s2] =	ssyncadd.remote.s32 @p1 $0x1;
	s2 =	simm.s32 @p1 $0x4  }
0x1f3: {  	s4 =	simm.s32 @!p1 $0x3C;
	s3 =	sand.u32 $0xFFFFFFFE, s9;
	_ =	swait.ge @p1 [sflag:s2], $0x12  }
0x1f4: {  	s5 =	simm.s32 @!p1 $0x0;
	s3 =	sadd.s32 @!p1 $0x4, s3;
	[sflag:s2] =	ssyncset.done @p1 $0x0  }
0x1f5: {  	s7 =	simm.s32 @!p1 $0x80;
	[sflag:s2] =	ssyncadd.s32 @p1 $0xFFFFFFEE;
	s2 =	sshll.u32 @!p1 s3, $0x1A  }
0x1f6: {  	s3 =	sshll.u32 @!p1 s3, $0xD;
	s2 =	sor.u32 @!p1 s2, s8;
	_ =	swait.eq @!p1 [sflag:s4], $0x1  }
0x1f7: {  	s3 =	sor.u32 @!p1 $0x1C04, s3;
	s4 =	simm.s32 @!p1 $0x1C03;
	s2 =	sor.u32 @!p1 $0x80004000, s2  }
0x1f8: {  	[spmem:s7], [sflag:s3] =	dma.general @!p1 [spmem:s5], [sflag:s4], length:$0x10, [dreg:$0x0], stride_count:$0x0, ici_dest:s2, dma_misc:DstOpCode:WRITE  }
0x1f9: {  	p2 =	slt.s32 s0, $0x2;
	s5 =	simm.s32 @!p1 $0x100;
	s7 =	simm.s32 @!p1 $0x102  }
0x1fa: {  	[spmem:s7], [sflag:s3] =	dma.general @!p1 [spmem:s5], [sflag:s4], length:$0x2, [dreg:$0x0], stride_count:$0x0, ici_dest:s2, dma_misc:DstOpCode:WRITE  }
.Ltmp29:
0x1fb: {  	s2 =	simm.s32 @!p1 $0x3;
	(pc) =	sbr.rel @p2 .LBB2_42-.Ltmp29, $4  }
0x1fc: {  	s3 =	sshll.u32 @!p1 s9, $0xE;
	_ =	swait.ge @!p1 [sflag:s2], $0x12  }
0x1fd: {  	s4 =	sshll.u32 @!p1 s8, $0x11;
	s3 =	sadd.s32 @!p1 $0x11C3C, s3;
	[sflag:s2] =	ssyncset.done @!p1 $0x0  }
0x1fe: {  	[sflag:s2] =	ssyncadd.s32 @!p1 $0xFFFFFFEE;
	s2 =	sor.u32 @!p1 s4, s3  }
0x1ff: {  	s0 =	simm.s32 $0x0;
	[sflag:s2] =	ssyncadd.remote.s32 @!p1 $0xFFFFFFFF  }
0x200: {  	s0 =	simm.s32 $0xA119  }
0x201: {  	v0 =	vld.msk [tilespmem:s0+$0x0], $0x1;
	_ =	sdelay $0x4  }
0x202: {  	(v2sf) =	vpush v0, $0x0;
	_ =	sdelay $0xc  }
0x203: {  	s2 =	sadd.s32 $0xFFFFFFFE, s6  }
0x204: {  	s2 =	sadd.s32 $0xFFFFFFFF, s2  }
0x205: {  	p2 =	sne.s32 s2, $0x0;
	s3 =	spop (v2sf)  }
.Ltmp30:
0x206: {  	p1 =	sgt.u32 s3, $0xC3578;
	(pc) =	sbr.rel @!p2 .LBB2_41-.Ltmp30, $4  }
0x207: {  	s5 =	simm.s32 $0x0;
	s4 =	sand.u32 @!p1 $0xFFFF8, s3  }
0x208: {  	s0 =	simm.s32 $0xA178;
	s3 =	sand.u32 @!p1 $0x7, s3;
	s4 =	sadd.s32 @!p1 s1, s4  }
0x209: {  	[hbm4b:s4+s3] =	stream.linear.scatter @!p1 [tilespmem:s0], [sflag:$0x5], $0x40, $0x38;
	[tilespmem:$0x1EF88] =	vst v63  }
0x20a: {  	s5 =	simm.s32 @!p1 $0x100;
	s3 =	simm.s32 $0x0;
	s4 =	simm.s32 $0xA11A  }
.LBB2_40:
0x20b: {  	v0 =	vld.msk [tilespmem:s4+$0x0], $0x1;
	s2 =	sadd.s32 $0xFFFFFFFF, s2;
	s3 =	sadd.s32 s3, s5  }
0x20c: {  	p1 =	sne.s32 s2, $0x0;
	_ =	sdelay $0x3  }
0x20d: {  	(v2sf) =	vpush v0, $0x0;
	_ =	sdelay $0xe  }
.Ltmp31:
0x20e: {  	s6 =	spop (v2sf);
	(pc) =	sbr.rel @p1 .LBB2_40-.Ltmp31, $4  }
0x20f: {  	s5 =	simm.s32 $0x0;
	p2 =	sgt.u32 s6, $0xC3578  }
0x210: {  	s0 =	sadd.s32 $0x40, s0;
	s5 =	simm.s32 @!p2 $0x100;
	s7 =	sand.u32 @!p2 $0xFFFF8, s6  }
0x211: {  	s4 =	sadd.s32 $0x1, s4;
	s6 =	sand.u32 @!p2 $0x7, s6;
	s7 =	sadd.s32 @!p2 s1, s7  }
0x212: {  	[hbm4b:s7+s6] =	stream.linear.scatter @!p2 [tilespmem:s0], [sflag:$0x5], $0x40, $0x38;
	[tilespmem:$0x1EF88] =	vst v63  }
.LBB2_41:
0x213: {  	s0 =	sadd.s32 s3, s5  }
0x214: {  	s0 =	sshrl.u32 s0, $0x2  }
.LBB2_42:
0x215: {  	s2 =	simm.s32 $0x5  }
0x216: {  	_ =	swait.ge [sflag:s2], s0  }
0x217: {  	s31 =	ssub.s32 $0x0, s0;
	[sflag:s2] =	ssyncset.done $0x0  }
0x218: {  	[sflag:s2] =	ssyncadd.s32 s31  }
0x219: {  	[sflag:s2] =	ssyncpa.u1 $0x1  }
.LBB2_43:
0x21a: {  	s0 =	sor.u32 s13, s14  }
0x21b: {  	p1 =	sne.s32 s0, $0x0  }
.Ltmp32:
0x21c: {  	_ = 	snop;
	(pc) =	sbr.rel @p1 .LBB2_58-.Ltmp32, $3  }
0x21d: {  	_ =	sdelay $0x1  }
0x21e: {  	[bflag:$0x0] =	sbarrier.arrive $0xFFFF  }
0x21f: {  	_ =	sfence  }
0x220: {  	s0 =	simm.s32 $0x7  }
0x221: {  	s2 =	simm.s32 $0x800;
	s3 =	simm.s32 $0xA118;
	[sflag:s0] =	ssyncpa.u1 $0x0  }
0x222: {  	[tilespmem:s3], [sflag:$0x7] =	stream.linear.gather [spmem:s2], $0x20, $0x38;
	[tilespmem:$0x1EF88] =	vst v63  }
0x223: {  	s30 =	simm.s32 $0xA138;
	s2 =	simm.s32 $0x0  }
0x224: {  	[tilespmem:s30], [sflag:$0x7] =	stream.linear.gather [spmem:s2], $0x800, $0x38;
	[tilespmem:$0x1EF88] =	vst v63  }
.Ltmp33:
0x225: {  	_ = 	snop;
	(pc) =	sbr.rel .LBB2_45-.Ltmp33, $4  }
0x226: {  	_ =	swait.ge [sflag:s0], $0x820  }
0x227: {  	[sflag:s0] =	ssyncset.done $0x0  }
0x228: {  	s31 =	simm.s32 $0x8;
	[sflag:s0] =	ssyncadd.s32 $0xFFFFF7E0  }
0x229: {  	s3 =	simm.s32 $0x0;
	[sflag:s31] =	ssyncpa.u1 $0x0  }
.LBB2_51:
0x22a: {  	p1 =	slt.u32 s0, $0xC3579  }
0x22b: {  	s4 =	sand.u32 @p1 $0xFFFF8, s0  }
0x22c: {  	s0 =	sand.u32 @p1 $0x7, s0;
	s5 =	simm.s32 @p1 $0xA0C8;
	s4 =	sadd.s32 @p1 s1, s4  }
0x22d: {  	[tilespmem:s5], [sflag:$0x8] =	stream.linear.gather @p1 [hbm4b:s4+s0], $0x40, $0x38;
	[tilespmem:$0x1EF88] =	vst v63  }
0x22e: {  	s0 =	simm.s32 @p1 $0x8  }
0x22f: {  	_ =	swait.ge @p1 [sflag:s0], $0x40  }
0x230: {  	[sflag:s0] =	ssyncset.done @p1 $0x0  }
0x231: {  	[sflag:s0] =	ssyncadd.s32 @p1 $0xFFFFFFC0  }
0x232: {  	v1 =	vld @p1 [tilespmem:$0xA0C8];
	_ =	sdelay $0x2  }
0x233: {  	s0 =	sshll.u32 @p1 s3, $0x8  }
0x234: {  	s4 =	sshrl.u32 @p1 s0, $0x2  }
0x235: {  	[tilespmem:s4+$0xA138] =	vst.add.f32.msk @p1 $0xffff, v1  }
0x236: {  	v1 =	vld @p1 [tilespmem:$0xA0D8];
	_ =	sdelay $0x4  }
0x237: {  	[tilespmem:s4+$0xA148] =	vst.add.f32.msk @p1 $0xffff, v1  }
0x238: {  	v1 =	vld @p1 [tilespmem:$0xA0E8];
	_ =	sdelay $0x4  }
0x239: {  	[tilespmem:s4+$0xA158] =	vst.add.f32.msk @p1 $0xffff, v1  }
0x23a: {  	v1 =	vld @p1 [tilespmem:$0xA0F8];
	_ =	sdelay $0x3  }
0x23b: {  	s5 =	sshll.u32 @!p1 s3, $0x8  }
0x23c: {  	s5 =	smov.u32 @p1 s0;
	[tilespmem:s4+$0xA168] =	vst.add.f32.msk @p1 $0xffff, v1  }
0x23d: {  	s0 =	sshrl.u32 s5, $0x2;
	[tilespmem:s2+$0xA118] =	vst.msk $0x1, v0  }
0x23e: {  	v0 =	vld [tilespmem:s0+$0xA138];
	_ =	sdelay $0x2  }
0x23f: {  	s31 =	sshll.u32 s2, $0x8  }
0x240: {  	s4 =	sshra.s32 s31, $0x2  }
0x241: {  	[tilespmem:s4+$0xA138] =	vst v0  }
0x242: {  	v0 =	vld [tilespmem:s0+$0xA148];
	_ =	sdelay $0x4  }
0x243: {  	[tilespmem:s4+$0xA148] =	vst v0  }
0x244: {  	v0 =	vld [tilespmem:s0+$0xA158];
	_ =	sdelay $0x4  }
0x245: {  	[tilespmem:s4+$0xA158] =	vst v0  }
0x246: {  	v0 =	vld [tilespmem:s0+$0xA168];
	_ =	sdelay $0x4  }
0x247: {  	s2 =	sadd.s32 $0x1, s2;
	[tilespmem:s4+$0xA168] =	vst v0  }
.LBB2_52:
0x248: {  	s3 =	sadd.s32 $0x1, s3  }
0x249: {  	p1 =	sne.s32 s3, $0x20  }
.Ltmp34:
0x24a: {  	_ = 	snop;
	(pc) =	sbr.rel @!p1 .LBB2_53-.Ltmp34, $1  }
0x24b: {  	_ =	sdelay $0x3  }
.LBB2_45:
0x24c: {  	v0 =	vld.msk [tilespmem:s3+$0xA118], $0x1;
	_ =	sdelay $0x4  }
0x24d: {  	(v2sf) =	vpush v0, $0x0;
	_ =	sdelay $0xe  }
0x24e: {  	s0 =	spop (v2sf)  }
0x24f: {  	p1 =	seq.s32 s0, $0xFFFFFFFF  }
.Ltmp35:
0x250: {  	_ = 	snop;
	(pc) =	sbr.rel @p1 .LBB2_52-.Ltmp35, $1  }
0x251: {  	_ =	sdelay $0x3  }
0x252: {  	p1 =	slt.s32 s2, $0x1  }
.Ltmp36:
0x253: {  	_ = 	snop;
	(pc) =	sbr.rel @p1 .LBB2_51-.Ltmp36, $1  }
0x254: {  	_ =	sdelay $0x3  }
0x255: {  	s4 =	simm.s32 $0xA118;
	p1 =	por $0x0, $0x0  }
0x256: {  	v1 =	vld.msk @!p1 [tilespmem:s4+$0x0], $0x1;
	_ =	sdelay $0x4  }
0x257: {  	(v2sf) =	vpush @!p1 v1, $0x0;
	_ =	sdelay $0xd  }
0x258: {  	p3 =	sne.s32 s2, $0x1  }
.Ltmp37:
0x259: {  	s5 =	spop @!p1 (v2sf);
	(pc) =	sbr.rel @!p3 .LBB2_49-.Ltmp37, $4  }
0x25a: {  	p2 =	seq.s32 @!p1 s0, s5  }
0x25b: {  	s5 =	simm.s32 $0x0;
	p2 =	por !p2, p1  }
0x25c: {  	s7 =	simm.s32 $0xFFFFFFFF;
	s5 =	simm.s32 @p2 $0xFFFFFFFF  }
0x25d: {  	s6 =	simm.s32 $0x1;
	s5 =	smov.u32 @p1 s7  }
.LBB2_48:
0x25e: {  	s7 =	smov.u32 s5;
	p1 =	sne.s32 s5, $0xFFFFFFFF  }
0x25f: {  	s4 =	sadd.s32 $0x1, s4;
	s5 =	smov.u32 s6;
	s6 =	sadd.s32 $0x1, s6  }
0x260: {  	p2 =	sne.s32 s2, s6;
	v1 =	vld.msk @!p1 [tilespmem:s4+$0x0], $0x1;
	_ =	sdelay $0x4  }
0x261: {  	(v2sf) =	vpush @!p1 v1, $0x0;
	_ =	sdelay $0xe  }
.Ltmp38:
0x262: {  	s8 =	spop @!p1 (v2sf);
	(pc) =	sbr.rel @p2 .LBB2_48-.Ltmp38, $4  }
0x263: {  	p3 =	seq.s32 @!p1 s0, s8  }
0x264: {  	p3 =	por !p3, p1  }
0x265: {  	s5 =	simm.s32 @p3 $0xFFFFFFFF  }
0x266: {  	s5 =	smov.u32 @p1 s7  }
.LBB2_49:
0x267: {  	p1 =	seq.s32 s5, $0xFFFFFFFF  }
.Ltmp39:
0x268: {  	_ = 	snop;
	(pc) =	sbr.rel @p1 .LBB2_51-.Ltmp39, $1  }
0x269: {  	_ =	sdelay $0x3  }
0x26a: {  	s0 =	sshll.u32 s3, $0x6  }
0x26b: {  	s0 =	sand.u32 $0x3FFFFFC0, s0  }
0x26c: {  	v0 =	vld [tilespmem:s0+$0xA138];
	_ =	sdelay $0x2  }
0x26d: {  	s4 =	sshll.u32 s5, $0x8  }
0x26e: {  	s4 =	sshra.s32 s4, $0x2  }
0x26f: {  	[tilespmem:s4+$0xA138] =	vst.add.f32.msk $0xffff, v0  }
0x270: {  	v0 =	vld [tilespmem:s0+$0xA148];
	_ =	sdelay $0x4  }
0x271: {  	[tilespmem:s4+$0xA148] =	vst.add.f32.msk $0xffff, v0  }
0x272: {  	v0 =	vld [tilespmem:s0+$0xA158];
	_ =	sdelay $0x4  }
0x273: {  	[tilespmem:s4+$0xA158] =	vst.add.f32.msk $0xffff, v0  }
0x274: {  	v0 =	vld [tilespmem:s0+$0xA168]  }
.Ltmp40:
0x275: {  	_ = 	snop;
	(pc) =	sbr.rel .LBB2_52-.Ltmp40, $2  }
0x276: {  	_ =	sdelay $0x2  }
0x277: {  	[tilespmem:s4+$0xA168] =	vst.add.f32.msk $0xffff, v0  }
.LBB2_53:
0x278: {  	p1 =	slt.s32 s2, $0x1  }
.Ltmp41:
0x279: {  	_ = 	snop;
	(pc) =	sbr.rel @p1 .LBB2_57-.Ltmp41, $3  }
0x27a: {  	_ =	sdelay $0x1  }
0x27b: {  	s0 =	simm.s32 $0x8  }
0x27c: {  	[sflag:s0] =	ssyncpa.u1 $0x1;
	s0 =	simm.s32 $0x0  }
0x27d: {  	s3 =	simm.s32 $0xA118  }
0x27e: {  	v0 =	vld.msk [tilespmem:s3+$0x0], $0x1;
	_ =	sdelay $0x4  }
0x27f: {  	(v2sf) =	vpush v0, $0x0;
	_ =	sdelay $0xe  }
0x280: {  	s2 =	sadd.s32 $0xFFFFFFFF, s2;
	s4 =	spop (v2sf)  }
0x281: {  	p2 =	sne.s32 s2, $0x0;
	p1 =	sgt.u32 s4, $0xC3578  }
.Ltmp42:
0x282: {  	s5 =	sand.u32 @!p1 $0xFFFF8, s4;
	(pc) =	sbr.rel @!p2 .LBB2_56-.Ltmp42, $4  }
0x283: {  	s3 =	simm.s32 $0xA138;
	s4 =	sand.u32 @!p1 $0x7, s4;
	s5 =	sadd.s32 @!p1 s1, s5  }
0x284: {  	[hbm4b:s5+s4] =	stream.linear.scatter @!p1 [tilespmem:s3], [sflag:$0x7], $0x40, $0x38;
	[tilespmem:$0x1EF88] =	vst v63  }
0x285: {  	s5 =	simm.s32 $0x0  }
0x286: {  	s4 =	simm.s32 $0xA119;
	s5 =	simm.s32 @!p1 $0x100  }
.LBB2_55:
0x287: {  	v0 =	vld.msk [tilespmem:s4+$0x0], $0x1;
	s2 =	sadd.s32 $0xFFFFFFFF, s2;
	s0 =	sadd.s32 s0, s5  }
0x288: {  	p1 =	sne.s32 s2, $0x0;
	_ =	sdelay $0x3  }
0x289: {  	(v2sf) =	vpush v0, $0x0;
	_ =	sdelay $0xe  }
.Ltmp43:
0x28a: {  	s6 =	spop (v2sf);
	(pc) =	sbr.rel @p1 .LBB2_55-.Ltmp43, $4  }
0x28b: {  	s5 =	simm.s32 $0x0;
	p2 =	sgt.u32 s6, $0xC3578  }
0x28c: {  	s3 =	sadd.s32 $0x40, s3;
	s5 =	simm.s32 @!p2 $0x100;
	s7 =	sand.u32 @!p2 $0xFFFF8, s6  }
0x28d: {  	s4 =	sadd.s32 $0x1, s4;
	s6 =	sand.u32 @!p2 $0x7, s6;
	s7 =	sadd.s32 @!p2 s1, s7  }
0x28e: {  	[hbm4b:s7+s6] =	stream.linear.scatter @!p2 [tilespmem:s3], [sflag:$0x7], $0x40, $0x38;
	[tilespmem:$0x1EF88] =	vst v63  }
.LBB2_56:
0x28f: {  	s0 =	sadd.s32 s0, s5  }
0x290: {  	s0 =	sshrl.u32 s0, $0x2  }
.LBB2_57:
0x291: {  	s1 =	simm.s32 $0x7  }
0x292: {  	_ =	swait.ge [sflag:s1], s0  }
0x293: {  	s31 =	ssub.s32 $0x0, s0;
	[sflag:s1] =	ssyncset.done $0x0  }
0x294: {  	[sflag:s1] =	ssyncadd.s32 s31  }
0x295: {  	[sflag:s1] =	ssyncpa.u1 $0x1  }
.LBB2_58:
0x296: {  	_ =	sfence;
	s0 =	simm.s32 $0x1  }
0x297: {  	[sflag:s0] =	ssyncpa.u1 $0x1  }
0x298: {  	_ =	strace $0x9000004A  }
0x299: {  	[bflag:$0x2] =	sbarrier.arrive $0xFFFF  }
0x29a: {  	s0 =	rddreg [dreg:$0x3]  }
0x29b: {  	s0 =	sadd.s32 @!p0 $0x100000, s0  }
0x29c: {  	[sflag:s0] =	ssyncadd.tile.s32 @!p0 $0x1;
	_ =	shalt  }
.Lfunc_end2:
_tile_overlayer_lowered:
.L_overlay_start_2:
0x29d: {  	(tag) =	ssettag $0x2  }
0x29e: {  	s0 =	rddreg [dreg:$0x0];
	s2 =	stileid.u32  }
0x29f: {  	s1 =	rddreg [dreg:$0x1];
	p0 =	sne.s32 s2, $0x0  }
0x2a0: {  	s3 =	rddreg [dreg:$0x2];
	[bflag:$0x3] =	sbarrier.arrive $0xFFFF;
	s2 =	simm.s32 @!p0 $0x1C01  }
0x2a1: {  	[timem:s3], [sflag:s2] =	dma.local @!p0 [hbm:s0], s1  }
0x2a2: {  	s0 =	simm.s32 @!p0 $0x1  }
0x2a3: {  	_ =	swait.ge @!p0 [sflag:s0], s1  }
0x2a4: {  	s1 =	ssub.s32 @!p0 $0x0, s1;
	[sflag:s0] =	ssyncset.done @!p0 $0x0  }
0x2a5: {  	[sflag:s0] =	ssyncadd.s32 @!p0 s1  }
0x2a6: {  	[bflag:$0x3] =	sbarrier.arrive $0xFFFF  }
0x2a7: {  	_ =	shalt  }

</sc_bundles>
